<compile_context>
chip_gen: v7x
topology: tpu7x:2x2x1
jax: 0.10.2.dev20260603
libtpu: 0.0.44.dev20260713+nightly
codegen_flags: <defaults>
</compile_context>

<pallas_src>
import functools

import jax
import jax.numpy as jnp
from jax import lax
from jax.experimental import pallas as pl
from jax.experimental.pallas import tpu as pltpu
from jax.experimental.pallas import tpu_sc as plsc

_EPS = 1e-5
_F32 = jnp.float32
_PREC = lax.Precision.DEFAULT


def _pack_bf16(lo, hi):
    lo16 = lax.bitcast_convert_type(lo.astype(jnp.bfloat16),
                                    jnp.uint16).astype(jnp.uint32)
    hi16 = lax.bitcast_convert_type(hi.astype(jnp.bfloat16),
                                    jnp.uint16).astype(jnp.uint32)
    return lax.bitcast_convert_type(lo16 | (hi16 << 16), jnp.int32)


def _tc1a_body(st_ref, w2l_ref, w2h_ref, a_ref, y_ref, sal_ref, sah_ref):
    b = pl.program_id(0)
    ci = st_ref.shape[1]
    st = st_ref[0]
    dot = functools.partial(jnp.dot, preferred_element_type=_F32,
                            precision=_PREC)
    al = dot(w2l_ref[:, :ci], st)
    ah = dot(w2h_ref[:, :ci], st)
    ye = dot(w2l_ref[:, ci:], st)
    yo = dot(w2h_ref[:, ci:], st)
    a_ref[0] = _pack_bf16(al, ah)
    y_ref[0] = _pack_bf16(ye, yo)

    @pl.when(b == 0)
    def _():
        sal_ref[...] = jnp.zeros_like(sal_ref)
        sah_ref[...] = jnp.zeros_like(sah_ref)

    sal_ref[:, 0:1] += jnp.sum(al, axis=1, keepdims=True)
    sal_ref[:, 1:2] += jnp.sum(al * al, axis=1, keepdims=True)
    sah_ref[:, 0:1] += jnp.sum(ah, axis=1, keepdims=True)
    sah_ref[:, 1:2] += jnp.sum(ah * ah, axis=1, keepdims=True)


def _tc1a(st_f, w2):
    B, ci, N = st_f.shape
    c2 = w2.shape[0]
    ot = 2
    t2 = c2 // ot
    cw = w2.shape[1]
    return pl.pallas_call(
        _tc1a_body,
        grid=(B, ot),
        in_specs=[
            pl.BlockSpec((1, ci, N), lambda b, t: (b, 0, 0)),
            pl.BlockSpec((t2 // 2, cw), lambda b, t: (t, 0)),
            pl.BlockSpec((t2 // 2, cw), lambda b, t: (t + ot, 0)),
        ],
        out_specs=[
            pl.BlockSpec((1, t2 // 2, N), lambda b, t: (b, t, 0)),
            pl.BlockSpec((1, t2 // 2, N), lambda b, t: (b, t, 0)),
            pl.BlockSpec((t2 // 2, 2), lambda b, t: (t, 0)),
            pl.BlockSpec((t2 // 2, 2), lambda b, t: (t, 0)),
        ],
        out_shape=[
            jax.ShapeDtypeStruct((B, c2 // 2, N), jnp.int32),
            jax.ShapeDtypeStruct((B, c2 // 2, N), jnp.int32),
            jax.ShapeDtypeStruct((c2 // 2, 2), _F32),
            jax.ShapeDtypeStruct((c2 // 2, 2), _F32),
        ],
    )(st_f, w2, w2)


def _tc1b_body(sp_ref, st_ref, w1_ref, pre1_ref, s1_ref):
    b = pl.program_id(0)
    csp = sp_ref.shape[1]
    dot = functools.partial(jnp.dot, preferred_element_type=_F32,
                            precision=_PREC)
    pre1 = (dot(w1_ref[:, :csp], sp_ref[0]) +
            dot(w1_ref[:, csp:], st_ref[0]))
    pre1_ref[0] = pre1.astype(jnp.bfloat16)

    @pl.when(b == 0)
    def _():
        s1_ref[...] = jnp.zeros_like(s1_ref)

    s1_ref[:, 0:1] += jnp.sum(pre1, axis=1, keepdims=True)
    s1_ref[:, 1:2] += jnp.sum(pre1 * pre1, axis=1, keepdims=True)


def _tc1b(sp_f, st_f, w1):
    B, ci, N = st_f.shape
    csp = sp_f.shape[1]
    c1 = w1.shape[0]
    ot = 2
    t1 = c1 // ot
    return pl.pallas_call(
        _tc1b_body,
        grid=(B, ot),
        in_specs=[
            pl.BlockSpec((1, csp, N), lambda b, t: (b, 0, 0)),
            pl.BlockSpec((1, ci, N), lambda b, t: (b, 0, 0)),
            pl.BlockSpec((t1, csp + ci), lambda b, t: (t, 0)),
        ],
        out_specs=[
            pl.BlockSpec((1, t1, N), lambda b, t: (b, t, 0)),
            pl.BlockSpec((t1, 2), lambda b, t: (t, 0)),
        ],
        out_shape=[
            jax.ShapeDtypeStruct((B, c1, N), jnp.bfloat16),
            jax.ShapeDtypeStruct((c1, 2), _F32),
        ],
    )(sp_f, st_f, w1)


def _sc_stage(y, a, idx_p):
    B, cp2, N = y.shape
    c2 = cp2 * 2
    K = idx_p.shape[1] * 2
    info = plsc.get_sparse_core_info()
    nw = info.num_cores * info.num_subcores
    cpt = c2 // nw
    npr = cpt // 2
    ch = 2000
    gn = ch // 16
    nch = N // ch
    mesh = plsc.VectorSubcoreMesh(core_axis_name="c", subcore_axis_name="s")
    mask_hi = jnp.int32(-65536)
    mask_lo = jnp.int32(0xFFFF)

    @functools.partial(
        pl.kernel,
        mesh=mesh,
        compiler_params=pltpu.CompilerParams(use_tc_tiling_on_sc=False,
                                             needs_layout_passes=False),
        out_type=[
            jax.ShapeDtypeStruct((B, cp2, N), jnp.int32),
            jax.ShapeDtypeStruct((nw, 3, cpt, 16), _F32),
        ],
        scratch_types=(
            [pltpu.VMEM((N,), jnp.int32) for _ in range(2 * npr)] + [
                pltpu.VMEM((2, K // 2, ch), jnp.int32),
                pltpu.VMEM((2, npr, ch), jnp.int32),
                pltpu.VMEM((2, npr, ch), jnp.int32),
                pltpu.VMEM((3, cpt, 16), _F32),
                pltpu.SemaphoreType.DMA,
                pltpu.SemaphoreType.DMA,
                pltpu.SemaphoreType.DMA,
                pltpu.SemaphoreType.DMA,
            ]
        ),
    )
    def sc_k(y_hbm, a_hbm, idx_hbm, m_hbm, p_hbm, *scratch):
        y_all = scratch[:2 * npr]
        (idx_buf, a_buf, m_buf, p_buf,
         sem_i, sem_a, sem_m, sem_y) = scratch[2 * npr:]
        wid = lax.axis_index("s") * info.num_cores + lax.axis_index("c")
        p0 = wid * npr

        def idx_cp(b, cc, par):
            return pltpu.make_async_copy(
                idx_hbm.at[b, :, pl.ds(cc * ch, ch)], idx_buf.at[par], sem_i)

        def a_cps(b, cc, par):
            return [pltpu.make_async_copy(
                a_hbm.at[b, pl.ds(p0, npr), pl.ds(cc * ch, ch)],
                a_buf.at[par], sem_a)]

        def m_cps(b, cc, par):
            return [pltpu.make_async_copy(
                m_buf.at[par],
                m_hbm.at[b, pl.ds(p0, npr), pl.ds(cc * ch, ch)], sem_m)]

        def y_cp(b, p):
            return pltpu.make_async_copy(
                y_hbm.at[b, p0 + p, :], y_all[b * npr + p], sem_y)

        for b in range(B):
            for p in range(npr):
                y_cp(b, p).start()
        zero = jnp.zeros((16,), _F32)
        for i in range(3):
            for j in range(cpt):
                p_buf[i, j] = zero
        for b in range(B):
            y_bufs = y_all[b * npr:(b + 1) * npr]
            for p in range(npr):
                y_cp(b, p).wait()
            idx_cp(b, 0, 0).start()
            for cp in a_cps(b, 0, 0):
                cp.start()

            def chunk_body(cc, _, b=b, y_bufs=y_bufs):
                par = cc & 1
                idx_cp(b, cc, par).wait()
                for cp in a_cps(b, cc, par):
                    cp.wait()

                @pl.when(cc + 1 < nch)
                def _():
                    idx_cp(b, cc + 1, 1 - par).start()
                    for cp in a_cps(b, cc + 1, 1 - par):
                        cp.start()

                @pl.when(cc >= 2)
                def _():
                    for cp in m_cps(b, cc - 2, par):
                        cp.wait()

                z16 = jnp.zeros((16,), _F32)
                init = (z16,) * (6 * npr)

                def g_loop(g, acc, par=par):
                    base = g * 16
                    ivs = []
                    for kk in range(K // 2):
                        wv = idx_buf[par, kk, pl.ds(base, 16)]
                        ivs.append(wv & mask_lo)
                        ivs.append(lax.shift_right_logical(wv, 16))
                    out = []
                    for p in range(npr):
                        s_e, s_o, x_e, x_o, q_e, q_o = acc[6 * p:6 * p + 6]
                        aw = a_buf[par, p, pl.ds(base, 16)]
                        a_e = plsc.bitcast(aw << 16, _F32)
                        a_o = plsc.bitcast(aw & mask_hi, _F32)
                        w = plsc.load_gather(y_bufs[p], [ivs[0]])
                        vb = plsc.bitcast(w, jnp.bfloat16)
                        mx, sm, q = vb, vb, vb * vb
                        for k in range(1, K):
                            w = plsc.load_gather(y_bufs[p], [ivs[k]])
                            vb = plsc.bitcast(w, jnp.bfloat16)
                            mx = jnp.maximum(mx, vb)
                            sm = sm + vb
                            q = q + vb * vb
                        m_bf = plsc.bitcast(aw, jnp.bfloat16) + mx
                        m_buf[par, p, pl.ds(base, 16)] = plsc.bitcast(
                            m_bf, jnp.int32)
                        si = plsc.bitcast(sm, jnp.int32)
                        sm_e = plsc.bitcast(si << 16, _F32)
                        sm_o = plsc.bitcast(si & mask_hi, _F32)
                        qi = plsc.bitcast(q, jnp.int32)
                        out += [s_e + sm_e, s_o + sm_o,
                                x_e + a_e * sm_e, x_o + a_o * sm_o,
                                q_e + plsc.bitcast(qi << 16, _F32),
                                q_o + plsc.bitcast(qi & mask_hi, _F32)]
                    return tuple(out)

                fin = plsc.parallel_loop(0, gn, unroll=2, carry=init)(g_loop)
                for p in range(npr):
                    s_e, s_o, x_e, x_o, q_e, q_o = fin[6 * p:6 * p + 6]
                    plsc.addupdate(p_buf.at[0, p], s_e)
                    plsc.addupdate(p_buf.at[0, npr + p], s_o)
                    plsc.addupdate(p_buf.at[1, p], x_e)
                    plsc.addupdate(p_buf.at[1, npr + p], x_o)
                    plsc.addupdate(p_buf.at[2, p], q_e)
                    plsc.addupdate(p_buf.at[2, npr + p], q_o)
                for cp in m_cps(b, cc, par):
                    cp.start()
                return 0

            lax.fori_loop(0, nch, chunk_body, 0)
            for cp in m_cps(b, nch - 2, nch & 1):
                cp.wait()
            for cp in m_cps(b, nch - 1, (nch - 1) & 1):
                cp.wait()
        pltpu.sync_copy(p_buf, p_hbm.at[wid])

    return sc_k(y, a, idx_p)


def _tc2_body(m_ref, inv2_ref, sh2_ref, w3_ref, pre3_ref, s3_ref):
    b = pl.program_id(0)
    cp2 = m_ref.shape[1]
    mw = m_ref[0]
    m_lo = lax.bitcast_convert_type(mw << 16, _F32)
    m_hi = lax.bitcast_convert_type(mw & jnp.int32(-65536), _F32)
    st2_lo = jnp.maximum(m_lo * inv2_ref[:cp2] + sh2_ref[:cp2], 0.0)
    st2_hi = jnp.maximum(m_hi * inv2_ref[cp2:] + sh2_ref[cp2:], 0.0)
    dot = functools.partial(jnp.dot, preferred_element_type=_F32,
                            precision=_PREC)
    pre3 = dot(w3_ref[:, :cp2], st2_lo) + dot(w3_ref[:, cp2:], st2_hi)
    pre3_ref[0] = pre3.astype(jnp.bfloat16)

    @pl.when(b == 0)
    def _():
        s3_ref[...] = jnp.zeros_like(s3_ref)

    s3_ref[:, 0:1] += jnp.sum(pre3, axis=1, keepdims=True)
    s3_ref[:, 1:2] += jnp.sum(pre3 * pre3, axis=1, keepdims=True)


def _tc2(m, inv2, sh2, w3):
    B, cp2, N = m.shape
    c2 = cp2 * 2
    c3 = w3.shape[0]
    ot = 2
    t3 = c3 // ot
    return pl.pallas_call(
        _tc2_body,
        grid=(B, ot),
        in_specs=[
            pl.BlockSpec((1, cp2, N), lambda b, t: (b, 0, 0)),
            pl.BlockSpec((c2, 1), lambda b, t: (0, 0)),
            pl.BlockSpec((c2, 1), lambda b, t: (0, 0)),
            pl.BlockSpec((t3, c2), lambda b, t: (t, 0)),
        ],
        out_specs=[
            pl.BlockSpec((1, t3, N), lambda b, t: (b, t, 0)),
            pl.BlockSpec((t3, 2), lambda b, t: (t, 0)),
        ],
        out_shape=[
            jax.ShapeDtypeStruct((B, c3, N), jnp.bfloat16),
            jax.ShapeDtypeStruct((c3, 2), _F32),
        ],
    )(m, inv2, sh2, w3)


def _tcn_body(x_ref, inv_ref, sh_ref, o_ref):
    x = x_ref[0].astype(_F32)
    o_ref[0] = jnp.maximum(x * inv_ref[...] + sh_ref[...], 0.0)


def _tc_norm(x, inv, sh):
    B, c, N = x.shape
    ot = 2
    t = c // ot
    return pl.pallas_call(
        _tcn_body,
        grid=(B, ot),
        in_specs=[
            pl.BlockSpec((1, t, N), lambda b, tt: (b, tt, 0)),
            pl.BlockSpec((t, 1), lambda b, tt: (tt, 0)),
            pl.BlockSpec((t, 1), lambda b, tt: (tt, 0)),
        ],
        out_specs=pl.BlockSpec((1, t, N), lambda b, tt: (b, tt, 0)),
        out_shape=jax.ShapeDtypeStruct((B, c, N), _F32),
    )(x, inv, sh)


def kernel(spatial_features, structural_features, neighbor_index,
           W1, b1, g1, be1, W2, b2, g2, be2, W3, b3, g3, be3):
    sp_f = spatial_features
    st_f = structural_features
    B, ci, N = st_f.shape
    csp = sp_f.shape[1]
    K = neighbor_index.shape[-1]
    idx4 = neighbor_index.reshape(B, N, K // 2, 2)
    idx_pn = idx4[..., 0] | (idx4[..., 1] << 16)
    idx_p = jnp.swapaxes(idx_pn, 1, 2)

    a, y, sal, sah = _tc1a(st_f, W2)
    sa = jnp.concatenate([sal, sah], axis=0)
    m, p = _sc_stage(y, a, idx_p)
    pre1, s1 = _tc1b(sp_f, st_f, W1)

    n1 = float(B * N)
    m1 = s1[:, 0] / n1
    v1 = s1[:, 1] / n1 - m1 * m1
    inv1 = g1 * lax.rsqrt(v1 + _EPS)
    sh1 = be1 - m1 * inv1
    sp = _tc_norm(pre1, inv1[:, None], sh1[:, None])

    ps = jnp.sum(p, axis=-1)
    ps = jnp.concatenate([ps[:, :, :2], ps[:, :, 2:]], axis=0)
    s_sum = ps[:, 0].reshape(-1)
    cross = ps[:, 1].reshape(-1)
    qsum = ps[:, 2].reshape(-1)
    n2 = float(B * N * K)
    m2 = (K * sa[:, 0] + s_sum) / n2
    ex2 = (K * sa[:, 1] + 2.0 * cross + qsum) / n2
    v2 = ex2 - m2 * m2
    inv2 = g2 * lax.rsqrt(v2 + _EPS)
    sh2 = be2 - m2 * inv2

    pre3, s3 = _tc2(m, inv2[:, None], sh2[:, None], W3)

    m3 = s3[:, 0] / n1
    v3 = s3[:, 1] / n1 - m3 * m3
    inv3 = g3 * lax.rsqrt(v3 + _EPS)
    sh3 = be3 - m3 * inv3

    st = _tc_norm(pre3, inv3[:, None], sh3[:, None])
    return sp, st

# --- scband reference (transcript-rebuilt; emitter-appended) ---
"""Pipeline reference for scband-mesh-convolution-62826781605928 (READ-ONLY COPY).

The authoritative reference and input builder live on the scoring server;
editing this copy changes nothing except your own understanding.
"""

import jax, jax.numpy as jnp
import numpy as np


def _bn(x, g, b):
    axes = tuple(i for i in range(x.ndim) if i != 1)
    m = jnp.mean(x, axis=axes, keepdims=True)
    v = jnp.var(x, axis=axes, keepdims=True)
    sh = [1] * x.ndim
    sh[1] = -1
    return (x - m) / jnp.sqrt(v + 1e-5) * g.reshape(sh) + b.reshape(sh)


def _forward(sp_f, st_f, nidx, W1, b1, g1, be1, W2, b2, g2, be2, W3, b3, g3, be3):
    comb = jnp.concatenate([sp_f, st_f], axis=1)
    sp = jax.nn.relu(_bn(jnp.einsum('bcn,oc->bon', comb, W1) + b1[None, :, None], g1, be1))
    B, C, N = st_f.shape
    K = nidx.shape[-1]
    idx = jnp.broadcast_to(nidx[:, None, :, :], (B, C, N, K))
    nb = jnp.take_along_axis(jnp.broadcast_to(st_f[:, :, :, None], (B, C, N, K)), idx, axis=2)
    st = jnp.concatenate([jnp.broadcast_to(st_f[:, :, :, None], (B, C, N, K)), nb], axis=1)
    st = jax.nn.relu(_bn(jnp.einsum('bcnk,oc->bonk', st, W2) + b2[None, :, None, None], g2, be2))
    st = jnp.max(st, axis=3)
    st = jax.nn.relu(_bn(jnp.einsum('bcn,oc->bon', st, W3) + b3[None, :, None], g3, be3))
    return sp, st


def setup_inputs(seed: int = 0):
    key = jax.random.key(seed)
    ks = jax.random.split(key, 12)
    B, N, K = 2, 10000, 16
    sp_in, st_in, sp_out, st_out = 128, 128, 256, 256
    inp = {}
    inp['spatial_features'] = jax.random.normal(ks[0], (B, sp_in, N), dtype=jnp.float32)
    inp['structural_features'] = jax.random.normal(ks[1], (B, st_in, N), dtype=jnp.float32)
    inp['neighbor_index'] = jax.random.randint(ks[2], (B, N, K), 0, N, dtype=jnp.int32)
    inp['W1'] = jax.random.normal(ks[3], (sp_out, sp_in + st_in), dtype=jnp.float32) * 0.05
    inp['b1'] = jnp.zeros((sp_out,), dtype=jnp.float32)
    inp['g1'] = jnp.ones((sp_out,), dtype=jnp.float32)
    inp['be1'] = jnp.zeros((sp_out,), dtype=jnp.float32)
    inp['W2'] = jax.random.normal(ks[4], (st_in, st_in * 2), dtype=jnp.float32) * 0.05
    inp['b2'] = jnp.zeros((st_in,), dtype=jnp.float32)
    inp['g2'] = jnp.ones((st_in,), dtype=jnp.float32)
    inp['be2'] = jnp.zeros((st_in,), dtype=jnp.float32)
    inp['W3'] = jax.random.normal(ks[5], (st_out, st_in), dtype=jnp.float32) * 0.05
    inp['b3'] = jnp.zeros((st_out,), dtype=jnp.float32)
    inp['g3'] = jnp.ones((st_out,), dtype=jnp.float32)
    inp['be3'] = jnp.zeros((st_out,), dtype=jnp.float32)
    return inp


def reference(spatial_features, structural_features, neighbor_index, W1, b1, g1, be1, W2, b2, g2, be2, W3, b3, g3, be3):
    return _forward(spatial_features, structural_features, neighbor_index, W1, b1, g1, be1, W2, b2, g2, be2, W3, b3, g3, be3)

if __name__ == "__main__":
    import jax
    _d = setup_inputs()
    print(jax.jit(kernel)(*tuple(_d.values())))

</pallas_src>

<mosaic_0001>
#map = affine_map<(d0, d1) -> (0, 0, 0)>
#map1 = affine_map<(d0, d1) -> (0)>
#map2 = affine_map<(d0, d1) -> (0, 0, 0, 0)>
module attributes {stable_mosaic.version = 14 : i64} {
  func.func @_rewritten_body(%arg0: i32, %arg1: i32, %arg2: memref<2x64x10000xi32, #tpu.memory_space<hbm>>, %arg3: memref<2x64x10000xi32, #tpu.memory_space<hbm>>, %arg4: memref<2x8x10000xi32, #tpu.memory_space<hbm>>, %arg5: memref<1xi32, #tpu.memory_space<hbm>>, %arg6: memref<1xi32, #tpu.memory_space<hbm>>, %arg7: memref<2x64x10000xi32, #tpu.memory_space<hbm>>, %arg8: memref<32x3x4x16xf32, #tpu.memory_space<hbm>>, %arg9: memref<10000xi32, #tpu.memory_space<vmem>>, %arg10: memref<10000xi32, #tpu.memory_space<vmem>>, %arg11: memref<10000xi32, #tpu.memory_space<vmem>>, %arg12: memref<10000xi32, #tpu.memory_space<vmem>>, %arg13: memref<2x8x2000xi32, #tpu.memory_space<vmem>>, %arg14: memref<2x2x2000xi32, #tpu.memory_space<vmem>>, %arg15: memref<2x2x2000xi32, #tpu.memory_space<vmem>>, %arg16: memref<3x4x16xf32, #tpu.memory_space<vmem>>, %arg17: memref<!tpu.dma_semaphore, #tpu.memory_space<semaphore_mem>>, %arg18: memref<!tpu.dma_semaphore, #tpu.memory_space<semaphore_mem>>, %arg19: memref<!tpu.dma_semaphore, #tpu.memory_space<semaphore_mem>>, %arg20: memref<!tpu.dma_semaphore, #tpu.memory_space<semaphore_mem>>) attributes {dimension_semantics = [#tpu.dimension_semantics<core_parallel>, #tpu.dimension_semantics<subcore_parallel>], iteration_bounds = array<i64: 2, 16>, scalar_prefetch = 0 : i64, scratch_operands = 12 : i64, tpu.core_type = #tpu.core_type<sc_vector_subcore>, window_params = [{transform_indices = #map}, {transform_indices = #map}, {transform_indices = #map}, {transform_indices = #map1}, {transform_indices = #map1}, {transform_indices = #map}, {transform_indices = #map2}]} {
    %empty_ref3A = memref.alloca() : memref<16xi32, #tpu.memory_space<vmem>>
    %empty_ref3A_0 = memref.alloca() : memref<16xi32, #tpu.memory_space<vmem>>
    "tpu.region"() ({
      %run_scoped3A = tpu.sem_alloc : memref<!tpu.dma_semaphore, #tpu.memory_space<semaphore_mem>>
      %dma_start3A_296 = arith.constant 0 : i32
      %dma_start3A_297 = tpu.memref_slice %empty_ref3A[%dma_start3A_296] : memref<16xi32, #tpu.memory_space<vmem>> -> memref<1xi32, #tpu.memory_space<vmem>>
      %dma_start3A_298 = arith.constant 0 : i32
      %dma_start3A_299 = tpu.memref_slice %empty_ref3A[%dma_start3A_298] : memref<16xi32, #tpu.memory_space<vmem>> -> memref<1xi32, #tpu.memory_space<vmem>>
      tpu.enqueue_dma source(%arg5 : memref<1xi32, #tpu.memory_space<hbm>>) target(%dma_start3A_299 : memref<1xi32, #tpu.memory_space<vmem>>) target_semaphore(%run_scoped3A : memref<!tpu.dma_semaphore, #tpu.memory_space<semaphore_mem>>)
      %dma_start3A_300 = arith.constant 0 : i32
      %dma_start3A_301 = tpu.memref_slice %empty_ref3A_0[%dma_start3A_300] : memref<16xi32, #tpu.memory_space<vmem>> -> memref<1xi32, #tpu.memory_space<vmem>>
      %dma_start3A_302 = arith.constant 0 : i32
      %dma_start3A_303 = tpu.memref_slice %empty_ref3A_0[%dma_start3A_302] : memref<16xi32, #tpu.memory_space<vmem>> -> memref<1xi32, #tpu.memory_space<vmem>>
      tpu.enqueue_dma source(%arg6 : memref<1xi32, #tpu.memory_space<hbm>>) target(%dma_start3A_303 : memref<1xi32, #tpu.memory_space<vmem>>) target_semaphore(%run_scoped3A : memref<!tpu.dma_semaphore, #tpu.memory_space<semaphore_mem>>)
      %dma_wait3A_304 = arith.constant 0 : i32
      %dma_wait3A_305 = tpu.memref_slice %empty_ref3A[%dma_wait3A_304] : memref<16xi32, #tpu.memory_space<vmem>> -> memref<1xi32, #tpu.memory_space<vmem>>
      %dma_wait3A_306 = arith.constant 0 : i32
      %dma_wait3A_307 = tpu.memref_slice %empty_ref3A[%dma_wait3A_306] : memref<16xi32, #tpu.memory_space<vmem>> -> memref<1xi32, #tpu.memory_space<vmem>>
      tpu.wait_dma2 semaphore(%run_scoped3A : memref<!tpu.dma_semaphore, #tpu.memory_space<semaphore_mem>>) src(%arg5 : memref<1xi32, #tpu.memory_space<hbm>>) dst(%dma_wait3A_307 : memref<1xi32, #tpu.memory_space<vmem>>)
      %dma_wait3A_308 = arith.constant 0 : i32
      %dma_wait3A_309 = tpu.memref_slice %empty_ref3A_0[%dma_wait3A_308] : memref<16xi32, #tpu.memory_space<vmem>> -> memref<1xi32, #tpu.memory_space<vmem>>
      %dma_wait3A_310 = arith.constant 0 : i32
      %dma_wait3A_311 = tpu.memref_slice %empty_ref3A_0[%dma_wait3A_310] : memref<16xi32, #tpu.memory_space<vmem>> -> memref<1xi32, #tpu.memory_space<vmem>>
      tpu.wait_dma2 semaphore(%run_scoped3A : memref<!tpu.dma_semaphore, #tpu.memory_space<semaphore_mem>>) src(%arg6 : memref<1xi32, #tpu.memory_space<hbm>>) dst(%dma_wait3A_311 : memref<1xi32, #tpu.memory_space<vmem>>)
      tpu.yield
    }) : () -> ()
    %get3A = arith.constant 0 : index
    %get3A_1 = tpu.vector_load %empty_ref3A[%get3A] {strides = array<i32>} : memref<16xi32, #tpu.memory_space<vmem>>, vector<16xi32>,
    %slice3A = vector.extract_strided_slice %get3A_1 {offsets = [0], sizes = [1], strides = [1]} : vector<16xi32> to vector<1xi32>
    %squeeze3A = vector.extract %slice3A[0] : i32 from vector<1xi32>
    %get3A_2 = arith.constant 0 : index
    %get3A_3 = tpu.vector_load %empty_ref3A_0[%get3A_2] {strides = array<i32>} : memref<16xi32, #tpu.memory_space<vmem>>, vector<16xi32>,
    %slice3A_4 = vector.extract_strided_slice %get3A_3 {offsets = [0], sizes = [1], strides = [1]} : vector<16xi32> to vector<1xi32>
    %squeeze3A_5 = vector.extract %slice3A_4[0] : i32 from vector<1xi32>
    %mul3A = arith.constant 2 : i32
    %mul3A_6 = arith.muli %arg1, %mul3A : i32
    %add3A = arith.addi %mul3A_6, %arg0 : i32
    %mul3A_7 = arith.constant 2 : i32
    %mul3A_8 = arith.muli %add3A, %mul3A_7 : i32
    %add3A_9 = arith.constant 0 : i32
    %add3A_10 = arith.addi %mul3A_8, %add3A_9 : i32
    %dma_start3A = arith.constant 0 : i32
    %dma_start3A_11 = arith.constant 0 : i32
    %dma_start3A_12 = tpu.memref_slice %arg2[%dma_start3A, %add3A_10, %dma_start3A_11] : memref<2x64x10000xi32, #tpu.memory_space<hbm>> -> memref<1x1x10000xi32, #tpu.memory_space<hbm>>
    %dma_start3A_13 = tpu.memref_squeeze %dma_start3A_12 : memref<1x1x10000xi32, #tpu.memory_space<hbm>> -> memref<10000xi32, #tpu.memory_space<hbm>>
    %dma_start3A_14 = arith.constant 0 : i32
    %dma_start3A_15 = tpu.memref_slice %arg2[%dma_start3A, %add3A_10, %dma_start3A_14] : memref<2x64x10000xi32, #tpu.memory_space<hbm>> -> memref<1x1x10000xi32, #tpu.memory_space<hbm>>
    %dma_start3A_16 = tpu.memref_squeeze %dma_start3A_15 : memref<1x1x10000xi32, #tpu.memory_space<hbm>> -> memref<10000xi32, #tpu.memory_space<hbm>>
    tpu.enqueue_dma source(%dma_start3A_16 : memref<10000xi32, #tpu.memory_space<hbm>>) target(%arg9 : memref<10000xi32, #tpu.memory_space<vmem>>) target_semaphore(%arg20 : memref<!tpu.dma_semaphore, #tpu.memory_space<semaphore_mem>>)
    %add3A_17 = arith.constant 1 : i32
    %add3A_18 = arith.addi %mul3A_8, %add3A_17 : i32
    %dma_start3A_19 = arith.constant 0 : i32
    %dma_start3A_20 = arith.constant 0 : i32
    %dma_start3A_21 = tpu.memref_slice %arg2[%dma_start3A_19, %add3A_18, %dma_start3A_20] : memref<2x64x10000xi32, #tpu.memory_space<hbm>> -> memref<1x1x10000xi32, #tpu.memory_space<hbm>>
    %dma_start3A_22 = tpu.memref_squeeze %dma_start3A_21 : memref<1x1x10000xi32, #tpu.memory_space<hbm>> -> memref<10000xi32, #tpu.memory_space<hbm>>
    %dma_start3A_23 = arith.constant 0 : i32
    %dma_start3A_24 = tpu.memref_slice %arg2[%dma_start3A_19, %add3A_18, %dma_start3A_23] : memref<2x64x10000xi32, #tpu.memory_space<hbm>> -> memref<1x1x10000xi32, #tpu.memory_space<hbm>>
    %dma_start3A_25 = tpu.memref_squeeze %dma_start3A_24 : memref<1x1x10000xi32, #tpu.memory_space<hbm>> -> memref<10000xi32, #tpu.memory_space<hbm>>
    tpu.enqueue_dma source(%dma_start3A_25 : memref<10000xi32, #tpu.memory_space<hbm>>) target(%arg10 : memref<10000xi32, #tpu.memory_space<vmem>>) target_semaphore(%arg20 : memref<!tpu.dma_semaphore, #tpu.memory_space<semaphore_mem>>)
    %add3A_26 = arith.constant 0 : i32
    %add3A_27 = arith.addi %mul3A_8, %add3A_26 : i32
    %dma_start3A_28 = arith.constant 1 : i32
    %dma_start3A_29 = arith.constant 0 : i32
    %dma_start3A_30 = tpu.memref_slice %arg2[%dma_start3A_28, %add3A_27, %dma_start3A_29] : memref<2x64x10000xi32, #tpu.memory_space<hbm>> -> memref<1x1x10000xi32, #tpu.memory_space<hbm>>
    %dma_start3A_31 = tpu.memref_squeeze %dma_start3A_30 : memref<1x1x10000xi32, #tpu.memory_space<hbm>> -> memref<10000xi32, #tpu.memory_space<hbm>>
    %dma_start3A_32 = arith.constant 0 : i32
    %dma_start3A_33 = tpu.memref_slice %arg2[%dma_start3A_28, %add3A_27, %dma_start3A_32] : memref<2x64x10000xi32, #tpu.memory_space<hbm>> -> memref<1x1x10000xi32, #tpu.memory_space<hbm>>
    %dma_start3A_34 = tpu.memref_squeeze %dma_start3A_33 : memref<1x1x10000xi32, #tpu.memory_space<hbm>> -> memref<10000xi32, #tpu.memory_space<hbm>>
    tpu.enqueue_dma source(%dma_start3A_34 : memref<10000xi32, #tpu.memory_space<hbm>>) target(%arg11 : memref<10000xi32, #tpu.memory_space<vmem>>) target_semaphore(%arg20 : memref<!tpu.dma_semaphore, #tpu.memory_space<semaphore_mem>>)
    %add3A_35 = arith.constant 1 : i32
    %add3A_36 = arith.addi %mul3A_8, %add3A_35 : i32
    %dma_start3A_37 = arith.constant 1 : i32
    %dma_start3A_38 = arith.constant 0 : i32
    %dma_start3A_39 = tpu.memref_slice %arg2[%dma_start3A_37, %add3A_36, %dma_start3A_38] : memref<2x64x10000xi32, #tpu.memory_space<hbm>> -> memref<1x1x10000xi32, #tpu.memory_space<hbm>>
    %dma_start3A_40 = tpu.memref_squeeze %dma_start3A_39 : memref<1x1x10000xi32, #tpu.memory_space<hbm>> -> memref<10000xi32, #tpu.memory_space<hbm>>
    %dma_start3A_41 = arith.constant 0 : i32
    %dma_start3A_42 = tpu.memref_slice %arg2[%dma_start3A_37, %add3A_36, %dma_start3A_41] : memref<2x64x10000xi32, #tpu.memory_space<hbm>> -> memref<1x1x10000xi32, #tpu.memory_space<hbm>>
    %dma_start3A_43 = tpu.memref_squeeze %dma_start3A_42 : memref<1x1x10000xi32, #tpu.memory_space<hbm>> -> memref<10000xi32, #tpu.memory_space<hbm>>
    tpu.enqueue_dma source(%dma_start3A_43 : memref<10000xi32, #tpu.memory_space<hbm>>) target(%arg12 : memref<10000xi32, #tpu.memory_space<vmem>>) target_semaphore(%arg20 : memref<!tpu.dma_semaphore, #tpu.memory_space<semaphore_mem>>)
    %broadcast_in_dim3A = arith.constant 0.000000e+00 : f32
    %broadcast_in_dim3A_44 = vector.broadcast %broadcast_in_dim3A : f32 to vector<16xf32>
    %swap3A = arith.constant 0 : i32
    %swap3A_45 = arith.constant 0 : i32
    %swap3A_46 = arith.index_cast %swap3A : i32 to index
    %swap3A_47 = arith.index_cast %swap3A_45 : i32 to index
    %swap3A_48 = arith.constant 0 : index
    %swap3A_49 = tpu.vector_load %arg16[%swap3A_46, %swap3A_47, %swap3A_48] {strides = array<i32>} : memref<3x4x16xf32, #tpu.memory_space<vmem>>, vector<16xf32>,
    tpu.vector_store %arg16[%swap3A_46, %swap3A_47, %swap3A_48], %broadcast_in_dim3A_44 {strides = array<i32>} : memref<3x4x16xf32, #tpu.memory_space<vmem>>, vector<16xf32>,
    %swap3A_50 = arith.constant 0 : i32
    %swap3A_51 = arith.constant 1 : i32
    %swap3A_52 = arith.index_cast %swap3A_50 : i32 to index
    %swap3A_53 = arith.index_cast %swap3A_51 : i32 to index
    %swap3A_54 = arith.constant 0 : index
    %swap3A_55 = tpu.vector_load %arg16[%swap3A_52, %swap3A_53, %swap3A_54] {strides = array<i32>} : memref<3x4x16xf32, #tpu.memory_space<vmem>>, vector<16xf32>,
    tpu.vector_store %arg16[%swap3A_52, %swap3A_53, %swap3A_54], %broadcast_in_dim3A_44 {strides = array<i32>} : memref<3x4x16xf32, #tpu.memory_space<vmem>>, vector<16xf32>,
    %swap3A_56 = arith.constant 0 : i32
    %swap3A_57 = arith.constant 2 : i32
    %swap3A_58 = arith.index_cast %swap3A_56 : i32 to index
    %swap3A_59 = arith.index_cast %swap3A_57 : i32 to index
    %swap3A_60 = arith.constant 0 : index
    %swap3A_61 = tpu.vector_load %arg16[%swap3A_58, %swap3A_59, %swap3A_60] {strides = array<i32>} : memref<3x4x16xf32, #tpu.memory_space<vmem>>, vector<16xf32>,
    tpu.vector_store %arg16[%swap3A_58, %swap3A_59, %swap3A_60], %broadcast_in_dim3A_44 {strides = array<i32>} : memref<3x4x16xf32, #tpu.memory_space<vmem>>, vector<16xf32>,
    %swap3A_62 = arith.constant 0 : i32
    %swap3A_63 = arith.constant 3 : i32
    %swap3A_64 = arith.index_cast %swap3A_62 : i32 to index
    %swap3A_65 = arith.index_cast %swap3A_63 : i32 to index
    %swap3A_66 = arith.constant 0 : index
    %swap3A_67 = tpu.vector_load %arg16[%swap3A_64, %swap3A_65, %swap3A_66] {strides = array<i32>} : memref<3x4x16xf32, #tpu.memory_space<vmem>>, vector<16xf32>,
    tpu.vector_store %arg16[%swap3A_64, %swap3A_65, %swap3A_66], %broadcast_in_dim3A_44 {strides = array<i32>} : memref<3x4x16xf32, #tpu.memory_space<vmem>>, vector<16xf32>,
    %swap3A_68 = arith.constant 1 : i32
    %swap3A_69 = arith.constant 0 : i32
    %swap3A_70 = arith.index_cast %swap3A_68 : i32 to index
    %swap3A_71 = arith.index_cast %swap3A_69 : i32 to index
    %swap3A_72 = arith.constant 0 : index
    %swap3A_73 = tpu.vector_load %arg16[%swap3A_70, %swap3A_71, %swap3A_72] {strides = array<i32>} : memref<3x4x16xf32, #tpu.memory_space<vmem>>, vector<16xf32>,
    tpu.vector_store %arg16[%swap3A_70, %swap3A_71, %swap3A_72], %broadcast_in_dim3A_44 {strides = array<i32>} : memref<3x4x16xf32, #tpu.memory_space<vmem>>, vector<16xf32>,
    %swap3A_74 = arith.constant 1 : i32
    %swap3A_75 = arith.constant 1 : i32
    %swap3A_76 = arith.index_cast %swap3A_74 : i32 to index
    %swap3A_77 = arith.index_cast %swap3A_75 : i32 to index
    %swap3A_78 = arith.constant 0 : index
    %swap3A_79 = tpu.vector_load %arg16[%swap3A_76, %swap3A_77, %swap3A_78] {strides = array<i32>} : memref<3x4x16xf32, #tpu.memory_space<vmem>>, vector<16xf32>,
    tpu.vector_store %arg16[%swap3A_76, %swap3A_77, %swap3A_78], %broadcast_in_dim3A_44 {strides = array<i32>} : memref<3x4x16xf32, #tpu.memory_space<vmem>>, vector<16xf32>,
    %swap3A_80 = arith.constant 1 : i32
    %swap3A_81 = arith.constant 2 : i32
    %swap3A_82 = arith.index_cast %swap3A_80 : i32 to index
    %swap3A_83 = arith.index_cast %swap3A_81 : i32 to index
    %swap3A_84 = arith.constant 0 : index
    %swap3A_85 = tpu.vector_load %arg16[%swap3A_82, %swap3A_83, %swap3A_84] {strides = array<i32>} : memref<3x4x16xf32, #tpu.memory_space<vmem>>, vector<16xf32>,
    tpu.vector_store %arg16[%swap3A_82, %swap3A_83, %swap3A_84], %broadcast_in_dim3A_44 {strides = array<i32>} : memref<3x4x16xf32, #tpu.memory_space<vmem>>, vector<16xf32>,
    %swap3A_86 = arith.constant 1 : i32
    %swap3A_87 = arith.constant 3 : i32
    %swap3A_88 = arith.index_cast %swap3A_86 : i32 to index
    %swap3A_89 = arith.index_cast %swap3A_87 : i32 to index
    %swap3A_90 = arith.constant 0 : index
    %swap3A_91 = tpu.vector_load %arg16[%swap3A_88, %swap3A_89, %swap3A_90] {strides = array<i32>} : memref<3x4x16xf32, #tpu.memory_space<vmem>>, vector<16xf32>,
    tpu.vector_store %arg16[%swap3A_88, %swap3A_89, %swap3A_90], %broadcast_in_dim3A_44 {strides = array<i32>} : memref<3x4x16xf32, #tpu.memory_space<vmem>>, vector<16xf32>,
    %swap3A_92 = arith.constant 2 : i32
    %swap3A_93 = arith.constant 0 : i32
    %swap3A_94 = arith.index_cast %swap3A_92 : i32 to index
    %swap3A_95 = arith.index_cast %swap3A_93 : i32 to index
    %swap3A_96 = arith.constant 0 : index
    %swap3A_97 = tpu.vector_load %arg16[%swap3A_94, %swap3A_95, %swap3A_96] {strides = array<i32>} : memref<3x4x16xf32, #tpu.memory_space<vmem>>, vector<16xf32>,
    tpu.vector_store %arg16[%swap3A_94, %swap3A_95, %swap3A_96], %broadcast_in_dim3A_44 {strides = array<i32>} : memref<3x4x16xf32, #tpu.memory_space<vmem>>, vector<16xf32>,
    %swap3A_98 = arith.constant 2 : i32
    %swap3A_99 = arith.constant 1 : i32
    %swap3A_100 = arith.index_cast %swap3A_98 : i32 to index
    %swap3A_101 = arith.index_cast %swap3A_99 : i32 to index
    %swap3A_102 = arith.constant 0 : index
    %swap3A_103 = tpu.vector_load %arg16[%swap3A_100, %swap3A_101, %swap3A_102] {strides = array<i32>} : memref<3x4x16xf32, #tpu.memory_space<vmem>>, vector<16xf32>,
    tpu.vector_store %arg16[%swap3A_100, %swap3A_101, %swap3A_102], %broadcast_in_dim3A_44 {strides = array<i32>} : memref<3x4x16xf32, #tpu.memory_space<vmem>>, vector<16xf32>,
    %swap3A_104 = arith.constant 2 : i32
    %swap3A_105 = arith.constant 2 : i32
    %swap3A_106 = arith.index_cast %swap3A_104 : i32 to index
    %swap3A_107 = arith.index_cast %swap3A_105 : i32 to index
    %swap3A_108 = arith.constant 0 : index
    %swap3A_109 = tpu.vector_load %arg16[%swap3A_106, %swap3A_107, %swap3A_108] {strides = array<i32>} : memref<3x4x16xf32, #tpu.memory_space<vmem>>, vector<16xf32>,
    tpu.vector_store %arg16[%swap3A_106, %swap3A_107, %swap3A_108], %broadcast_in_dim3A_44 {strides = array<i32>} : memref<3x4x16xf32, #tpu.memory_space<vmem>>, vector<16xf32>,
    %swap3A_110 = arith.constant 2 : i32
    %swap3A_111 = arith.constant 3 : i32
    %swap3A_112 = arith.index_cast %swap3A_110 : i32 to index
    %swap3A_113 = arith.index_cast %swap3A_111 : i32 to index
    %swap3A_114 = arith.constant 0 : index
    %swap3A_115 = tpu.vector_load %arg16[%swap3A_112, %swap3A_113, %swap3A_114] {strides = array<i32>} : memref<3x4x16xf32, #tpu.memory_space<vmem>>, vector<16xf32>,
    tpu.vector_store %arg16[%swap3A_112, %swap3A_113, %swap3A_114], %broadcast_in_dim3A_44 {strides = array<i32>} : memref<3x4x16xf32, #tpu.memory_space<vmem>>, vector<16xf32>,
    %add3A_116 = arith.constant 0 : i32
    %add3A_117 = arith.addi %mul3A_8, %add3A_116 : i32
    %dma_wait3A = arith.constant 0 : i32
    %dma_wait3A_118 = arith.constant 0 : i32
    %dma_wait3A_119 = tpu.memref_slice %arg2[%dma_wait3A, %add3A_117, %dma_wait3A_118] : memref<2x64x10000xi32, #tpu.memory_space<hbm>> -> memref<1x1x10000xi32, #tpu.memory_space<hbm>>
    %dma_wait3A_120 = tpu.memref_squeeze %dma_wait3A_119 : memref<1x1x10000xi32, #tpu.memory_space<hbm>> -> memref<10000xi32, #tpu.memory_space<hbm>>
    %dma_wait3A_121 = arith.constant 0 : i32
    %dma_wait3A_122 = tpu.memref_slice %arg2[%dma_wait3A, %add3A_117, %dma_wait3A_121] : memref<2x64x10000xi32, #tpu.memory_space<hbm>> -> memref<1x1x10000xi32, #tpu.memory_space<hbm>>
    %dma_wait3A_123 = tpu.memref_squeeze %dma_wait3A_122 : memref<1x1x10000xi32, #tpu.memory_space<hbm>> -> memref<10000xi32, #tpu.memory_space<hbm>>
    tpu.wait_dma2 semaphore(%arg20 : memref<!tpu.dma_semaphore, #tpu.memory_space<semaphore_mem>>) src(%dma_wait3A_123 : memref<10000xi32, #tpu.memory_space<hbm>>) dst(%arg9 : memref<10000xi32, #tpu.memory_space<vmem>>)
    %add3A_124 = arith.constant 1 : i32
    %add3A_125 = arith.addi %mul3A_8, %add3A_124 : i32
    %dma_wait3A_126 = arith.constant 0 : i32
    %dma_wait3A_127 = arith.constant 0 : i32
    %dma_wait3A_128 = tpu.memref_slice %arg2[%dma_wait3A_126, %add3A_125, %dma_wait3A_127] : memref<2x64x10000xi32, #tpu.memory_space<hbm>> -> memref<1x1x10000xi32, #tpu.memory_space<hbm>>
    %dma_wait3A_129 = tpu.memref_squeeze %dma_wait3A_128 : memref<1x1x10000xi32, #tpu.memory_space<hbm>> -> memref<10000xi32, #tpu.memory_space<hbm>>
    %dma_wait3A_130 = arith.constant 0 : i32
    %dma_wait3A_131 = tpu.memref_slice %arg2[%dma_wait3A_126, %add3A_125, %dma_wait3A_130] : memref<2x64x10000xi32, #tpu.memory_space<hbm>> -> memref<1x1x10000xi32, #tpu.memory_space<hbm>>
    %dma_wait3A_132 = tpu.memref_squeeze %dma_wait3A_131 : memref<1x1x10000xi32, #tpu.memory_space<hbm>> -> memref<10000xi32, #tpu.memory_space<hbm>>
    tpu.wait_dma2 semaphore(%arg20 : memref<!tpu.dma_semaphore, #tpu.memory_space<semaphore_mem>>) src(%dma_wait3A_132 : memref<10000xi32, #tpu.memory_space<hbm>>) dst(%arg10 : memref<10000xi32, #tpu.memory_space<vmem>>)
    %dma_start3A_133 = arith.constant 0 : i32
    %dma_start3A_134 = arith.constant 0 : i32
    %dma_start3A_135 = arith.constant 0 : i32
    %dma_start3A_136 = arith.constant 0 : i32
    %dma_start3A_137 = tpu.memref_slice %arg13[%dma_start3A_134, %dma_start3A_135, %dma_start3A_136] : memref<2x8x2000xi32, #tpu.memory_space<vmem>> -> memref<1x8x2000xi32, #tpu.memory_space<vmem>>
    %dma_start3A_138 = tpu.memref_squeeze %dma_start3A_137 : memref<1x8x2000xi32, #tpu.memory_space<vmem>> -> memref<8x2000xi32, #tpu.memory_space<vmem>>
    %dma_start3A_139 = arith.constant 0 : i32
    %dma_start3A_140 = arith.constant 0 : i32
    %dma_start3A_141 = tpu.memref_slice %arg4[%dma_start3A_133, %dma_start3A_139, %dma_start3A_140] : memref<2x8x10000xi32, #tpu.memory_space<hbm>> -> memref<1x8x2000xi32, #tpu.memory_space<hbm>>
    %dma_start3A_142 = tpu.memref_squeeze %dma_start3A_141 : memref<1x8x2000xi32, #tpu.memory_space<hbm>> -> memref<8x2000xi32, #tpu.memory_space<hbm>>
    %dma_start3A_143 = arith.constant 0 : i32
    %dma_start3A_144 = arith.constant 0 : i32
    %dma_start3A_145 = tpu.memref_slice %arg13[%dma_start3A_134, %dma_start3A_143, %dma_start3A_144] : memref<2x8x2000xi32, #tpu.memory_space<vmem>> -> memref<1x8x2000xi32, #tpu.memory_space<vmem>>
    %dma_start3A_146 = tpu.memref_squeeze %dma_start3A_145 : memref<1x8x2000xi32, #tpu.memory_space<vmem>> -> memref<8x2000xi32, #tpu.memory_space<vmem>>
    %dma_start3A_147 = arith.constant 0 : i32
    %dma_start3A_148 = arith.constant 0 : i32
    %dma_start3A_149 = tpu.memref_slice %arg4[%dma_start3A_133, %dma_start3A_147, %dma_start3A_148] : memref<2x8x10000xi32, #tpu.memory_space<hbm>> -> memref<1x8x2000xi32, #tpu.memory_space<hbm>>
    %dma_start3A_150 = tpu.memref_squeeze %dma_start3A_149 : memref<1x8x2000xi32, #tpu.memory_space<hbm>> -> memref<8x2000xi32, #tpu.memory_space<hbm>>
    tpu.enqueue_dma source(%dma_start3A_150 : memref<8x2000xi32, #tpu.memory_space<hbm>>) target(%dma_start3A_146 : memref<8x2000xi32, #tpu.memory_space<vmem>>) target_semaphore(%arg17 : memref<!tpu.dma_semaphore, #tpu.memory_space<semaphore_mem>>)
    %dma_start3A_151 = arith.constant 0 : i32
    %dma_start3A_152 = arith.constant 0 : i32
    %dma_start3A_153 = arith.constant 0 : i32
    %dma_start3A_154 = arith.constant 0 : i32
    %dma_start3A_155 = tpu.memref_slice %arg14[%dma_start3A_152, %dma_start3A_153, %dma_start3A_154] : memref<2x2x2000xi32, #tpu.memory_space<vmem>> -> memref<1x2x2000xi32, #tpu.memory_space<vmem>>
    %dma_start3A_156 = tpu.memref_squeeze %dma_start3A_155 : memref<1x2x2000xi32, #tpu.memory_space<vmem>> -> memref<2x2000xi32, #tpu.memory_space<vmem>>
    %dma_start3A_157 = arith.constant 0 : i32
    %dma_start3A_158 = tpu.memref_slice %arg3[%dma_start3A_151, %mul3A_8, %dma_start3A_157] : memref<2x64x10000xi32, #tpu.memory_space<hbm>> -> memref<1x2x2000xi32, #tpu.memory_space<hbm>>
    %dma_start3A_159 = tpu.memref_squeeze %dma_start3A_158 : memref<1x2x2000xi32, #tpu.memory_space<hbm>> -> memref<2x2000xi32, #tpu.memory_space<hbm>>
    %dma_start3A_160 = arith.constant 0 : i32
    %dma_start3A_161 = arith.constant 0 : i32
    %dma_start3A_162 = tpu.memref_slice %arg14[%dma_start3A_152, %dma_start3A_160, %dma_start3A_161] : memref<2x2x2000xi32, #tpu.memory_space<vmem>> -> memref<1x2x2000xi32, #tpu.memory_space<vmem>>
    %dma_start3A_163 = tpu.memref_squeeze %dma_start3A_162 : memref<1x2x2000xi32, #tpu.memory_space<vmem>> -> memref<2x2000xi32, #tpu.memory_space<vmem>>
    %dma_start3A_164 = arith.constant 0 : i32
    %dma_start3A_165 = tpu.memref_slice %arg3[%dma_start3A_151, %mul3A_8, %dma_start3A_164] : memref<2x64x10000xi32, #tpu.memory_space<hbm>> -> memref<1x2x2000xi32, #tpu.memory_space<hbm>>
    %dma_start3A_166 = tpu.memref_squeeze %dma_start3A_165 : memref<1x2x2000xi32, #tpu.memory_space<hbm>> -> memref<2x2000xi32, #tpu.memory_space<hbm>>
    tpu.enqueue_dma source(%dma_start3A_166 : memref<2x2000xi32, #tpu.memory_space<hbm>>) target(%dma_start3A_163 : memref<2x2000xi32, #tpu.memory_space<vmem>>) target_semaphore(%arg18 : memref<!tpu.dma_semaphore, #tpu.memory_space<semaphore_mem>>)
    %scan3A = arith.constant 0 : i32
    %scan3A_167 = arith.constant 0 : i32
    %scan3A_168 = arith.constant 5 : i32
    %scan3A_169 = arith.addi %scan3A_167, %scan3A_168 : i32
    %scan3A_170 = arith.constant 1 : i32
    %scan3A_171 = scf.for %scan3A_296 = %scan3A_167 to %scan3A_169 step %scan3A_170 iter_args(%scan3A_297 = %scan3A) -> (i32)  : i32 {
      %and3A = arith.constant 1 : i32
      %and3A_298 = arith.andi %scan3A_296, %and3A : i32
      %mul3A_299 = arith.constant 2000 : i32
      %mul3A_300 = arith.muli %scan3A_296, %mul3A_299 : i32
      %dma_wait3A_301 = arith.constant 0 : i32
      %dma_wait3A_302 = arith.constant 0 : i32
      %dma_wait3A_303 = arith.constant 0 : i32
      %dma_wait3A_304 = tpu.memref_slice %arg13[%and3A_298, %dma_wait3A_302, %dma_wait3A_303] : memref<2x8x2000xi32, #tpu.memory_space<vmem>> -> memref<1x8x2000xi32, #tpu.memory_space<vmem>>
      %dma_wait3A_305 = tpu.memref_squeeze %dma_wait3A_304 : memref<1x8x2000xi32, #tpu.memory_space<vmem>> -> memref<8x2000xi32, #tpu.memory_space<vmem>>
      %dma_wait3A_306 = arith.constant 0 : i32
      %dma_wait3A_307 = tpu.memref_slice %arg4[%dma_wait3A_301, %dma_wait3A_306, %mul3A_300] : memref<2x8x10000xi32, #tpu.memory_space<hbm>> -> memref<1x8x2000xi32, #tpu.memory_space<hbm>>
      %dma_wait3A_308 = tpu.memref_squeeze %dma_wait3A_307 : memref<1x8x2000xi32, #tpu.memory_space<hbm>> -> memref<8x2000xi32, #tpu.memory_space<hbm>>
      %dma_wait3A_309 = arith.constant 0 : i32
      %dma_wait3A_310 = arith.constant 0 : i32
      %dma_wait3A_311 = tpu.memref_slice %arg13[%and3A_298, %dma_wait3A_309, %dma_wait3A_310] : memref<2x8x2000xi32, #tpu.memory_space<vmem>> -> memref<1x8x2000xi32, #tpu.memory_space<vmem>>
      %dma_wait3A_312 = tpu.memref_squeeze %dma_wait3A_311 : memref<1x8x2000xi32, #tpu.memory_space<vmem>> -> memref<8x2000xi32, #tpu.memory_space<vmem>>
      %dma_wait3A_313 = arith.constant 0 : i32
      %dma_wait3A_314 = tpu.memref_slice %arg4[%dma_wait3A_301, %dma_wait3A_313, %mul3A_300] : memref<2x8x10000xi32, #tpu.memory_space<hbm>> -> memref<1x8x2000xi32, #tpu.memory_space<hbm>>
      %dma_wait3A_315 = tpu.memref_squeeze %dma_wait3A_314 : memref<1x8x2000xi32, #tpu.memory_space<hbm>> -> memref<8x2000xi32, #tpu.memory_space<hbm>>
      tpu.wait_dma2 semaphore(%arg17 : memref<!tpu.dma_semaphore, #tpu.memory_space<semaphore_mem>>) src(%dma_wait3A_315 : memref<8x2000xi32, #tpu.memory_space<hbm>>) dst(%dma_wait3A_312 : memref<8x2000xi32, #tpu.memory_space<vmem>>)
      %mul3A_316 = arith.constant 2000 : i32
      %mul3A_317 = arith.muli %scan3A_296, %mul3A_316 : i32
      %dma_wait3A_318 = arith.constant 0 : i32
      %dma_wait3A_319 = arith.constant 0 : i32
      %dma_wait3A_320 = arith.constant 0 : i32
      %dma_wait3A_321 = tpu.memref_slice %arg14[%and3A_298, %dma_wait3A_319, %dma_wait3A_320] : memref<2x2x2000xi32, #tpu.memory_space<vmem>> -> memref<1x2x2000xi32, #tpu.memory_space<vmem>>
      %dma_wait3A_322 = tpu.memref_squeeze %dma_wait3A_321 : memref<1x2x2000xi32, #tpu.memory_space<vmem>> -> memref<2x2000xi32, #tpu.memory_space<vmem>>
      %dma_wait3A_323 = tpu.memref_slice %arg3[%dma_wait3A_318, %mul3A_8, %mul3A_317] : memref<2x64x10000xi32, #tpu.memory_space<hbm>> -> memref<1x2x2000xi32, #tpu.memory_space<hbm>>
      %dma_wait3A_324 = tpu.memref_squeeze %dma_wait3A_323 : memref<1x2x2000xi32, #tpu.memory_space<hbm>> -> memref<2x2000xi32, #tpu.memory_space<hbm>>
      %dma_wait3A_325 = arith.constant 0 : i32
      %dma_wait3A_326 = arith.constant 0 : i32
      %dma_wait3A_327 = tpu.memref_slice %arg14[%and3A_298, %dma_wait3A_325, %dma_wait3A_326] : memref<2x2x2000xi32, #tpu.memory_space<vmem>> -> memref<1x2x2000xi32, #tpu.memory_space<vmem>>
      %dma_wait3A_328 = tpu.memref_squeeze %dma_wait3A_327 : memref<1x2x2000xi32, #tpu.memory_space<vmem>> -> memref<2x2000xi32, #tpu.memory_space<vmem>>
      %dma_wait3A_329 = tpu.memref_slice %arg3[%dma_wait3A_318, %mul3A_8, %mul3A_317] : memref<2x64x10000xi32, #tpu.memory_space<hbm>> -> memref<1x2x2000xi32, #tpu.memory_space<hbm>>
      %dma_wait3A_330 = tpu.memref_squeeze %dma_wait3A_329 : memref<1x2x2000xi32, #tpu.memory_space<hbm>> -> memref<2x2000xi32, #tpu.memory_space<hbm>>
      tpu.wait_dma2 semaphore(%arg18 : memref<!tpu.dma_semaphore, #tpu.memory_space<semaphore_mem>>) src(%dma_wait3A_330 : memref<2x2000xi32, #tpu.memory_space<hbm>>) dst(%dma_wait3A_328 : memref<2x2000xi32, #tpu.memory_space<vmem>>)
      %add3A_331 = arith.constant 1 : i32
      %add3A_332 = arith.addi %scan3A_296, %add3A_331 : i32
      %lt3A = arith.constant 5 : i32
      %lt3A_333 = arith.cmpi slt, %add3A_332, %lt3A : i32
      %convert_element_type3A = arith.extui %lt3A_333 : i1 to i32
      %cond3A = arith.constant 0 : i32
      %cond3A_334 = arith.cmpi ne, %convert_element_type3A, %cond3A : i32
      scf.if %cond3A_334 {
        %add3A_432 = arith.constant 1 : i32
        %add3A_433 = arith.addi %scan3A_296, %add3A_432 : i32
        %sub3A = arith.constant 1 : i32
        %sub3A_434 = arith.subi %sub3A, %and3A_298 : i32
        %mul3A_435 = arith.constant 2000 : i32
        %mul3A_436 = arith.muli %add3A_433, %mul3A_435 : i32
        %dma_start3A_437 = arith.constant 0 : i32
        %dma_start3A_438 = arith.constant 0 : i32
        %dma_start3A_439 = arith.constant 0 : i32
        %dma_start3A_440 = tpu.memref_slice %arg13[%sub3A_434, %dma_start3A_438, %dma_start3A_439] : memref<2x8x2000xi32, #tpu.memory_space<vmem>> -> memref<1x8x2000xi32, #tpu.memory_space<vmem>>
        %dma_start3A_441 = tpu.memref_squeeze %dma_start3A_440 : memref<1x8x2000xi32, #tpu.memory_space<vmem>> -> memref<8x2000xi32, #tpu.memory_space<vmem>>
        %dma_start3A_442 = arith.constant 0 : i32
        %dma_start3A_443 = tpu.memref_slice %arg4[%dma_start3A_437, %dma_start3A_442, %mul3A_436] : memref<2x8x10000xi32, #tpu.memory_space<hbm>> -> memref<1x8x2000xi32, #tpu.memory_space<hbm>>
        %dma_start3A_444 = tpu.memref_squeeze %dma_start3A_443 : memref<1x8x2000xi32, #tpu.memory_space<hbm>> -> memref<8x2000xi32, #tpu.memory_space<hbm>>
        %dma_start3A_445 = arith.constant 0 : i32
        %dma_start3A_446 = arith.constant 0 : i32
        %dma_start3A_447 = tpu.memref_slice %arg13[%sub3A_434, %dma_start3A_445, %dma_start3A_446] : memref<2x8x2000xi32, #tpu.memory_space<vmem>> -> memref<1x8x2000xi32, #tpu.memory_space<vmem>>
        %dma_start3A_448 = tpu.memref_squeeze %dma_start3A_447 : memref<1x8x2000xi32, #tpu.memory_space<vmem>> -> memref<8x2000xi32, #tpu.memory_space<vmem>>
        %dma_start3A_449 = arith.constant 0 : i32
        %dma_start3A_450 = tpu.memref_slice %arg4[%dma_start3A_437, %dma_start3A_449, %mul3A_436] : memref<2x8x10000xi32, #tpu.memory_space<hbm>> -> memref<1x8x2000xi32, #tpu.memory_space<hbm>>
        %dma_start3A_451 = tpu.memref_squeeze %dma_start3A_450 : memref<1x8x2000xi32, #tpu.memory_space<hbm>> -> memref<8x2000xi32, #tpu.memory_space<hbm>>
        tpu.enqueue_dma source(%dma_start3A_451 : memref<8x2000xi32, #tpu.memory_space<hbm>>) target(%dma_start3A_448 : memref<8x2000xi32, #tpu.memory_space<vmem>>) target_semaphore(%arg17 : memref<!tpu.dma_semaphore, #tpu.memory_space<semaphore_mem>>)
        %add3A_452 = arith.constant 1 : i32
        %add3A_453 = arith.addi %scan3A_296, %add3A_452 : i32
        %sub3A_454 = arith.constant 1 : i32
        %sub3A_455 = arith.subi %sub3A_454, %and3A_298 : i32
        %mul3A_456 = arith.constant 2000 : i32
        %mul3A_457 = arith.muli %add3A_453, %mul3A_456 : i32
        %dma_start3A_458 = arith.constant 0 : i32
        %dma_start3A_459 = arith.constant 0 : i32
        %dma_start3A_460 = arith.constant 0 : i32
        %dma_start3A_461 = tpu.memref_slice %arg14[%sub3A_455, %dma_start3A_459, %dma_start3A_460] : memref<2x2x2000xi32, #tpu.memory_space<vmem>> -> memref<1x2x2000xi32, #tpu.memory_space<vmem>>
        %dma_start3A_462 = tpu.memref_squeeze %dma_start3A_461 : memref<1x2x2000xi32, #tpu.memory_space<vmem>> -> memref<2x2000xi32, #tpu.memory_space<vmem>>
        %dma_start3A_463 = tpu.memref_slice %arg3[%dma_start3A_458, %mul3A_8, %mul3A_457] : memref<2x64x10000xi32, #tpu.memory_space<hbm>> -> memref<1x2x2000xi32, #tpu.memory_space<hbm>>
        %dma_start3A_464 = tpu.memref_squeeze %dma_start3A_463 : memref<1x2x2000xi32, #tpu.memory_space<hbm>> -> memref<2x2000xi32, #tpu.memory_space<hbm>>
        %dma_start3A_465 = arith.constant 0 : i32
        %dma_start3A_466 = arith.constant 0 : i32
        %dma_start3A_467 = tpu.memref_slice %arg14[%sub3A_455, %dma_start3A_465, %dma_start3A_466] : memref<2x2x2000xi32, #tpu.memory_space<vmem>> -> memref<1x2x2000xi32, #tpu.memory_space<vmem>>
        %dma_start3A_468 = tpu.memref_squeeze %dma_start3A_467 : memref<1x2x2000xi32, #tpu.memory_space<vmem>> -> memref<2x2000xi32, #tpu.memory_space<vmem>>
        %dma_start3A_469 = tpu.memref_slice %arg3[%dma_start3A_458, %mul3A_8, %mul3A_457] : memref<2x64x10000xi32, #tpu.memory_space<hbm>> -> memref<1x2x2000xi32, #tpu.memory_space<hbm>>
        %dma_start3A_470 = tpu.memref_squeeze %dma_start3A_469 : memref<1x2x2000xi32, #tpu.memory_space<hbm>> -> memref<2x2000xi32, #tpu.memory_space<hbm>>
        tpu.enqueue_dma source(%dma_start3A_470 : memref<2x2000xi32, #tpu.memory_space<hbm>>) target(%dma_start3A_468 : memref<2x2000xi32, #tpu.memory_space<vmem>>) target_semaphore(%arg18 : memref<!tpu.dma_semaphore, #tpu.memory_space<semaphore_mem>>)
      } else {
      }
      %ge3A = arith.constant 2 : i32
      %ge3A_335 = arith.cmpi sge, %scan3A_296, %ge3A : i32
      %convert_element_type3A_336 = arith.extui %ge3A_335 : i1 to i32
      %cond3A_337 = arith.constant 0 : i32
      %cond3A_338 = arith.cmpi ne, %convert_element_type3A_336, %cond3A_337 : i32
      scf.if %cond3A_338 {
        %sub3A = arith.constant 2 : i32
        %sub3A_432 = arith.subi %scan3A_296, %sub3A : i32
        %mul3A_433 = arith.constant 2000 : i32
        %mul3A_434 = arith.muli %sub3A_432, %mul3A_433 : i32
        %dma_wait3A_435 = arith.constant 0 : i32
        %dma_wait3A_436 = arith.constant 0 : i32
        %dma_wait3A_437 = arith.constant 0 : i32
        %dma_wait3A_438 = tpu.memref_slice %arg15[%and3A_298, %dma_wait3A_436, %dma_wait3A_437] : memref<2x2x2000xi32, #tpu.memory_space<vmem>> -> memref<1x2x2000xi32, #tpu.memory_space<vmem>>
        %dma_wait3A_439 = tpu.memref_squeeze %dma_wait3A_438 : memref<1x2x2000xi32, #tpu.memory_space<vmem>> -> memref<2x2000xi32, #tpu.memory_space<vmem>>
        %dma_wait3A_440 = tpu.memref_slice %arg7[%dma_wait3A_435, %mul3A_8, %mul3A_434] : memref<2x64x10000xi32, #tpu.memory_space<hbm>> -> memref<1x2x2000xi32, #tpu.memory_space<hbm>>
        %dma_wait3A_441 = tpu.memref_squeeze %dma_wait3A_440 : memref<1x2x2000xi32, #tpu.memory_space<hbm>> -> memref<2x2000xi32, #tpu.memory_space<hbm>>
        %dma_wait3A_442 = tpu.memref_slice %arg7[%dma_wait3A_435, %mul3A_8, %mul3A_434] : memref<2x64x10000xi32, #tpu.memory_space<hbm>> -> memref<1x2x2000xi32, #tpu.memory_space<hbm>>
        %dma_wait3A_443 = tpu.memref_squeeze %dma_wait3A_442 : memref<1x2x2000xi32, #tpu.memory_space<hbm>> -> memref<2x2000xi32, #tpu.memory_space<hbm>>
        %dma_wait3A_444 = arith.constant 0 : i32
        %dma_wait3A_445 = arith.constant 0 : i32
        %dma_wait3A_446 = tpu.memref_slice %arg15[%and3A_298, %dma_wait3A_444, %dma_wait3A_445] : memref<2x2x2000xi32, #tpu.memory_space<vmem>> -> memref<1x2x2000xi32, #tpu.memory_space<vmem>>
        %dma_wait3A_447 = tpu.memref_squeeze %dma_wait3A_446 : memref<1x2x2000xi32, #tpu.memory_space<vmem>> -> memref<2x2000xi32, #tpu.memory_space<vmem>>
        tpu.wait_dma2 semaphore(%arg19 : memref<!tpu.dma_semaphore, #tpu.memory_space<semaphore_mem>>) src(%dma_wait3A_447 : memref<2x2000xi32, #tpu.memory_space<vmem>>) dst(%dma_wait3A_443 : memref<2x2000xi32, #tpu.memory_space<hbm>>)
      } else {
      }
      %broadcast_in_dim3A_339 = arith.constant 0.000000e+00 : f32
      %broadcast_in_dim3A_340 = vector.broadcast %broadcast_in_dim3A_339 : f32 to vector<16xf32>
      %parallel_loop3A = arith.constant 0 : i32
      %parallel_loop3A_341 = arith.constant 125 : i32
      %parallel_loop3A_342 = arith.constant 1 : i32
      %parallel_loop3A_343:12 = scf.for %parallel_loop3A_432 = %parallel_loop3A to %parallel_loop3A_341 step %parallel_loop3A_342 iter_args(%parallel_loop3A_433 = %broadcast_in_dim3A_340, %parallel_loop3A_434 = %broadcast_in_dim3A_340, %parallel_loop3A_435 = %broadcast_in_dim3A_340, %parallel_loop3A_436 = %broadcast_in_dim3A_340, %parallel_loop3A_437 = %broadcast_in_dim3A_340, %parallel_loop3A_438 = %broadcast_in_dim3A_340, %parallel_loop3A_439 = %broadcast_in_dim3A_340, %parallel_loop3A_440 = %broadcast_in_dim3A_340, %parallel_loop3A_441 = %broadcast_in_dim3A_340, %parallel_loop3A_442 = %broadcast_in_dim3A_340, %parallel_loop3A_443 = %broadcast_in_dim3A_340, %parallel_loop3A_444 = %broadcast_in_dim3A_340) -> (vector<16xf32>, vector<16xf32>, vector<16xf32>, vector<16xf32>, vector<16xf32>, vector<16xf32>, vector<16xf32>, vector<16xf32>, vector<16xf32>, vector<16xf32>, vector<16xf32>, vector<16xf32>)  : i32 {
        %parallel_loop3A_445 = arith.constant 16 : i32
        %parallel_loop3A_446 = arith.muli %parallel_loop3A_432, %parallel_loop3A_445 : i32
        %parallel_loop3A_447 = arith.constant 0 : i32
        %parallel_loop3A_448 = arith.index_cast %and3A_298 : i32 to index
        %parallel_loop3A_449 = arith.index_cast %parallel_loop3A_447 : i32 to index
        %parallel_loop3A_450 = arith.index_cast %parallel_loop3A_446 : i32 to index
        %parallel_loop3A_451 = tpu.vector_load %arg13[%parallel_loop3A_448, %parallel_loop3A_449, %parallel_loop3A_450] {strides = array<i32>} : memref<2x8x2000xi32, #tpu.memory_space<vmem>>, vector<16xi32>,
        %parallel_loop3A_452 = vector.broadcast %squeeze3A : i32 to vector<16xi32>
        %parallel_loop3A_453 = arith.andi %parallel_loop3A_451, %parallel_loop3A_452 : vector<16xi32>
        %parallel_loop3A_454 = arith.constant 16 : i32
        %parallel_loop3A_455 = vector.broadcast %parallel_loop3A_454 : i32 to vector<16xi32>
        %parallel_loop3A_456 = arith.shrui %parallel_loop3A_451, %parallel_loop3A_455 : vector<16xi32>
        %parallel_loop3A_457 = arith.constant 1 : i32
        %parallel_loop3A_458 = arith.index_cast %and3A_298 : i32 to index
        %parallel_loop3A_459 = arith.index_cast %parallel_loop3A_457 : i32 to index
        %parallel_loop3A_460 = arith.index_cast %parallel_loop3A_446 : i32 to index
        %parallel_loop3A_461 = tpu.vector_load %arg13[%parallel_loop3A_458, %parallel_loop3A_459, %parallel_loop3A_460] {strides = array<i32>} : memref<2x8x2000xi32, #tpu.memory_space<vmem>>, vector<16xi32>,
        %parallel_loop3A_462 = vector.broadcast %squeeze3A : i32 to vector<16xi32>
        %parallel_loop3A_463 = arith.andi %parallel_loop3A_461, %parallel_loop3A_462 : vector<16xi32>
        %parallel_loop3A_464 = arith.constant 16 : i32
        %parallel_loop3A_465 = vector.broadcast %parallel_loop3A_464 : i32 to vector<16xi32>
        %parallel_loop3A_466 = arith.shrui %parallel_loop3A_461, %parallel_loop3A_465 : vector<16xi32>
        %parallel_loop3A_467 = arith.constant 2 : i32
        %parallel_loop3A_468 = arith.index_cast %and3A_298 : i32 to index
        %parallel_loop3A_469 = arith.index_cast %parallel_loop3A_467 : i32 to index
        %parallel_loop3A_470 = arith.index_cast %parallel_loop3A_446 : i32 to index
        %parallel_loop3A_471 = tpu.vector_load %arg13[%parallel_loop3A_468, %parallel_loop3A_469, %parallel_loop3A_470] {strides = array<i32>} : memref<2x8x2000xi32, #tpu.memory_space<vmem>>, vector<16xi32>,
        %parallel_loop3A_472 = vector.broadcast %squeeze3A : i32 to vector<16xi32>
        %parallel_loop3A_473 = arith.andi %parallel_loop3A_471, %parallel_loop3A_472 : vector<16xi32>
        %parallel_loop3A_474 = arith.constant 16 : i32
        %parallel_loop3A_475 = vector.broadcast %parallel_loop3A_474 : i32 to vector<16xi32>
        %parallel_loop3A_476 = arith.shrui %parallel_loop3A_471, %parallel_loop3A_475 : vector<16xi32>
        %parallel_loop3A_477 = arith.constant 3 : i32
        %parallel_loop3A_478 = arith.index_cast %and3A_298 : i32 to index
        %parallel_loop3A_479 = arith.index_cast %parallel_loop3A_477 : i32 to index
        %parallel_loop3A_480 = arith.index_cast %parallel_loop3A_446 : i32 to index
        %parallel_loop3A_481 = tpu.vector_load %arg13[%parallel_loop3A_478, %parallel_loop3A_479, %parallel_loop3A_480] {strides = array<i32>} : memref<2x8x2000xi32, #tpu.memory_space<vmem>>, vector<16xi32>,
        %parallel_loop3A_482 = vector.broadcast %squeeze3A : i32 to vector<16xi32>
        %parallel_loop3A_483 = arith.andi %parallel_loop3A_481, %parallel_loop3A_482 : vector<16xi32>
        %parallel_loop3A_484 = arith.constant 16 : i32
        %parallel_loop3A_485 = vector.broadcast %parallel_loop3A_484 : i32 to vector<16xi32>
        %parallel_loop3A_486 = arith.shrui %parallel_loop3A_481, %parallel_loop3A_485 : vector<16xi32>
        %parallel_loop3A_487 = arith.constant 4 : i32
        %parallel_loop3A_488 = arith.index_cast %and3A_298 : i32 to index
        %parallel_loop3A_489 = arith.index_cast %parallel_loop3A_487 : i32 to index
        %parallel_loop3A_490 = arith.index_cast %parallel_loop3A_446 : i32 to index
        %parallel_loop3A_491 = tpu.vector_load %arg13[%parallel_loop3A_488, %parallel_loop3A_489, %parallel_loop3A_490] {strides = array<i32>} : memref<2x8x2000xi32, #tpu.memory_space<vmem>>, vector<16xi32>,
        %parallel_loop3A_492 = vector.broadcast %squeeze3A : i32 to vector<16xi32>
        %parallel_loop3A_493 = arith.andi %parallel_loop3A_491, %parallel_loop3A_492 : vector<16xi32>
        %parallel_loop3A_494 = arith.constant 16 : i32
        %parallel_loop3A_495 = vector.broadcast %parallel_loop3A_494 : i32 to vector<16xi32>
        %parallel_loop3A_496 = arith.shrui %parallel_loop3A_491, %parallel_loop3A_495 : vector<16xi32>
        %parallel_loop3A_497 = arith.constant 5 : i32
        %parallel_loop3A_498 = arith.index_cast %and3A_298 : i32 to index
        %parallel_loop3A_499 = arith.index_cast %parallel_loop3A_497 : i32 to index
        %parallel_loop3A_500 = arith.index_cast %parallel_loop3A_446 : i32 to index
        %parallel_loop3A_501 = tpu.vector_load %arg13[%parallel_loop3A_498, %parallel_loop3A_499, %parallel_loop3A_500] {strides = array<i32>} : memref<2x8x2000xi32, #tpu.memory_space<vmem>>, vector<16xi32>,
        %parallel_loop3A_502 = vector.broadcast %squeeze3A : i32 to vector<16xi32>
        %parallel_loop3A_503 = arith.andi %parallel_loop3A_501, %parallel_loop3A_502 : vector<16xi32>
        %parallel_loop3A_504 = arith.constant 16 : i32
        %parallel_loop3A_505 = vector.broadcast %parallel_loop3A_504 : i32 to vector<16xi32>
        %parallel_loop3A_506 = arith.shrui %parallel_loop3A_501, %parallel_loop3A_505 : vector<16xi32>
        %parallel_loop3A_507 = arith.constant 6 : i32
        %parallel_loop3A_508 = arith.index_cast %and3A_298 : i32 to index
        %parallel_loop3A_509 = arith.index_cast %parallel_loop3A_507 : i32 to index
        %parallel_loop3A_510 = arith.index_cast %parallel_loop3A_446 : i32 to index
        %parallel_loop3A_511 = tpu.vector_load %arg13[%parallel_loop3A_508, %parallel_loop3A_509, %parallel_loop3A_510] {strides = array<i32>} : memref<2x8x2000xi32, #tpu.memory_space<vmem>>, vector<16xi32>,
        %parallel_loop3A_512 = vector.broadcast %squeeze3A : i32 to vector<16xi32>
        %parallel_loop3A_513 = arith.andi %parallel_loop3A_511, %parallel_loop3A_512 : vector<16xi32>
        %parallel_loop3A_514 = arith.constant 16 : i32
        %parallel_loop3A_515 = vector.broadcast %parallel_loop3A_514 : i32 to vector<16xi32>
        %parallel_loop3A_516 = arith.shrui %parallel_loop3A_511, %parallel_loop3A_515 : vector<16xi32>
        %parallel_loop3A_517 = arith.constant 7 : i32
        %parallel_loop3A_518 = arith.index_cast %and3A_298 : i32 to index
        %parallel_loop3A_519 = arith.index_cast %parallel_loop3A_517 : i32 to index
        %parallel_loop3A_520 = arith.index_cast %parallel_loop3A_446 : i32 to index
        %parallel_loop3A_521 = tpu.vector_load %arg13[%parallel_loop3A_518, %parallel_loop3A_519, %parallel_loop3A_520] {strides = array<i32>} : memref<2x8x2000xi32, #tpu.memory_space<vmem>>, vector<16xi32>,
        %parallel_loop3A_522 = vector.broadcast %squeeze3A : i32 to vector<16xi32>
        %parallel_loop3A_523 = arith.andi %parallel_loop3A_521, %parallel_loop3A_522 : vector<16xi32>
        %parallel_loop3A_524 = arith.constant 16 : i32
        %parallel_loop3A_525 = vector.broadcast %parallel_loop3A_524 : i32 to vector<16xi32>
        %parallel_loop3A_526 = arith.shrui %parallel_loop3A_521, %parallel_loop3A_525 : vector<16xi32>
        %parallel_loop3A_527 = arith.constant 0 : i32
        %parallel_loop3A_528 = arith.index_cast %and3A_298 : i32 to index
        %parallel_loop3A_529 = arith.index_cast %parallel_loop3A_527 : i32 to index
        %parallel_loop3A_530 = arith.index_cast %parallel_loop3A_446 : i32 to index
        %parallel_loop3A_531 = tpu.vector_load %arg14[%parallel_loop3A_528, %parallel_loop3A_529, %parallel_loop3A_530] {strides = array<i32>} : memref<2x2x2000xi32, #tpu.memory_space<vmem>>, vector<16xi32>,
        %parallel_loop3A_532 = arith.constant 16 : i32
        %parallel_loop3A_533 = vector.broadcast %parallel_loop3A_532 : i32 to vector<16xi32>
        %parallel_loop3A_534 = arith.shli %parallel_loop3A_531, %parallel_loop3A_533 : vector<16xi32>
        %parallel_loop3A_535 = vector.bitcast %parallel_loop3A_534 : vector<16xi32> to vector<16xf32>
        %parallel_loop3A_536 = vector.broadcast %squeeze3A_5 : i32 to vector<16xi32>
        %parallel_loop3A_537 = arith.andi %parallel_loop3A_531, %parallel_loop3A_536 : vector<16xi32>
        %parallel_loop3A_538 = vector.bitcast %parallel_loop3A_537 : vector<16xi32> to vector<16xf32>
        %parallel_loop3A_539 = tpu.vector_load_idx %arg9[%parallel_loop3A_453] : memref<10000xi32, #tpu.memory_space<vmem>>[vector<16xi32>], vector<16xi32>,
        %parallel_loop3A_540 = vector.bitcast %parallel_loop3A_539 : vector<16xi32> to vector<32xbf16>
        %parallel_loop3A_541 = arith.mulf %parallel_loop3A_540, %parallel_loop3A_540 : vector<32xbf16>
        %parallel_loop3A_542 = tpu.vector_load_idx %arg9[%parallel_loop3A_456] : memref<10000xi32, #tpu.memory_space<vmem>>[vector<16xi32>], vector<16xi32>,
        %parallel_loop3A_543 = vector.bitcast %parallel_loop3A_542 : vector<16xi32> to vector<32xbf16>
        %parallel_loop3A_544 = arith.maximumf %parallel_loop3A_540, %parallel_loop3A_543 : vector<32xbf16>
        %parallel_loop3A_545 = arith.addf %parallel_loop3A_540, %parallel_loop3A_543 : vector<32xbf16>
        %parallel_loop3A_546 = arith.mulf %parallel_loop3A_543, %parallel_loop3A_543 : vector<32xbf16>
        %parallel_loop3A_547 = arith.addf %parallel_loop3A_541, %parallel_loop3A_546 : vector<32xbf16>
        %parallel_loop3A_548 = tpu.vector_load_idx %arg9[%parallel_loop3A_463] : memref<10000xi32, #tpu.memory_space<vmem>>[vector<16xi32>], vector<16xi32>,
        %parallel_loop3A_549 = vector.bitcast %parallel_loop3A_548 : vector<16xi32> to vector<32xbf16>
        %parallel_loop3A_550 = arith.maximumf %parallel_loop3A_544, %parallel_loop3A_549 : vector<32xbf16>
        %parallel_loop3A_551 = arith.addf %parallel_loop3A_545, %parallel_loop3A_549 : vector<32xbf16>
        %parallel_loop3A_552 = arith.mulf %parallel_loop3A_549, %parallel_loop3A_549 : vector<32xbf16>
        %parallel_loop3A_553 = arith.addf %parallel_loop3A_547, %parallel_loop3A_552 : vector<32xbf16>
        %parallel_loop3A_554 = tpu.vector_load_idx %arg9[%parallel_loop3A_466] : memref<10000xi32, #tpu.memory_space<vmem>>[vector<16xi32>], vector<16xi32>,
        %parallel_loop3A_555 = vector.bitcast %parallel_loop3A_554 : vector<16xi32> to vector<32xbf16>
        %parallel_loop3A_556 = arith.maximumf %parallel_loop3A_550, %parallel_loop3A_555 : vector<32xbf16>
        %parallel_loop3A_557 = arith.addf %parallel_loop3A_551, %parallel_loop3A_555 : vector<32xbf16>
        %parallel_loop3A_558 = arith.mulf %parallel_loop3A_555, %parallel_loop3A_555 : vector<32xbf16>
        %parallel_loop3A_559 = arith.addf %parallel_loop3A_553, %parallel_loop3A_558 : vector<32xbf16>
        %parallel_loop3A_560 = tpu.vector_load_idx %arg9[%parallel_loop3A_473] : memref<10000xi32, #tpu.memory_space<vmem>>[vector<16xi32>], vector<16xi32>,
        %parallel_loop3A_561 = vector.bitcast %parallel_loop3A_560 : vector<16xi32> to vector<32xbf16>
        %parallel_loop3A_562 = arith.maximumf %parallel_loop3A_556, %parallel_loop3A_561 : vector<32xbf16>
        %parallel_loop3A_563 = arith.addf %parallel_loop3A_557, %parallel_loop3A_561 : vector<32xbf16>
        %parallel_loop3A_564 = arith.mulf %parallel_loop3A_561, %parallel_loop3A_561 : vector<32xbf16>
        %parallel_loop3A_565 = arith.addf %parallel_loop3A_559, %parallel_loop3A_564 : vector<32xbf16>
        %parallel_loop3A_566 = tpu.vector_load_idx %arg9[%parallel_loop3A_476] : memref<10000xi32, #tpu.memory_space<vmem>>[vector<16xi32>], vector<16xi32>,
        %parallel_loop3A_567 = vector.bitcast %parallel_loop3A_566 : vector<16xi32> to vector<32xbf16>
        %parallel_loop3A_568 = arith.maximumf %parallel_loop3A_562, %parallel_loop3A_567 : vector<32xbf16>
        %parallel_loop3A_569 = arith.addf %parallel_loop3A_563, %parallel_loop3A_567 : vector<32xbf16>
        %parallel_loop3A_570 = arith.mulf %parallel_loop3A_567, %parallel_loop3A_567 : vector<32xbf16>
        %parallel_loop3A_571 = arith.addf %parallel_loop3A_565, %parallel_loop3A_570 : vector<32xbf16>
        %parallel_loop3A_572 = tpu.vector_load_idx %arg9[%parallel_loop3A_483] : memref<10000xi32, #tpu.memory_space<vmem>>[vector<16xi32>], vector<16xi32>,
        %parallel_loop3A_573 = vector.bitcast %parallel_loop3A_572 : vector<16xi32> to vector<32xbf16>
        %parallel_loop3A_574 = arith.maximumf %parallel_loop3A_568, %parallel_loop3A_573 : vector<32xbf16>
        %parallel_loop3A_575 = arith.addf %parallel_loop3A_569, %parallel_loop3A_573 : vector<32xbf16>
        %parallel_loop3A_576 = arith.mulf %parallel_loop3A_573, %parallel_loop3A_573 : vector<32xbf16>
        %parallel_loop3A_577 = arith.addf %parallel_loop3A_571, %parallel_loop3A_576 : vector<32xbf16>
        %parallel_loop3A_578 = tpu.vector_load_idx %arg9[%parallel_loop3A_486] : memref<10000xi32, #tpu.memory_space<vmem>>[vector<16xi32>], vector<16xi32>,
        %parallel_loop3A_579 = vector.bitcast %parallel_loop3A_578 : vector<16xi32> to vector<32xbf16>
        %parallel_loop3A_580 = arith.maximumf %parallel_loop3A_574, %parallel_loop3A_579 : vector<32xbf16>
        %parallel_loop3A_581 = arith.addf %parallel_loop3A_575, %parallel_loop3A_579 : vector<32xbf16>
        %parallel_loop3A_582 = arith.mulf %parallel_loop3A_579, %parallel_loop3A_579 : vector<32xbf16>
        %parallel_loop3A_583 = arith.addf %parallel_loop3A_577, %parallel_loop3A_582 : vector<32xbf16>
        %parallel_loop3A_584 = tpu.vector_load_idx %arg9[%parallel_loop3A_493] : memref<10000xi32, #tpu.memory_space<vmem>>[vector<16xi32>], vector<16xi32>,
        %parallel_loop3A_585 = vector.bitcast %parallel_loop3A_584 : vector<16xi32> to vector<32xbf16>
        %parallel_loop3A_586 = arith.maximumf %parallel_loop3A_580, %parallel_loop3A_585 : vector<32xbf16>
        %parallel_loop3A_587 = arith.addf %parallel_loop3A_581, %parallel_loop3A_585 : vector<32xbf16>
        %parallel_loop3A_588 = arith.mulf %parallel_loop3A_585, %parallel_loop3A_585 : vector<32xbf16>
        %parallel_loop3A_589 = arith.addf %parallel_loop3A_583, %parallel_loop3A_588 : vector<32xbf16>
        %parallel_loop3A_590 = tpu.vector_load_idx %arg9[%parallel_loop3A_496] : memref<10000xi32, #tpu.memory_space<vmem>>[vector<16xi32>], vector<16xi32>,
        %parallel_loop3A_591 = vector.bitcast %parallel_loop3A_590 : vector<16xi32> to vector<32xbf16>
        %parallel_loop3A_592 = arith.maximumf %parallel_loop3A_586, %parallel_loop3A_591 : vector<32xbf16>
        %parallel_loop3A_593 = arith.addf %parallel_loop3A_587, %parallel_loop3A_591 : vector<32xbf16>
        %parallel_loop3A_594 = arith.mulf %parallel_loop3A_591, %parallel_loop3A_591 : vector<32xbf16>
        %parallel_loop3A_595 = arith.addf %parallel_loop3A_589, %parallel_loop3A_594 : vector<32xbf16>
        %parallel_loop3A_596 = tpu.vector_load_idx %arg9[%parallel_loop3A_503] : memref<10000xi32, #tpu.memory_space<vmem>>[vector<16xi32>], vector<16xi32>,
        %parallel_loop3A_597 = vector.bitcast %parallel_loop3A_596 : vector<16xi32> to vector<32xbf16>
        %parallel_loop3A_598 = arith.maximumf %parallel_loop3A_592, %parallel_loop3A_597 : vector<32xbf16>
        %parallel_loop3A_599 = arith.addf %parallel_loop3A_593, %parallel_loop3A_597 : vector<32xbf16>
        %parallel_loop3A_600 = arith.mulf %parallel_loop3A_597, %parallel_loop3A_597 : vector<32xbf16>
        %parallel_loop3A_601 = arith.addf %parallel_loop3A_595, %parallel_loop3A_600 : vector<32xbf16>
        %parallel_loop3A_602 = tpu.vector_load_idx %arg9[%parallel_loop3A_506] : memref<10000xi32, #tpu.memory_space<vmem>>[vector<16xi32>], vector<16xi32>,
        %parallel_loop3A_603 = vector.bitcast %parallel_loop3A_602 : vector<16xi32> to vector<32xbf16>
        %parallel_loop3A_604 = arith.maximumf %parallel_loop3A_598, %parallel_loop3A_603 : vector<32xbf16>
        %parallel_loop3A_605 = arith.addf %parallel_loop3A_599, %parallel_loop3A_603 : vector<32xbf16>
        %parallel_loop3A_606 = arith.mulf %parallel_loop3A_603, %parallel_loop3A_603 : vector<32xbf16>
        %parallel_loop3A_607 = arith.addf %parallel_loop3A_601, %parallel_loop3A_606 : vector<32xbf16>
        %parallel_loop3A_608 = tpu.vector_load_idx %arg9[%parallel_loop3A_513] : memref<10000xi32, #tpu.memory_space<vmem>>[vector<16xi32>], vector<16xi32>,
        %parallel_loop3A_609 = vector.bitcast %parallel_loop3A_608 : vector<16xi32> to vector<32xbf16>
        %parallel_loop3A_610 = arith.maximumf %parallel_loop3A_604, %parallel_loop3A_609 : vector<32xbf16>
        %parallel_loop3A_611 = arith.addf %parallel_loop3A_605, %parallel_loop3A_609 : vector<32xbf16>
        %parallel_loop3A_612 = arith.mulf %parallel_loop3A_609, %parallel_loop3A_609 : vector<32xbf16>
        %parallel_loop3A_613 = arith.addf %parallel_loop3A_607, %parallel_loop3A_612 : vector<32xbf16>
        %parallel_loop3A_614 = tpu.vector_load_idx %arg9[%parallel_loop3A_516] : memref<10000xi32, #tpu.memory_space<vmem>>[vector<16xi32>], vector<16xi32>,
        %parallel_loop3A_615 = vector.bitcast %parallel_loop3A_614 : vector<16xi32> to vector<32xbf16>
        %parallel_loop3A_616 = arith.maximumf %parallel_loop3A_610, %parallel_loop3A_615 : vector<32xbf16>
        %parallel_loop3A_617 = arith.addf %parallel_loop3A_611, %parallel_loop3A_615 : vector<32xbf16>
        %parallel_loop3A_618 = arith.mulf %parallel_loop3A_615, %parallel_loop3A_615 : vector<32xbf16>
        %parallel_loop3A_619 = arith.addf %parallel_loop3A_613, %parallel_loop3A_618 : vector<32xbf16>
        %parallel_loop3A_620 = tpu.vector_load_idx %arg9[%parallel_loop3A_523] : memref<10000xi32, #tpu.memory_space<vmem>>[vector<16xi32>], vector<16xi32>,
        %parallel_loop3A_621 = vector.bitcast %parallel_loop3A_620 : vector<16xi32> to vector<32xbf16>
        %parallel_loop3A_622 = arith.maximumf %parallel_loop3A_616, %parallel_loop3A_621 : vector<32xbf16>
        %parallel_loop3A_623 = arith.addf %parallel_loop3A_617, %parallel_loop3A_621 : vector<32xbf16>
        %parallel_loop3A_624 = arith.mulf %parallel_loop3A_621, %parallel_loop3A_621 : vector<32xbf16>
        %parallel_loop3A_625 = arith.addf %parallel_loop3A_619, %parallel_loop3A_624 : vector<32xbf16>
        %parallel_loop3A_626 = tpu.vector_load_idx %arg9[%parallel_loop3A_526] : memref<10000xi32, #tpu.memory_space<vmem>>[vector<16xi32>], vector<16xi32>,
        %parallel_loop3A_627 = vector.bitcast %parallel_loop3A_626 : vector<16xi32> to vector<32xbf16>
        %parallel_loop3A_628 = arith.maximumf %parallel_loop3A_622, %parallel_loop3A_627 : vector<32xbf16>
        %parallel_loop3A_629 = arith.addf %parallel_loop3A_623, %parallel_loop3A_627 : vector<32xbf16>
        %parallel_loop3A_630 = arith.mulf %parallel_loop3A_627, %parallel_loop3A_627 : vector<32xbf16>
        %parallel_loop3A_631 = arith.addf %parallel_loop3A_625, %parallel_loop3A_630 : vector<32xbf16>
        %parallel_loop3A_632 = vector.bitcast %parallel_loop3A_531 : vector<16xi32> to vector<32xbf16>
        %parallel_loop3A_633 = arith.addf %parallel_loop3A_632, %parallel_loop3A_628 : vector<32xbf16>
        %parallel_loop3A_634 = vector.bitcast %parallel_loop3A_633 : vector<32xbf16> to vector<16xi32>
        %parallel_loop3A_635 = arith.constant 0 : i32
        %parallel_loop3A_636 = arith.index_cast %and3A_298 : i32 to index
        %parallel_loop3A_637 = arith.index_cast %parallel_loop3A_635 : i32 to index
        %parallel_loop3A_638 = arith.index_cast %parallel_loop3A_446 : i32 to index
        %parallel_loop3A_639 = tpu.vector_load %arg15[%parallel_loop3A_636, %parallel_loop3A_637, %parallel_loop3A_638] {strides = array<i32>} : memref<2x2x2000xi32, #tpu.memory_space<vmem>>, vector<16xi32>,
        tpu.vector_store %arg15[%parallel_loop3A_636, %parallel_loop3A_637, %parallel_loop3A_638], %parallel_loop3A_634 {strides = array<i32>} : memref<2x2x2000xi32, #tpu.memory_space<vmem>>, vector<16xi32>,
        %parallel_loop3A_640 = vector.bitcast %parallel_loop3A_629 : vector<32xbf16> to vector<16xi32>
        %parallel_loop3A_641 = arith.constant 16 : i32
        %parallel_loop3A_642 = vector.broadcast %parallel_loop3A_641 : i32 to vector<16xi32>
        %parallel_loop3A_643 = arith.shli %parallel_loop3A_640, %parallel_loop3A_642 : vector<16xi32>
        %parallel_loop3A_644 = vector.bitcast %parallel_loop3A_643 : vector<16xi32> to vector<16xf32>
        %parallel_loop3A_645 = vector.broadcast %squeeze3A_5 : i32 to vector<16xi32>
        %parallel_loop3A_646 = arith.andi %parallel_loop3A_640, %parallel_loop3A_645 : vector<16xi32>
        %parallel_loop3A_647 = vector.bitcast %parallel_loop3A_646 : vector<16xi32> to vector<16xf32>
        %parallel_loop3A_648 = vector.bitcast %parallel_loop3A_631 : vector<32xbf16> to vector<16xi32>
        %parallel_loop3A_649 = arith.addf %parallel_loop3A_433, %parallel_loop3A_644 : vector<16xf32>
        %parallel_loop3A_650 = arith.addf %parallel_loop3A_434, %parallel_loop3A_647 : vector<16xf32>
        %parallel_loop3A_651 = arith.mulf %parallel_loop3A_535, %parallel_loop3A_644 : vector<16xf32>
        %parallel_loop3A_652 = arith.addf %parallel_loop3A_435, %parallel_loop3A_651 : vector<16xf32>
        %parallel_loop3A_653 = arith.mulf %parallel_loop3A_538, %parallel_loop3A_647 : vector<16xf32>
        %parallel_loop3A_654 = arith.addf %parallel_loop3A_436, %parallel_loop3A_653 : vector<16xf32>
        %parallel_loop3A_655 = arith.constant 16 : i32
        %parallel_loop3A_656 = vector.broadcast %parallel_loop3A_655 : i32 to vector<16xi32>
        %parallel_loop3A_657 = arith.shli %parallel_loop3A_648, %parallel_loop3A_656 : vector<16xi32>
        %parallel_loop3A_658 = vector.bitcast %parallel_loop3A_657 : vector<16xi32> to vector<16xf32>
        %parallel_loop3A_659 = arith.addf %parallel_loop3A_437, %parallel_loop3A_658 : vector<16xf32>
        %parallel_loop3A_660 = vector.broadcast %squeeze3A_5 : i32 to vector<16xi32>
        %parallel_loop3A_661 = arith.andi %parallel_loop3A_648, %parallel_loop3A_660 : vector<16xi32>
        %parallel_loop3A_662 = vector.bitcast %parallel_loop3A_661 : vector<16xi32> to vector<16xf32>
        %parallel_loop3A_663 = arith.addf %parallel_loop3A_438, %parallel_loop3A_662 : vector<16xf32>
        %parallel_loop3A_664 = arith.constant 1 : i32
        %parallel_loop3A_665 = arith.index_cast %and3A_298 : i32 to index
        %parallel_loop3A_666 = arith.index_cast %parallel_loop3A_664 : i32 to index
        %parallel_loop3A_667 = arith.index_cast %parallel_loop3A_446 : i32 to index
        %parallel_loop3A_668 = tpu.vector_load %arg14[%parallel_loop3A_665, %parallel_loop3A_666, %parallel_loop3A_667] {strides = array<i32>} : memref<2x2x2000xi32, #tpu.memory_space<vmem>>, vector<16xi32>,
        %parallel_loop3A_669 = arith.constant 16 : i32
        %parallel_loop3A_670 = vector.broadcast %parallel_loop3A_669 : i32 to vector<16xi32>
        %parallel_loop3A_671 = arith.shli %parallel_loop3A_668, %parallel_loop3A_670 : vector<16xi32>
        %parallel_loop3A_672 = vector.bitcast %parallel_loop3A_671 : vector<16xi32> to vector<16xf32>
        %parallel_loop3A_673 = vector.broadcast %squeeze3A_5 : i32 to vector<16xi32>
        %parallel_loop3A_674 = arith.andi %parallel_loop3A_668, %parallel_loop3A_673 : vector<16xi32>
        %parallel_loop3A_675 = vector.bitcast %parallel_loop3A_674 : vector<16xi32> to vector<16xf32>
        %parallel_loop3A_676 = tpu.vector_load_idx %arg10[%parallel_loop3A_453] : memref<10000xi32, #tpu.memory_space<vmem>>[vector<16xi32>], vector<16xi32>,
        %parallel_loop3A_677 = vector.bitcast %parallel_loop3A_676 : vector<16xi32> to vector<32xbf16>
        %parallel_loop3A_678 = arith.mulf %parallel_loop3A_677, %parallel_loop3A_677 : vector<32xbf16>
        %parallel_loop3A_679 = tpu.vector_load_idx %arg10[%parallel_loop3A_456] : memref<10000xi32, #tpu.memory_space<vmem>>[vector<16xi32>], vector<16xi32>,
        %parallel_loop3A_680 = vector.bitcast %parallel_loop3A_679 : vector<16xi32> to vector<32xbf16>
        %parallel_loop3A_681 = arith.maximumf %parallel_loop3A_677, %parallel_loop3A_680 : vector<32xbf16>
        %parallel_loop3A_682 = arith.addf %parallel_loop3A_677, %parallel_loop3A_680 : vector<32xbf16>
        %parallel_loop3A_683 = arith.mulf %parallel_loop3A_680, %parallel_loop3A_680 : vector<32xbf16>
        %parallel_loop3A_684 = arith.addf %parallel_loop3A_678, %parallel_loop3A_683 : vector<32xbf16>
        %parallel_loop3A_685 = tpu.vector_load_idx %arg10[%parallel_loop3A_463] : memref<10000xi32, #tpu.memory_space<vmem>>[vector<16xi32>], vector<16xi32>,
        %parallel_loop3A_686 = vector.bitcast %parallel_loop3A_685 : vector<16xi32> to vector<32xbf16>
        %parallel_loop3A_687 = arith.maximumf %parallel_loop3A_681, %parallel_loop3A_686 : vector<32xbf16>
        %parallel_loop3A_688 = arith.addf %parallel_loop3A_682, %parallel_loop3A_686 : vector<32xbf16>
        %parallel_loop3A_689 = arith.mulf %parallel_loop3A_686, %parallel_loop3A_686 : vector<32xbf16>
        %parallel_loop3A_690 = arith.addf %parallel_loop3A_684, %parallel_loop3A_689 : vector<32xbf16>
        %parallel_loop3A_691 = tpu.vector_load_idx %arg10[%parallel_loop3A_466] : memref<10000xi32, #tpu.memory_space<vmem>>[vector<16xi32>], vector<16xi32>,
        %parallel_loop3A_692 = vector.bitcast %parallel_loop3A_691 : vector<16xi32> to vector<32xbf16>
        %parallel_loop3A_693 = arith.maximumf %parallel_loop3A_687, %parallel_loop3A_692 : vector<32xbf16>
        %parallel_loop3A_694 = arith.addf %parallel_loop3A_688, %parallel_loop3A_692 : vector<32xbf16>
        %parallel_loop3A_695 = arith.mulf %parallel_loop3A_692, %parallel_loop3A_692 : vector<32xbf16>
        %parallel_loop3A_696 = arith.addf %parallel_loop3A_690, %parallel_loop3A_695 : vector<32xbf16>
        %parallel_loop3A_697 = tpu.vector_load_idx %arg10[%parallel_loop3A_473] : memref<10000xi32, #tpu.memory_space<vmem>>[vector<16xi32>], vector<16xi32>,
        %parallel_loop3A_698 = vector.bitcast %parallel_loop3A_697 : vector<16xi32> to vector<32xbf16>
        %parallel_loop3A_699 = arith.maximumf %parallel_loop3A_693, %parallel_loop3A_698 : vector<32xbf16>
        %parallel_loop3A_700 = arith.addf %parallel_loop3A_694, %parallel_loop3A_698 : vector<32xbf16>
        %parallel_loop3A_701 = arith.mulf %parallel_loop3A_698, %parallel_loop3A_698 : vector<32xbf16>
        %parallel_loop3A_702 = arith.addf %parallel_loop3A_696, %parallel_loop3A_701 : vector<32xbf16>
        %parallel_loop3A_703 = tpu.vector_load_idx %arg10[%parallel_loop3A_476] : memref<10000xi32, #tpu.memory_space<vmem>>[vector<16xi32>], vector<16xi32>,
        %parallel_loop3A_704 = vector.bitcast %parallel_loop3A_703 : vector<16xi32> to vector<32xbf16>
        %parallel_loop3A_705 = arith.maximumf %parallel_loop3A_699, %parallel_loop3A_704 : vector<32xbf16>
        %parallel_loop3A_706 = arith.addf %parallel_loop3A_700, %parallel_loop3A_704 : vector<32xbf16>
        %parallel_loop3A_707 = arith.mulf %parallel_loop3A_704, %parallel_loop3A_704 : vector<32xbf16>
        %parallel_loop3A_708 = arith.addf %parallel_loop3A_702, %parallel_loop3A_707 : vector<32xbf16>
        %parallel_loop3A_709 = tpu.vector_load_idx %arg10[%parallel_loop3A_483] : memref<10000xi32, #tpu.memory_space<vmem>>[vector<16xi32>], vector<16xi32>,
        %parallel_loop3A_710 = vector.bitcast %parallel_loop3A_709 : vector<16xi32> to vector<32xbf16>
        %parallel_loop3A_711 = arith.maximumf %parallel_loop3A_705, %parallel_loop3A_710 : vector<32xbf16>
        %parallel_loop3A_712 = arith.addf %parallel_loop3A_706, %parallel_loop3A_710 : vector<32xbf16>
        %parallel_loop3A_713 = arith.mulf %parallel_loop3A_710, %parallel_loop3A_710 : vector<32xbf16>
        %parallel_loop3A_714 = arith.addf %parallel_loop3A_708, %parallel_loop3A_713 : vector<32xbf16>
        %parallel_loop3A_715 = tpu.vector_load_idx %arg10[%parallel_loop3A_486] : memref<10000xi32, #tpu.memory_space<vmem>>[vector<16xi32>], vector<16xi32>,
        %parallel_loop3A_716 = vector.bitcast %parallel_loop3A_715 : vector<16xi32> to vector<32xbf16>
        %parallel_loop3A_717 = arith.maximumf %parallel_loop3A_711, %parallel_loop3A_716 : vector<32xbf16>
        %parallel_loop3A_718 = arith.addf %parallel_loop3A_712, %parallel_loop3A_716 : vector<32xbf16>
        %parallel_loop3A_719 = arith.mulf %parallel_loop3A_716, %parallel_loop3A_716 : vector<32xbf16>
        %parallel_loop3A_720 = arith.addf %parallel_loop3A_714, %parallel_loop3A_719 : vector<32xbf16>
        %parallel_loop3A_721 = tpu.vector_load_idx %arg10[%parallel_loop3A_493] : memref<10000xi32, #tpu.memory_space<vmem>>[vector<16xi32>], vector<16xi32>,
        %parallel_loop3A_722 = vector.bitcast %parallel_loop3A_721 : vector<16xi32> to vector<32xbf16>
        %parallel_loop3A_723 = arith.maximumf %parallel_loop3A_717, %parallel_loop3A_722 : vector<32xbf16>
        %parallel_loop3A_724 = arith.addf %parallel_loop3A_718, %parallel_loop3A_722 : vector<32xbf16>
        %parallel_loop3A_725 = arith.mulf %parallel_loop3A_722, %parallel_loop3A_722 : vector<32xbf16>
        %parallel_loop3A_726 = arith.addf %parallel_loop3A_720, %parallel_loop3A_725 : vector<32xbf16>
        %parallel_loop3A_727 = tpu.vector_load_idx %arg10[%parallel_loop3A_496] : memref<10000xi32, #tpu.memory_space<vmem>>[vector<16xi32>], vector<16xi32>,
        %parallel_loop3A_728 = vector.bitcast %parallel_loop3A_727 : vector<16xi32> to vector<32xbf16>
        %parallel_loop3A_729 = arith.maximumf %parallel_loop3A_723, %parallel_loop3A_728 : vector<32xbf16>
        %parallel_loop3A_730 = arith.addf %parallel_loop3A_724, %parallel_loop3A_728 : vector<32xbf16>
        %parallel_loop3A_731 = arith.mulf %parallel_loop3A_728, %parallel_loop3A_728 : vector<32xbf16>
        %parallel_loop3A_732 = arith.addf %parallel_loop3A_726, %parallel_loop3A_731 : vector<32xbf16>
        %parallel_loop3A_733 = tpu.vector_load_idx %arg10[%parallel_loop3A_503] : memref<10000xi32, #tpu.memory_space<vmem>>[vector<16xi32>], vector<16xi32>,
        %parallel_loop3A_734 = vector.bitcast %parallel_loop3A_733 : vector<16xi32> to vector<32xbf16>
        %parallel_loop3A_735 = arith.maximumf %parallel_loop3A_729, %parallel_loop3A_734 : vector<32xbf16>
        %parallel_loop3A_736 = arith.addf %parallel_loop3A_730, %parallel_loop3A_734 : vector<32xbf16>
        %parallel_loop3A_737 = arith.mulf %parallel_loop3A_734, %parallel_loop3A_734 : vector<32xbf16>
        %parallel_loop3A_738 = arith.addf %parallel_loop3A_732, %parallel_loop3A_737 : vector<32xbf16>
        %parallel_loop3A_739 = tpu.vector_load_idx %arg10[%parallel_loop3A_506] : memref<10000xi32, #tpu.memory_space<vmem>>[vector<16xi32>], vector<16xi32>,
        %parallel_loop3A_740 = vector.bitcast %parallel_loop3A_739 : vector<16xi32> to vector<32xbf16>
        %parallel_loop3A_741 = arith.maximumf %parallel_loop3A_735, %parallel_loop3A_740 : vector<32xbf16>
        %parallel_loop3A_742 = arith.addf %parallel_loop3A_736, %parallel_loop3A_740 : vector<32xbf16>
        %parallel_loop3A_743 = arith.mulf %parallel_loop3A_740, %parallel_loop3A_740 : vector<32xbf16>
        %parallel_loop3A_744 = arith.addf %parallel_loop3A_738, %parallel_loop3A_743 : vector<32xbf16>
        %parallel_loop3A_745 = tpu.vector_load_idx %arg10[%parallel_loop3A_513] : memref<10000xi32, #tpu.memory_space<vmem>>[vector<16xi32>], vector<16xi32>,
        %parallel_loop3A_746 = vector.bitcast %parallel_loop3A_745 : vector<16xi32> to vector<32xbf16>
        %parallel_loop3A_747 = arith.maximumf %parallel_loop3A_741, %parallel_loop3A_746 : vector<32xbf16>
        %parallel_loop3A_748 = arith.addf %parallel_loop3A_742, %parallel_loop3A_746 : vector<32xbf16>
        %parallel_loop3A_749 = arith.mulf %parallel_loop3A_746, %parallel_loop3A_746 : vector<32xbf16>
        %parallel_loop3A_750 = arith.addf %parallel_loop3A_744, %parallel_loop3A_749 : vector<32xbf16>
        %parallel_loop3A_751 = tpu.vector_load_idx %arg10[%parallel_loop3A_516] : memref<10000xi32, #tpu.memory_space<vmem>>[vector<16xi32>], vector<16xi32>,
        %parallel_loop3A_752 = vector.bitcast %parallel_loop3A_751 : vector<16xi32> to vector<32xbf16>
        %parallel_loop3A_753 = arith.maximumf %parallel_loop3A_747, %parallel_loop3A_752 : vector<32xbf16>
        %parallel_loop3A_754 = arith.addf %parallel_loop3A_748, %parallel_loop3A_752 : vector<32xbf16>
        %parallel_loop3A_755 = arith.mulf %parallel_loop3A_752, %parallel_loop3A_752 : vector<32xbf16>
        %parallel_loop3A_756 = arith.addf %parallel_loop3A_750, %parallel_loop3A_755 : vector<32xbf16>
        %parallel_loop3A_757 = tpu.vector_load_idx %arg10[%parallel_loop3A_523] : memref<10000xi32, #tpu.memory_space<vmem>>[vector<16xi32>], vector<16xi32>,
        %parallel_loop3A_758 = vector.bitcast %parallel_loop3A_757 : vector<16xi32> to vector<32xbf16>
        %parallel_loop3A_759 = arith.maximumf %parallel_loop3A_753, %parallel_loop3A_758 : vector<32xbf16>
        %parallel_loop3A_760 = arith.addf %parallel_loop3A_754, %parallel_loop3A_758 : vector<32xbf16>
        %parallel_loop3A_761 = arith.mulf %parallel_loop3A_758, %parallel_loop3A_758 : vector<32xbf16>
        %parallel_loop3A_762 = arith.addf %parallel_loop3A_756, %parallel_loop3A_761 : vector<32xbf16>
        %parallel_loop3A_763 = tpu.vector_load_idx %arg10[%parallel_loop3A_526] : memref<10000xi32, #tpu.memory_space<vmem>>[vector<16xi32>], vector<16xi32>,
        %parallel_loop3A_764 = vector.bitcast %parallel_loop3A_763 : vector<16xi32> to vector<32xbf16>
        %parallel_loop3A_765 = arith.maximumf %parallel_loop3A_759, %parallel_loop3A_764 : vector<32xbf16>
        %parallel_loop3A_766 = arith.addf %parallel_loop3A_760, %parallel_loop3A_764 : vector<32xbf16>
        %parallel_loop3A_767 = arith.mulf %parallel_loop3A_764, %parallel_loop3A_764 : vector<32xbf16>
        %parallel_loop3A_768 = arith.addf %parallel_loop3A_762, %parallel_loop3A_767 : vector<32xbf16>
        %parallel_loop3A_769 = vector.bitcast %parallel_loop3A_668 : vector<16xi32> to vector<32xbf16>
        %parallel_loop3A_770 = arith.addf %parallel_loop3A_769, %parallel_loop3A_765 : vector<32xbf16>
        %parallel_loop3A_771 = vector.bitcast %parallel_loop3A_770 : vector<32xbf16> to vector<16xi32>
        %parallel_loop3A_772 = arith.constant 1 : i32
        %parallel_loop3A_773 = arith.index_cast %and3A_298 : i32 to index
        %parallel_loop3A_774 = arith.index_cast %parallel_loop3A_772 : i32 to index
        %parallel_loop3A_775 = arith.index_cast %parallel_loop3A_446 : i32 to index
        %parallel_loop3A_776 = tpu.vector_load %arg15[%parallel_loop3A_773, %parallel_loop3A_774, %parallel_loop3A_775] {strides = array<i32>} : memref<2x2x2000xi32, #tpu.memory_space<vmem>>, vector<16xi32>,
        tpu.vector_store %arg15[%parallel_loop3A_773, %parallel_loop3A_774, %parallel_loop3A_775], %parallel_loop3A_771 {strides = array<i32>} : memref<2x2x2000xi32, #tpu.memory_space<vmem>>, vector<16xi32>,
        %parallel_loop3A_777 = vector.bitcast %parallel_loop3A_766 : vector<32xbf16> to vector<16xi32>
        %parallel_loop3A_778 = arith.constant 16 : i32
        %parallel_loop3A_779 = vector.broadcast %parallel_loop3A_778 : i32 to vector<16xi32>
        %parallel_loop3A_780 = arith.shli %parallel_loop3A_777, %parallel_loop3A_779 : vector<16xi32>
        %parallel_loop3A_781 = vector.bitcast %parallel_loop3A_780 : vector<16xi32> to vector<16xf32>
        %parallel_loop3A_782 = vector.broadcast %squeeze3A_5 : i32 to vector<16xi32>
        %parallel_loop3A_783 = arith.andi %parallel_loop3A_777, %parallel_loop3A_782 : vector<16xi32>
        %parallel_loop3A_784 = vector.bitcast %parallel_loop3A_783 : vector<16xi32> to vector<16xf32>
        %parallel_loop3A_785 = vector.bitcast %parallel_loop3A_768 : vector<32xbf16> to vector<16xi32>
        %parallel_loop3A_786 = arith.addf %parallel_loop3A_439, %parallel_loop3A_781 : vector<16xf32>
        %parallel_loop3A_787 = arith.addf %parallel_loop3A_440, %parallel_loop3A_784 : vector<16xf32>
        %parallel_loop3A_788 = arith.mulf %parallel_loop3A_672, %parallel_loop3A_781 : vector<16xf32>
        %parallel_loop3A_789 = arith.addf %parallel_loop3A_441, %parallel_loop3A_788 : vector<16xf32>
        %parallel_loop3A_790 = arith.mulf %parallel_loop3A_675, %parallel_loop3A_784 : vector<16xf32>
        %parallel_loop3A_791 = arith.addf %parallel_loop3A_442, %parallel_loop3A_790 : vector<16xf32>
        %parallel_loop3A_792 = arith.constant 16 : i32
        %parallel_loop3A_793 = vector.broadcast %parallel_loop3A_792 : i32 to vector<16xi32>
        %parallel_loop3A_794 = arith.shli %parallel_loop3A_785, %parallel_loop3A_793 : vector<16xi32>
        %parallel_loop3A_795 = vector.bitcast %parallel_loop3A_794 : vector<16xi32> to vector<16xf32>
        %parallel_loop3A_796 = arith.addf %parallel_loop3A_443, %parallel_loop3A_795 : vector<16xf32>
        %parallel_loop3A_797 = vector.broadcast %squeeze3A_5 : i32 to vector<16xi32>
        %parallel_loop3A_798 = arith.andi %parallel_loop3A_785, %parallel_loop3A_797 : vector<16xi32>
        %parallel_loop3A_799 = vector.bitcast %parallel_loop3A_798 : vector<16xi32> to vector<16xf32>
        %parallel_loop3A_800 = arith.addf %parallel_loop3A_444, %parallel_loop3A_799 : vector<16xf32>
        scf.yield %parallel_loop3A_649, %parallel_loop3A_650, %parallel_loop3A_652, %parallel_loop3A_654, %parallel_loop3A_659, %parallel_loop3A_663, %parallel_loop3A_786, %parallel_loop3A_787, %parallel_loop3A_789, %parallel_loop3A_791, %parallel_loop3A_796, %parallel_loop3A_800 : vector<16xf32>, vector<16xf32>, vector<16xf32>, vector<16xf32>, vector<16xf32>, vector<16xf32>, vector<16xf32>, vector<16xf32>, vector<16xf32>, vector<16xf32>, vector<16xf32>, vector<16xf32>
      } {sc.loop_unroll_factor = 2 : i64, sc.parallel_access}
      %swap3A_344 = arith.constant 0 : i32
      %swap3A_345 = arith.constant 0 : i32
      %swap3A_346 = arith.index_cast %swap3A_344 : i32 to index
      %swap3A_347 = arith.index_cast %swap3A_345 : i32 to index
      %swap3A_348 = arith.constant 0 : index
      %swap3A_349 = tpu.vector_load %arg16[%swap3A_346, %swap3A_347, %swap3A_348] {strides = array<i32>} : memref<3x4x16xf32, #tpu.memory_space<vmem>>, vector<16xf32>,
      tpu.vector_store %arg16[%swap3A_346, %swap3A_347, %swap3A_348], %parallel_loop3A_343#0 {add = true, strides = array<i32>} : memref<3x4x16xf32, #tpu.memory_space<vmem>>, vector<16xf32>,
      %swap3A_350 = arith.constant 0 : i32
      %swap3A_351 = arith.constant 2 : i32
      %swap3A_352 = arith.index_cast %swap3A_350 : i32 to index
      %swap3A_353 = arith.index_cast %swap3A_351 : i32 to index
      %swap3A_354 = arith.constant 0 : index
      %swap3A_355 = tpu.vector_load %arg16[%swap3A_352, %swap3A_353, %swap3A_354] {strides = array<i32>} : memref<3x4x16xf32, #tpu.memory_space<vmem>>, vector<16xf32>,
      tpu.vector_store %arg16[%swap3A_352, %swap3A_353, %swap3A_354], %parallel_loop3A_343#1 {add = true, strides = array<i32>} : memref<3x4x16xf32, #tpu.memory_space<vmem>>, vector<16xf32>,
      %swap3A_356 = arith.constant 1 : i32
      %swap3A_357 = arith.constant 0 : i32
      %swap3A_358 = arith.index_cast %swap3A_356 : i32 to index
      %swap3A_359 = arith.index_cast %swap3A_357 : i32 to index
      %swap3A_360 = arith.constant 0 : index
      %swap3A_361 = tpu.vector_load %arg16[%swap3A_358, %swap3A_359, %swap3A_360] {strides = array<i32>} : memref<3x4x16xf32, #tpu.memory_space<vmem>>, vector<16xf32>,
      tpu.vector_store %arg16[%swap3A_358, %swap3A_359, %swap3A_360], %parallel_loop3A_343#2 {add = true, strides = array<i32>} : memref<3x4x16xf32, #tpu.memory_space<vmem>>, vector<16xf32>,
      %swap3A_362 = arith.constant 1 : i32
      %swap3A_363 = arith.constant 2 : i32
      %swap3A_364 = arith.index_cast %swap3A_362 : i32 to index
      %swap3A_365 = arith.index_cast %swap3A_363 : i32 to index
      %swap3A_366 = arith.constant 0 : index
      %swap3A_367 = tpu.vector_load %arg16[%swap3A_364, %swap3A_365, %swap3A_366] {strides = array<i32>} : memref<3x4x16xf32, #tpu.memory_space<vmem>>, vector<16xf32>,
      tpu.vector_store %arg16[%swap3A_364, %swap3A_365, %swap3A_366], %parallel_loop3A_343#3 {add = true, strides = array<i32>} : memref<3x4x16xf32, #tpu.memory_space<vmem>>, vector<16xf32>,
      %swap3A_368 = arith.constant 2 : i32
      %swap3A_369 = arith.constant 0 : i32
      %swap3A_370 = arith.index_cast %swap3A_368 : i32 to index
      %swap3A_371 = arith.index_cast %swap3A_369 : i32 to index
      %swap3A_372 = arith.constant 0 : index
      %swap3A_373 = tpu.vector_load %arg16[%swap3A_370, %swap3A_371, %swap3A_372] {strides = array<i32>} : memref<3x4x16xf32, #tpu.memory_space<vmem>>, vector<16xf32>,
      tpu.vector_store %arg16[%swap3A_370, %swap3A_371, %swap3A_372], %parallel_loop3A_343#4 {add = true, strides = array<i32>} : memref<3x4x16xf32, #tpu.memory_space<vmem>>, vector<16xf32>,
      %swap3A_374 = arith.constant 2 : i32
      %swap3A_375 = arith.constant 2 : i32
      %swap3A_376 = arith.index_cast %swap3A_374 : i32 to index
      %swap3A_377 = arith.index_cast %swap3A_375 : i32 to index
      %swap3A_378 = arith.constant 0 : index
      %swap3A_379 = tpu.vector_load %arg16[%swap3A_376, %swap3A_377, %swap3A_378] {strides = array<i32>} : memref<3x4x16xf32, #tpu.memory_space<vmem>>, vector<16xf32>,
      tpu.vector_store %arg16[%swap3A_376, %swap3A_377, %swap3A_378], %parallel_loop3A_343#5 {add = true, strides = array<i32>} : memref<3x4x16xf32, #tpu.memory_space<vmem>>, vector<16xf32>,
      %swap3A_380 = arith.constant 0 : i32
      %swap3A_381 = arith.constant 1 : i32
      %swap3A_382 = arith.index_cast %swap3A_380 : i32 to index
      %swap3A_383 = arith.index_cast %swap3A_381 : i32 to index
      %swap3A_384 = arith.constant 0 : index
      %swap3A_385 = tpu.vector_load %arg16[%swap3A_382, %swap3A_383, %swap3A_384] {strides = array<i32>} : memref<3x4x16xf32, #tpu.memory_space<vmem>>, vector<16xf32>,
      tpu.vector_store %arg16[%swap3A_382, %swap3A_383, %swap3A_384], %parallel_loop3A_343#6 {add = true, strides = array<i32>} : memref<3x4x16xf32, #tpu.memory_space<vmem>>, vector<16xf32>,
      %swap3A_386 = arith.constant 0 : i32
      %swap3A_387 = arith.constant 3 : i32
      %swap3A_388 = arith.index_cast %swap3A_386 : i32 to index
      %swap3A_389 = arith.index_cast %swap3A_387 : i32 to index
      %swap3A_390 = arith.constant 0 : index
      %swap3A_391 = tpu.vector_load %arg16[%swap3A_388, %swap3A_389, %swap3A_390] {strides = array<i32>} : memref<3x4x16xf32, #tpu.memory_space<vmem>>, vector<16xf32>,
      tpu.vector_store %arg16[%swap3A_388, %swap3A_389, %swap3A_390], %parallel_loop3A_343#7 {add = true, strides = array<i32>} : memref<3x4x16xf32, #tpu.memory_space<vmem>>, vector<16xf32>,
      %swap3A_392 = arith.constant 1 : i32
      %swap3A_393 = arith.constant 1 : i32
      %swap3A_394 = arith.index_cast %swap3A_392 : i32 to index
      %swap3A_395 = arith.index_cast %swap3A_393 : i32 to index
      %swap3A_396 = arith.constant 0 : index
      %swap3A_397 = tpu.vector_load %arg16[%swap3A_394, %swap3A_395, %swap3A_396] {strides = array<i32>} : memref<3x4x16xf32, #tpu.memory_space<vmem>>, vector<16xf32>,
      tpu.vector_store %arg16[%swap3A_394, %swap3A_395, %swap3A_396], %parallel_loop3A_343#8 {add = true, strides = array<i32>} : memref<3x4x16xf32, #tpu.memory_space<vmem>>, vector<16xf32>,
      %swap3A_398 = arith.constant 1 : i32
      %swap3A_399 = arith.constant 3 : i32
      %swap3A_400 = arith.index_cast %swap3A_398 : i32 to index
      %swap3A_401 = arith.index_cast %swap3A_399 : i32 to index
      %swap3A_402 = arith.constant 0 : index
      %swap3A_403 = tpu.vector_load %arg16[%swap3A_400, %swap3A_401, %swap3A_402] {strides = array<i32>} : memref<3x4x16xf32, #tpu.memory_space<vmem>>, vector<16xf32>,
      tpu.vector_store %arg16[%swap3A_400, %swap3A_401, %swap3A_402], %parallel_loop3A_343#9 {add = true, strides = array<i32>} : memref<3x4x16xf32, #tpu.memory_space<vmem>>, vector<16xf32>,
      %swap3A_404 = arith.constant 2 : i32
      %swap3A_405 = arith.constant 1 : i32
      %swap3A_406 = arith.index_cast %swap3A_404 : i32 to index
      %swap3A_407 = arith.index_cast %swap3A_405 : i32 to index
      %swap3A_408 = arith.constant 0 : index
      %swap3A_409 = tpu.vector_load %arg16[%swap3A_406, %swap3A_407, %swap3A_408] {strides = array<i32>} : memref<3x4x16xf32, #tpu.memory_space<vmem>>, vector<16xf32>,
      tpu.vector_store %arg16[%swap3A_406, %swap3A_407, %swap3A_408], %parallel_loop3A_343#10 {add = true, strides = array<i32>} : memref<3x4x16xf32, #tpu.memory_space<vmem>>, vector<16xf32>,
      %swap3A_410 = arith.constant 2 : i32
      %swap3A_411 = arith.constant 3 : i32
      %swap3A_412 = arith.index_cast %swap3A_410 : i32 to index
      %swap3A_413 = arith.index_cast %swap3A_411 : i32 to index
      %swap3A_414 = arith.constant 0 : index
      %swap3A_415 = tpu.vector_load %arg16[%swap3A_412, %swap3A_413, %swap3A_414] {strides = array<i32>} : memref<3x4x16xf32, #tpu.memory_space<vmem>>, vector<16xf32>,
      tpu.vector_store %arg16[%swap3A_412, %swap3A_413, %swap3A_414], %parallel_loop3A_343#11 {add = true, strides = array<i32>} : memref<3x4x16xf32, #tpu.memory_space<vmem>>, vector<16xf32>,
      %mul3A_416 = arith.constant 2000 : i32
      %mul3A_417 = arith.muli %scan3A_296, %mul3A_416 : i32
      %dma_start3A_418 = arith.constant 0 : i32
      %dma_start3A_419 = arith.constant 0 : i32
      %dma_start3A_420 = arith.constant 0 : i32
      %dma_start3A_421 = tpu.memref_slice %arg15[%and3A_298, %dma_start3A_419, %dma_start3A_420] : memref<2x2x2000xi32, #tpu.memory_space<vmem>> -> memref<1x2x2000xi32, #tpu.memory_space<vmem>>
      %dma_start3A_422 = tpu.memref_squeeze %dma_start3A_421 : memref<1x2x2000xi32, #tpu.memory_space<vmem>> -> memref<2x2000xi32, #tpu.memory_space<vmem>>
      %dma_start3A_423 = tpu.memref_slice %arg7[%dma_start3A_418, %mul3A_8, %mul3A_417] : memref<2x64x10000xi32, #tpu.memory_space<hbm>> -> memref<1x2x2000xi32, #tpu.memory_space<hbm>>
      %dma_start3A_424 = tpu.memref_squeeze %dma_start3A_423 : memref<1x2x2000xi32, #tpu.memory_space<hbm>> -> memref<2x2000xi32, #tpu.memory_space<hbm>>
      %dma_start3A_425 = tpu.memref_slice %arg7[%dma_start3A_418, %mul3A_8, %mul3A_417] : memref<2x64x10000xi32, #tpu.memory_space<hbm>> -> memref<1x2x2000xi32, #tpu.memory_space<hbm>>
      %dma_start3A_426 = tpu.memref_squeeze %dma_start3A_425 : memref<1x2x2000xi32, #tpu.memory_space<hbm>> -> memref<2x2000xi32, #tpu.memory_space<hbm>>
      %dma_start3A_427 = arith.constant 0 : i32
      %dma_start3A_428 = arith.constant 0 : i32
      %dma_start3A_429 = tpu.memref_slice %arg15[%and3A_298, %dma_start3A_427, %dma_start3A_428] : memref<2x2x2000xi32, #tpu.memory_space<vmem>> -> memref<1x2x2000xi32, #tpu.memory_space<vmem>>
      %dma_start3A_430 = tpu.memref_squeeze %dma_start3A_429 : memref<1x2x2000xi32, #tpu.memory_space<vmem>> -> memref<2x2000xi32, #tpu.memory_space<vmem>>
      tpu.enqueue_dma source(%dma_start3A_430 : memref<2x2000xi32, #tpu.memory_space<vmem>>) target(%dma_start3A_426 : memref<2x2000xi32, #tpu.memory_space<hbm>>) target_semaphore(%arg19 : memref<!tpu.dma_semaphore, #tpu.memory_space<semaphore_mem>>)
      %scan3A_431 = arith.constant 0 : i32
      scf.yield %scan3A_431 : i32
    }
    %scan3A_172 = arith.constant 5 : i32
    %dma_wait3A_173 = arith.constant 1 : i32
    %dma_wait3A_174 = arith.constant 0 : i32
    %dma_wait3A_175 = arith.constant 0 : i32
    %dma_wait3A_176 = arith.constant 0 : i32
    %dma_wait3A_177 = tpu.memref_slice %arg15[%dma_wait3A_173, %dma_wait3A_175, %dma_wait3A_176] : memref<2x2x2000xi32, #tpu.memory_space<vmem>> -> memref<1x2x2000xi32, #tpu.memory_space<vmem>>
    %dma_wait3A_178 = tpu.memref_squeeze %dma_wait3A_177 : memref<1x2x2000xi32, #tpu.memory_space<vmem>> -> memref<2x2000xi32, #tpu.memory_space<vmem>>
    %dma_wait3A_179 = arith.constant 6000 : i32
    %dma_wait3A_180 = tpu.memref_slice %arg7[%dma_wait3A_174, %mul3A_8, %dma_wait3A_179] : memref<2x64x10000xi32, #tpu.memory_space<hbm>> -> memref<1x2x2000xi32, #tpu.memory_space<hbm>>
    %dma_wait3A_181 = tpu.memref_squeeze %dma_wait3A_180 : memref<1x2x2000xi32, #tpu.memory_space<hbm>> -> memref<2x2000xi32, #tpu.memory_space<hbm>>
    %dma_wait3A_182 = arith.constant 6000 : i32
    %dma_wait3A_183 = tpu.memref_slice %arg7[%dma_wait3A_174, %mul3A_8, %dma_wait3A_182] : memref<2x64x10000xi32, #tpu.memory_space<hbm>> -> memref<1x2x2000xi32, #tpu.memory_space<hbm>>
    %dma_wait3A_184 = tpu.memref_squeeze %dma_wait3A_183 : memref<1x2x2000xi32, #tpu.memory_space<hbm>> -> memref<2x2000xi32, #tpu.memory_space<hbm>>
    %dma_wait3A_185 = arith.constant 0 : i32
    %dma_wait3A_186 = arith.constant 0 : i32
    %dma_wait3A_187 = tpu.memref_slice %arg15[%dma_wait3A_173, %dma_wait3A_185, %dma_wait3A_186] : memref<2x2x2000xi32, #tpu.memory_space<vmem>> -> memref<1x2x2000xi32, #tpu.memory_space<vmem>>
    %dma_wait3A_188 = tpu.memref_squeeze %dma_wait3A_187 : memref<1x2x2000xi32, #tpu.memory_space<vmem>> -> memref<2x2000xi32, #tpu.memory_space<vmem>>
    tpu.wait_dma2 semaphore(%arg19 : memref<!tpu.dma_semaphore, #tpu.memory_space<semaphore_mem>>) src(%dma_wait3A_188 : memref<2x2000xi32, #tpu.memory_space<vmem>>) dst(%dma_wait3A_184 : memref<2x2000xi32, #tpu.memory_space<hbm>>)
    %dma_wait3A_189 = arith.constant 0 : i32
    %dma_wait3A_190 = arith.constant 0 : i32
    %dma_wait3A_191 = arith.constant 0 : i32
    %dma_wait3A_192 = arith.constant 0 : i32
    %dma_wait3A_193 = tpu.memref_slice %arg15[%dma_wait3A_189, %dma_wait3A_191, %dma_wait3A_192] : memref<2x2x2000xi32, #tpu.memory_space<vmem>> -> memref<1x2x2000xi32, #tpu.memory_space<vmem>>
    %dma_wait3A_194 = tpu.memref_squeeze %dma_wait3A_193 : memref<1x2x2000xi32, #tpu.memory_space<vmem>> -> memref<2x2000xi32, #tpu.memory_space<vmem>>
    %dma_wait3A_195 = arith.constant 8000 : i32
    %dma_wait3A_196 = tpu.memref_slice %arg7[%dma_wait3A_190, %mul3A_8, %dma_wait3A_195] : memref<2x64x10000xi32, #tpu.memory_space<hbm>> -> memref<1x2x2000xi32, #tpu.memory_space<hbm>>
    %dma_wait3A_197 = tpu.memref_squeeze %dma_wait3A_196 : memref<1x2x2000xi32, #tpu.memory_space<hbm>> -> memref<2x2000xi32, #tpu.memory_space<hbm>>
    %dma_wait3A_198 = arith.constant 8000 : i32
    %dma_wait3A_199 = tpu.memref_slice %arg7[%dma_wait3A_190, %mul3A_8, %dma_wait3A_198] : memref<2x64x10000xi32, #tpu.memory_space<hbm>> -> memref<1x2x2000xi32, #tpu.memory_space<hbm>>
    %dma_wait3A_200 = tpu.memref_squeeze %dma_wait3A_199 : memref<1x2x2000xi32, #tpu.memory_space<hbm>> -> memref<2x2000xi32, #tpu.memory_space<hbm>>
    %dma_wait3A_201 = arith.constant 0 : i32
    %dma_wait3A_202 = arith.constant 0 : i32
    %dma_wait3A_203 = tpu.memref_slice %arg15[%dma_wait3A_189, %dma_wait3A_201, %dma_wait3A_202] : memref<2x2x2000xi32, #tpu.memory_space<vmem>> -> memref<1x2x2000xi32, #tpu.memory_space<vmem>>
    %dma_wait3A_204 = tpu.memref_squeeze %dma_wait3A_203 : memref<1x2x2000xi32, #tpu.memory_space<vmem>> -> memref<2x2000xi32, #tpu.memory_space<vmem>>
    tpu.wait_dma2 semaphore(%arg19 : memref<!tpu.dma_semaphore, #tpu.memory_space<semaphore_mem>>) src(%dma_wait3A_204 : memref<2x2000xi32, #tpu.memory_space<vmem>>) dst(%dma_wait3A_200 : memref<2x2000xi32, #tpu.memory_space<hbm>>)
    %add3A_205 = arith.constant 0 : i32
    %add3A_206 = arith.addi %mul3A_8, %add3A_205 : i32
    %dma_wait3A_207 = arith.constant 1 : i32
    %dma_wait3A_208 = arith.constant 0 : i32
    %dma_wait3A_209 = tpu.memref_slice %arg2[%dma_wait3A_207, %add3A_206, %dma_wait3A_208] : memref<2x64x10000xi32, #tpu.memory_space<hbm>> -> memref<1x1x10000xi32, #tpu.memory_space<hbm>>
    %dma_wait3A_210 = tpu.memref_squeeze %dma_wait3A_209 : memref<1x1x10000xi32, #tpu.memory_space<hbm>> -> memref<10000xi32, #tpu.memory_space<hbm>>
    %dma_wait3A_211 = arith.constant 0 : i32
    %dma_wait3A_212 = tpu.memref_slice %arg2[%dma_wait3A_207, %add3A_206, %dma_wait3A_211] : memref<2x64x10000xi32, #tpu.memory_space<hbm>> -> memref<1x1x10000xi32, #tpu.memory_space<hbm>>
    %dma_wait3A_213 = tpu.memref_squeeze %dma_wait3A_212 : memref<1x1x10000xi32, #tpu.memory_space<hbm>> -> memref<10000xi32, #tpu.memory_space<hbm>>
    tpu.wait_dma2 semaphore(%arg20 : memref<!tpu.dma_semaphore, #tpu.memory_space<semaphore_mem>>) src(%dma_wait3A_213 : memref<10000xi32, #tpu.memory_space<hbm>>) dst(%arg11 : memref<10000xi32, #tpu.memory_space<vmem>>)
    %add3A_214 = arith.constant 1 : i32
    %add3A_215 = arith.addi %mul3A_8, %add3A_214 : i32
    %dma_wait3A_216 = arith.constant 1 : i32
    %dma_wait3A_217 = arith.constant 0 : i32
    %dma_wait3A_218 = tpu.memref_slice %arg2[%dma_wait3A_216, %add3A_215, %dma_wait3A_217] : memref<2x64x10000xi32, #tpu.memory_space<hbm>> -> memref<1x1x10000xi32, #tpu.memory_space<hbm>>
    %dma_wait3A_219 = tpu.memref_squeeze %dma_wait3A_218 : memref<1x1x10000xi32, #tpu.memory_space<hbm>> -> memref<10000xi32, #tpu.memory_space<hbm>>
    %dma_wait3A_220 = arith.constant 0 : i32
    %dma_wait3A_221 = tpu.memref_slice %arg2[%dma_wait3A_216, %add3A_215, %dma_wait3A_220] : memref<2x64x10000xi32, #tpu.memory_space<hbm>> -> memref<1x1x10000xi32, #tpu.memory_space<hbm>>
    %dma_wait3A_222 = tpu.memref_squeeze %dma_wait3A_221 : memref<1x1x10000xi32, #tpu.memory_space<hbm>> -> memref<10000xi32, #tpu.memory_space<hbm>>
    tpu.wait_dma2 semaphore(%arg20 : memref<!tpu.dma_semaphore, #tpu.memory_space<semaphore_mem>>) src(%dma_wait3A_222 : memref<10000xi32, #tpu.memory_space<hbm>>) dst(%arg12 : memref<10000xi32, #tpu.memory_space<vmem>>)
    %dma_start3A_223 = arith.constant 1 : i32
    %dma_start3A_224 = arith.constant 0 : i32
    %dma_start3A_225 = arith.constant 0 : i32
    %dma_start3A_226 = arith.constant 0 : i32
    %dma_start3A_227 = tpu.memref_slice %arg13[%dma_start3A_224, %dma_start3A_225, %dma_start3A_226] : memref<2x8x2000xi32, #tpu.memory_space<vmem>> -> memref<1x8x2000xi32, #tpu.memory_space<vmem>>
    %dma_start3A_228 = tpu.memref_squeeze %dma_start3A_227 : memref<1x8x2000xi32, #tpu.memory_space<vmem>> -> memref<8x2000xi32, #tpu.memory_space<vmem>>
    %dma_start3A_229 = arith.constant 0 : i32
    %dma_start3A_230 = arith.constant 0 : i32
    %dma_start3A_231 = tpu.memref_slice %arg4[%dma_start3A_223, %dma_start3A_229, %dma_start3A_230] : memref<2x8x10000xi32, #tpu.memory_space<hbm>> -> memref<1x8x2000xi32, #tpu.memory_space<hbm>>
    %dma_start3A_232 = tpu.memref_squeeze %dma_start3A_231 : memref<1x8x2000xi32, #tpu.memory_space<hbm>> -> memref<8x2000xi32, #tpu.memory_space<hbm>>
    %dma_start3A_233 = arith.constant 0 : i32
    %dma_start3A_234 = arith.constant 0 : i32
    %dma_start3A_235 = tpu.memref_slice %arg13[%dma_start3A_224, %dma_start3A_233, %dma_start3A_234] : memref<2x8x2000xi32, #tpu.memory_space<vmem>> -> memref<1x8x2000xi32, #tpu.memory_space<vmem>>
    %dma_start3A_236 = tpu.memref_squeeze %dma_start3A_235 : memref<1x8x2000xi32, #tpu.memory_space<vmem>> -> memref<8x2000xi32, #tpu.memory_space<vmem>>
    %dma_start3A_237 = arith.constant 0 : i32
    %dma_start3A_238 = arith.constant 0 : i32
    %dma_start3A_239 = tpu.memref_slice %arg4[%dma_start3A_223, %dma_start3A_237, %dma_start3A_238] : memref<2x8x10000xi32, #tpu.memory_space<hbm>> -> memref<1x8x2000xi32, #tpu.memory_space<hbm>>
    %dma_start3A_240 = tpu.memref_squeeze %dma_start3A_239 : memref<1x8x2000xi32, #tpu.memory_space<hbm>> -> memref<8x2000xi32, #tpu.memory_space<hbm>>
    tpu.enqueue_dma source(%dma_start3A_240 : memref<8x2000xi32, #tpu.memory_space<hbm>>) target(%dma_start3A_236 : memref<8x2000xi32, #tpu.memory_space<vmem>>) target_semaphore(%arg17 : memref<!tpu.dma_semaphore, #tpu.memory_space<semaphore_mem>>)
    %dma_start3A_241 = arith.constant 1 : i32
    %dma_start3A_242 = arith.constant 0 : i32
    %dma_start3A_243 = arith.constant 0 : i32
    %dma_start3A_244 = arith.constant 0 : i32
    %dma_start3A_245 = tpu.memref_slice %arg14[%dma_start3A_242, %dma_start3A_243, %dma_start3A_244] : memref<2x2x2000xi32, #tpu.memory_space<vmem>> -> memref<1x2x2000xi32, #tpu.memory_space<vmem>>
    %dma_start3A_246 = tpu.memref_squeeze %dma_start3A_245 : memref<1x2x2000xi32, #tpu.memory_space<vmem>> -> memref<2x2000xi32, #tpu.memory_space<vmem>>
    %dma_start3A_247 = arith.constant 0 : i32
    %dma_start3A_248 = tpu.memref_slice %arg3[%dma_start3A_241, %mul3A_8, %dma_start3A_247] : memref<2x64x10000xi32, #tpu.memory_space<hbm>> -> memref<1x2x2000xi32, #tpu.memory_space<hbm>>
    %dma_start3A_249 = tpu.memref_squeeze %dma_start3A_248 : memref<1x2x2000xi32, #tpu.memory_space<hbm>> -> memref<2x2000xi32, #tpu.memory_space<hbm>>
    %dma_start3A_250 = arith.constant 0 : i32
    %dma_start3A_251 = arith.constant 0 : i32
    %dma_start3A_252 = tpu.memref_slice %arg14[%dma_start3A_242, %dma_start3A_250, %dma_start3A_251] : memref<2x2x2000xi32, #tpu.memory_space<vmem>> -> memref<1x2x2000xi32, #tpu.memory_space<vmem>>
    %dma_start3A_253 = tpu.memref_squeeze %dma_start3A_252 : memref<1x2x2000xi32, #tpu.memory_space<vmem>> -> memref<2x2000xi32, #tpu.memory_space<vmem>>
    %dma_start3A_254 = arith.constant 0 : i32
    %dma_start3A_255 = tpu.memref_slice %arg3[%dma_start3A_241, %mul3A_8, %dma_start3A_254] : memref<2x64x10000xi32, #tpu.memory_space<hbm>> -> memref<1x2x2000xi32, #tpu.memory_space<hbm>>
    %dma_start3A_256 = tpu.memref_squeeze %dma_start3A_255 : memref<1x2x2000xi32, #tpu.memory_space<hbm>> -> memref<2x2000xi32, #tpu.memory_space<hbm>>
    tpu.enqueue_dma source(%dma_start3A_256 : memref<2x2000xi32, #tpu.memory_space<hbm>>) target(%dma_start3A_253 : memref<2x2000xi32, #tpu.memory_space<vmem>>) target_semaphore(%arg18 : memref<!tpu.dma_semaphore, #tpu.memory_space<semaphore_mem>>)
    %scan3A_257 = arith.constant 0 : i32
    %scan3A_258 = arith.constant 0 : i32
    %scan3A_259 = arith.constant 5 : i32
    %scan3A_260 = arith.addi %scan3A_258, %scan3A_259 : i32
    %scan3A_261 = arith.constant 1 : i32
    %scan3A_262 = scf.for %scan3A_296 = %scan3A_258 to %scan3A_260 step %scan3A_261 iter_args(%scan3A_297 = %scan3A_257) -> (i32)  : i32 {
      %and3A = arith.constant 1 : i32
      %and3A_298 = arith.andi %scan3A_296, %and3A : i32
      %mul3A_299 = arith.constant 2000 : i32
      %mul3A_300 = arith.muli %scan3A_296, %mul3A_299 : i32
      %dma_wait3A_301 = arith.constant 1 : i32
      %dma_wait3A_302 = arith.constant 0 : i32
      %dma_wait3A_303 = arith.constant 0 : i32
      %dma_wait3A_304 = tpu.memref_slice %arg13[%and3A_298, %dma_wait3A_302, %dma_wait3A_303] : memref<2x8x2000xi32, #tpu.memory_space<vmem>> -> memref<1x8x2000xi32, #tpu.memory_space<vmem>>
      %dma_wait3A_305 = tpu.memref_squeeze %dma_wait3A_304 : memref<1x8x2000xi32, #tpu.memory_space<vmem>> -> memref<8x2000xi32, #tpu.memory_space<vmem>>
      %dma_wait3A_306 = arith.constant 0 : i32
      %dma_wait3A_307 = tpu.memref_slice %arg4[%dma_wait3A_301, %dma_wait3A_306, %mul3A_300] : memref<2x8x10000xi32, #tpu.memory_space<hbm>> -> memref<1x8x2000xi32, #tpu.memory_space<hbm>>
      %dma_wait3A_308 = tpu.memref_squeeze %dma_wait3A_307 : memref<1x8x2000xi32, #tpu.memory_space<hbm>> -> memref<8x2000xi32, #tpu.memory_space<hbm>>
      %dma_wait3A_309 = arith.constant 0 : i32
      %dma_wait3A_310 = arith.constant 0 : i32
      %dma_wait3A_311 = tpu.memref_slice %arg13[%and3A_298, %dma_wait3A_309, %dma_wait3A_310] : memref<2x8x2000xi32, #tpu.memory_space<vmem>> -> memref<1x8x2000xi32, #tpu.memory_space<vmem>>
      %dma_wait3A_312 = tpu.memref_squeeze %dma_wait3A_311 : memref<1x8x2000xi32, #tpu.memory_space<vmem>> -> memref<8x2000xi32, #tpu.memory_space<vmem>>
      %dma_wait3A_313 = arith.constant 0 : i32
      %dma_wait3A_314 = tpu.memref_slice %arg4[%dma_wait3A_301, %dma_wait3A_313, %mul3A_300] : memref<2x8x10000xi32, #tpu.memory_space<hbm>> -> memref<1x8x2000xi32, #tpu.memory_space<hbm>>
      %dma_wait3A_315 = tpu.memref_squeeze %dma_wait3A_314 : memref<1x8x2000xi32, #tpu.memory_space<hbm>> -> memref<8x2000xi32, #tpu.memory_space<hbm>>
      tpu.wait_dma2 semaphore(%arg17 : memref<!tpu.dma_semaphore, #tpu.memory_space<semaphore_mem>>) src(%dma_wait3A_315 : memref<8x2000xi32, #tpu.memory_space<hbm>>) dst(%dma_wait3A_312 : memref<8x2000xi32, #tpu.memory_space<vmem>>)
      %mul3A_316 = arith.constant 2000 : i32
      %mul3A_317 = arith.muli %scan3A_296, %mul3A_316 : i32
      %dma_wait3A_318 = arith.constant 1 : i32
      %dma_wait3A_319 = arith.constant 0 : i32
      %dma_wait3A_320 = arith.constant 0 : i32
      %dma_wait3A_321 = tpu.memref_slice %arg14[%and3A_298, %dma_wait3A_319, %dma_wait3A_320] : memref<2x2x2000xi32, #tpu.memory_space<vmem>> -> memref<1x2x2000xi32, #tpu.memory_space<vmem>>
      %dma_wait3A_322 = tpu.memref_squeeze %dma_wait3A_321 : memref<1x2x2000xi32, #tpu.memory_space<vmem>> -> memref<2x2000xi32, #tpu.memory_space<vmem>>
      %dma_wait3A_323 = tpu.memref_slice %arg3[%dma_wait3A_318, %mul3A_8, %mul3A_317] : memref<2x64x10000xi32, #tpu.memory_space<hbm>> -> memref<1x2x2000xi32, #tpu.memory_space<hbm>>
      %dma_wait3A_324 = tpu.memref_squeeze %dma_wait3A_323 : memref<1x2x2000xi32, #tpu.memory_space<hbm>> -> memref<2x2000xi32, #tpu.memory_space<hbm>>
      %dma_wait3A_325 = arith.constant 0 : i32
      %dma_wait3A_326 = arith.constant 0 : i32
      %dma_wait3A_327 = tpu.memref_slice %arg14[%and3A_298, %dma_wait3A_325, %dma_wait3A_326] : memref<2x2x2000xi32, #tpu.memory_space<vmem>> -> memref<1x2x2000xi32, #tpu.memory_space<vmem>>
      %dma_wait3A_328 = tpu.memref_squeeze %dma_wait3A_327 : memref<1x2x2000xi32, #tpu.memory_space<vmem>> -> memref<2x2000xi32, #tpu.memory_space<vmem>>
      %dma_wait3A_329 = tpu.memref_slice %arg3[%dma_wait3A_318, %mul3A_8, %mul3A_317] : memref<2x64x10000xi32, #tpu.memory_space<hbm>> -> memref<1x2x2000xi32, #tpu.memory_space<hbm>>
      %dma_wait3A_330 = tpu.memref_squeeze %dma_wait3A_329 : memref<1x2x2000xi32, #tpu.memory_space<hbm>> -> memref<2x2000xi32, #tpu.memory_space<hbm>>
      tpu.wait_dma2 semaphore(%arg18 : memref<!tpu.dma_semaphore, #tpu.memory_space<semaphore_mem>>) src(%dma_wait3A_330 : memref<2x2000xi32, #tpu.memory_space<hbm>>) dst(%dma_wait3A_328 : memref<2x2000xi32, #tpu.memory_space<vmem>>)
      %add3A_331 = arith.constant 1 : i32
      %add3A_332 = arith.addi %scan3A_296, %add3A_331 : i32
      %lt3A = arith.constant 5 : i32
      %lt3A_333 = arith.cmpi slt, %add3A_332, %lt3A : i32
      %convert_element_type3A = arith.extui %lt3A_333 : i1 to i32
      %cond3A = arith.constant 0 : i32
      %cond3A_334 = arith.cmpi ne, %convert_element_type3A, %cond3A : i32
      scf.if %cond3A_334 {
        %add3A_432 = arith.constant 1 : i32
        %add3A_433 = arith.addi %scan3A_296, %add3A_432 : i32
        %sub3A = arith.constant 1 : i32
        %sub3A_434 = arith.subi %sub3A, %and3A_298 : i32
        %mul3A_435 = arith.constant 2000 : i32
        %mul3A_436 = arith.muli %add3A_433, %mul3A_435 : i32
        %dma_start3A_437 = arith.constant 1 : i32
        %dma_start3A_438 = arith.constant 0 : i32
        %dma_start3A_439 = arith.constant 0 : i32
        %dma_start3A_440 = tpu.memref_slice %arg13[%sub3A_434, %dma_start3A_438, %dma_start3A_439] : memref<2x8x2000xi32, #tpu.memory_space<vmem>> -> memref<1x8x2000xi32, #tpu.memory_space<vmem>>
        %dma_start3A_441 = tpu.memref_squeeze %dma_start3A_440 : memref<1x8x2000xi32, #tpu.memory_space<vmem>> -> memref<8x2000xi32, #tpu.memory_space<vmem>>
        %dma_start3A_442 = arith.constant 0 : i32
        %dma_start3A_443 = tpu.memref_slice %arg4[%dma_start3A_437, %dma_start3A_442, %mul3A_436] : memref<2x8x10000xi32, #tpu.memory_space<hbm>> -> memref<1x8x2000xi32, #tpu.memory_space<hbm>>
        %dma_start3A_444 = tpu.memref_squeeze %dma_start3A_443 : memref<1x8x2000xi32, #tpu.memory_space<hbm>> -> memref<8x2000xi32, #tpu.memory_space<hbm>>
        %dma_start3A_445 = arith.constant 0 : i32
        %dma_start3A_446 = arith.constant 0 : i32
        %dma_start3A_447 = tpu.memref_slice %arg13[%sub3A_434, %dma_start3A_445, %dma_start3A_446] : memref<2x8x2000xi32, #tpu.memory_space<vmem>> -> memref<1x8x2000xi32, #tpu.memory_space<vmem>>
        %dma_start3A_448 = tpu.memref_squeeze %dma_start3A_447 : memref<1x8x2000xi32, #tpu.memory_space<vmem>> -> memref<8x2000xi32, #tpu.memory_space<vmem>>
        %dma_start3A_449 = arith.constant 0 : i32
        %dma_start3A_450 = tpu.memref_slice %arg4[%dma_start3A_437, %dma_start3A_449, %mul3A_436] : memref<2x8x10000xi32, #tpu.memory_space<hbm>> -> memref<1x8x2000xi32, #tpu.memory_space<hbm>>
        %dma_start3A_451 = tpu.memref_squeeze %dma_start3A_450 : memref<1x8x2000xi32, #tpu.memory_space<hbm>> -> memref<8x2000xi32, #tpu.memory_space<hbm>>
        tpu.enqueue_dma source(%dma_start3A_451 : memref<8x2000xi32, #tpu.memory_space<hbm>>) target(%dma_start3A_448 : memref<8x2000xi32, #tpu.memory_space<vmem>>) target_semaphore(%arg17 : memref<!tpu.dma_semaphore, #tpu.memory_space<semaphore_mem>>)
        %add3A_452 = arith.constant 1 : i32
        %add3A_453 = arith.addi %scan3A_296, %add3A_452 : i32
        %sub3A_454 = arith.constant 1 : i32
        %sub3A_455 = arith.subi %sub3A_454, %and3A_298 : i32
        %mul3A_456 = arith.constant 2000 : i32
        %mul3A_457 = arith.muli %add3A_453, %mul3A_456 : i32
        %dma_start3A_458 = arith.constant 1 : i32
        %dma_start3A_459 = arith.constant 0 : i32
        %dma_start3A_460 = arith.constant 0 : i32
        %dma_start3A_461 = tpu.memref_slice %arg14[%sub3A_455, %dma_start3A_459, %dma_start3A_460] : memref<2x2x2000xi32, #tpu.memory_space<vmem>> -> memref<1x2x2000xi32, #tpu.memory_space<vmem>>
        %dma_start3A_462 = tpu.memref_squeeze %dma_start3A_461 : memref<1x2x2000xi32, #tpu.memory_space<vmem>> -> memref<2x2000xi32, #tpu.memory_space<vmem>>
        %dma_start3A_463 = tpu.memref_slice %arg3[%dma_start3A_458, %mul3A_8, %mul3A_457] : memref<2x64x10000xi32, #tpu.memory_space<hbm>> -> memref<1x2x2000xi32, #tpu.memory_space<hbm>>
        %dma_start3A_464 = tpu.memref_squeeze %dma_start3A_463 : memref<1x2x2000xi32, #tpu.memory_space<hbm>> -> memref<2x2000xi32, #tpu.memory_space<hbm>>
        %dma_start3A_465 = arith.constant 0 : i32
        %dma_start3A_466 = arith.constant 0 : i32
        %dma_start3A_467 = tpu.memref_slice %arg14[%sub3A_455, %dma_start3A_465, %dma_start3A_466] : memref<2x2x2000xi32, #tpu.memory_space<vmem>> -> memref<1x2x2000xi32, #tpu.memory_space<vmem>>
        %dma_start3A_468 = tpu.memref_squeeze %dma_start3A_467 : memref<1x2x2000xi32, #tpu.memory_space<vmem>> -> memref<2x2000xi32, #tpu.memory_space<vmem>>
        %dma_start3A_469 = tpu.memref_slice %arg3[%dma_start3A_458, %mul3A_8, %mul3A_457] : memref<2x64x10000xi32, #tpu.memory_space<hbm>> -> memref<1x2x2000xi32, #tpu.memory_space<hbm>>
        %dma_start3A_470 = tpu.memref_squeeze %dma_start3A_469 : memref<1x2x2000xi32, #tpu.memory_space<hbm>> -> memref<2x2000xi32, #tpu.memory_space<hbm>>
        tpu.enqueue_dma source(%dma_start3A_470 : memref<2x2000xi32, #tpu.memory_space<hbm>>) target(%dma_start3A_468 : memref<2x2000xi32, #tpu.memory_space<vmem>>) target_semaphore(%arg18 : memref<!tpu.dma_semaphore, #tpu.memory_space<semaphore_mem>>)
      } else {
      }
      %ge3A = arith.constant 2 : i32
      %ge3A_335 = arith.cmpi sge, %scan3A_296, %ge3A : i32
      %convert_element_type3A_336 = arith.extui %ge3A_335 : i1 to i32
      %cond3A_337 = arith.constant 0 : i32
      %cond3A_338 = arith.cmpi ne, %convert_element_type3A_336, %cond3A_337 : i32
      scf.if %cond3A_338 {
        %sub3A = arith.constant 2 : i32
        %sub3A_432 = arith.subi %scan3A_296, %sub3A : i32
        %mul3A_433 = arith.constant 2000 : i32
        %mul3A_434 = arith.muli %sub3A_432, %mul3A_433 : i32
        %dma_wait3A_435 = arith.constant 1 : i32
        %dma_wait3A_436 = arith.constant 0 : i32
        %dma_wait3A_437 = arith.constant 0 : i32
        %dma_wait3A_438 = tpu.memref_slice %arg15[%and3A_298, %dma_wait3A_436, %dma_wait3A_437] : memref<2x2x2000xi32, #tpu.memory_space<vmem>> -> memref<1x2x2000xi32, #tpu.memory_space<vmem>>
        %dma_wait3A_439 = tpu.memref_squeeze %dma_wait3A_438 : memref<1x2x2000xi32, #tpu.memory_space<vmem>> -> memref<2x2000xi32, #tpu.memory_space<vmem>>
        %dma_wait3A_440 = tpu.memref_slice %arg7[%dma_wait3A_435, %mul3A_8, %mul3A_434] : memref<2x64x10000xi32, #tpu.memory_space<hbm>> -> memref<1x2x2000xi32, #tpu.memory_space<hbm>>
        %dma_wait3A_441 = tpu.memref_squeeze %dma_wait3A_440 : memref<1x2x2000xi32, #tpu.memory_space<hbm>> -> memref<2x2000xi32, #tpu.memory_space<hbm>>
        %dma_wait3A_442 = tpu.memref_slice %arg7[%dma_wait3A_435, %mul3A_8, %mul3A_434] : memref<2x64x10000xi32, #tpu.memory_space<hbm>> -> memref<1x2x2000xi32, #tpu.memory_space<hbm>>
        %dma_wait3A_443 = tpu.memref_squeeze %dma_wait3A_442 : memref<1x2x2000xi32, #tpu.memory_space<hbm>> -> memref<2x2000xi32, #tpu.memory_space<hbm>>
        %dma_wait3A_444 = arith.constant 0 : i32
        %dma_wait3A_445 = arith.constant 0 : i32
        %dma_wait3A_446 = tpu.memref_slice %arg15[%and3A_298, %dma_wait3A_444, %dma_wait3A_445] : memref<2x2x2000xi32, #tpu.memory_space<vmem>> -> memref<1x2x2000xi32, #tpu.memory_space<vmem>>
        %dma_wait3A_447 = tpu.memref_squeeze %dma_wait3A_446 : memref<1x2x2000xi32, #tpu.memory_space<vmem>> -> memref<2x2000xi32, #tpu.memory_space<vmem>>
        tpu.wait_dma2 semaphore(%arg19 : memref<!tpu.dma_semaphore, #tpu.memory_space<semaphore_mem>>) src(%dma_wait3A_447 : memref<2x2000xi32, #tpu.memory_space<vmem>>) dst(%dma_wait3A_443 : memref<2x2000xi32, #tpu.memory_space<hbm>>)
      } else {
      }
      %broadcast_in_dim3A_339 = arith.constant 0.000000e+00 : f32
      %broadcast_in_dim3A_340 = vector.broadcast %broadcast_in_dim3A_339 : f32 to vector<16xf32>
      %parallel_loop3A = arith.constant 0 : i32
      %parallel_loop3A_341 = arith.constant 125 : i32
      %parallel_loop3A_342 = arith.constant 1 : i32
      %parallel_loop3A_343:12 = scf.for %parallel_loop3A_432 = %parallel_loop3A to %parallel_loop3A_341 step %parallel_loop3A_342 iter_args(%parallel_loop3A_433 = %broadcast_in_dim3A_340, %parallel_loop3A_434 = %broadcast_in_dim3A_340, %parallel_loop3A_435 = %broadcast_in_dim3A_340, %parallel_loop3A_436 = %broadcast_in_dim3A_340, %parallel_loop3A_437 = %broadcast_in_dim3A_340, %parallel_loop3A_438 = %broadcast_in_dim3A_340, %parallel_loop3A_439 = %broadcast_in_dim3A_340, %parallel_loop3A_440 = %broadcast_in_dim3A_340, %parallel_loop3A_441 = %broadcast_in_dim3A_340, %parallel_loop3A_442 = %broadcast_in_dim3A_340, %parallel_loop3A_443 = %broadcast_in_dim3A_340, %parallel_loop3A_444 = %broadcast_in_dim3A_340) -> (vector<16xf32>, vector<16xf32>, vector<16xf32>, vector<16xf32>, vector<16xf32>, vector<16xf32>, vector<16xf32>, vector<16xf32>, vector<16xf32>, vector<16xf32>, vector<16xf32>, vector<16xf32>)  : i32 {
        %parallel_loop3A_445 = arith.constant 16 : i32
        %parallel_loop3A_446 = arith.muli %parallel_loop3A_432, %parallel_loop3A_445 : i32
        %parallel_loop3A_447 = arith.constant 0 : i32
        %parallel_loop3A_448 = arith.index_cast %and3A_298 : i32 to index
        %parallel_loop3A_449 = arith.index_cast %parallel_loop3A_447 : i32 to index
        %parallel_loop3A_450 = arith.index_cast %parallel_loop3A_446 : i32 to index
        %parallel_loop3A_451 = tpu.vector_load %arg13[%parallel_loop3A_448, %parallel_loop3A_449, %parallel_loop3A_450] {strides = array<i32>} : memref<2x8x2000xi32, #tpu.memory_space<vmem>>, vector<16xi32>,
        %parallel_loop3A_452 = vector.broadcast %squeeze3A : i32 to vector<16xi32>
        %parallel_loop3A_453 = arith.andi %parallel_loop3A_451, %parallel_loop3A_452 : vector<16xi32>
        %parallel_loop3A_454 = arith.constant 16 : i32
        %parallel_loop3A_455 = vector.broadcast %parallel_loop3A_454 : i32 to vector<16xi32>
        %parallel_loop3A_456 = arith.shrui %parallel_loop3A_451, %parallel_loop3A_455 : vector<16xi32>
        %parallel_loop3A_457 = arith.constant 1 : i32
        %parallel_loop3A_458 = arith.index_cast %and3A_298 : i32 to index
        %parallel_loop3A_459 = arith.index_cast %parallel_loop3A_457 : i32 to index
        %parallel_loop3A_460 = arith.index_cast %parallel_loop3A_446 : i32 to index
        %parallel_loop3A_461 = tpu.vector_load %arg13[%parallel_loop3A_458, %parallel_loop3A_459, %parallel_loop3A_460] {strides = array<i32>} : memref<2x8x2000xi32, #tpu.memory_space<vmem>>, vector<16xi32>,
        %parallel_loop3A_462 = vector.broadcast %squeeze3A : i32 to vector<16xi32>
        %parallel_loop3A_463 = arith.andi %parallel_loop3A_461, %parallel_loop3A_462 : vector<16xi32>
        %parallel_loop3A_464 = arith.constant 16 : i32
        %parallel_loop3A_465 = vector.broadcast %parallel_loop3A_464 : i32 to vector<16xi32>
        %parallel_loop3A_466 = arith.shrui %parallel_loop3A_461, %parallel_loop3A_465 : vector<16xi32>
        %parallel_loop3A_467 = arith.constant 2 : i32
        %parallel_loop3A_468 = arith.index_cast %and3A_298 : i32 to index
        %parallel_loop3A_469 = arith.index_cast %parallel_loop3A_467 : i32 to index
        %parallel_loop3A_470 = arith.index_cast %parallel_loop3A_446 : i32 to index
        %parallel_loop3A_471 = tpu.vector_load %arg13[%parallel_loop3A_468, %parallel_loop3A_469, %parallel_loop3A_470] {strides = array<i32>} : memref<2x8x2000xi32, #tpu.memory_space<vmem>>, vector<16xi32>,
        %parallel_loop3A_472 = vector.broadcast %squeeze3A : i32 to vector<16xi32>
        %parallel_loop3A_473 = arith.andi %parallel_loop3A_471, %parallel_loop3A_472 : vector<16xi32>
        %parallel_loop3A_474 = arith.constant 16 : i32
        %parallel_loop3A_475 = vector.broadcast %parallel_loop3A_474 : i32 to vector<16xi32>
        %parallel_loop3A_476 = arith.shrui %parallel_loop3A_471, %parallel_loop3A_475 : vector<16xi32>
        %parallel_loop3A_477 = arith.constant 3 : i32
        %parallel_loop3A_478 = arith.index_cast %and3A_298 : i32 to index
        %parallel_loop3A_479 = arith.index_cast %parallel_loop3A_477 : i32 to index
        %parallel_loop3A_480 = arith.index_cast %parallel_loop3A_446 : i32 to index
        %parallel_loop3A_481 = tpu.vector_load %arg13[%parallel_loop3A_478, %parallel_loop3A_479, %parallel_loop3A_480] {strides = array<i32>} : memref<2x8x2000xi32, #tpu.memory_space<vmem>>, vector<16xi32>,
        %parallel_loop3A_482 = vector.broadcast %squeeze3A : i32 to vector<16xi32>
        %parallel_loop3A_483 = arith.andi %parallel_loop3A_481, %parallel_loop3A_482 : vector<16xi32>
        %parallel_loop3A_484 = arith.constant 16 : i32
        %parallel_loop3A_485 = vector.broadcast %parallel_loop3A_484 : i32 to vector<16xi32>
        %parallel_loop3A_486 = arith.shrui %parallel_loop3A_481, %parallel_loop3A_485 : vector<16xi32>
        %parallel_loop3A_487 = arith.constant 4 : i32
        %parallel_loop3A_488 = arith.index_cast %and3A_298 : i32 to index
        %parallel_loop3A_489 = arith.index_cast %parallel_loop3A_487 : i32 to index
        %parallel_loop3A_490 = arith.index_cast %parallel_loop3A_446 : i32 to index
        %parallel_loop3A_491 = tpu.vector_load %arg13[%parallel_loop3A_488, %parallel_loop3A_489, %parallel_loop3A_490] {strides = array<i32>} : memref<2x8x2000xi32, #tpu.memory_space<vmem>>, vector<16xi32>,
        %parallel_loop3A_492 = vector.broadcast %squeeze3A : i32 to vector<16xi32>
        %parallel_loop3A_493 = arith.andi %parallel_loop3A_491, %parallel_loop3A_492 : vector<16xi32>
        %parallel_loop3A_494 = arith.constant 16 : i32
        %parallel_loop3A_495 = vector.broadcast %parallel_loop3A_494 : i32 to vector<16xi32>
        %parallel_loop3A_496 = arith.shrui %parallel_loop3A_491, %parallel_loop3A_495 : vector<16xi32>
        %parallel_loop3A_497 = arith.constant 5 : i32
        %parallel_loop3A_498 = arith.index_cast %and3A_298 : i32 to index
        %parallel_loop3A_499 = arith.index_cast %parallel_loop3A_497 : i32 to index
        %parallel_loop3A_500 = arith.index_cast %parallel_loop3A_446 : i32 to index
        %parallel_loop3A_501 = tpu.vector_load %arg13[%parallel_loop3A_498, %parallel_loop3A_499, %parallel_loop3A_500] {strides = array<i32>} : memref<2x8x2000xi32, #tpu.memory_space<vmem>>, vector<16xi32>,
        %parallel_loop3A_502 = vector.broadcast %squeeze3A : i32 to vector<16xi32>
        %parallel_loop3A_503 = arith.andi %parallel_loop3A_501, %parallel_loop3A_502 : vector<16xi32>
        %parallel_loop3A_504 = arith.constant 16 : i32
        %parallel_loop3A_505 = vector.broadcast %parallel_loop3A_504 : i32 to vector<16xi32>
        %parallel_loop3A_506 = arith.shrui %parallel_loop3A_501, %parallel_loop3A_505 : vector<16xi32>
        %parallel_loop3A_507 = arith.constant 6 : i32
        %parallel_loop3A_508 = arith.index_cast %and3A_298 : i32 to index
        %parallel_loop3A_509 = arith.index_cast %parallel_loop3A_507 : i32 to index
        %parallel_loop3A_510 = arith.index_cast %parallel_loop3A_446 : i32 to index
        %parallel_loop3A_511 = tpu.vector_load %arg13[%parallel_loop3A_508, %parallel_loop3A_509, %parallel_loop3A_510] {strides = array<i32>} : memref<2x8x2000xi32, #tpu.memory_space<vmem>>, vector<16xi32>,
        %parallel_loop3A_512 = vector.broadcast %squeeze3A : i32 to vector<16xi32>
        %parallel_loop3A_513 = arith.andi %parallel_loop3A_511, %parallel_loop3A_512 : vector<16xi32>
        %parallel_loop3A_514 = arith.constant 16 : i32
        %parallel_loop3A_515 = vector.broadcast %parallel_loop3A_514 : i32 to vector<16xi32>
        %parallel_loop3A_516 = arith.shrui %parallel_loop3A_511, %parallel_loop3A_515 : vector<16xi32>
        %parallel_loop3A_517 = arith.constant 7 : i32
        %parallel_loop3A_518 = arith.index_cast %and3A_298 : i32 to index
        %parallel_loop3A_519 = arith.index_cast %parallel_loop3A_517 : i32 to index
        %parallel_loop3A_520 = arith.index_cast %parallel_loop3A_446 : i32 to index
        %parallel_loop3A_521 = tpu.vector_load %arg13[%parallel_loop3A_518, %parallel_loop3A_519, %parallel_loop3A_520] {strides = array<i32>} : memref<2x8x2000xi32, #tpu.memory_space<vmem>>, vector<16xi32>,
        %parallel_loop3A_522 = vector.broadcast %squeeze3A : i32 to vector<16xi32>
        %parallel_loop3A_523 = arith.andi %parallel_loop3A_521, %parallel_loop3A_522 : vector<16xi32>
        %parallel_loop3A_524 = arith.constant 16 : i32
        %parallel_loop3A_525 = vector.broadcast %parallel_loop3A_524 : i32 to vector<16xi32>
        %parallel_loop3A_526 = arith.shrui %parallel_loop3A_521, %parallel_loop3A_525 : vector<16xi32>
        %parallel_loop3A_527 = arith.constant 0 : i32
        %parallel_loop3A_528 = arith.index_cast %and3A_298 : i32 to index
        %parallel_loop3A_529 = arith.index_cast %parallel_loop3A_527 : i32 to index
        %parallel_loop3A_530 = arith.index_cast %parallel_loop3A_446 : i32 to index
        %parallel_loop3A_531 = tpu.vector_load %arg14[%parallel_loop3A_528, %parallel_loop3A_529, %parallel_loop3A_530] {strides = array<i32>} : memref<2x2x2000xi32, #tpu.memory_space<vmem>>, vector<16xi32>,
        %parallel_loop3A_532 = arith.constant 16 : i32
        %parallel_loop3A_533 = vector.broadcast %parallel_loop3A_532 : i32 to vector<16xi32>
        %parallel_loop3A_534 = arith.shli %parallel_loop3A_531, %parallel_loop3A_533 : vector<16xi32>
        %parallel_loop3A_535 = vector.bitcast %parallel_loop3A_534 : vector<16xi32> to vector<16xf32>
        %parallel_loop3A_536 = vector.broadcast %squeeze3A_5 : i32 to vector<16xi32>
        %parallel_loop3A_537 = arith.andi %parallel_loop3A_531, %parallel_loop3A_536 : vector<16xi32>
        %parallel_loop3A_538 = vector.bitcast %parallel_loop3A_537 : vector<16xi32> to vector<16xf32>
        %parallel_loop3A_539 = tpu.vector_load_idx %arg11[%parallel_loop3A_453] : memref<10000xi32, #tpu.memory_space<vmem>>[vector<16xi32>], vector<16xi32>,
        %parallel_loop3A_540 = vector.bitcast %parallel_loop3A_539 : vector<16xi32> to vector<32xbf16>
        %parallel_loop3A_541 = arith.mulf %parallel_loop3A_540, %parallel_loop3A_540 : vector<32xbf16>
        %parallel_loop3A_542 = tpu.vector_load_idx %arg11[%parallel_loop3A_456] : memref<10000xi32, #tpu.memory_space<vmem>>[vector<16xi32>], vector<16xi32>,
        %parallel_loop3A_543 = vector.bitcast %parallel_loop3A_542 : vector<16xi32> to vector<32xbf16>
        %parallel_loop3A_544 = arith.maximumf %parallel_loop3A_540, %parallel_loop3A_543 : vector<32xbf16>
        %parallel_loop3A_545 = arith.addf %parallel_loop3A_540, %parallel_loop3A_543 : vector<32xbf16>
        %parallel_loop3A_546 = arith.mulf %parallel_loop3A_543, %parallel_loop3A_543 : vector<32xbf16>
        %parallel_loop3A_547 = arith.addf %parallel_loop3A_541, %parallel_loop3A_546 : vector<32xbf16>
        %parallel_loop3A_548 = tpu.vector_load_idx %arg11[%parallel_loop3A_463] : memref<10000xi32, #tpu.memory_space<vmem>>[vector<16xi32>], vector<16xi32>,
        %parallel_loop3A_549 = vector.bitcast %parallel_loop3A_548 : vector<16xi32> to vector<32xbf16>
        %parallel_loop3A_550 = arith.maximumf %parallel_loop3A_544, %parallel_loop3A_549 : vector<32xbf16>
        %parallel_loop3A_551 = arith.addf %parallel_loop3A_545, %parallel_loop3A_549 : vector<32xbf16>
        %parallel_loop3A_552 = arith.mulf %parallel_loop3A_549, %parallel_loop3A_549 : vector<32xbf16>
        %parallel_loop3A_553 = arith.addf %parallel_loop3A_547, %parallel_loop3A_552 : vector<32xbf16>
        %parallel_loop3A_554 = tpu.vector_load_idx %arg11[%parallel_loop3A_466] : memref<10000xi32, #tpu.memory_space<vmem>>[vector<16xi32>], vector<16xi32>,
        %parallel_loop3A_555 = vector.bitcast %parallel_loop3A_554 : vector<16xi32> to vector<32xbf16>
        %parallel_loop3A_556 = arith.maximumf %parallel_loop3A_550, %parallel_loop3A_555 : vector<32xbf16>
        %parallel_loop3A_557 = arith.addf %parallel_loop3A_551, %parallel_loop3A_555 : vector<32xbf16>
        %parallel_loop3A_558 = arith.mulf %parallel_loop3A_555, %parallel_loop3A_555 : vector<32xbf16>
        %parallel_loop3A_559 = arith.addf %parallel_loop3A_553, %parallel_loop3A_558 : vector<32xbf16>
        %parallel_loop3A_560 = tpu.vector_load_idx %arg11[%parallel_loop3A_473] : memref<10000xi32, #tpu.memory_space<vmem>>[vector<16xi32>], vector<16xi32>,
        %parallel_loop3A_561 = vector.bitcast %parallel_loop3A_560 : vector<16xi32> to vector<32xbf16>
        %parallel_loop3A_562 = arith.maximumf %parallel_loop3A_556, %parallel_loop3A_561 : vector<32xbf16>
        %parallel_loop3A_563 = arith.addf %parallel_loop3A_557, %parallel_loop3A_561 : vector<32xbf16>
        %parallel_loop3A_564 = arith.mulf %parallel_loop3A_561, %parallel_loop3A_561 : vector<32xbf16>
        %parallel_loop3A_565 = arith.addf %parallel_loop3A_559, %parallel_loop3A_564 : vector<32xbf16>
        %parallel_loop3A_566 = tpu.vector_load_idx %arg11[%parallel_loop3A_476] : memref<10000xi32, #tpu.memory_space<vmem>>[vector<16xi32>], vector<16xi32>,
        %parallel_loop3A_567 = vector.bitcast %parallel_loop3A_566 : vector<16xi32> to vector<32xbf16>
        %parallel_loop3A_568 = arith.maximumf %parallel_loop3A_562, %parallel_loop3A_567 : vector<32xbf16>
        %parallel_loop3A_569 = arith.addf %parallel_loop3A_563, %parallel_loop3A_567 : vector<32xbf16>
        %parallel_loop3A_570 = arith.mulf %parallel_loop3A_567, %parallel_loop3A_567 : vector<32xbf16>
        %parallel_loop3A_571 = arith.addf %parallel_loop3A_565, %parallel_loop3A_570 : vector<32xbf16>
        %parallel_loop3A_572 = tpu.vector_load_idx %arg11[%parallel_loop3A_483] : memref<10000xi32, #tpu.memory_space<vmem>>[vector<16xi32>], vector<16xi32>,
        %parallel_loop3A_573 = vector.bitcast %parallel_loop3A_572 : vector<16xi32> to vector<32xbf16>
        %parallel_loop3A_574 = arith.maximumf %parallel_loop3A_568, %parallel_loop3A_573 : vector<32xbf16>
        %parallel_loop3A_575 = arith.addf %parallel_loop3A_569, %parallel_loop3A_573 : vector<32xbf16>
        %parallel_loop3A_576 = arith.mulf %parallel_loop3A_573, %parallel_loop3A_573 : vector<32xbf16>
        %parallel_loop3A_577 = arith.addf %parallel_loop3A_571, %parallel_loop3A_576 : vector<32xbf16>
        %parallel_loop3A_578 = tpu.vector_load_idx %arg11[%parallel_loop3A_486] : memref<10000xi32, #tpu.memory_space<vmem>>[vector<16xi32>], vector<16xi32>,
        %parallel_loop3A_579 = vector.bitcast %parallel_loop3A_578 : vector<16xi32> to vector<32xbf16>
        %parallel_loop3A_580 = arith.maximumf %parallel_loop3A_574, %parallel_loop3A_579 : vector<32xbf16>
        %parallel_loop3A_581 = arith.addf %parallel_loop3A_575, %parallel_loop3A_579 : vector<32xbf16>
        %parallel_loop3A_582 = arith.mulf %parallel_loop3A_579, %parallel_loop3A_579 : vector<32xbf16>
        %parallel_loop3A_583 = arith.addf %parallel_loop3A_577, %parallel_loop3A_582 : vector<32xbf16>
        %parallel_loop3A_584 = tpu.vector_load_idx %arg11[%parallel_loop3A_493] : memref<10000xi32, #tpu.memory_space<vmem>>[vector<16xi32>], vector<16xi32>,
        %parallel_loop3A_585 = vector.bitcast %parallel_loop3A_584 : vector<16xi32> to vector<32xbf16>
        %parallel_loop3A_586 = arith.maximumf %parallel_loop3A_580, %parallel_loop3A_585 : vector<32xbf16>
        %parallel_loop3A_587 = arith.addf %parallel_loop3A_581, %parallel_loop3A_585 : vector<32xbf16>
        %parallel_loop3A_588 = arith.mulf %parallel_loop3A_585, %parallel_loop3A_585 : vector<32xbf16>
        %parallel_loop3A_589 = arith.addf %parallel_loop3A_583, %parallel_loop3A_588 : vector<32xbf16>
        %parallel_loop3A_590 = tpu.vector_load_idx %arg11[%parallel_loop3A_496] : memref<10000xi32, #tpu.memory_space<vmem>>[vector<16xi32>], vector<16xi32>,
        %parallel_loop3A_591 = vector.bitcast %parallel_loop3A_590 : vector<16xi32> to vector<32xbf16>
        %parallel_loop3A_592 = arith.maximumf %parallel_loop3A_586, %parallel_loop3A_591 : vector<32xbf16>
        %parallel_loop3A_593 = arith.addf %parallel_loop3A_587, %parallel_loop3A_591 : vector<32xbf16>
        %parallel_loop3A_594 = arith.mulf %parallel_loop3A_591, %parallel_loop3A_591 : vector<32xbf16>
        %parallel_loop3A_595 = arith.addf %parallel_loop3A_589, %parallel_loop3A_594 : vector<32xbf16>
        %parallel_loop3A_596 = tpu.vector_load_idx %arg11[%parallel_loop3A_503] : memref<10000xi32, #tpu.memory_space<vmem>>[vector<16xi32>], vector<16xi32>,
        %parallel_loop3A_597 = vector.bitcast %parallel_loop3A_596 : vector<16xi32> to vector<32xbf16>
        %parallel_loop3A_598 = arith.maximumf %parallel_loop3A_592, %parallel_loop3A_597 : vector<32xbf16>
        %parallel_loop3A_599 = arith.addf %parallel_loop3A_593, %parallel_loop3A_597 : vector<32xbf16>
        %parallel_loop3A_600 = arith.mulf %parallel_loop3A_597, %parallel_loop3A_597 : vector<32xbf16>
        %parallel_loop3A_601 = arith.addf %parallel_loop3A_595, %parallel_loop3A_600 : vector<32xbf16>
        %parallel_loop3A_602 = tpu.vector_load_idx %arg11[%parallel_loop3A_506] : memref<10000xi32, #tpu.memory_space<vmem>>[vector<16xi32>], vector<16xi32>,
        %parallel_loop3A_603 = vector.bitcast %parallel_loop3A_602 : vector<16xi32> to vector<32xbf16>
        %parallel_loop3A_604 = arith.maximumf %parallel_loop3A_598, %parallel_loop3A_603 : vector<32xbf16>
        %parallel_loop3A_605 = arith.addf %parallel_loop3A_599, %parallel_loop3A_603 : vector<32xbf16>
        %parallel_loop3A_606 = arith.mulf %parallel_loop3A_603, %parallel_loop3A_603 : vector<32xbf16>
        %parallel_loop3A_607 = arith.addf %parallel_loop3A_601, %parallel_loop3A_606 : vector<32xbf16>
        %parallel_loop3A_608 = tpu.vector_load_idx %arg11[%parallel_loop3A_513] : memref<10000xi32, #tpu.memory_space<vmem>>[vector<16xi32>], vector<16xi32>,
        %parallel_loop3A_609 = vector.bitcast %parallel_loop3A_608 : vector<16xi32> to vector<32xbf16>
        %parallel_loop3A_610 = arith.maximumf %parallel_loop3A_604, %parallel_loop3A_609 : vector<32xbf16>
        %parallel_loop3A_611 = arith.addf %parallel_loop3A_605, %parallel_loop3A_609 : vector<32xbf16>
        %parallel_loop3A_612 = arith.mulf %parallel_loop3A_609, %parallel_loop3A_609 : vector<32xbf16>
        %parallel_loop3A_613 = arith.addf %parallel_loop3A_607, %parallel_loop3A_612 : vector<32xbf16>
        %parallel_loop3A_614 = tpu.vector_load_idx %arg11[%parallel_loop3A_516] : memref<10000xi32, #tpu.memory_space<vmem>>[vector<16xi32>], vector<16xi32>,
        %parallel_loop3A_615 = vector.bitcast %parallel_loop3A_614 : vector<16xi32> to vector<32xbf16>
        %parallel_loop3A_616 = arith.maximumf %parallel_loop3A_610, %parallel_loop3A_615 : vector<32xbf16>
        %parallel_loop3A_617 = arith.addf %parallel_loop3A_611, %parallel_loop3A_615 : vector<32xbf16>
        %parallel_loop3A_618 = arith.mulf %parallel_loop3A_615, %parallel_loop3A_615 : vector<32xbf16>
        %parallel_loop3A_619 = arith.addf %parallel_loop3A_613, %parallel_loop3A_618 : vector<32xbf16>
        %parallel_loop3A_620 = tpu.vector_load_idx %arg11[%parallel_loop3A_523] : memref<10000xi32, #tpu.memory_space<vmem>>[vector<16xi32>], vector<16xi32>,
        %parallel_loop3A_621 = vector.bitcast %parallel_loop3A_620 : vector<16xi32> to vector<32xbf16>
        %parallel_loop3A_622 = arith.maximumf %parallel_loop3A_616, %parallel_loop3A_621 : vector<32xbf16>
        %parallel_loop3A_623 = arith.addf %parallel_loop3A_617, %parallel_loop3A_621 : vector<32xbf16>
        %parallel_loop3A_624 = arith.mulf %parallel_loop3A_621, %parallel_loop3A_621 : vector<32xbf16>
        %parallel_loop3A_625 = arith.addf %parallel_loop3A_619, %parallel_loop3A_624 : vector<32xbf16>
        %parallel_loop3A_626 = tpu.vector_load_idx %arg11[%parallel_loop3A_526] : memref<10000xi32, #tpu.memory_space<vmem>>[vector<16xi32>], vector<16xi32>,
        %parallel_loop3A_627 = vector.bitcast %parallel_loop3A_626 : vector<16xi32> to vector<32xbf16>
        %parallel_loop3A_628 = arith.maximumf %parallel_loop3A_622, %parallel_loop3A_627 : vector<32xbf16>
        %parallel_loop3A_629 = arith.addf %parallel_loop3A_623, %parallel_loop3A_627 : vector<32xbf16>
        %parallel_loop3A_630 = arith.mulf %parallel_loop3A_627, %parallel_loop3A_627 : vector<32xbf16>
        %parallel_loop3A_631 = arith.addf %parallel_loop3A_625, %parallel_loop3A_630 : vector<32xbf16>
        %parallel_loop3A_632 = vector.bitcast %parallel_loop3A_531 : vector<16xi32> to vector<32xbf16>
        %parallel_loop3A_633 = arith.addf %parallel_loop3A_632, %parallel_loop3A_628 : vector<32xbf16>
        %parallel_loop3A_634 = vector.bitcast %parallel_loop3A_633 : vector<32xbf16> to vector<16xi32>
        %parallel_loop3A_635 = arith.constant 0 : i32
        %parallel_loop3A_636 = arith.index_cast %and3A_298 : i32 to index
        %parallel_loop3A_637 = arith.index_cast %parallel_loop3A_635 : i32 to index
        %parallel_loop3A_638 = arith.index_cast %parallel_loop3A_446 : i32 to index
        %parallel_loop3A_639 = tpu.vector_load %arg15[%parallel_loop3A_636, %parallel_loop3A_637, %parallel_loop3A_638] {strides = array<i32>} : memref<2x2x2000xi32, #tpu.memory_space<vmem>>, vector<16xi32>,
        tpu.vector_store %arg15[%parallel_loop3A_636, %parallel_loop3A_637, %parallel_loop3A_638], %parallel_loop3A_634 {strides = array<i32>} : memref<2x2x2000xi32, #tpu.memory_space<vmem>>, vector<16xi32>,
        %parallel_loop3A_640 = vector.bitcast %parallel_loop3A_629 : vector<32xbf16> to vector<16xi32>
        %parallel_loop3A_641 = arith.constant 16 : i32
        %parallel_loop3A_642 = vector.broadcast %parallel_loop3A_641 : i32 to vector<16xi32>
        %parallel_loop3A_643 = arith.shli %parallel_loop3A_640, %parallel_loop3A_642 : vector<16xi32>
        %parallel_loop3A_644 = vector.bitcast %parallel_loop3A_643 : vector<16xi32> to vector<16xf32>
        %parallel_loop3A_645 = vector.broadcast %squeeze3A_5 : i32 to vector<16xi32>
        %parallel_loop3A_646 = arith.andi %parallel_loop3A_640, %parallel_loop3A_645 : vector<16xi32>
        %parallel_loop3A_647 = vector.bitcast %parallel_loop3A_646 : vector<16xi32> to vector<16xf32>
        %parallel_loop3A_648 = vector.bitcast %parallel_loop3A_631 : vector<32xbf16> to vector<16xi32>
        %parallel_loop3A_649 = arith.addf %parallel_loop3A_433, %parallel_loop3A_644 : vector<16xf32>
        %parallel_loop3A_650 = arith.addf %parallel_loop3A_434, %parallel_loop3A_647 : vector<16xf32>
        %parallel_loop3A_651 = arith.mulf %parallel_loop3A_535, %parallel_loop3A_644 : vector<16xf32>
        %parallel_loop3A_652 = arith.addf %parallel_loop3A_435, %parallel_loop3A_651 : vector<16xf32>
        %parallel_loop3A_653 = arith.mulf %parallel_loop3A_538, %parallel_loop3A_647 : vector<16xf32>
        %parallel_loop3A_654 = arith.addf %parallel_loop3A_436, %parallel_loop3A_653 : vector<16xf32>
        %parallel_loop3A_655 = arith.constant 16 : i32
        %parallel_loop3A_656 = vector.broadcast %parallel_loop3A_655 : i32 to vector<16xi32>
        %parallel_loop3A_657 = arith.shli %parallel_loop3A_648, %parallel_loop3A_656 : vector<16xi32>
        %parallel_loop3A_658 = vector.bitcast %parallel_loop3A_657 : vector<16xi32> to vector<16xf32>
        %parallel_loop3A_659 = arith.addf %parallel_loop3A_437, %parallel_loop3A_658 : vector<16xf32>
        %parallel_loop3A_660 = vector.broadcast %squeeze3A_5 : i32 to vector<16xi32>
        %parallel_loop3A_661 = arith.andi %parallel_loop3A_648, %parallel_loop3A_660 : vector<16xi32>
        %parallel_loop3A_662 = vector.bitcast %parallel_loop3A_661 : vector<16xi32> to vector<16xf32>
        %parallel_loop3A_663 = arith.addf %parallel_loop3A_438, %parallel_loop3A_662 : vector<16xf32>
        %parallel_loop3A_664 = arith.constant 1 : i32
        %parallel_loop3A_665 = arith.index_cast %and3A_298 : i32 to index
        %parallel_loop3A_666 = arith.index_cast %parallel_loop3A_664 : i32 to index
        %parallel_loop3A_667 = arith.index_cast %parallel_loop3A_446 : i32 to index
        %parallel_loop3A_668 = tpu.vector_load %arg14[%parallel_loop3A_665, %parallel_loop3A_666, %parallel_loop3A_667] {strides = array<i32>} : memref<2x2x2000xi32, #tpu.memory_space<vmem>>, vector<16xi32>,
        %parallel_loop3A_669 = arith.constant 16 : i32
        %parallel_loop3A_670 = vector.broadcast %parallel_loop3A_669 : i32 to vector<16xi32>
        %parallel_loop3A_671 = arith.shli %parallel_loop3A_668, %parallel_loop3A_670 : vector<16xi32>
        %parallel_loop3A_672 = vector.bitcast %parallel_loop3A_671 : vector<16xi32> to vector<16xf32>
        %parallel_loop3A_673 = vector.broadcast %squeeze3A_5 : i32 to vector<16xi32>
        %parallel_loop3A_674 = arith.andi %parallel_loop3A_668, %parallel_loop3A_673 : vector<16xi32>
        %parallel_loop3A_675 = vector.bitcast %parallel_loop3A_674 : vector<16xi32> to vector<16xf32>
        %parallel_loop3A_676 = tpu.vector_load_idx %arg12[%parallel_loop3A_453] : memref<10000xi32, #tpu.memory_space<vmem>>[vector<16xi32>], vector<16xi32>,
        %parallel_loop3A_677 = vector.bitcast %parallel_loop3A_676 : vector<16xi32> to vector<32xbf16>
        %parallel_loop3A_678 = arith.mulf %parallel_loop3A_677, %parallel_loop3A_677 : vector<32xbf16>
        %parallel_loop3A_679 = tpu.vector_load_idx %arg12[%parallel_loop3A_456] : memref<10000xi32, #tpu.memory_space<vmem>>[vector<16xi32>], vector<16xi32>,
        %parallel_loop3A_680 = vector.bitcast %parallel_loop3A_679 : vector<16xi32> to vector<32xbf16>
        %parallel_loop3A_681 = arith.maximumf %parallel_loop3A_677, %parallel_loop3A_680 : vector<32xbf16>
        %parallel_loop3A_682 = arith.addf %parallel_loop3A_677, %parallel_loop3A_680 : vector<32xbf16>
        %parallel_loop3A_683 = arith.mulf %parallel_loop3A_680, %parallel_loop3A_680 : vector<32xbf16>
        %parallel_loop3A_684 = arith.addf %parallel_loop3A_678, %parallel_loop3A_683 : vector<32xbf16>
        %parallel_loop3A_685 = tpu.vector_load_idx %arg12[%parallel_loop3A_463] : memref<10000xi32, #tpu.memory_space<vmem>>[vector<16xi32>], vector<16xi32>,
        %parallel_loop3A_686 = vector.bitcast %parallel_loop3A_685 : vector<16xi32> to vector<32xbf16>
        %parallel_loop3A_687 = arith.maximumf %parallel_loop3A_681, %parallel_loop3A_686 : vector<32xbf16>
        %parallel_loop3A_688 = arith.addf %parallel_loop3A_682, %parallel_loop3A_686 : vector<32xbf16>
        %parallel_loop3A_689 = arith.mulf %parallel_loop3A_686, %parallel_loop3A_686 : vector<32xbf16>
        %parallel_loop3A_690 = arith.addf %parallel_loop3A_684, %parallel_loop3A_689 : vector<32xbf16>
        %parallel_loop3A_691 = tpu.vector_load_idx %arg12[%parallel_loop3A_466] : memref<10000xi32, #tpu.memory_space<vmem>>[vector<16xi32>], vector<16xi32>,
        %parallel_loop3A_692 = vector.bitcast %parallel_loop3A_691 : vector<16xi32> to vector<32xbf16>
        %parallel_loop3A_693 = arith.maximumf %parallel_loop3A_687, %parallel_loop3A_692 : vector<32xbf16>
        %parallel_loop3A_694 = arith.addf %parallel_loop3A_688, %parallel_loop3A_692 : vector<32xbf16>
        %parallel_loop3A_695 = arith.mulf %parallel_loop3A_692, %parallel_loop3A_692 : vector<32xbf16>
        %parallel_loop3A_696 = arith.addf %parallel_loop3A_690, %parallel_loop3A_695 : vector<32xbf16>
        %parallel_loop3A_697 = tpu.vector_load_idx %arg12[%parallel_loop3A_473] : memref<10000xi32, #tpu.memory_space<vmem>>[vector<16xi32>], vector<16xi32>,
        %parallel_loop3A_698 = vector.bitcast %parallel_loop3A_697 : vector<16xi32> to vector<32xbf16>
        %parallel_loop3A_699 = arith.maximumf %parallel_loop3A_693, %parallel_loop3A_698 : vector<32xbf16>
        %parallel_loop3A_700 = arith.addf %parallel_loop3A_694, %parallel_loop3A_698 : vector<32xbf16>
        %parallel_loop3A_701 = arith.mulf %parallel_loop3A_698, %parallel_loop3A_698 : vector<32xbf16>
        %parallel_loop3A_702 = arith.addf %parallel_loop3A_696, %parallel_loop3A_701 : vector<32xbf16>
        %parallel_loop3A_703 = tpu.vector_load_idx %arg12[%parallel_loop3A_476] : memref<10000xi32, #tpu.memory_space<vmem>>[vector<16xi32>], vector<16xi32>,
        %parallel_loop3A_704 = vector.bitcast %parallel_loop3A_703 : vector<16xi32> to vector<32xbf16>
        %parallel_loop3A_705 = arith.maximumf %parallel_loop3A_699, %parallel_loop3A_704 : vector<32xbf16>
        %parallel_loop3A_706 = arith.addf %parallel_loop3A_700, %parallel_loop3A_704 : vector<32xbf16>
        %parallel_loop3A_707 = arith.mulf %parallel_loop3A_704, %parallel_loop3A_704 : vector<32xbf16>
        %parallel_loop3A_708 = arith.addf %parallel_loop3A_702, %parallel_loop3A_707 : vector<32xbf16>
        %parallel_loop3A_709 = tpu.vector_load_idx %arg12[%parallel_loop3A_483] : memref<10000xi32, #tpu.memory_space<vmem>>[vector<16xi32>], vector<16xi32>,
        %parallel_loop3A_710 = vector.bitcast %parallel_loop3A_709 : vector<16xi32> to vector<32xbf16>
        %parallel_loop3A_711 = arith.maximumf %parallel_loop3A_705, %parallel_loop3A_710 : vector<32xbf16>
        %parallel_loop3A_712 = arith.addf %parallel_loop3A_706, %parallel_loop3A_710 : vector<32xbf16>
        %parallel_loop3A_713 = arith.mulf %parallel_loop3A_710, %parallel_loop3A_710 : vector<32xbf16>
        %parallel_loop3A_714 = arith.addf %parallel_loop3A_708, %parallel_loop3A_713 : vector<32xbf16>
        %parallel_loop3A_715 = tpu.vector_load_idx %arg12[%parallel_loop3A_486] : memref<10000xi32, #tpu.memory_space<vmem>>[vector<16xi32>], vector<16xi32>,
        %parallel_loop3A_716 = vector.bitcast %parallel_loop3A_715 : vector<16xi32> to vector<32xbf16>
        %parallel_loop3A_717 = arith.maximumf %parallel_loop3A_711, %parallel_loop3A_716 : vector<32xbf16>
        %parallel_loop3A_718 = arith.addf %parallel_loop3A_712, %parallel_loop3A_716 : vector<32xbf16>
        %parallel_loop3A_719 = arith.mulf %parallel_loop3A_716, %parallel_loop3A_716 : vector<32xbf16>
        %parallel_loop3A_720 = arith.addf %parallel_loop3A_714, %parallel_loop3A_719 : vector<32xbf16>
        %parallel_loop3A_721 = tpu.vector_load_idx %arg12[%parallel_loop3A_493] : memref<10000xi32, #tpu.memory_space<vmem>>[vector<16xi32>], vector<16xi32>,
        %parallel_loop3A_722 = vector.bitcast %parallel_loop3A_721 : vector<16xi32> to vector<32xbf16>
        %parallel_loop3A_723 = arith.maximumf %parallel_loop3A_717, %parallel_loop3A_722 : vector<32xbf16>
        %parallel_loop3A_724 = arith.addf %parallel_loop3A_718, %parallel_loop3A_722 : vector<32xbf16>
        %parallel_loop3A_725 = arith.mulf %parallel_loop3A_722, %parallel_loop3A_722 : vector<32xbf16>
        %parallel_loop3A_726 = arith.addf %parallel_loop3A_720, %parallel_loop3A_725 : vector<32xbf16>
        %parallel_loop3A_727 = tpu.vector_load_idx %arg12[%parallel_loop3A_496] : memref<10000xi32, #tpu.memory_space<vmem>>[vector<16xi32>], vector<16xi32>,
        %parallel_loop3A_728 = vector.bitcast %parallel_loop3A_727 : vector<16xi32> to vector<32xbf16>
        %parallel_loop3A_729 = arith.maximumf %parallel_loop3A_723, %parallel_loop3A_728 : vector<32xbf16>
        %parallel_loop3A_730 = arith.addf %parallel_loop3A_724, %parallel_loop3A_728 : vector<32xbf16>
        %parallel_loop3A_731 = arith.mulf %parallel_loop3A_728, %parallel_loop3A_728 : vector<32xbf16>
        %parallel_loop3A_732 = arith.addf %parallel_loop3A_726, %parallel_loop3A_731 : vector<32xbf16>
        %parallel_loop3A_733 = tpu.vector_load_idx %arg12[%parallel_loop3A_503] : memref<10000xi32, #tpu.memory_space<vmem>>[vector<16xi32>], vector<16xi32>,
        %parallel_loop3A_734 = vector.bitcast %parallel_loop3A_733 : vector<16xi32> to vector<32xbf16>
        %parallel_loop3A_735 = arith.maximumf %parallel_loop3A_729, %parallel_loop3A_734 : vector<32xbf16>
        %parallel_loop3A_736 = arith.addf %parallel_loop3A_730, %parallel_loop3A_734 : vector<32xbf16>
        %parallel_loop3A_737 = arith.mulf %parallel_loop3A_734, %parallel_loop3A_734 : vector<32xbf16>
        %parallel_loop3A_738 = arith.addf %parallel_loop3A_732, %parallel_loop3A_737 : vector<32xbf16>
        %parallel_loop3A_739 = tpu.vector_load_idx %arg12[%parallel_loop3A_506] : memref<10000xi32, #tpu.memory_space<vmem>>[vector<16xi32>], vector<16xi32>,
        %parallel_loop3A_740 = vector.bitcast %parallel_loop3A_739 : vector<16xi32> to vector<32xbf16>
        %parallel_loop3A_741 = arith.maximumf %parallel_loop3A_735, %parallel_loop3A_740 : vector<32xbf16>
        %parallel_loop3A_742 = arith.addf %parallel_loop3A_736, %parallel_loop3A_740 : vector<32xbf16>
        %parallel_loop3A_743 = arith.mulf %parallel_loop3A_740, %parallel_loop3A_740 : vector<32xbf16>
        %parallel_loop3A_744 = arith.addf %parallel_loop3A_738, %parallel_loop3A_743 : vector<32xbf16>
        %parallel_loop3A_745 = tpu.vector_load_idx %arg12[%parallel_loop3A_513] : memref<10000xi32, #tpu.memory_space<vmem>>[vector<16xi32>], vector<16xi32>,
        %parallel_loop3A_746 = vector.bitcast %parallel_loop3A_745 : vector<16xi32> to vector<32xbf16>
        %parallel_loop3A_747 = arith.maximumf %parallel_loop3A_741, %parallel_loop3A_746 : vector<32xbf16>
        %parallel_loop3A_748 = arith.addf %parallel_loop3A_742, %parallel_loop3A_746 : vector<32xbf16>
        %parallel_loop3A_749 = arith.mulf %parallel_loop3A_746, %parallel_loop3A_746 : vector<32xbf16>
        %parallel_loop3A_750 = arith.addf %parallel_loop3A_744, %parallel_loop3A_749 : vector<32xbf16>
        %parallel_loop3A_751 = tpu.vector_load_idx %arg12[%parallel_loop3A_516] : memref<10000xi32, #tpu.memory_space<vmem>>[vector<16xi32>], vector<16xi32>,
        %parallel_loop3A_752 = vector.bitcast %parallel_loop3A_751 : vector<16xi32> to vector<32xbf16>
        %parallel_loop3A_753 = arith.maximumf %parallel_loop3A_747, %parallel_loop3A_752 : vector<32xbf16>
        %parallel_loop3A_754 = arith.addf %parallel_loop3A_748, %parallel_loop3A_752 : vector<32xbf16>
        %parallel_loop3A_755 = arith.mulf %parallel_loop3A_752, %parallel_loop3A_752 : vector<32xbf16>
        %parallel_loop3A_756 = arith.addf %parallel_loop3A_750, %parallel_loop3A_755 : vector<32xbf16>
        %parallel_loop3A_757 = tpu.vector_load_idx %arg12[%parallel_loop3A_523] : memref<10000xi32, #tpu.memory_space<vmem>>[vector<16xi32>], vector<16xi32>,
        %parallel_loop3A_758 = vector.bitcast %parallel_loop3A_757 : vector<16xi32> to vector<32xbf16>
        %parallel_loop3A_759 = arith.maximumf %parallel_loop3A_753, %parallel_loop3A_758 : vector<32xbf16>
        %parallel_loop3A_760 = arith.addf %parallel_loop3A_754, %parallel_loop3A_758 : vector<32xbf16>
        %parallel_loop3A_761 = arith.mulf %parallel_loop3A_758, %parallel_loop3A_758 : vector<32xbf16>
        %parallel_loop3A_762 = arith.addf %parallel_loop3A_756, %parallel_loop3A_761 : vector<32xbf16>
        %parallel_loop3A_763 = tpu.vector_load_idx %arg12[%parallel_loop3A_526] : memref<10000xi32, #tpu.memory_space<vmem>>[vector<16xi32>], vector<16xi32>,
        %parallel_loop3A_764 = vector.bitcast %parallel_loop3A_763 : vector<16xi32> to vector<32xbf16>
        %parallel_loop3A_765 = arith.maximumf %parallel_loop3A_759, %parallel_loop3A_764 : vector<32xbf16>
        %parallel_loop3A_766 = arith.addf %parallel_loop3A_760, %parallel_loop3A_764 : vector<32xbf16>
        %parallel_loop3A_767 = arith.mulf %parallel_loop3A_764, %parallel_loop3A_764 : vector<32xbf16>
        %parallel_loop3A_768 = arith.addf %parallel_loop3A_762, %parallel_loop3A_767 : vector<32xbf16>
        %parallel_loop3A_769 = vector.bitcast %parallel_loop3A_668 : vector<16xi32> to vector<32xbf16>
        %parallel_loop3A_770 = arith.addf %parallel_loop3A_769, %parallel_loop3A_765 : vector<32xbf16>
        %parallel_loop3A_771 = vector.bitcast %parallel_loop3A_770 : vector<32xbf16> to vector<16xi32>
        %parallel_loop3A_772 = arith.constant 1 : i32
        %parallel_loop3A_773 = arith.index_cast %and3A_298 : i32 to index
        %parallel_loop3A_774 = arith.index_cast %parallel_loop3A_772 : i32 to index
        %parallel_loop3A_775 = arith.index_cast %parallel_loop3A_446 : i32 to index
        %parallel_loop3A_776 = tpu.vector_load %arg15[%parallel_loop3A_773, %parallel_loop3A_774, %parallel_loop3A_775] {strides = array<i32>} : memref<2x2x2000xi32, #tpu.memory_space<vmem>>, vector<16xi32>,
        tpu.vector_store %arg15[%parallel_loop3A_773, %parallel_loop3A_774, %parallel_loop3A_775], %parallel_loop3A_771 {strides = array<i32>} : memref<2x2x2000xi32, #tpu.memory_space<vmem>>, vector<16xi32>,
        %parallel_loop3A_777 = vector.bitcast %parallel_loop3A_766 : vector<32xbf16> to vector<16xi32>
        %parallel_loop3A_778 = arith.constant 16 : i32
        %parallel_loop3A_779 = vector.broadcast %parallel_loop3A_778 : i32 to vector<16xi32>
        %parallel_loop3A_780 = arith.shli %parallel_loop3A_777, %parallel_loop3A_779 : vector<16xi32>
        %parallel_loop3A_781 = vector.bitcast %parallel_loop3A_780 : vector<16xi32> to vector<16xf32>
        %parallel_loop3A_782 = vector.broadcast %squeeze3A_5 : i32 to vector<16xi32>
        %parallel_loop3A_783 = arith.andi %parallel_loop3A_777, %parallel_loop3A_782 : vector<16xi32>
        %parallel_loop3A_784 = vector.bitcast %parallel_loop3A_783 : vector<16xi32> to vector<16xf32>
        %parallel_loop3A_785 = vector.bitcast %parallel_loop3A_768 : vector<32xbf16> to vector<16xi32>
        %parallel_loop3A_786 = arith.addf %parallel_loop3A_439, %parallel_loop3A_781 : vector<16xf32>
        %parallel_loop3A_787 = arith.addf %parallel_loop3A_440, %parallel_loop3A_784 : vector<16xf32>
        %parallel_loop3A_788 = arith.mulf %parallel_loop3A_672, %parallel_loop3A_781 : vector<16xf32>
        %parallel_loop3A_789 = arith.addf %parallel_loop3A_441, %parallel_loop3A_788 : vector<16xf32>
        %parallel_loop3A_790 = arith.mulf %parallel_loop3A_675, %parallel_loop3A_784 : vector<16xf32>
        %parallel_loop3A_791 = arith.addf %parallel_loop3A_442, %parallel_loop3A_790 : vector<16xf32>
        %parallel_loop3A_792 = arith.constant 16 : i32
        %parallel_loop3A_793 = vector.broadcast %parallel_loop3A_792 : i32 to vector<16xi32>
        %parallel_loop3A_794 = arith.shli %parallel_loop3A_785, %parallel_loop3A_793 : vector<16xi32>
        %parallel_loop3A_795 = vector.bitcast %parallel_loop3A_794 : vector<16xi32> to vector<16xf32>
        %parallel_loop3A_796 = arith.addf %parallel_loop3A_443, %parallel_loop3A_795 : vector<16xf32>
        %parallel_loop3A_797 = vector.broadcast %squeeze3A_5 : i32 to vector<16xi32>
        %parallel_loop3A_798 = arith.andi %parallel_loop3A_785, %parallel_loop3A_797 : vector<16xi32>
        %parallel_loop3A_799 = vector.bitcast %parallel_loop3A_798 : vector<16xi32> to vector<16xf32>
        %parallel_loop3A_800 = arith.addf %parallel_loop3A_444, %parallel_loop3A_799 : vector<16xf32>
        scf.yield %parallel_loop3A_649, %parallel_loop3A_650, %parallel_loop3A_652, %parallel_loop3A_654, %parallel_loop3A_659, %parallel_loop3A_663, %parallel_loop3A_786, %parallel_loop3A_787, %parallel_loop3A_789, %parallel_loop3A_791, %parallel_loop3A_796, %parallel_loop3A_800 : vector<16xf32>, vector<16xf32>, vector<16xf32>, vector<16xf32>, vector<16xf32>, vector<16xf32>, vector<16xf32>, vector<16xf32>, vector<16xf32>, vector<16xf32>, vector<16xf32>, vector<16xf32>
      } {sc.loop_unroll_factor = 2 : i64, sc.parallel_access}
      %swap3A_344 = arith.constant 0 : i32
      %swap3A_345 = arith.constant 0 : i32
      %swap3A_346 = arith.index_cast %swap3A_344 : i32 to index
      %swap3A_347 = arith.index_cast %swap3A_345 : i32 to index
      %swap3A_348 = arith.constant 0 : index
      %swap3A_349 = tpu.vector_load %arg16[%swap3A_346, %swap3A_347, %swap3A_348] {strides = array<i32>} : memref<3x4x16xf32, #tpu.memory_space<vmem>>, vector<16xf32>,
      tpu.vector_store %arg16[%swap3A_346, %swap3A_347, %swap3A_348], %parallel_loop3A_343#0 {add = true, strides = array<i32>} : memref<3x4x16xf32, #tpu.memory_space<vmem>>, vector<16xf32>,
      %swap3A_350 = arith.constant 0 : i32
      %swap3A_351 = arith.constant 2 : i32
      %swap3A_352 = arith.index_cast %swap3A_350 : i32 to index
      %swap3A_353 = arith.index_cast %swap3A_351 : i32 to index
      %swap3A_354 = arith.constant 0 : index
      %swap3A_355 = tpu.vector_load %arg16[%swap3A_352, %swap3A_353, %swap3A_354] {strides = array<i32>} : memref<3x4x16xf32, #tpu.memory_space<vmem>>, vector<16xf32>,
      tpu.vector_store %arg16[%swap3A_352, %swap3A_353, %swap3A_354], %parallel_loop3A_343#1 {add = true, strides = array<i32>} : memref<3x4x16xf32, #tpu.memory_space<vmem>>, vector<16xf32>,
      %swap3A_356 = arith.constant 1 : i32
      %swap3A_357 = arith.constant 0 : i32
      %swap3A_358 = arith.index_cast %swap3A_356 : i32 to index
      %swap3A_359 = arith.index_cast %swap3A_357 : i32 to index
      %swap3A_360 = arith.constant 0 : index
      %swap3A_361 = tpu.vector_load %arg16[%swap3A_358, %swap3A_359, %swap3A_360] {strides = array<i32>} : memref<3x4x16xf32, #tpu.memory_space<vmem>>, vector<16xf32>,
      tpu.vector_store %arg16[%swap3A_358, %swap3A_359, %swap3A_360], %parallel_loop3A_343#2 {add = true, strides = array<i32>} : memref<3x4x16xf32, #tpu.memory_space<vmem>>, vector<16xf32>,
      %swap3A_362 = arith.constant 1 : i32
      %swap3A_363 = arith.constant 2 : i32
      %swap3A_364 = arith.index_cast %swap3A_362 : i32 to index
      %swap3A_365 = arith.index_cast %swap3A_363 : i32 to index
      %swap3A_366 = arith.constant 0 : index
      %swap3A_367 = tpu.vector_load %arg16[%swap3A_364, %swap3A_365, %swap3A_366] {strides = array<i32>} : memref<3x4x16xf32, #tpu.memory_space<vmem>>, vector<16xf32>,
      tpu.vector_store %arg16[%swap3A_364, %swap3A_365, %swap3A_366], %parallel_loop3A_343#3 {add = true, strides = array<i32>} : memref<3x4x16xf32, #tpu.memory_space<vmem>>, vector<16xf32>,
      %swap3A_368 = arith.constant 2 : i32
      %swap3A_369 = arith.constant 0 : i32
      %swap3A_370 = arith.index_cast %swap3A_368 : i32 to index
      %swap3A_371 = arith.index_cast %swap3A_369 : i32 to index
      %swap3A_372 = arith.constant 0 : index
      %swap3A_373 = tpu.vector_load %arg16[%swap3A_370, %swap3A_371, %swap3A_372] {strides = array<i32>} : memref<3x4x16xf32, #tpu.memory_space<vmem>>, vector<16xf32>,
      tpu.vector_store %arg16[%swap3A_370, %swap3A_371, %swap3A_372], %parallel_loop3A_343#4 {add = true, strides = array<i32>} : memref<3x4x16xf32, #tpu.memory_space<vmem>>, vector<16xf32>,
      %swap3A_374 = arith.constant 2 : i32
      %swap3A_375 = arith.constant 2 : i32
      %swap3A_376 = arith.index_cast %swap3A_374 : i32 to index
      %swap3A_377 = arith.index_cast %swap3A_375 : i32 to index
      %swap3A_378 = arith.constant 0 : index
      %swap3A_379 = tpu.vector_load %arg16[%swap3A_376, %swap3A_377, %swap3A_378] {strides = array<i32>} : memref<3x4x16xf32, #tpu.memory_space<vmem>>, vector<16xf32>,
      tpu.vector_store %arg16[%swap3A_376, %swap3A_377, %swap3A_378], %parallel_loop3A_343#5 {add = true, strides = array<i32>} : memref<3x4x16xf32, #tpu.memory_space<vmem>>, vector<16xf32>,
      %swap3A_380 = arith.constant 0 : i32
      %swap3A_381 = arith.constant 1 : i32
      %swap3A_382 = arith.index_cast %swap3A_380 : i32 to index
      %swap3A_383 = arith.index_cast %swap3A_381 : i32 to index
      %swap3A_384 = arith.constant 0 : index
      %swap3A_385 = tpu.vector_load %arg16[%swap3A_382, %swap3A_383, %swap3A_384] {strides = array<i32>} : memref<3x4x16xf32, #tpu.memory_space<vmem>>, vector<16xf32>,
      tpu.vector_store %arg16[%swap3A_382, %swap3A_383, %swap3A_384], %parallel_loop3A_343#6 {add = true, strides = array<i32>} : memref<3x4x16xf32, #tpu.memory_space<vmem>>, vector<16xf32>,
      %swap3A_386 = arith.constant 0 : i32
      %swap3A_387 = arith.constant 3 : i32
      %swap3A_388 = arith.index_cast %swap3A_386 : i32 to index
      %swap3A_389 = arith.index_cast %swap3A_387 : i32 to index
      %swap3A_390 = arith.constant 0 : index
      %swap3A_391 = tpu.vector_load %arg16[%swap3A_388, %swap3A_389, %swap3A_390] {strides = array<i32>} : memref<3x4x16xf32, #tpu.memory_space<vmem>>, vector<16xf32>,
      tpu.vector_store %arg16[%swap3A_388, %swap3A_389, %swap3A_390], %parallel_loop3A_343#7 {add = true, strides = array<i32>} : memref<3x4x16xf32, #tpu.memory_space<vmem>>, vector<16xf32>,
      %swap3A_392 = arith.constant 1 : i32
      %swap3A_393 = arith.constant 1 : i32
      %swap3A_394 = arith.index_cast %swap3A_392 : i32 to index
      %swap3A_395 = arith.index_cast %swap3A_393 : i32 to index
      %swap3A_396 = arith.constant 0 : index
      %swap3A_397 = tpu.vector_load %arg16[%swap3A_394, %swap3A_395, %swap3A_396] {strides = array<i32>} : memref<3x4x16xf32, #tpu.memory_space<vmem>>, vector<16xf32>,
      tpu.vector_store %arg16[%swap3A_394, %swap3A_395, %swap3A_396], %parallel_loop3A_343#8 {add = true, strides = array<i32>} : memref<3x4x16xf32, #tpu.memory_space<vmem>>, vector<16xf32>,
      %swap3A_398 = arith.constant 1 : i32
      %swap3A_399 = arith.constant 3 : i32
      %swap3A_400 = arith.index_cast %swap3A_398 : i32 to index
      %swap3A_401 = arith.index_cast %swap3A_399 : i32 to index
      %swap3A_402 = arith.constant 0 : index
      %swap3A_403 = tpu.vector_load %arg16[%swap3A_400, %swap3A_401, %swap3A_402] {strides = array<i32>} : memref<3x4x16xf32, #tpu.memory_space<vmem>>, vector<16xf32>,
      tpu.vector_store %arg16[%swap3A_400, %swap3A_401, %swap3A_402], %parallel_loop3A_343#9 {add = true, strides = array<i32>} : memref<3x4x16xf32, #tpu.memory_space<vmem>>, vector<16xf32>,
      %swap3A_404 = arith.constant 2 : i32
      %swap3A_405 = arith.constant 1 : i32
      %swap3A_406 = arith.index_cast %swap3A_404 : i32 to index
      %swap3A_407 = arith.index_cast %swap3A_405 : i32 to index
      %swap3A_408 = arith.constant 0 : index
      %swap3A_409 = tpu.vector_load %arg16[%swap3A_406, %swap3A_407, %swap3A_408] {strides = array<i32>} : memref<3x4x16xf32, #tpu.memory_space<vmem>>, vector<16xf32>,
      tpu.vector_store %arg16[%swap3A_406, %swap3A_407, %swap3A_408], %parallel_loop3A_343#10 {add = true, strides = array<i32>} : memref<3x4x16xf32, #tpu.memory_space<vmem>>, vector<16xf32>,
      %swap3A_410 = arith.constant 2 : i32
      %swap3A_411 = arith.constant 3 : i32
      %swap3A_412 = arith.index_cast %swap3A_410 : i32 to index
      %swap3A_413 = arith.index_cast %swap3A_411 : i32 to index
      %swap3A_414 = arith.constant 0 : index
      %swap3A_415 = tpu.vector_load %arg16[%swap3A_412, %swap3A_413, %swap3A_414] {strides = array<i32>} : memref<3x4x16xf32, #tpu.memory_space<vmem>>, vector<16xf32>,
      tpu.vector_store %arg16[%swap3A_412, %swap3A_413, %swap3A_414], %parallel_loop3A_343#11 {add = true, strides = array<i32>} : memref<3x4x16xf32, #tpu.memory_space<vmem>>, vector<16xf32>,
      %mul3A_416 = arith.constant 2000 : i32
      %mul3A_417 = arith.muli %scan3A_296, %mul3A_416 : i32
      %dma_start3A_418 = arith.constant 1 : i32
      %dma_start3A_419 = arith.constant 0 : i32
      %dma_start3A_420 = arith.constant 0 : i32
      %dma_start3A_421 = tpu.memref_slice %arg15[%and3A_298, %dma_start3A_419, %dma_start3A_420] : memref<2x2x2000xi32, #tpu.memory_space<vmem>> -> memref<1x2x2000xi32, #tpu.memory_space<vmem>>
      %dma_start3A_422 = tpu.memref_squeeze %dma_start3A_421 : memref<1x2x2000xi32, #tpu.memory_space<vmem>> -> memref<2x2000xi32, #tpu.memory_space<vmem>>
      %dma_start3A_423 = tpu.memref_slice %arg7[%dma_start3A_418, %mul3A_8, %mul3A_417] : memref<2x64x10000xi32, #tpu.memory_space<hbm>> -> memref<1x2x2000xi32, #tpu.memory_space<hbm>>
      %dma_start3A_424 = tpu.memref_squeeze %dma_start3A_423 : memref<1x2x2000xi32, #tpu.memory_space<hbm>> -> memref<2x2000xi32, #tpu.memory_space<hbm>>
      %dma_start3A_425 = tpu.memref_slice %arg7[%dma_start3A_418, %mul3A_8, %mul3A_417] : memref<2x64x10000xi32, #tpu.memory_space<hbm>> -> memref<1x2x2000xi32, #tpu.memory_space<hbm>>
      %dma_start3A_426 = tpu.memref_squeeze %dma_start3A_425 : memref<1x2x2000xi32, #tpu.memory_space<hbm>> -> memref<2x2000xi32, #tpu.memory_space<hbm>>
      %dma_start3A_427 = arith.constant 0 : i32
      %dma_start3A_428 = arith.constant 0 : i32
      %dma_start3A_429 = tpu.memref_slice %arg15[%and3A_298, %dma_start3A_427, %dma_start3A_428] : memref<2x2x2000xi32, #tpu.memory_space<vmem>> -> memref<1x2x2000xi32, #tpu.memory_space<vmem>>
      %dma_start3A_430 = tpu.memref_squeeze %dma_start3A_429 : memref<1x2x2000xi32, #tpu.memory_space<vmem>> -> memref<2x2000xi32, #tpu.memory_space<vmem>>
      tpu.enqueue_dma source(%dma_start3A_430 : memref<2x2000xi32, #tpu.memory_space<vmem>>) target(%dma_start3A_426 : memref<2x2000xi32, #tpu.memory_space<hbm>>) target_semaphore(%arg19 : memref<!tpu.dma_semaphore, #tpu.memory_space<semaphore_mem>>)
      %scan3A_431 = arith.constant 0 : i32
      scf.yield %scan3A_431 : i32
    }
    %scan3A_263 = arith.constant 5 : i32
    %dma_wait3A_264 = arith.constant 1 : i32
    %dma_wait3A_265 = arith.constant 1 : i32
    %dma_wait3A_266 = arith.constant 0 : i32
    %dma_wait3A_267 = arith.constant 0 : i32
    %dma_wait3A_268 = tpu.memref_slice %arg15[%dma_wait3A_264, %dma_wait3A_266, %dma_wait3A_267] : memref<2x2x2000xi32, #tpu.memory_space<vmem>> -> memref<1x2x2000xi32, #tpu.memory_space<vmem>>
    %dma_wait3A_269 = tpu.memref_squeeze %dma_wait3A_268 : memref<1x2x2000xi32, #tpu.memory_space<vmem>> -> memref<2x2000xi32, #tpu.memory_space<vmem>>
    %dma_wait3A_270 = arith.constant 6000 : i32
    %dma_wait3A_271 = tpu.memref_slice %arg7[%dma_wait3A_265, %mul3A_8, %dma_wait3A_270] : memref<2x64x10000xi32, #tpu.memory_space<hbm>> -> memref<1x2x2000xi32, #tpu.memory_space<hbm>>
    %dma_wait3A_272 = tpu.memref_squeeze %dma_wait3A_271 : memref<1x2x2000xi32, #tpu.memory_space<hbm>> -> memref<2x2000xi32, #tpu.memory_space<hbm>>
    %dma_wait3A_273 = arith.constant 6000 : i32
    %dma_wait3A_274 = tpu.memref_slice %arg7[%dma_wait3A_265, %mul3A_8, %dma_wait3A_273] : memref<2x64x10000xi32, #tpu.memory_space<hbm>> -> memref<1x2x2000xi32, #tpu.memory_space<hbm>>
    %dma_wait3A_275 = tpu.memref_squeeze %dma_wait3A_274 : memref<1x2x2000xi32, #tpu.memory_space<hbm>> -> memref<2x2000xi32, #tpu.memory_space<hbm>>
    %dma_wait3A_276 = arith.constant 0 : i32
    %dma_wait3A_277 = arith.constant 0 : i32
    %dma_wait3A_278 = tpu.memref_slice %arg15[%dma_wait3A_264, %dma_wait3A_276, %dma_wait3A_277] : memref<2x2x2000xi32, #tpu.memory_space<vmem>> -> memref<1x2x2000xi32, #tpu.memory_space<vmem>>
    %dma_wait3A_279 = tpu.memref_squeeze %dma_wait3A_278 : memref<1x2x2000xi32, #tpu.memory_space<vmem>> -> memref<2x2000xi32, #tpu.memory_space<vmem>>
    tpu.wait_dma2 semaphore(%arg19 : memref<!tpu.dma_semaphore, #tpu.memory_space<semaphore_mem>>) src(%dma_wait3A_279 : memref<2x2000xi32, #tpu.memory_space<vmem>>) dst(%dma_wait3A_275 : memref<2x2000xi32, #tpu.memory_space<hbm>>)
    %dma_wait3A_280 = arith.constant 0 : i32
    %dma_wait3A_281 = arith.constant 1 : i32
    %dma_wait3A_282 = arith.constant 0 : i32
    %dma_wait3A_283 = arith.constant 0 : i32
    %dma_wait3A_284 = tpu.memref_slice %arg15[%dma_wait3A_280, %dma_wait3A_282, %dma_wait3A_283] : memref<2x2x2000xi32, #tpu.memory_space<vmem>> -> memref<1x2x2000xi32, #tpu.memory_space<vmem>>
    %dma_wait3A_285 = tpu.memref_squeeze %dma_wait3A_284 : memref<1x2x2000xi32, #tpu.memory_space<vmem>> -> memref<2x2000xi32, #tpu.memory_space<vmem>>
    %dma_wait3A_286 = arith.constant 8000 : i32
    %dma_wait3A_287 = tpu.memref_slice %arg7[%dma_wait3A_281, %mul3A_8, %dma_wait3A_286] : memref<2x64x10000xi32, #tpu.memory_space<hbm>> -> memref<1x2x2000xi32, #tpu.memory_space<hbm>>
    %dma_wait3A_288 = tpu.memref_squeeze %dma_wait3A_287 : memref<1x2x2000xi32, #tpu.memory_space<hbm>> -> memref<2x2000xi32, #tpu.memory_space<hbm>>
    %dma_wait3A_289 = arith.constant 8000 : i32
    %dma_wait3A_290 = tpu.memref_slice %arg7[%dma_wait3A_281, %mul3A_8, %dma_wait3A_289] : memref<2x64x10000xi32, #tpu.memory_space<hbm>> -> memref<1x2x2000xi32, #tpu.memory_space<hbm>>
    %dma_wait3A_291 = tpu.memref_squeeze %dma_wait3A_290 : memref<1x2x2000xi32, #tpu.memory_space<hbm>> -> memref<2x2000xi32, #tpu.memory_space<hbm>>
    %dma_wait3A_292 = arith.constant 0 : i32
    %dma_wait3A_293 = arith.constant 0 : i32
    %dma_wait3A_294 = tpu.memref_slice %arg15[%dma_wait3A_280, %dma_wait3A_292, %dma_wait3A_293] : memref<2x2x2000xi32, #tpu.memory_space<vmem>> -> memref<1x2x2000xi32, #tpu.memory_space<vmem>>
    %dma_wait3A_295 = tpu.memref_squeeze %dma_wait3A_294 : memref<1x2x2000xi32, #tpu.memory_space<vmem>> -> memref<2x2000xi32, #tpu.memory_space<vmem>>
    tpu.wait_dma2 semaphore(%arg19 : memref<!tpu.dma_semaphore, #tpu.memory_space<semaphore_mem>>) src(%dma_wait3A_295 : memref<2x2000xi32, #tpu.memory_space<vmem>>) dst(%dma_wait3A_291 : memref<2x2000xi32, #tpu.memory_space<hbm>>)
    "tpu.region"() ({
      %run_scoped3A = tpu.sem_alloc : memref<!tpu.dma_semaphore, #tpu.memory_space<semaphore_mem>>
      %dma_start3A_296 = arith.constant 0 : i32
      %dma_start3A_297 = arith.constant 0 : i32
      %dma_start3A_298 = arith.constant 0 : i32
      %dma_start3A_299 = tpu.memref_slice %arg8[%add3A, %dma_start3A_296, %dma_start3A_297, %dma_start3A_298] : memref<32x3x4x16xf32, #tpu.memory_space<hbm>> -> memref<1x3x4x16xf32, #tpu.memory_space<hbm>>
      %dma_start3A_300 = tpu.memref_squeeze %dma_start3A_299 : memref<1x3x4x16xf32, #tpu.memory_space<hbm>> -> memref<3x4x16xf32, #tpu.memory_space<hbm>>
      %dma_start3A_301 = arith.constant 0 : i32
      %dma_start3A_302 = arith.constant 0 : i32
      %dma_start3A_303 = arith.constant 0 : i32
      %dma_start3A_304 = tpu.memref_slice %arg8[%add3A, %dma_start3A_301, %dma_start3A_302, %dma_start3A_303] : memref<32x3x4x16xf32, #tpu.memory_space<hbm>> -> memref<1x3x4x16xf32, #tpu.memory_space<hbm>>
      %dma_start3A_305 = tpu.memref_squeeze %dma_start3A_304 : memref<1x3x4x16xf32, #tpu.memory_space<hbm>> -> memref<3x4x16xf32, #tpu.memory_space<hbm>>
      tpu.enqueue_dma source(%arg16 : memref<3x4x16xf32, #tpu.memory_space<vmem>>) target(%dma_start3A_305 : memref<3x4x16xf32, #tpu.memory_space<hbm>>) target_semaphore(%run_scoped3A : memref<!tpu.dma_semaphore, #tpu.memory_space<semaphore_mem>>)
      %dma_wait3A_306 = arith.constant 0 : i32
      %dma_wait3A_307 = arith.constant 0 : i32
      %dma_wait3A_308 = arith.constant 0 : i32
      %dma_wait3A_309 = tpu.memref_slice %arg8[%add3A, %dma_wait3A_306, %dma_wait3A_307, %dma_wait3A_308] : memref<32x3x4x16xf32, #tpu.memory_space<hbm>> -> memref<1x3x4x16xf32, #tpu.memory_space<hbm>>
      %dma_wait3A_310 = tpu.memref_squeeze %dma_wait3A_309 : memref<1x3x4x16xf32, #tpu.memory_space<hbm>> -> memref<3x4x16xf32, #tpu.memory_space<hbm>>
      %dma_wait3A_311 = arith.constant 0 : i32
      %dma_wait3A_312 = arith.constant 0 : i32
      %dma_wait3A_313 = arith.constant 0 : i32
      %dma_wait3A_314 = tpu.memref_slice %arg8[%add3A, %dma_wait3A_311, %dma_wait3A_312, %dma_wait3A_313] : memref<32x3x4x16xf32, #tpu.memory_space<hbm>> -> memref<1x3x4x16xf32, #tpu.memory_space<hbm>>
      %dma_wait3A_315 = tpu.memref_squeeze %dma_wait3A_314 : memref<1x3x4x16xf32, #tpu.memory_space<hbm>> -> memref<3x4x16xf32, #tpu.memory_space<hbm>>
      tpu.wait_dma2 semaphore(%run_scoped3A : memref<!tpu.dma_semaphore, #tpu.memory_space<semaphore_mem>>) src(%arg16 : memref<3x4x16xf32, #tpu.memory_space<vmem>>) dst(%dma_wait3A_315 : memref<3x4x16xf32, #tpu.memory_space<hbm>>)
      tpu.yield
    }) : () -> ()
    return
  }
}

module attributes {stable_mosaic.version = 14 : i64} {
  func.func @_tc1a_body(%arg0: i32, %arg1: i32, %arg2: memref<1x128x10000xf32, #tpu.memory_space<vmem>>, %arg3: memref<32x256xf32, #tpu.memory_space<vmem>>, %arg4: memref<32x256xf32, #tpu.memory_space<vmem>>, %arg5: memref<1x32x10000xi32, #tpu.memory_space<vmem>>, %arg6: memref<1x32x10000xi32, #tpu.memory_space<vmem>>, %arg7: memref<32x2xf32, #tpu.memory_space<vmem>>, %arg8: memref<32x2xf32, #tpu.memory_space<vmem>>) attributes {dimension_semantics = [#tpu.dimension_semantics<arbitrary>, #tpu.dimension_semantics<arbitrary>], iteration_bounds = array<i64: 2, 2>, scalar_prefetch = 0 : i64, scratch_operands = 0 : i64, tpu.core_type = #tpu.core_type<tc>, window_params = [{transform_indices = @transform_0, window_bounds = array<i64: 1, 128, 10000>}, {transform_indices = @transform_1, window_bounds = array<i64: 32, 256>}, {transform_indices = @transform_2, window_bounds = array<i64: 32, 256>}, {transform_indices = @transform_3, window_bounds = array<i64: 1, 32, 10000>}, {transform_indices = @transform_4, window_bounds = array<i64: 1, 32, 10000>}, {transform_indices = @transform_5, window_bounds = array<i64: 32, 2>}, {transform_indices = @transform_6, window_bounds = array<i64: 32, 2>}]} {
    %get3A = arith.constant 0 : index
    %get3A_0 = arith.constant 0 : index
    %get3A_1 = arith.constant 0 : index
    %get3A_2 = vector.load %arg2[%get3A, %get3A_0, %get3A_1] : memref<1x128x10000xf32, #tpu.memory_space<vmem>>, vector<1x128x10000xf32>
    %get3A_3 = vector.shape_cast %get3A_2 : vector<1x128x10000xf32> to vector<128x10000xf32>
    %get3A_4 = arith.constant 0 : index
    %get3A_5 = arith.constant 0 : index
    %get3A_6 = vector.load %arg3[%get3A_4, %get3A_5] : memref<32x256xf32, #tpu.memory_space<vmem>>, vector<32x128xf32>
    %dot_general3A = arith.constant dense<0.000000e+00> : vector<32x10000xf32>
    %dot_general3A_7 = tpu.matmul %get3A_6, %get3A_3, %dot_general3A {dimension_numbers = #tpu.dot_dimension_numbers<[1], [0], [0], [1], [0, 0, 1, 1], [], []>, transpose_lhs_hint = false} : vector<32x128xf32>, vector<128x10000xf32>, vector<32x10000xf32> -> vector<32x10000xf32>
    %get3A_8 = arith.constant 0 : index
    %get3A_9 = arith.constant 0 : index
    %get3A_10 = vector.load %arg4[%get3A_8, %get3A_9] : memref<32x256xf32, #tpu.memory_space<vmem>>, vector<32x128xf32>
    %dot_general3A_11 = arith.constant dense<0.000000e+00> : vector<32x10000xf32>
    %dot_general3A_12 = tpu.matmul %get3A_10, %get3A_3, %dot_general3A_11 {dimension_numbers = #tpu.dot_dimension_numbers<[1], [0], [0], [1], [0, 0, 1, 1], [], []>, transpose_lhs_hint = false} : vector<32x128xf32>, vector<128x10000xf32>, vector<32x10000xf32> -> vector<32x10000xf32>
    %get3A_13 = arith.constant 0 : index
    %get3A_14 = arith.constant 128 : index
    %get3A_15 = vector.load %arg3[%get3A_13, %get3A_14] : memref<32x256xf32, #tpu.memory_space<vmem>>, vector<32x128xf32>
    %dot_general3A_16 = arith.constant dense<0.000000e+00> : vector<32x10000xf32>
    %dot_general3A_17 = tpu.matmul %get3A_15, %get3A_3, %dot_general3A_16 {dimension_numbers = #tpu.dot_dimension_numbers<[1], [0], [0], [1], [0, 0, 1, 1], [], []>, transpose_lhs_hint = false} : vector<32x128xf32>, vector<128x10000xf32>, vector<32x10000xf32> -> vector<32x10000xf32>
    %get3A_18 = arith.constant 0 : index
    %get3A_19 = arith.constant 128 : index
    %get3A_20 = vector.load %arg4[%get3A_18, %get3A_19] : memref<32x256xf32, #tpu.memory_space<vmem>>, vector<32x128xf32>
    %dot_general3A_21 = arith.constant dense<0.000000e+00> : vector<32x10000xf32>
    %dot_general3A_22 = tpu.matmul %get3A_20, %get3A_3, %dot_general3A_21 {dimension_numbers = #tpu.dot_dimension_numbers<[1], [0], [0], [1], [0, 0, 1, 1], [], []>, transpose_lhs_hint = false} : vector<32x128xf32>, vector<128x10000xf32>, vector<32x10000xf32> -> vector<32x10000xf32>
    %convert_element_type3A = arith.truncf %dot_general3A_7 : vector<32x10000xf32> to vector<32x10000xbf16>
    %bitcast_convert_type3A = tpu.bitcast %convert_element_type3A : vector<32x10000xbf16> -> vector<32x10000xi16>
    %convert_element_type3A_23 = arith.extui %bitcast_convert_type3A : vector<32x10000xi16> to vector<32x10000xi32>
    %convert_element_type3A_24 = arith.truncf %dot_general3A_12 : vector<32x10000xf32> to vector<32x10000xbf16>
    %bitcast_convert_type3A_25 = tpu.bitcast %convert_element_type3A_24 : vector<32x10000xbf16> -> vector<32x10000xi16>
    %convert_element_type3A_26 = arith.extui %bitcast_convert_type3A_25 : vector<32x10000xi16> to vector<32x10000xi32>
    %shift_left3A = arith.constant 16 : i32
    %shift_left3A_27 = vector.broadcast %shift_left3A : i32 to vector<32x10000xi32>
    %shift_left3A_28 = arith.shli %convert_element_type3A_26, %shift_left3A_27 : vector<32x10000xi32>
    %or3A = arith.ori %convert_element_type3A_23, %shift_left3A_28 : vector<32x10000xi32>
    %bitcast_convert_type3A_29 = tpu.bitcast %or3A : vector<32x10000xi32> -> vector<32x10000xi32>
    %swap3A = arith.constant 0 : index
    %swap3A_30 = arith.constant 0 : index
    %swap3A_31 = arith.constant 0 : index
    %swap3A_32 = vector.load %arg5[%swap3A, %swap3A_30, %swap3A_31] : memref<1x32x10000xi32, #tpu.memory_space<vmem>>, vector<1x32x10000xi32>
    %swap3A_33 = vector.shape_cast %swap3A_32 : vector<1x32x10000xi32> to vector<32x10000xi32>
    %swap3A_34 = vector.shape_cast %bitcast_convert_type3A_29 : vector<32x10000xi32> to vector<1x32x10000xi32>
    tpu.vector_store %arg5[%swap3A, %swap3A_30, %swap3A_31], %swap3A_34 {strides = array<i32>} : memref<1x32x10000xi32, #tpu.memory_space<vmem>>, vector<1x32x10000xi32>,
    %convert_element_type3A_35 = arith.truncf %dot_general3A_17 : vector<32x10000xf32> to vector<32x10000xbf16>
    %bitcast_convert_type3A_36 = tpu.bitcast %convert_element_type3A_35 : vector<32x10000xbf16> -> vector<32x10000xi16>
    %convert_element_type3A_37 = arith.extui %bitcast_convert_type3A_36 : vector<32x10000xi16> to vector<32x10000xi32>
    %convert_element_type3A_38 = arith.truncf %dot_general3A_22 : vector<32x10000xf32> to vector<32x10000xbf16>
    %bitcast_convert_type3A_39 = tpu.bitcast %convert_element_type3A_38 : vector<32x10000xbf16> -> vector<32x10000xi16>
    %convert_element_type3A_40 = arith.extui %bitcast_convert_type3A_39 : vector<32x10000xi16> to vector<32x10000xi32>
    %shift_left3A_41 = arith.constant 16 : i32
    %shift_left3A_42 = vector.broadcast %shift_left3A_41 : i32 to vector<32x10000xi32>
    %shift_left3A_43 = arith.shli %convert_element_type3A_40, %shift_left3A_42 : vector<32x10000xi32>
    %or3A_44 = arith.ori %convert_element_type3A_37, %shift_left3A_43 : vector<32x10000xi32>
    %bitcast_convert_type3A_45 = tpu.bitcast %or3A_44 : vector<32x10000xi32> -> vector<32x10000xi32>
    %swap3A_46 = arith.constant 0 : index
    %swap3A_47 = arith.constant 0 : index
    %swap3A_48 = arith.constant 0 : index
    %swap3A_49 = vector.load %arg6[%swap3A_46, %swap3A_47, %swap3A_48] : memref<1x32x10000xi32, #tpu.memory_space<vmem>>, vector<1x32x10000xi32>
    %swap3A_50 = vector.shape_cast %swap3A_49 : vector<1x32x10000xi32> to vector<32x10000xi32>
    %swap3A_51 = vector.shape_cast %bitcast_convert_type3A_45 : vector<32x10000xi32> to vector<1x32x10000xi32>
    tpu.vector_store %arg6[%swap3A_46, %swap3A_47, %swap3A_48], %swap3A_51 {strides = array<i32>} : memref<1x32x10000xi32, #tpu.memory_space<vmem>>, vector<1x32x10000xi32>,
    %eq3A = arith.constant 0 : i32
    %eq3A_52 = arith.cmpi eq, %arg0, %eq3A : i32
    %convert_element_type3A_53 = arith.extui %eq3A_52 : i1 to i32
    %cond3A = arith.constant 0 : i32
    %cond3A_54 = arith.cmpi ne, %convert_element_type3A_53, %cond3A : i32
    scf.if %cond3A_54 {
      %broadcast_in_dim3A_93 = arith.constant 0.000000e+00 : f32
      %broadcast_in_dim3A_94 = vector.broadcast %broadcast_in_dim3A_93 : f32 to vector<32x2xf32>
      %swap3A_95 = arith.constant 0 : index
      %swap3A_96 = arith.constant 0 : index
      %swap3A_97 = vector.load %arg7[%swap3A_95, %swap3A_96] : memref<32x2xf32, #tpu.memory_space<vmem>>, vector<32x2xf32>
      tpu.vector_store %arg7[%swap3A_95, %swap3A_96], %broadcast_in_dim3A_94 {strides = array<i32>} : memref<32x2xf32, #tpu.memory_space<vmem>>, vector<32x2xf32>,
      %broadcast_in_dim3A_98 = arith.constant 0.000000e+00 : f32
      %broadcast_in_dim3A_99 = vector.broadcast %broadcast_in_dim3A_98 : f32 to vector<32x2xf32>
      %swap3A_100 = arith.constant 0 : index
      %swap3A_101 = arith.constant 0 : index
      %swap3A_102 = vector.load %arg8[%swap3A_100, %swap3A_101] : memref<32x2xf32, #tpu.memory_space<vmem>>, vector<32x2xf32>
      tpu.vector_store %arg8[%swap3A_100, %swap3A_101], %broadcast_in_dim3A_99 {strides = array<i32>} : memref<32x2xf32, #tpu.memory_space<vmem>>, vector<32x2xf32>,
    } else {
    }
    %get3A_55 = arith.constant 0 : index
    %get3A_56 = arith.constant 0 : index
    %get3A_57 = vector.load %arg7[%get3A_55, %get3A_56] : memref<32x2xf32, #tpu.memory_space<vmem>>, vector<32x1xf32>
    %reduce_sum3A = arith.constant dense<0.000000e+00> : vector<32xf32>
    %reduce_sum3A_58 = vector.multi_reduction <add>, %dot_general3A_7, %reduce_sum3A [1] : vector<32x10000xf32> to vector<32xf32>
    %broadcast_in_dim3A = vector.shape_cast %reduce_sum3A_58 : vector<32xf32> to vector<32x1xf32>
    %add3A = arith.addf %get3A_57, %broadcast_in_dim3A : vector<32x1xf32>
    %swap3A_59 = arith.constant 0 : index
    %swap3A_60 = arith.constant 0 : index
    %swap3A_61 = vector.load %arg7[%swap3A_59, %swap3A_60] : memref<32x2xf32, #tpu.memory_space<vmem>>, vector<32x1xf32>
    tpu.vector_store %arg7[%swap3A_59, %swap3A_60], %add3A {strides = array<i32>} : memref<32x2xf32, #tpu.memory_space<vmem>>, vector<32x1xf32>,
    %get3A_62 = arith.constant 0 : index
    %get3A_63 = arith.constant 1 : index
    %get3A_64 = vector.load %arg7[%get3A_62, %get3A_63] : memref<32x2xf32, #tpu.memory_space<vmem>>, vector<32x1xf32>
    %mul3A = arith.mulf %dot_general3A_7, %dot_general3A_7 : vector<32x10000xf32>
    %reduce_sum3A_65 = arith.constant dense<0.000000e+00> : vector<32xf32>
    %reduce_sum3A_66 = vector.multi_reduction <add>, %mul3A, %reduce_sum3A_65 [1] : vector<32x10000xf32> to vector<32xf32>
    %broadcast_in_dim3A_67 = vector.shape_cast %reduce_sum3A_66 : vector<32xf32> to vector<32x1xf32>
    %add3A_68 = arith.addf %get3A_64, %broadcast_in_dim3A_67 : vector<32x1xf32>
    %swap3A_69 = arith.constant 0 : index
    %swap3A_70 = arith.constant 1 : index
    %swap3A_71 = vector.load %arg7[%swap3A_69, %swap3A_70] : memref<32x2xf32, #tpu.memory_space<vmem>>, vector<32x1xf32>
    tpu.vector_store %arg7[%swap3A_69, %swap3A_70], %add3A_68 {strides = array<i32>} : memref<32x2xf32, #tpu.memory_space<vmem>>, vector<32x1xf32>,
    %get3A_72 = arith.constant 0 : index
    %get3A_73 = arith.constant 0 : index
    %get3A_74 = vector.load %arg8[%get3A_72, %get3A_73] : memref<32x2xf32, #tpu.memory_space<vmem>>, vector<32x1xf32>
    %reduce_sum3A_75 = arith.constant dense<0.000000e+00> : vector<32xf32>
    %reduce_sum3A_76 = vector.multi_reduction <add>, %dot_general3A_12, %reduce_sum3A_75 [1] : vector<32x10000xf32> to vector<32xf32>
    %broadcast_in_dim3A_77 = vector.shape_cast %reduce_sum3A_76 : vector<32xf32> to vector<32x1xf32>
    %add3A_78 = arith.addf %get3A_74, %broadcast_in_dim3A_77 : vector<32x1xf32>
    %swap3A_79 = arith.constant 0 : index
    %swap3A_80 = arith.constant 0 : index
    %swap3A_81 = vector.load %arg8[%swap3A_79, %swap3A_80] : memref<32x2xf32, #tpu.memory_space<vmem>>, vector<32x1xf32>
    tpu.vector_store %arg8[%swap3A_79, %swap3A_80], %add3A_78 {strides = array<i32>} : memref<32x2xf32, #tpu.memory_space<vmem>>, vector<32x1xf32>,
    %get3A_82 = arith.constant 0 : index
    %get3A_83 = arith.constant 1 : index
    %get3A_84 = vector.load %arg8[%get3A_82, %get3A_83] : memref<32x2xf32, #tpu.memory_space<vmem>>, vector<32x1xf32>
    %mul3A_85 = arith.mulf %dot_general3A_12, %dot_general3A_12 : vector<32x10000xf32>
    %reduce_sum3A_86 = arith.constant dense<0.000000e+00> : vector<32xf32>
    %reduce_sum3A_87 = vector.multi_reduction <add>, %mul3A_85, %reduce_sum3A_86 [1] : vector<32x10000xf32> to vector<32xf32>
    %broadcast_in_dim3A_88 = vector.shape_cast %reduce_sum3A_87 : vector<32xf32> to vector<32x1xf32>
    %add3A_89 = arith.addf %get3A_84, %broadcast_in_dim3A_88 : vector<32x1xf32>
    %swap3A_90 = arith.constant 0 : index
    %swap3A_91 = arith.constant 1 : index
    %swap3A_92 = vector.load %arg8[%swap3A_90, %swap3A_91] : memref<32x2xf32, #tpu.memory_space<vmem>>, vector<32x1xf32>
    tpu.vector_store %arg8[%swap3A_90, %swap3A_91], %add3A_89 {strides = array<i32>} : memref<32x2xf32, #tpu.memory_space<vmem>>, vector<32x1xf32>,
    return
  }
  func.func @transform_0(%arg0: i32, %arg1: i32) -> (i32, i32, i32) {
    %c0_i32 = arith.constant 0 : i32
    %c0_i32_0 = arith.constant 0 : i32
    %c0_i32_1 = arith.constant 0 : i32
    return %arg0, %c0_i32, %c0_i32_0 : i32, i32, i32
  }
  func.func @transform_1(%arg0: i32, %arg1: i32) -> (i32, i32) {
    %c0_i32 = arith.constant 0 : i32
    %c0_i32_0 = arith.constant 0 : i32
    return %arg1, %c0_i32 : i32, i32
  }
  func.func @transform_2(%arg0: i32, %arg1: i32) -> (i32, i32) {
    %add3A = arith.constant 2 : i32
    %add3A_0 = arith.addi %arg1, %add3A : i32
    %c0_i32 = arith.constant 0 : i32
    %c0_i32_1 = arith.constant 0 : i32
    return %add3A_0, %c0_i32 : i32, i32
  }
  func.func @transform_3(%arg0: i32, %arg1: i32) -> (i32, i32, i32) {
    %c0_i32 = arith.constant 0 : i32
    %c0_i32_0 = arith.constant 0 : i32
    return %arg0, %arg1, %c0_i32 : i32, i32, i32
  }
  func.func @transform_4(%arg0: i32, %arg1: i32) -> (i32, i32, i32) {
    %c0_i32 = arith.constant 0 : i32
    %c0_i32_0 = arith.constant 0 : i32
    return %arg0, %arg1, %c0_i32 : i32, i32, i32
  }
  func.func @transform_5(%arg0: i32, %arg1: i32) -> (i32, i32) {
    %c0_i32 = arith.constant 0 : i32
    %c0_i32_0 = arith.constant 0 : i32
    return %arg1, %c0_i32 : i32, i32
  }
  func.func @transform_6(%arg0: i32, %arg1: i32) -> (i32, i32) {
    %c0_i32 = arith.constant 0 : i32
    %c0_i32_0 = arith.constant 0 : i32
    return %arg1, %c0_i32 : i32, i32
  }
}

module attributes {stable_mosaic.version = 14 : i64} {
  func.func @_tc1b_body(%arg0: i32, %arg1: i32, %arg2: memref<1x128x10000xf32, #tpu.memory_space<vmem>>, %arg3: memref<1x128x10000xf32, #tpu.memory_space<vmem>>, %arg4: memref<128x256xf32, #tpu.memory_space<vmem>>, %arg5: memref<1x128x10000xbf16, #tpu.memory_space<vmem>>, %arg6: memref<128x2xf32, #tpu.memory_space<vmem>>) attributes {dimension_semantics = [#tpu.dimension_semantics<arbitrary>, #tpu.dimension_semantics<arbitrary>], iteration_bounds = array<i64: 2, 2>, scalar_prefetch = 0 : i64, scratch_operands = 0 : i64, tpu.core_type = #tpu.core_type<tc>, window_params = [{transform_indices = @transform_0, window_bounds = array<i64: 1, 128, 10000>}, {transform_indices = @transform_1, window_bounds = array<i64: 1, 128, 10000>}, {transform_indices = @transform_2, window_bounds = array<i64: 128, 256>}, {transform_indices = @transform_3, window_bounds = array<i64: 1, 128, 10000>}, {transform_indices = @transform_4, window_bounds = array<i64: 128, 2>}]} {
    %get3A = arith.constant 0 : index
    %get3A_0 = arith.constant 0 : index
    %get3A_1 = vector.load %arg4[%get3A, %get3A_0] : memref<128x256xf32, #tpu.memory_space<vmem>>, vector<128x128xf32>
    %get3A_2 = arith.constant 0 : index
    %get3A_3 = arith.constant 0 : index
    %get3A_4 = arith.constant 0 : index
    %get3A_5 = vector.load %arg2[%get3A_2, %get3A_3, %get3A_4] : memref<1x128x10000xf32, #tpu.memory_space<vmem>>, vector<1x128x10000xf32>
    %get3A_6 = vector.shape_cast %get3A_5 : vector<1x128x10000xf32> to vector<128x10000xf32>
    %dot_general3A = arith.constant dense<0.000000e+00> : vector<128x10000xf32>
    %dot_general3A_7 = tpu.matmul %get3A_1, %get3A_6, %dot_general3A {dimension_numbers = #tpu.dot_dimension_numbers<[1], [0], [0], [1], [0, 0, 1, 1], [], []>, transpose_lhs_hint = false} : vector<128x128xf32>, vector<128x10000xf32>, vector<128x10000xf32> -> vector<128x10000xf32>
    %get3A_8 = arith.constant 0 : index
    %get3A_9 = arith.constant 128 : index
    %get3A_10 = vector.load %arg4[%get3A_8, %get3A_9] : memref<128x256xf32, #tpu.memory_space<vmem>>, vector<128x128xf32>
    %get3A_11 = arith.constant 0 : index
    %get3A_12 = arith.constant 0 : index
    %get3A_13 = arith.constant 0 : index
    %get3A_14 = vector.load %arg3[%get3A_11, %get3A_12, %get3A_13] : memref<1x128x10000xf32, #tpu.memory_space<vmem>>, vector<1x128x10000xf32>
    %get3A_15 = vector.shape_cast %get3A_14 : vector<1x128x10000xf32> to vector<128x10000xf32>
    %dot_general3A_16 = arith.constant dense<0.000000e+00> : vector<128x10000xf32>
    %dot_general3A_17 = tpu.matmul %get3A_10, %get3A_15, %dot_general3A_16 {dimension_numbers = #tpu.dot_dimension_numbers<[1], [0], [0], [1], [0, 0, 1, 1], [], []>, transpose_lhs_hint = false} : vector<128x128xf32>, vector<128x10000xf32>, vector<128x10000xf32> -> vector<128x10000xf32>
    %add3A = arith.addf %dot_general3A_7, %dot_general3A_17 : vector<128x10000xf32>
    %convert_element_type3A = arith.truncf %add3A : vector<128x10000xf32> to vector<128x10000xbf16>
    %swap3A = arith.constant 0 : index
    %swap3A_18 = arith.constant 0 : index
    %swap3A_19 = arith.constant 0 : index
    %swap3A_20 = vector.load %arg5[%swap3A, %swap3A_18, %swap3A_19] : memref<1x128x10000xbf16, #tpu.memory_space<vmem>>, vector<1x128x10000xbf16>
    %swap3A_21 = vector.shape_cast %swap3A_20 : vector<1x128x10000xbf16> to vector<128x10000xbf16>
    %swap3A_22 = vector.shape_cast %convert_element_type3A : vector<128x10000xbf16> to vector<1x128x10000xbf16>
    tpu.vector_store %arg5[%swap3A, %swap3A_18, %swap3A_19], %swap3A_22 {strides = array<i32>} : memref<1x128x10000xbf16, #tpu.memory_space<vmem>>, vector<1x128x10000xbf16>,
    %eq3A = arith.constant 0 : i32
    %eq3A_23 = arith.cmpi eq, %arg0, %eq3A : i32
    %convert_element_type3A_24 = arith.extui %eq3A_23 : i1 to i32
    %cond3A = arith.constant 0 : i32
    %cond3A_25 = arith.cmpi ne, %convert_element_type3A_24, %cond3A : i32
    scf.if %cond3A_25 {
      %broadcast_in_dim3A_44 = arith.constant 0.000000e+00 : f32
      %broadcast_in_dim3A_45 = vector.broadcast %broadcast_in_dim3A_44 : f32 to vector<128x2xf32>
      %swap3A_46 = arith.constant 0 : index
      %swap3A_47 = arith.constant 0 : index
      %swap3A_48 = vector.load %arg6[%swap3A_46, %swap3A_47] : memref<128x2xf32, #tpu.memory_space<vmem>>, vector<128x2xf32>
      tpu.vector_store %arg6[%swap3A_46, %swap3A_47], %broadcast_in_dim3A_45 {strides = array<i32>} : memref<128x2xf32, #tpu.memory_space<vmem>>, vector<128x2xf32>,
    } else {
    }
    %get3A_26 = arith.constant 0 : index
    %get3A_27 = arith.constant 0 : index
    %get3A_28 = vector.load %arg6[%get3A_26, %get3A_27] : memref<128x2xf32, #tpu.memory_space<vmem>>, vector<128x1xf32>
    %reduce_sum3A = arith.constant dense<0.000000e+00> : vector<128xf32>
    %reduce_sum3A_29 = vector.multi_reduction <add>, %add3A, %reduce_sum3A [1] : vector<128x10000xf32> to vector<128xf32>
    %broadcast_in_dim3A = vector.shape_cast %reduce_sum3A_29 : vector<128xf32> to vector<128x1xf32>
    %add3A_30 = arith.addf %get3A_28, %broadcast_in_dim3A : vector<128x1xf32>
    %swap3A_31 = arith.constant 0 : index
    %swap3A_32 = arith.constant 0 : index
    %swap3A_33 = vector.load %arg6[%swap3A_31, %swap3A_32] : memref<128x2xf32, #tpu.memory_space<vmem>>, vector<128x1xf32>
    tpu.vector_store %arg6[%swap3A_31, %swap3A_32], %add3A_30 {strides = array<i32>} : memref<128x2xf32, #tpu.memory_space<vmem>>, vector<128x1xf32>,
    %get3A_34 = arith.constant 0 : index
    %get3A_35 = arith.constant 1 : index
    %get3A_36 = vector.load %arg6[%get3A_34, %get3A_35] : memref<128x2xf32, #tpu.memory_space<vmem>>, vector<128x1xf32>
    %mul3A = arith.mulf %add3A, %add3A : vector<128x10000xf32>
    %reduce_sum3A_37 = arith.constant dense<0.000000e+00> : vector<128xf32>
    %reduce_sum3A_38 = vector.multi_reduction <add>, %mul3A, %reduce_sum3A_37 [1] : vector<128x10000xf32> to vector<128xf32>
    %broadcast_in_dim3A_39 = vector.shape_cast %reduce_sum3A_38 : vector<128xf32> to vector<128x1xf32>
    %add3A_40 = arith.addf %get3A_36, %broadcast_in_dim3A_39 : vector<128x1xf32>
    %swap3A_41 = arith.constant 0 : index
    %swap3A_42 = arith.constant 1 : index
    %swap3A_43 = vector.load %arg6[%swap3A_41, %swap3A_42] : memref<128x2xf32, #tpu.memory_space<vmem>>, vector<128x1xf32>
    tpu.vector_store %arg6[%swap3A_41, %swap3A_42], %add3A_40 {strides = array<i32>} : memref<128x2xf32, #tpu.memory_space<vmem>>, vector<128x1xf32>,
    return
  }
  func.func @transform_0(%arg0: i32, %arg1: i32) -> (i32, i32, i32) {
    %c0_i32 = arith.constant 0 : i32
    %c0_i32_0 = arith.constant 0 : i32
    %c0_i32_1 = arith.constant 0 : i32
    return %arg0, %c0_i32, %c0_i32_0 : i32, i32, i32
  }
  func.func @transform_1(%arg0: i32, %arg1: i32) -> (i32, i32, i32) {
    %c0_i32 = arith.constant 0 : i32
    %c0_i32_0 = arith.constant 0 : i32
    %c0_i32_1 = arith.constant 0 : i32
    return %arg0, %c0_i32, %c0_i32_0 : i32, i32, i32
  }
  func.func @transform_2(%arg0: i32, %arg1: i32) -> (i32, i32) {
    %c0_i32 = arith.constant 0 : i32
    %c0_i32_0 = arith.constant 0 : i32
    return %arg1, %c0_i32 : i32, i32
  }
  func.func @transform_3(%arg0: i32, %arg1: i32) -> (i32, i32, i32) {
    %c0_i32 = arith.constant 0 : i32
    %c0_i32_0 = arith.constant 0 : i32
    return %arg0, %arg1, %c0_i32 : i32, i32, i32
  }
  func.func @transform_4(%arg0: i32, %arg1: i32) -> (i32, i32) {
    %c0_i32 = arith.constant 0 : i32
    %c0_i32_0 = arith.constant 0 : i32
    return %arg1, %c0_i32 : i32, i32
  }
}

module attributes {stable_mosaic.version = 14 : i64} {
  func.func @_tcn_body(%arg0: i32, %arg1: i32, %arg2: memref<1x128x10000xbf16, #tpu.memory_space<vmem>>, %arg3: memref<128x1xf32, #tpu.memory_space<vmem>>, %arg4: memref<128x1xf32, #tpu.memory_space<vmem>>, %arg5: memref<1x128x10000xf32, #tpu.memory_space<vmem>>) attributes {dimension_semantics = [#tpu.dimension_semantics<arbitrary>, #tpu.dimension_semantics<arbitrary>], iteration_bounds = array<i64: 2, 2>, scalar_prefetch = 0 : i64, scratch_operands = 0 : i64, tpu.core_type = #tpu.core_type<tc>, window_params = [{transform_indices = @transform_0, window_bounds = array<i64: 1, 128, 10000>}, {transform_indices = @transform_1, window_bounds = array<i64: 128, 1>}, {transform_indices = @transform_2, window_bounds = array<i64: 128, 1>}, {transform_indices = @transform_3, window_bounds = array<i64: 1, 128, 10000>}]} {
    %get3A = arith.constant 0 : index
    %get3A_0 = arith.constant 0 : index
    %get3A_1 = arith.constant 0 : index
    %get3A_2 = vector.load %arg2[%get3A, %get3A_0, %get3A_1] : memref<1x128x10000xbf16, #tpu.memory_space<vmem>>, vector<1x128x10000xbf16>
    %get3A_3 = vector.shape_cast %get3A_2 : vector<1x128x10000xbf16> to vector<128x10000xbf16>
    %convert_element_type3A = arith.extf %get3A_3 : vector<128x10000xbf16> to vector<128x10000xf32>
    %get3A_4 = arith.constant 0 : index
    %get3A_5 = arith.constant 0 : index
    %get3A_6 = vector.load %arg3[%get3A_4, %get3A_5] : memref<128x1xf32, #tpu.memory_space<vmem>>, vector<128x1xf32>
    %mul3A = vector.broadcast %get3A_6 : vector<128x1xf32> to vector<128x10000xf32>
    %mul3A_7 = arith.mulf %convert_element_type3A, %mul3A : vector<128x10000xf32>
    %get3A_8 = arith.constant 0 : index
    %get3A_9 = arith.constant 0 : index
    %get3A_10 = vector.load %arg4[%get3A_8, %get3A_9] : memref<128x1xf32, #tpu.memory_space<vmem>>, vector<128x1xf32>
    %add3A = vector.broadcast %get3A_10 : vector<128x1xf32> to vector<128x10000xf32>
    %add3A_11 = arith.addf %mul3A_7, %add3A : vector<128x10000xf32>
    %max3A = arith.constant 0.000000e+00 : f32
    %max3A_12 = vector.broadcast %max3A : f32 to vector<128x10000xf32>
    %max3A_13 = arith.maximumf %add3A_11, %max3A_12 : vector<128x10000xf32>
    %swap3A = arith.constant 0 : index
    %swap3A_14 = arith.constant 0 : index
    %swap3A_15 = arith.constant 0 : index
    %swap3A_16 = vector.load %arg5[%swap3A, %swap3A_14, %swap3A_15] : memref<1x128x10000xf32, #tpu.memory_space<vmem>>, vector<1x128x10000xf32>
    %swap3A_17 = vector.shape_cast %swap3A_16 : vector<1x128x10000xf32> to vector<128x10000xf32>
    %swap3A_18 = vector.shape_cast %max3A_13 : vector<128x10000xf32> to vector<1x128x10000xf32>
    tpu.vector_store %arg5[%swap3A, %swap3A_14, %swap3A_15], %swap3A_18 {strides = array<i32>} : memref<1x128x10000xf32, #tpu.memory_space<vmem>>, vector<1x128x10000xf32>,
    return
  }
  func.func @transform_0(%arg0: i32, %arg1: i32) -> (i32, i32, i32) {
    %c0_i32 = arith.constant 0 : i32
    %c0_i32_0 = arith.constant 0 : i32
    return %arg0, %arg1, %c0_i32 : i32, i32, i32
  }
  func.func @transform_1(%arg0: i32, %arg1: i32) -> (i32, i32) {
    %c0_i32 = arith.constant 0 : i32
    %c0_i32_0 = arith.constant 0 : i32
    return %arg1, %c0_i32 : i32, i32
  }
  func.func @transform_2(%arg0: i32, %arg1: i32) -> (i32, i32) {
    %c0_i32 = arith.constant 0 : i32
    %c0_i32_0 = arith.constant 0 : i32
    return %arg1, %c0_i32 : i32, i32
  }
  func.func @transform_3(%arg0: i32, %arg1: i32) -> (i32, i32, i32) {
    %c0_i32 = arith.constant 0 : i32
    %c0_i32_0 = arith.constant 0 : i32
    return %arg0, %arg1, %c0_i32 : i32, i32, i32
  }
}

module attributes {stable_mosaic.version = 14 : i64} {
  func.func @_tc2_body(%arg0: i32, %arg1: i32, %arg2: memref<1x64x10000xi32, #tpu.memory_space<vmem>>, %arg3: memref<128x1xf32, #tpu.memory_space<vmem>>, %arg4: memref<128x1xf32, #tpu.memory_space<vmem>>, %arg5: memref<128x128xf32, #tpu.memory_space<vmem>>, %arg6: memref<1x128x10000xbf16, #tpu.memory_space<vmem>>, %arg7: memref<128x2xf32, #tpu.memory_space<vmem>>) attributes {dimension_semantics = [#tpu.dimension_semantics<arbitrary>, #tpu.dimension_semantics<arbitrary>], iteration_bounds = array<i64: 2, 2>, scalar_prefetch = 0 : i64, scratch_operands = 0 : i64, tpu.core_type = #tpu.core_type<tc>, window_params = [{transform_indices = @transform_0, window_bounds = array<i64: 1, 64, 10000>}, {pipeline_mode = #tpu.pipeline_mode<synchronous>, transform_indices = @transform_1, window_bounds = array<i64: 128, 1>}, {pipeline_mode = #tpu.pipeline_mode<synchronous>, transform_indices = @transform_2, window_bounds = array<i64: 128, 1>}, {transform_indices = @transform_3, window_bounds = array<i64: 128, 128>}, {transform_indices = @transform_4, window_bounds = array<i64: 1, 128, 10000>}, {transform_indices = @transform_5, window_bounds = array<i64: 128, 2>}]} {
    %get3A = arith.constant 0 : index
    %get3A_0 = arith.constant 0 : index
    %get3A_1 = arith.constant 0 : index
    %get3A_2 = vector.load %arg2[%get3A, %get3A_0, %get3A_1] : memref<1x64x10000xi32, #tpu.memory_space<vmem>>, vector<1x64x10000xi32>
    %get3A_3 = vector.shape_cast %get3A_2 : vector<1x64x10000xi32> to vector<64x10000xi32>
    %shift_left3A = arith.constant 16 : i32
    %shift_left3A_4 = vector.broadcast %shift_left3A : i32 to vector<64x10000xi32>
    %shift_left3A_5 = arith.shli %get3A_3, %shift_left3A_4 : vector<64x10000xi32>
    %bitcast_convert_type3A = tpu.bitcast %shift_left3A_5 : vector<64x10000xi32> -> vector<64x10000xf32>
    %and3A = arith.constant -65536 : i32
    %and3A_6 = vector.broadcast %and3A : i32 to vector<64x10000xi32>
    %and3A_7 = arith.andi %get3A_3, %and3A_6 : vector<64x10000xi32>
    %bitcast_convert_type3A_8 = tpu.bitcast %and3A_7 : vector<64x10000xi32> -> vector<64x10000xf32>
    %get3A_9 = arith.constant 0 : index
    %get3A_10 = arith.constant 0 : index
    %get3A_11 = vector.load %arg3[%get3A_9, %get3A_10] : memref<128x1xf32, #tpu.memory_space<vmem>>, vector<64x1xf32>
    %mul3A = vector.broadcast %get3A_11 : vector<64x1xf32> to vector<64x10000xf32>
    %mul3A_12 = arith.mulf %bitcast_convert_type3A, %mul3A : vector<64x10000xf32>
    %get3A_13 = arith.constant 0 : index
    %get3A_14 = arith.constant 0 : index
    %get3A_15 = vector.load %arg4[%get3A_13, %get3A_14] : memref<128x1xf32, #tpu.memory_space<vmem>>, vector<64x1xf32>
    %add3A = vector.broadcast %get3A_15 : vector<64x1xf32> to vector<64x10000xf32>
    %add3A_16 = arith.addf %mul3A_12, %add3A : vector<64x10000xf32>
    %max3A = arith.constant 0.000000e+00 : f32
    %max3A_17 = vector.broadcast %max3A : f32 to vector<64x10000xf32>
    %max3A_18 = arith.maximumf %add3A_16, %max3A_17 : vector<64x10000xf32>
    %get3A_19 = arith.constant 64 : index
    %get3A_20 = arith.constant 0 : index
    %get3A_21 = vector.load %arg3[%get3A_19, %get3A_20] : memref<128x1xf32, #tpu.memory_space<vmem>>, vector<64x1xf32>
    %mul3A_22 = vector.broadcast %get3A_21 : vector<64x1xf32> to vector<64x10000xf32>
    %mul3A_23 = arith.mulf %bitcast_convert_type3A_8, %mul3A_22 : vector<64x10000xf32>
    %get3A_24 = arith.constant 64 : index
    %get3A_25 = arith.constant 0 : index
    %get3A_26 = vector.load %arg4[%get3A_24, %get3A_25] : memref<128x1xf32, #tpu.memory_space<vmem>>, vector<64x1xf32>
    %add3A_27 = vector.broadcast %get3A_26 : vector<64x1xf32> to vector<64x10000xf32>
    %add3A_28 = arith.addf %mul3A_23, %add3A_27 : vector<64x10000xf32>
    %max3A_29 = arith.constant 0.000000e+00 : f32
    %max3A_30 = vector.broadcast %max3A_29 : f32 to vector<64x10000xf32>
    %max3A_31 = arith.maximumf %add3A_28, %max3A_30 : vector<64x10000xf32>
    %get3A_32 = arith.constant 0 : index
    %get3A_33 = arith.constant 0 : index
    %get3A_34 = vector.load %arg5[%get3A_32, %get3A_33] : memref<128x128xf32, #tpu.memory_space<vmem>>, vector<128x64xf32>
    %dot_general3A = arith.constant dense<0.000000e+00> : vector<128x10000xf32>
    %dot_general3A_35 = tpu.matmul %get3A_34, %max3A_18, %dot_general3A {dimension_numbers = #tpu.dot_dimension_numbers<[1], [0], [0], [1], [0, 0, 1, 1], [], []>, transpose_lhs_hint = false} : vector<128x64xf32>, vector<64x10000xf32>, vector<128x10000xf32> -> vector<128x10000xf32>
    %get3A_36 = arith.constant 0 : index
    %get3A_37 = arith.constant 64 : index
    %get3A_38 = vector.load %arg5[%get3A_36, %get3A_37] : memref<128x128xf32, #tpu.memory_space<vmem>>, vector<128x64xf32>
    %dot_general3A_39 = arith.constant dense<0.000000e+00> : vector<128x10000xf32>
    %dot_general3A_40 = tpu.matmul %get3A_38, %max3A_31, %dot_general3A_39 {dimension_numbers = #tpu.dot_dimension_numbers<[1], [0], [0], [1], [0, 0, 1, 1], [], []>, transpose_lhs_hint = false} : vector<128x64xf32>, vector<64x10000xf32>, vector<128x10000xf32> -> vector<128x10000xf32>
    %add3A_41 = arith.addf %dot_general3A_35, %dot_general3A_40 : vector<128x10000xf32>
    %convert_element_type3A = arith.truncf %add3A_41 : vector<128x10000xf32> to vector<128x10000xbf16>
    %swap3A = arith.constant 0 : index
    %swap3A_42 = arith.constant 0 : index
    %swap3A_43 = arith.constant 0 : index
    %swap3A_44 = vector.load %arg6[%swap3A, %swap3A_42, %swap3A_43] : memref<1x128x10000xbf16, #tpu.memory_space<vmem>>, vector<1x128x10000xbf16>
    %swap3A_45 = vector.shape_cast %swap3A_44 : vector<1x128x10000xbf16> to vector<128x10000xbf16>
    %swap3A_46 = vector.shape_cast %convert_element_type3A : vector<128x10000xbf16> to vector<1x128x10000xbf16>
    tpu.vector_store %arg6[%swap3A, %swap3A_42, %swap3A_43], %swap3A_46 {strides = array<i32>} : memref<1x128x10000xbf16, #tpu.memory_space<vmem>>, vector<1x128x10000xbf16>,
    %eq3A = arith.constant 0 : i32
    %eq3A_47 = arith.cmpi eq, %arg0, %eq3A : i32
    %convert_element_type3A_48 = arith.extui %eq3A_47 : i1 to i32
    %cond3A = arith.constant 0 : i32
    %cond3A_49 = arith.cmpi ne, %convert_element_type3A_48, %cond3A : i32
    scf.if %cond3A_49 {
      %broadcast_in_dim3A_69 = arith.constant 0.000000e+00 : f32
      %broadcast_in_dim3A_70 = vector.broadcast %broadcast_in_dim3A_69 : f32 to vector<128x2xf32>
      %swap3A_71 = arith.constant 0 : index
      %swap3A_72 = arith.constant 0 : index
      %swap3A_73 = vector.load %arg7[%swap3A_71, %swap3A_72] : memref<128x2xf32, #tpu.memory_space<vmem>>, vector<128x2xf32>
      tpu.vector_store %arg7[%swap3A_71, %swap3A_72], %broadcast_in_dim3A_70 {strides = array<i32>} : memref<128x2xf32, #tpu.memory_space<vmem>>, vector<128x2xf32>,
    } else {
    }
    %get3A_50 = arith.constant 0 : index
    %get3A_51 = arith.constant 0 : index
    %get3A_52 = vector.load %arg7[%get3A_50, %get3A_51] : memref<128x2xf32, #tpu.memory_space<vmem>>, vector<128x1xf32>
    %reduce_sum3A = arith.constant dense<0.000000e+00> : vector<128xf32>
    %reduce_sum3A_53 = vector.multi_reduction <add>, %add3A_41, %reduce_sum3A [1] : vector<128x10000xf32> to vector<128xf32>
    %broadcast_in_dim3A = vector.shape_cast %reduce_sum3A_53 : vector<128xf32> to vector<128x1xf32>
    %add3A_54 = arith.addf %get3A_52, %broadcast_in_dim3A : vector<128x1xf32>
    %swap3A_55 = arith.constant 0 : index
    %swap3A_56 = arith.constant 0 : index
    %swap3A_57 = vector.load %arg7[%swap3A_55, %swap3A_56] : memref<128x2xf32, #tpu.memory_space<vmem>>, vector<128x1xf32>
    tpu.vector_store %arg7[%swap3A_55, %swap3A_56], %add3A_54 {strides = array<i32>} : memref<128x2xf32, #tpu.memory_space<vmem>>, vector<128x1xf32>,
    %get3A_58 = arith.constant 0 : index
    %get3A_59 = arith.constant 1 : index
    %get3A_60 = vector.load %arg7[%get3A_58, %get3A_59] : memref<128x2xf32, #tpu.memory_space<vmem>>, vector<128x1xf32>
    %mul3A_61 = arith.mulf %add3A_41, %add3A_41 : vector<128x10000xf32>
    %reduce_sum3A_62 = arith.constant dense<0.000000e+00> : vector<128xf32>
    %reduce_sum3A_63 = vector.multi_reduction <add>, %mul3A_61, %reduce_sum3A_62 [1] : vector<128x10000xf32> to vector<128xf32>
    %broadcast_in_dim3A_64 = vector.shape_cast %reduce_sum3A_63 : vector<128xf32> to vector<128x1xf32>
    %add3A_65 = arith.addf %get3A_60, %broadcast_in_dim3A_64 : vector<128x1xf32>
    %swap3A_66 = arith.constant 0 : index
    %swap3A_67 = arith.constant 1 : index
    %swap3A_68 = vector.load %arg7[%swap3A_66, %swap3A_67] : memref<128x2xf32, #tpu.memory_space<vmem>>, vector<128x1xf32>
    tpu.vector_store %arg7[%swap3A_66, %swap3A_67], %add3A_65 {strides = array<i32>} : memref<128x2xf32, #tpu.memory_space<vmem>>, vector<128x1xf32>,
    return
  }
  func.func @transform_0(%arg0: i32, %arg1: i32) -> (i32, i32, i32) {
    %c0_i32 = arith.constant 0 : i32
    %c0_i32_0 = arith.constant 0 : i32
    %c0_i32_1 = arith.constant 0 : i32
    return %arg0, %c0_i32, %c0_i32_0 : i32, i32, i32
  }
  func.func @transform_1(%arg0: i32, %arg1: i32) -> (i32, i32) {
    %c0_i32 = arith.constant 0 : i32
    %c0_i32_0 = arith.constant 0 : i32
    %c0_i32_1 = arith.constant 0 : i32
    return %c0_i32, %c0_i32_0 : i32, i32
  }
  func.func @transform_2(%arg0: i32, %arg1: i32) -> (i32, i32) {
    %c0_i32 = arith.constant 0 : i32
    %c0_i32_0 = arith.constant 0 : i32
    %c0_i32_1 = arith.constant 0 : i32
    return %c0_i32, %c0_i32_0 : i32, i32
  }
  func.func @transform_3(%arg0: i32, %arg1: i32) -> (i32, i32) {
    %c0_i32 = arith.constant 0 : i32
    %c0_i32_0 = arith.constant 0 : i32
    return %arg1, %c0_i32 : i32, i32
  }
  func.func @transform_4(%arg0: i32, %arg1: i32) -> (i32, i32, i32) {
    %c0_i32 = arith.constant 0 : i32
    %c0_i32_0 = arith.constant 0 : i32
    return %arg0, %arg1, %c0_i32 : i32, i32, i32
  }
  func.func @transform_5(%arg0: i32, %arg1: i32) -> (i32, i32) {
    %c0_i32 = arith.constant 0 : i32
    %c0_i32_0 = arith.constant 0 : i32
    return %arg1, %c0_i32 : i32, i32
  }
}

</mosaic_0001>

<sc_bundles>
// kernel: kernel.8.cloned.1.call-start
scs
__scs_entry_jumppad:
0x0: {  	(pc) =	sbr.rel $0x88, $3  }
0x1: {  	(tag) =	ssettag $0x0;
	lr =	simm.s32 $0x1  }
0x2: {  	[smem:$0x3F95] =	sst lr;
	_ =	strace $0xD0000000  }
0x3: {  	_ = 	snop  }
0x4: {  	_ = 	snop  }
0x5: {  	_ = 	snop  }
0x6: {  	_ = 	snop  }
0x7: {  	_ = 	snop  }
__scs_overlays_trampoline_lowered:
0x8: {  	[smem:$0x3FA4] =	sst s0  }
0x9: {  	[smem:$0x3FA5] =	sst s1  }
0xa: {  	[smem:$0x3FA6] =	sst s2  }
0xb: {  	[smem:$0x3FA7] =	sst s3  }
0xc: {  	[smem:$0x3FA8] =	sst s4  }
0xd: {  	[smem:$0x3FA9] =	sst s5  }
0xe: {  	[smem:$0x3FAA] =	sst s6  }
0xf: {  	[smem:$0x3FAB] =	sst s7  }
0x10: {  	[smem:$0x3FAC] =	sst s8  }
0x11: {  	[smem:$0x3FAD] =	sst s9;
	s0 =	simm.s32 @!p0 $0x0  }
0x12: {  	s1 =	sld [smem:$0x3F93];
	s0 =	simm.s32 @p0 $0x1  }
0x13: {  	[smem:$0x3FAE] =	sst s0;
	s0 =	simm.s32 @!p1 $0x0  }
0x14: {  	s2 =	sld [smem:$0x3F92];
	s0 =	simm.s32 @p1 $0x1  }
0x15: {  	[smem:$0x3FAF] =	sst s0;
	s0 =	simm.s32 @!p2 $0x0  }
0x16: {  	s3 =	sld [smem:$0x3FDB];
	s0 =	simm.s32 @p2 $0x1  }
0x17: {  	s4 =	simm.s32 $0x1BF5;
	[smem:$0x3FB1] =	sst s0  }
0x18: {  	s0 =	sld [smem:$0x3F94];
	_ =	swait.ge [sflag:s4], $0x0  }
0x19: {  	s7 =	sld [smem:$0x3F95]  }
0x1a: {  	s8 =	sadd.s32 $0xFFFFE003, lr  }
0x1b: {  	s9 =	sadd.s32 $0xFFFFFEF7, lr;
	s5 =	simm.s32 $0xFFFFFFFF;
	p2 =	slt.u32 s8, $0xFFFFF086  }
0x1c: {  	p1 =	slt.u32 s9, $0xF7A;
	s5 =	simm.s32 @!p2 $0x0  }
0x1d: {  	s5 =	simm.s32 @p1 $0x1;
	p0 =	seq.s32 s7, s2  }
0x1e: {  	s7 =	smul.u32 @!p0 $0xF7A, s2;
	p2 =	seq.s32 @!p0 s5, $0x0  }
0x1f: {  	s9 =	smul.u32 $0xF7A, s1;
	s8 =	simm.s32 @!p0 $0x1BF5;
	p2 =	por !p2, p0  }
0x20: {  	[sflag:s8] =	ssyncset.s32 @!p0 $0xFFFFF086;
	s6 =	sadd.s32 @!p0 s3, s7;
	s7 =	simm.s32 @!p0 $0x108  }
0x21: {  	s3 =	sadd.s32 s3, s9;
	s6 =	sadd.s32 @!p0 $0x88, s6;
	s7 =	simm.s32 @p2 $0x1082  }
0x22: {  	[simem:s7], [sflag:s8] =	dma.local @!p0 [hbm:s6], $0xF7A  }
0x23: {  	s9 =	sor.u32 $0xD0000000, s2;
	s6 =	simm.s32 $0x108;
	_ =	swait.ge @!p0 [sflag:s8], $0x0  }
0x24: {  	s3 =	sadd.s32 $0x88, s3;
	s6 =	simm.s32 @!p1 $0x1082;
	[sflag:s4] =	ssyncset.s32 $0xFFFFF086  }
0x25: {  	[simem:s6], [sflag:s4] =	dma.local [hbm:s3], $0xF7A  }
0x26: {  	[smem:$0x3F95] =	sst s1;
	(tag) =	ssettag s2;
	_ =	strace s9  }
0x27: {  	s1 =	sld [smem:$0x3FA5]  }
0x28: {  	s2 =	sld [smem:$0x3FA6]  }
0x29: {  	s4 =	sld [smem:$0x3FA8]  }
0x2a: {  	p0 =	seq.s32 s5, $0x0;
	s5 =	sld [smem:$0x3FA9]  }
0x2b: {  	s6 =	sld [smem:$0x3FAA]  }
0x2c: {  	s7 =	sld [smem:$0x3FAB]  }
0x2d: {  	s3 =	simm.s32 $0x108;
	s8 =	sld [smem:$0x3FAC]  }
0x2e: {  	s3 =	simm.s32 @!p0 $0x1082;
	s9 =	sld [smem:$0x3FAD]  }
0x2f: {  	lr =	sadd.s32 s0, s3;
	s0 =	sld [smem:$0x3FA4]  }
0x30: {  	s3 =	sld [smem:$0x3FA7]  }
0x31: {  	[smem:$0x3FB0] =	sst s10  }
0x32: {  	s10 =	sld [smem:$0x3FAE];
	_ =	sdelay $0x3  }
0x33: {  	p0 =	seq.s32 s10, $0x1;
	s10 =	sld [smem:$0x3FB0];
	_ =	sdelay $0x3  }
0x34: {  	[smem:$0x3FB0] =	sst s10  }
0x35: {  	s10 =	sld [smem:$0x3FAF];
	_ =	sdelay $0x3  }
0x36: {  	p1 =	seq.s32 s10, $0x1;
	s10 =	sld [smem:$0x3FB0];
	_ =	sdelay $0x3  }
0x37: {  	[smem:$0x3FB0] =	sst s10  }
0x38: {  	s10 =	sld [smem:$0x3FB1]  }
0x39: {  	_ = 	snop;
	(pc) =	sbr.ind lr, $3  }
0x3a: {  	_ = 	snop  }
0x3b: {  	_ = 	snop  }
0x3c: {  	p2 =	seq.s32 s10, $0x1;
	s10 =	sld [smem:$0x3FB0]  }
0x3d: {  	_ =	shalt  }
0x3e: {  	_ =	shalt  }
0x3f: {  	_ =	shalt  }
0x40: {  	_ =	shalt  }
0x41: {  	_ =	shalt  }
0x42: {  	_ =	shalt  }
0x43: {  	_ =	shalt  }
0x44: {  	_ =	shalt  }
0x45: {  	_ =	shalt  }
0x46: {  	_ =	shalt  }
0x47: {  	_ =	shalt  }
0x48: {  	_ =	shalt  }
0x49: {  	_ =	shalt  }
0x4a: {  	_ =	shalt  }
0x4b: {  	_ =	shalt  }
0x4c: {  	_ =	shalt  }
0x4d: {  	_ =	shalt  }
0x4e: {  	_ =	shalt  }
0x4f: {  	_ =	shalt  }
0x50: {  	_ =	shalt  }
0x51: {  	_ =	shalt  }
0x52: {  	_ =	shalt  }
0x53: {  	_ =	shalt  }
0x54: {  	_ =	shalt  }
0x55: {  	_ =	shalt  }
0x56: {  	_ =	shalt  }
0x57: {  	_ =	shalt  }
0x58: {  	_ =	shalt  }
0x59: {  	_ =	shalt  }
0x5a: {  	_ =	shalt  }
0x5b: {  	_ =	shalt  }
0x5c: {  	_ =	shalt  }
0x5d: {  	_ =	shalt  }
0x5e: {  	_ =	shalt  }
0x5f: {  	_ =	shalt  }
0x60: {  	_ =	shalt  }
0x61: {  	_ =	shalt  }
0x62: {  	_ =	shalt  }
0x63: {  	_ =	shalt  }
0x64: {  	_ =	shalt  }
0x65: {  	_ =	shalt  }
0x66: {  	_ =	shalt  }
0x67: {  	_ =	shalt  }
0x68: {  	_ =	shalt  }
0x69: {  	_ =	shalt  }
0x6a: {  	_ =	shalt  }
0x6b: {  	_ =	shalt  }
0x6c: {  	_ =	shalt  }
0x6d: {  	_ =	shalt  }
0x6e: {  	_ =	shalt  }
0x6f: {  	_ =	shalt  }
0x70: {  	_ =	shalt  }
0x71: {  	_ =	shalt  }
0x72: {  	_ =	shalt  }
0x73: {  	_ =	shalt  }
0x74: {  	_ =	shalt  }
0x75: {  	_ =	shalt  }
0x76: {  	_ =	shalt  }
0x77: {  	_ =	shalt  }
0x78: {  	_ =	shalt  }
0x79: {  	_ =	shalt  }
0x7a: {  	_ =	shalt  }
0x7b: {  	_ =	shalt  }
0x7c: {  	_ =	shalt  }
0x7d: {  	_ =	shalt  }
0x7e: {  	_ =	shalt  }
0x7f: {  	_ =	shalt  }
0x80: {  	_ =	shalt  }
0x81: {  	_ =	shalt  }
0x82: {  	_ =	shalt  }
0x83: {  	_ =	shalt  }
0x84: {  	_ =	shalt  }
0x85: {  	_ =	shalt  }
0x86: {  	_ =	shalt  }
0x87: {  	_ =	shalt  }
.Lfunc_end0:
.L_simem_size_0:
called_computation_lowered:
.L_overlay_start_0:
0x88: {  	s2 =	sld [smem:$0x3FD9]  }
0x89: {  	s3 =	sld [smem:$0x3FFE];
	_ =	sdelay $0x1  }
0x8a: {  	s1 =	srdreg.scid  }
0x8b: {  	s0 =	sand.u32 $0x1, s1  }
0x8c: {  	s16 =	sshll.u32 s0, $0xA;
	s2 =	sadd.s32 s3, s2  }
0x8d: {  	s2 =	sadd.s32 s2, s16  }
0x8e: {  	[smem:$0x3FBC] =	sst s2  }
0x8f: {  	_ = 	snop  }
0x90: {  	(tm) =	ssettm $0x1  }
0x91: {  	s17 =	sld [smem:$0x3FFB];
	_ =	sdelay $0x3  }
0x92: {  	_ =	strace s17  }
0x93: {  	s2 =	sld [smem:$0x3FFC];
	_ =	sdelay $0x3  }
0x94: {  	_ =	strace s2  }
0x95: {  	s2 =	sld [smem:$0x3FFD];
	_ =	sdelay $0x3  }
0x96: {  	_ =	strace s2  }
0x97: {  	_ =	strace $0x8FFFFFFF  }
0x98: {  	s18 =	sld [smem:$0x3FDB];
	_ =	sdelay $0x1  }
0x99: {  	s19 =	simm.s32 $_scs_section_size  }
0x9a: {  	s4 =	simm.s32 $_size__tile_overlayer_lowered;
	s5 =	simm.s32 $_tile_overlayer_lowered  }
0x9b: {  	s22 =	simm.s32 $0x1BFF;
	s21 =	sshll.u32 s5, $0x1;
	s2 =	sadd.s32 s19, s18  }
0x9c: {  	s6 =	simm.s32 $0x0;
	s20 =	sshll.u32 s4, $0x1;
	s4 =	sadd.s32 s21, s2  }
0x9d: {  	[timem:s6], [sflag:s22] =	dma.local [hbm:s4], s20  }
0x9e: {  	_ =	swait.ge [sflag:s22], s20  }
0x9f: {  	s3 =	ssub.s32 $0x0, s20;
	[sflag:s22] =	ssyncset.done $0x0  }
0xa0: {  	[sflag:s22] =	ssyncadd.s32 s3;
	_ =	sdelay $0x1  }
0xa1: {  	s23 =	simm.s32 $0x1B8B  }
0xa2: {  	_ =	swait.ge [sflag:s23], $0x1  }
0xa3: {  	[sflag:s23] =	ssyncset.done $0x0  }
0xa4: {  	s25 =	simm.s32 $0x1B8E;
	s24 =	sld [smem:$0x3FFE];
	[sflag:s23] =	ssyncadd.s32 $0xFFFFFFFF  }
0xa5: {  	s26 =	simm.s32 $execute0_lowered;
	[smem:$0x3FD2] =	sst s25  }
0xa6: {  	s4 =	sshll.u32 s26, $0x1;
	_ =	strace $0x80000046;
	[dreg:$0x1] =	wrdreg $0xFFFFFFFF  }
0xa7: {  	s28 =	simm.s32 $_size_execute0_lowered;
	s2 =	sadd.s32 s2, s4;
	[dreg:$0x0] =	wrdreg $0x0  }
0xa8: {  	s4 =	sshll.u32 s28, $0x1;
	[dreg:$0x2] =	wrdreg s2  }
0xa9: {  	[dreg:$0x3] =	wrdreg s4  }
0xaa: {  	[dreg:$0x4] =	wrdreg $0xC0  }
0xab: {  	_ =	task [dreg:s6], $0x5FFFF  }
0xac: {  	[dreg:$0x1] =	wrdreg $0xFFFFFFFF  }
0xad: {  	[dreg:$0x0] =	wrdreg $0x60  }
0xae: {  	[dreg:$0x2] =	wrdreg s24  }
0xaf: {  	[dreg:$0x3] =	wrdreg $0x9  }
0xb0: {  	_ =	task.clear_ibuf [dreg:s6], $0x4FFFF;
	_ =	strace $0x90000046  }
0xb1: {  	s29 =	simm.s32 $0x9;
	_ =	strace $0x80000048  }
0xb2: {  	_ =	swait.ge [sflag:s29], $0x1  }
0xb3: {  	[sflag:s29] =	ssyncadd.s32 $0xFFFFFFFF  }
0xb4: {  	_ =	strace $0x90000048  }
0xb5: {  	_ =	sfence  }
0xb6: {  	s30 =	sld [smem:$0x0];
	_ =	sdelay $0x2  }
0xb7: {  	s31 =	sshll.u32 s1, $0xD;
	s1 =	sshrl.u32 s1, $0x2  }
0xb8: {  	s3 =	sand.u32 $0x4000, s31;
	s1 =	sadd.s32 s1, s30  }
0xb9: {  	s0 =	sor.u32 s3, s0;
	s1 =	sshll.u32 s1, $0x11  }
0xba: {  	s0 =	sor.u32 s1, s0  }
0xbb: {  	s0 =	sadd.s32 $0x8F2B, s0  }
0xbc: {  	[sflag:s0] =	ssyncadd.remote.s32 $0x1  }
0xbd: {  	_ =	sfence.sel $0xFFFF  }
0xbe: {  	[dreg:$0x0] =	wrdreg $0xFFFFFFFF;
	(pc) =	sbr.abs _section_cstart, $3  }
0xbf: {  	[dreg:$0x1] =	wrdreg $0xFFFFFFFF  }
0xc0: {  	_ =	task.clear_ibuf [dreg:s6], $0x2FFFF;
	_ =	strace $0x9FFFFFFF  }
0xc1: {  	(tm) =	ssettm $0x7FFFFFFF  }
tec
execute0_lowered:
.L_overlay_start_1:
0x0: {  	(tag) =	ssettag $0x1  }
0x1: {  	s0 =	rddreg [dreg:$0x0];
	s1 =	srdreg.scid  }
0x2: {  	s3 =	stileid.u32;
	s2 =	simm.s32 $0x0;
	s17 =	simm.s32 $0x5  }
0x3: {  	s30 =	simm.s32 $0x1;
	s31 =	simm.s32 $0x2;
	s29 =	simm.s32 $0x15840  }
0x4: {  	s13 =	simm.s32 $0x15830;
	s14 =	simm.s32 $0x15850;
	s15 =	simm.s32 $0x15870  }
0x5: {  	s16 =	simm.s32 $0x0;
	s1 =	sand.u32 $0x1, s1;
	s3 =	sshll.u32 s3, $0x1  }
0x6: {  	[smem:$0x7FF] =	sst s2;
	s6 =	sadd.s32 $0x7400, s0;
	s4 =	sadd.s32 $0x2400, s0  }
0x7: {  	s8 =	sadd.s32 $0x55800, s0;
	s20 =	sadd.s32 $0x55A00, s0;
	s5 =	sor.u32 s1, s3  }
0x8: {  	_ =	strace $0x80000047;
	s3 =	sadd.s32 $0x2E600, s0;
	[dreg:$0x2] =	wrdreg s8  }
0x9: {  	[dreg:$0x3] =	wrdreg s20;
	s1 =	ssub.s32 $0x2, s1;
	s7 =	smul.u32 $0x18, s5  }
0xa: {  	s8 =	sadd.s32 $0x55C00, s0;
	s5 =	smul.u32 $0x4E20, s5;
	s11 =	sshrl.u32 s1, $0x1  }
0xb: {  	s1 =	ssub.s32 s1, s11;
	s11 =	simm.s32 $0x157F0;
	s7 =	sadd.s32 s7, s0  }
0xc: {  	s9 =	sshrl.u32 s5, $0x3;
	s10 =	sadd.s32 $0x9C400, s5;
	s0 =	sadd.s32 $0x4B10, s0  }
0xd: {  	s28 =	smax.u32 s1, $0x1;
	s1 =	simm.s32 $0x157C0;
	[dreg:$0x9] =	wrdreg s0  }
0xe: {  	s12 =	sadd.s32 s6, s9;
	s22 =	sshrl.u32 s10, $0x3;
	[dreg:$0xc] =	wrdreg s28  }
0xf: {  	s24 =	sadd.s32 s3, s9;
	s26 =	sadd.s32 $0x7CE00, s7;
	[dreg:$0x4] =	wrdreg s12  }
0x10: {  	s0 =	simm.s32 $0x3;
	s7 =	simm.s32 $0x157D0;
	[dreg:$0x8] =	wrdreg s24  }
0x11: {  	s21 =	sadd.s32 $0x4E2, s12;
	s6 =	sadd.s32 s6, s22;
	[dreg:$0xb] =	wrdreg s26  }
0x12: {  	s23 =	sadd.s32 $0x13D62, s12;
	s25 =	sadd.s32 s3, s22;
	[dreg:$0x5] =	wrdreg s21  }
0x13: {  	s22 =	simm.s32 $0x2710;
	s24 =	simm.s32 $0x7530;
	[dreg:$0x6] =	wrdreg s6  }
0x14: {  	s26 =	simm.s32 $0x7D0;
	s12 =	simm.s32 $0x15810;
	[dreg:$0x7] =	wrdreg s23  }
0x15: {  	[dreg:$0xa] =	wrdreg s25;
	s23 =	simm.s32 $0x4E20;
	s6 =	simm.s32 $0x15860  }
.LBB2_1:
0x16: {  	[dreg:$0xd] =	wrdreg s16  }
0x17: {  	s9 =	rddreg [dreg:$0x2];
	s21 =	simm.s32 $0x15880  }
0x18: {  	[tilespmem:s21], [sflag:$0x5] =	stream.linear.gather [hbm4b:s9+s2], $0x1, $0x38;
	[tilespmem:$0x158A0] =	vst v63  }
0x19: {  	s25 =	rddreg [dreg:$0x3];
	s28 =	simm.s32 $0x15890  }
0x1a: {  	[tilespmem:s28], [sflag:$0x5] =	stream.linear.gather [hbm4b:s25+s2], $0x1, $0x38;
	[tilespmem:$0x158A0] =	vst v63  }
0x1b: {  	_ =	swait.ge [sflag:s17], $0x1  }
0x1c: {  	[sflag:s17] =	ssyncset.done $0x0  }
0x1d: {  	[sflag:s17] =	ssyncadd.s32 $0xFFFFFFFF  }
0x1e: {  	_ =	swait.ge [sflag:s17], $0x1  }
0x1f: {  	[sflag:s17] =	ssyncset.done $0x0  }
0x20: {  	[sflag:s17] =	ssyncadd.s32 $0xFFFFFFFF  }
0x21: {  	s16 =	rddreg [dreg:$0x4];
	v59 =	vld.msk [tilespmem:$0x15880 ss:$0x0], $0xffff  }
0x22: {  	v1 =	vld.msk [tilespmem:$0x15890 ss:$0x0], $0xffff;
	[tilespmem:s2], [sflag:$0x4] =	stream.linear.gather [hbm4b:s16+s2], $0x2710, $0x38  }
0x23: {  	s17 =	rddreg [dreg:$0x5]  }
0x24: {  	[tilespmem:s22], [sflag:$0x4] =	stream.linear.gather [hbm4b:s17+s2], $0x2710, $0x38;
	[tilespmem:$0x158A0] =	vst v63  }
0x25: {  	s18 =	rddreg [dreg:$0x6]  }
0x26: {  	[tilespmem:s23], [sflag:$0x4] =	stream.linear.gather [hbm4b:s18+s2], $0x2710, $0x38;
	[tilespmem:$0x158A0] =	vst v63  }
0x27: {  	s19 =	rddreg [dreg:$0x7]  }
0x28: {  	v0 =	vimm.f32 $0.0e+00;
	[tilespmem:s24], [sflag:$0x4] =	stream.linear.gather [hbm4b:s19+s2], $0x2710, $0x38;
	[tilespmem:$0x158A0] =	vst v63  }
0x29: {  	[tilespmem:$0x157C0] =	vst v0  }
0x2a: {  	[tilespmem:$0x157D0] =	vst v0  }
0x2b: {  	[tilespmem:$0x157E0] =	vst v0  }
0x2c: {  	[tilespmem:$0x157F0] =	vst v0  }
0x2d: {  	[tilespmem:$0x15800] =	vst v0  }
0x2e: {  	[tilespmem:$0x15810] =	vst v0  }
0x2f: {  	[tilespmem:$0x15820] =	vst v0  }
0x30: {  	[tilespmem:$0x15830] =	vst v0  }
0x31: {  	[tilespmem:$0x15840] =	vst v0  }
0x32: {  	[tilespmem:$0x15850] =	vst v0  }
0x33: {  	[tilespmem:$0x15860] =	vst v0  }
0x34: {  	s20 =	simm.s32 $0x4;
	[tilespmem:$0x15870] =	vst v0  }
0x35: {  	_ =	swait.ge [sflag:s20], $0x2710  }
0x36: {  	[sflag:s20] =	ssyncset.done $0x0  }
0x37: {  	[sflag:s20] =	ssyncadd.s32 $0xFFFFD8F0  }
0x38: {  	_ =	swait.ge [sflag:s20], $0x2710  }
0x39: {  	[sflag:s20] =	ssyncset.done $0x0  }
0x3a: {  	p0 =	por $0x0, $0x0;
	s21 =	simm.s32 $0x9C40;
	[sflag:s20] =	ssyncadd.s32 $0xFFFFD8F0  }
0x3b: {  	[tilespmem:s21], [sflag:$0x1] =	stream.strided.gather [hbm4b:s4+s26], $0x3E80, s22, s26, $0x38;
	[tilespmem:$0x158A0] =	vst v63  }
0x3c: {  	s9 =	simm.s32 $0x0;
	s28 =	simm.s32 $0x11940;
	s25 =	rddreg [dreg:$0x8];
	[tilespmem:$0x1FFF0] =	vst v1  }
0x3d: {  	[tilespmem:s28], [sflag:$0x2] =	stream.strided.gather [hbm4b:s25+s26], $0xFA0, s22, s26, $0x38;
	[tilespmem:$0x158A0] =	vst v63  }
.LBB2_2:
0x3e: {  	s19 =	sand.u32 $0x1, s9  }
0x3f: {  	_ =	swait.ge [sflag:s30], $0x3E80;
	p1 =	seq.s32 s9, $0x4;
	s17 =	sadd.s32 $0x1, s9  }
0x40: {  	[sflag:s30] =	ssyncset.done $0x0;
	s16 =	sxor.u32 @!p1 $0x1, s19;
	s20 =	smul.u32 @!p1 $0x7D0, s17  }
0x41: {  	s25 =	simm.s32 @!p1 $0x7D0;
	[sflag:s30] =	ssyncadd.s32 $0xFFFFC180;
	s18 =	smul.u32 @!p1 $0xFA00, s16  }
0x42: {  	s28 =	simm.s32 @!p1 $0x2710;
	s16 =	smul.u32 @!p1 $0x3E80, s16;
	_ =	swait.ge [sflag:s31], $0xFA0  }
0x43: {  	s21 =	sshrl.u32 @!p1 s20, $0x3;
	[sflag:s31] =	ssyncset.done $0x0;
	s18 =	sshrl.u32 @!p1 s18, $0x2  }
0x44: {  	s21 =	sadd.s32 @!p1 s4, s21;
	[sflag:s31] =	ssyncadd.s32 $0xFFFFF060;
	s18 =	sadd.s32 @!p1 $0x9C40, s18  }
0x45: {  	[tilespmem:s18], [sflag:$0x1] =	stream.strided.gather @!p1 [hbm4b:s21+s25], $0x3E80, s28, s25, $0x38;
	[tilespmem:$0x158A0] =	vst v63  }
0x46: {  	s18 =	sadd.s32 @!p1 s5, s20  }
0x47: {  	s16 =	sshrl.u32 @!p1 s16, $0x2;
	s18 =	sshrl.u32 @!p1 s18, $0x3  }
0x48: {  	s16 =	sadd.s32 @!p1 $0x11940, s16;
	s18 =	sadd.s32 @!p1 s3, s18  }
0x49: {  	[tilespmem:s16], [sflag:$0x2] =	stream.strided.gather @!p1 [hbm4b:s18+s25], $0xFA0, s28, s25, $0x38;
	[tilespmem:$0x158A0] =	vst v63  }
0x4a: {  	s16 =	simm.s32 $0x1  }
0x4b: {  	p2 =	slt.u32 @!p1 s9, $0x2;
	s16 =	simm.s32 @!p0 $0x0  }
0x4c: {  	p1 =	por p1, !p2;
	s21 =	smul.u32 $0x3E80, s16  }
0x4d: {  	_ =	swait.ge @p1 [sflag:s0], $0xFA0  }
0x4e: {  	[sflag:s0] =	ssyncset.done @p1 $0x0;
	s25 =	smul.u32 $0xFA00, s16;
	s28 =	sshrl.u32 s21, $0x2  }
0x4f: {  	[sflag:s0] =	ssyncadd.s32 @p1 $0xFFFFF060;
	s20 =	sadd.s32 $0x12120, s28  }
0x50: {  	s25 =	sshrl.u32 s25, $0x2;
	v16 =	vld [tilespmem:s20+$0xFFFFF830]  }
0x51: {  	s18 =	sadd.s32 $0xBB80, s25;
	v12 =	vld [tilespmem:s20+$0xFFFFF820]  }
0x52: {  	v0 =	vld [tilespmem:s18+$0x1780]  }
0x53: {  	v22 =	vld [tilespmem:s18+$0x1770]  }
0x54: {  	v3 =	vld [tilespmem:s18+$0xFB0]  }
0x55: {  	v5 =	vld [tilespmem:s18+$0xFA0]  }
0x56: {  	v6 =	vld [tilespmem:s18+$0x7E0]  }
0x57: {  	v7 =	vld [tilespmem:s18+$0x7D0]  }
0x58: {  	v10 =	vld [tilespmem:s18+$0x10]  }
0x59: {  	v18 =	vld [tilespmem:s18+$0x0]  }
0x5a: {  	v31 =	vld [tilespmem:s18+$0xFFFFF840]  }
0x5b: {  	v9 =	vld [tilespmem:s18+$0xFFFFF070]  }
0x5c: {  	v33 =	vld [tilespmem:s18+$0xFFFFF830]  }
0x5d: {  	v11 =	vld [tilespmem:s18+$0xFFFFF060];
	v17 =	vshrl.u32 v0, $0x10  }
0x5e: {  	v15 =	vld [tilespmem:s18+$0xFFFFE8A0];
	v19 =	vand.u32 v59, v0  }
0x5f: {  	v34 =	vld [tilespmem:s18+$0xFFFFE890];
	v21 =	vshrl.u32 v3, $0x10  }
0x60: {  	v20 =	vld [tilespmem:s18+$0xFFFFE0C0];
	v24 =	vand.u32 v59, v3;
	v1 =	vshrl.u32 v9, $0x10  }
0x61: {  	v0 =	vld [tilespmem:s18+$0xFFFFE0D0];
	v3 =	vand.u32 v59, v9;
	[tilespmem:$0x1FED0] =	vst v1  }
0x62: {  	v2 =	vshrl.u32 v11, $0x10;
	v13 =	vld.idx.msk [tilespmem:v17+s2+$0x0], $0xffff;
	[tilespmem:$0x1FEC0] =	vst v3  }
0x63: {  	v32 =	vld.idx.msk [tilespmem:v19+s2+$0x0], $0xffff;
	[tilespmem:$0x1FEE0] =	vst v2  }
0x64: {  	v47 =	vshrl.u32 v15, $0x10;
	v29 =	vld.idx.msk [tilespmem:v21+s2+$0x0], $0xffff  }
0x65: {  	v62 =	vand.u32 v59, v11;
	v23 =	vld.idx.msk [tilespmem:v24+s2+$0x0], $0xffff  }
0x66: {  	v14 =	vshrl.u32 v34, $0x10;
	v36 =	vld.idx.msk [tilespmem:v1+s2+$0x0], $0xffff  }
0x67: {  	v9 =	vand.u32 v59, v0;
	v37 =	vld.idx.msk [tilespmem:v3+s2+$0x0], $0xffff  }
0x68: {  	v27 =	vshrl.u32 v0, $0x10;
	v46 =	vld.idx.msk [tilespmem:v2+s2+$0x0], $0xffff  }
0x69: {  	v0 =	vimm.f32 $0.0e+00;
	v4 =	vld.idx.msk [tilespmem:v47+s2+$0x0], $0xffff  }
0x6a: {  	v25 =	vand.u32 v59, v20;
	v48 =	vld.idx.msk [tilespmem:v62+s2+$0x0], $0xffff;
	[tilespmem:$0x1FE80] =	vst v0  }
0x6b: {  	v11 =	vshrl.u32 v20, $0x10;
	v35 =	vand.u32 v59, v15;
	v0 =	vand.u32 v59, v6;
	v49 =	vld.idx.msk [tilespmem:v14+s2+$0x0], $0xffff  }
0x6c: {  	v30 =	vshrl.u32 v22, $0x10;
	v38 =	vand.u32 v59, v34;
	v2 =	vand.u32 v59, v7;
	v34 =	vld.idx.msk [tilespmem:v9+s2+$0x0], $0xffff;
	[tilespmem:$0x1FF10] =	vst v0  }
0x6d: {  	v20 =	vand.u32 v59, v22;
	v22 =	vshrl.u32 v5, $0x10;
	v3 =	vshrl.u32 v10, $0x10;
	v50 =	vld.idx.msk [tilespmem:v27+s2+$0x0], $0xffff;
	[tilespmem:$0x1FF20] =	vst v2  }
0x6e: {  	v45 =	vand.u32 v59, v5;
	v44 =	vshrl.u32 v6, $0x10;
	v5 =	vand.u32 v59, v10;
	v15 =	vld [tilespmem:$0x1FFF0];
	[tilespmem:$0x1FF00] =	vst v3  }
0x6f: {  	v51 =	vld.idx.msk [tilespmem:v25+s2+$0x0], $0xffff;
	[tilespmem:$0x1FEF0] =	vst v5  }
0x70: {  	v52 =	vld.idx.msk [tilespmem:v11+s2+$0x0], $0xffff  }
0x71: {  	v10 =	vshrl.u32 v31, $0x10;
	v53 =	vld.idx.msk [tilespmem:v35+s2+$0x0], $0xffff  }
0x72: {  	v43 =	vshrl.u32 v7, $0x10;
	v41 =	vand.u32 v59, v33;
	v54 =	vld.idx.msk [tilespmem:v38+s2+$0x0], $0xffff  }
0x73: {  	v8 =	vshrl.u32 v18, $0x10;
	v42 =	vand.u32 v59, v31;
	v40 =	vshrl.u32 v33, $0x10;
	v33 =	vld.idx.msk [tilespmem:v44+s2+$0x0], $0xffff  }
0x74: {  	v39 =	vand.u32 v59, v18;
	v31 =	vmul.bf16 v36, v36;
	v61 =	vld.idx.msk [tilespmem:v0+s2+$0x0], $0xffff;
	v18 =	vmul.bf16 v34, v34  }
0x75: {  	v7 =	vld.idx.msk [tilespmem:v3+s2+$0x0], $0xffff;
	v1 =	vadd.bf16 v50, v34;
	v60 =	vmul.bf16 v50, v50;
	v34 =	vmax.bf16 v34, v50  }
0x76: {  	v6 =	vld.idx.msk [tilespmem:v10+s2+$0x0], $0xffff;
	v63 =	vmul.bf16 v51, v51;
	v0 =	vadd.bf16 v52, v51;
	v51 =	vmax.bf16 v51, v52  }
0x77: {  	v3 =	vld.idx.msk [tilespmem:v41+s2+$0x0], $0xffff;
	v52 =	vmul.bf16 v52, v52;
	v18 =	vadd.bf16 v60, v18;
	v60 =	vmul.bf16 v53, v53  }
0x78: {  	v50 =	vld.idx.msk [tilespmem:v5+s2+$0x0], $0xffff;
	v34 =	vmax.bf16 v34, v53;
	v53 =	vadd.bf16 v53, v1;
	v51 =	vmax.bf16 v51, v54  }
0x79: {  	v5 =	vld.idx.msk [tilespmem:v42+s2+$0x0], $0xffff;
	v52 =	vadd.bf16 v52, v63;
	v0 =	vadd.bf16 v54, v0;
	v54 =	vmul.bf16 v54, v54  }
0x7a: {  	v58 =	vmul.bf16 v4, v4;
	v34 =	vmax.bf16 v34, v4;
	v4 =	vadd.bf16 v4, v53;
	v53 =	vld.idx.msk [tilespmem:v40+s2+$0x0], $0xffff  }
0x7b: {  	v55 =	vmul.bf16 v48, v48;
	v18 =	vadd.bf16 v60, v18;
	v52 =	vadd.bf16 v54, v52;
	v54 =	vld.idx.msk [tilespmem:v39+s2+$0x0], $0xffff  }
0x7c: {  	v57 =	vmul.bf16 v49, v49;
	v51 =	vmax.bf16 v51, v49;
	v0 =	vadd.bf16 v49, v0;
	v49 =	vld.idx.msk [tilespmem:v8+s2+$0x0], $0xffff  }
0x7d: {  	v56 =	vmul.bf16 v37, v37;
	v34 =	vmax.bf16 v34, v37;
	v18 =	vadd.bf16 v58, v18;
	v58 =	vld.idx.msk [tilespmem:v2+s2+$0x0], $0xffff  }
0x7e: {  	v51 =	vmax.bf16 v51, v48;
	v34 =	vmax.bf16 v34, v36;
	v4 =	vadd.bf16 v37, v4;
	v37 =	vld.idx.msk [tilespmem:v43+s2+$0x0], $0xffff  }
0x7f: {  	v1 =	vshll.u32 v16, $0x10;
	v60 =	vmovc v8;
	v34 =	vmax.bf16 v34, v5;
	v51 =	vmax.bf16 v51, v46;
	v8 =	vld.idx.msk [tilespmem:v30+s2+$0x0], $0xffff  }
0x80: {  	v34 =	vmax.bf16 v34, v6;
	v51 =	vmax.bf16 v51, v3;
	v52 =	vadd.bf16 v57, v52;
	v57 =	vld.idx.msk [tilespmem:v45+s2+$0x0], $0xffff  }
0x81: {  	v34 =	vmax.bf16 v34, v50;
	v0 =	vadd.bf16 v48, v0;
	v48 =	vld.idx.msk [tilespmem:v22+s2+$0x0], $0xffff;
	v18 =	vadd.bf16 v56, v18  }
0x82: {  	v56 =	vld.idx.msk [tilespmem:v20+s2+$0x0], $0xffff;
	v4 =	vadd.bf16 v36, v4;
	[tilespmem:$0x1FF30] =	vst v1;
	v1 =	vand.u32 v15, v16  }
0x83: {  	v51 =	vmax.bf16 v51, v53;
	v34 =	vmax.bf16 v34, v7;
	[tilespmem:$0x1FF40] =	vst v1;
	v1 =	vshll.u32 v12, $0x10  }
0x84: {  	v34 =	vmax.bf16 v34, v61;
	v55 =	vadd.bf16 v55, v52;
	v18 =	vadd.bf16 v31, v18  }
0x85: {  	v0 =	vadd.bf16 v46, v0;
	v4 =	vadd.bf16 v5, v4;
	v5 =	vmul.bf16 v5, v5  }
0x86: {  	[tilespmem:$0x1FF50] =	vst v1;
	v1 =	vand.u32 v15, v12;
	v51 =	vmax.bf16 v51, v54;
	v34 =	vmax.bf16 v34, v33  }
0x87: {  	v51 =	vmax.bf16 v51, v49;
	v34 =	vmax.bf16 v34, v23;
	v0 =	vadd.bf16 v3, v0  }
0x88: {  	v5 =	vadd.bf16 v5, v18;
	v36 =	vmax.bf16 v51, v58;
	v34 =	vmax.bf16 v34, v29  }
0x89: {  	v4 =	vadd.bf16 v6, v4;
	v36 =	vmax.bf16 v36, v37;
	v34 =	vmax.bf16 v34, v32  }
0x8a: {  	v6 =	vmul.bf16 v6, v6;
	v36 =	vmax.bf16 v36, v57;
	v34 =	vmax.bf16 v34, v13  }
0x8b: {  	v0 =	vadd.bf16 v53, v0;
	v31 =	vmax.bf16 v36, v48;
	v16 =	vadd.bf16 v16, v34  }
0x8c: {  	s25 =	sadd.s32 $0x14060, s28;
	[tilespmem:$0x1FF60] =	vst v1;
	v5 =	vadd.bf16 v6, v5;
	v36 =	vmul.bf16 v46, v46;
	v31 =	vmax.bf16 v31, v56  }
0x8d: {  	v4 =	vadd.bf16 v50, v4;
	v6 =	vmul.bf16 v50, v50;
	v31 =	vmax.bf16 v31, v8;
	[tilespmem:s25+$0xFFFFF830] =	vst v16  }
0x8e: {  	v46 =	vmul.bf16 v3, v3;
	v31 =	vadd.bf16 v12, v31;
	v12 =	vadd.bf16 v36, v55;
	v19 =	vld.idx.msk [tilespmem:v19+s22+$0x0], $0xffff  }
0x8f: {  	v0 =	vadd.bf16 v54, v0;
	v5 =	vadd.bf16 v6, v5;
	v2 =	vld.idx.msk [tilespmem:v21+s22+$0x0], $0xffff  }
0x90: {  	v6 =	vmul.bf16 v7, v7;
	v16 =	vmul.bf16 v53, v53;
	v18 =	vadd.bf16 v46, v12;
	[tilespmem:s25+$0xFFFFF820] =	vst v31;
	v12 =	vld [tilespmem:s20+$0x0]  }
0x91: {  	v54 =	vmul.bf16 v54, v54;
	v4 =	vadd.bf16 v7, v4;
	v0 =	vadd.bf16 v49, v0;
	v1 =	vld.idx.msk [tilespmem:v30+s22+$0x0], $0xffff  }
0x92: {  	v5 =	vadd.bf16 v6, v5;
	v6 =	vmul.bf16 v61, v61;
	v20 =	vld.idx.msk [tilespmem:v20+s22+$0x0], $0xffff;
	v31 =	vadd.bf16 v16, v18  }
0x93: {  	v4 =	vadd.bf16 v61, v4;
	v0 =	vadd.bf16 v58, v0;
	v22 =	vld.idx.msk [tilespmem:v22+s22+$0x0], $0xffff  }
0x94: {  	v5 =	vadd.bf16 v6, v5;
	v30 =	vmul.bf16 v49, v49;
	v16 =	vld [tilespmem:s20+$0xFFFFFFF0];
	v7 =	vadd.bf16 v54, v31  }
0x95: {  	v4 =	vadd.bf16 v33, v4;
	v6 =	vmul.bf16 v33, v33;
	v0 =	vadd.bf16 v37, v0;
	v33 =	vld.idx.msk [tilespmem:v25+s22+$0x0], $0xffff  }
0x96: {  	v18 =	vld.idx.msk [tilespmem:v17+s22+$0x0], $0xffff;
	v7 =	vadd.bf16 v30, v7;
	v30 =	vmul.bf16 v58, v58  }
0x97: {  	v31 =	vld.idx.msk [tilespmem:v27+s22+$0x0], $0xffff;
	v58 =	vadd.bf16 v57, v0;
	v0 =	vshll.u32 v12, $0x10  }
0x98: {  	v7 =	vadd.bf16 v30, v7;
	v30 =	vld.idx.msk [tilespmem:v9+s22+$0x0], $0xffff;
	[tilespmem:$0x1FE90] =	vst v0;
	v0 =	vand.u32 v15, v12  }
0x99: {  	v34 =	vld.idx.msk [tilespmem:v11+s22+$0x0], $0xffff;
	[tilespmem:$0x1FEA0] =	vst v0;
	v0 =	vand.u32 v15, v16  }
0x9a: {  	[tilespmem:$0x1FEB0] =	vst v0;
	v0 =	vld [tilespmem:$0x1FEC0];
	_ =	sdelay $0x4  }
0x9b: {  	v61 =	vmul.bf16 v57, v57;
	v55 =	vmul.bf16 v37, v37  }
0x9c: {  	v57 =	vmul.bf16 v31, v31;
	v28 =	vld.idx.msk [tilespmem:v45+s22+$0x0], $0xffff;
	v45 =	vmul.bf16 v30, v30  }
0x9d: {  	v7 =	vadd.bf16 v55, v7  }
0x9e: {  	v53 =	vmul.bf16 v48, v48;
	v55 =	vadd.bf16 v48, v58;
	v48 =	vadd.bf16 v57, v45;
	v45 =	vld.idx.msk [tilespmem:v0+s22+$0x0], $0xffff  }
0x9f: {  	v0 =	vld [tilespmem:$0x1FED0];
	_ =	sdelay $0x1  }
0xa0: {  	v4 =	vadd.bf16 v23, v4;
	_ =	sdelay $0x1  }
0xa1: {  	v4 =	vadd.bf16 v29, v4;
	_ =	sdelay $0x1  }
0xa2: {  	v52 =	vmul.bf16 v32, v32;
	v4 =	vadd.bf16 v32, v4;
	v32 =	vld.idx.msk [tilespmem:v43+s22+$0x0], $0xffff  }
0xa3: {  	v43 =	vld.idx.msk [tilespmem:v47+s22+$0x0], $0xffff  }
0xa4: {  	v47 =	vld.idx.msk [tilespmem:v0+s22+$0x0], $0xffff  }
0xa5: {  	v0 =	vld [tilespmem:$0x1FEE0]  }
0xa6: {  	v5 =	vadd.bf16 v6, v5;
	v6 =	vmul.bf16 v23, v23;
	v35 =	vld.idx.msk [tilespmem:v35+s22+$0x0], $0xffff;
	_ =	sdelay $0x1  }
0xa7: {  	v49 =	vmul.bf16 v29, v29;
	v5 =	vadd.bf16 v6, v5  }
0xa8: {  	v57 =	vadd.bf16 v31, v30  }
0xa9: {  	v46 =	vmul.bf16 v56, v56;
	v5 =	vadd.bf16 v49, v5;
	v7 =	vadd.bf16 v61, v7  }
0xaa: {  	v61 =	vadd.bf16 v56, v55;
	v56 =	vadd.bf16 v35, v57;
	v57 =	vmul.bf16 v35, v35;
	_ =	sdelay $0x1  }
0xab: {  	v5 =	vadd.bf16 v52, v5;
	v52 =	vadd.bf16 v57, v48;
	v48 =	vld.idx.msk [tilespmem:v0+s22+$0x0], $0xffff  }
0xac: {  	v0 =	vld [tilespmem:$0x1FEF0];
	_ =	sdelay $0x2  }
0xad: {  	v7 =	vadd.bf16 v53, v7;
	_ =	sdelay $0x1  }
0xae: {  	v3 =	vmul.bf16 v8, v8;
	v7 =	vadd.bf16 v46, v7  }
0xaf: {  	v29 =	vld.idx.msk [tilespmem:v44+s22+$0x0], $0xffff;
	v8 =	vadd.bf16 v8, v61;
	v61 =	vmul.bf16 v43, v43;
	v54 =	vadd.bf16 v43, v56  }
0xb0: {  	v38 =	vld.idx.msk [tilespmem:v38+s22+$0x0], $0xffff;
	v50 =	vadd.bf16 v3, v7  }
0xb1: {  	v3 =	vadd.bf16 v61, v52;
	v61 =	vadd.bf16 v45, v54;
	v54 =	vld.idx.msk [tilespmem:v0+s22+$0x0], $0xffff  }
0xb2: {  	v49 =	vmul.bf16 v33, v33;
	v58 =	vmul.bf16 v34, v34;
	v0 =	vld [tilespmem:$0x1FF00]  }
0xb3: {  	v44 =	vld.idx.msk [tilespmem:v14+s22+$0x0], $0xffff  }
0xb4: {  	v49 =	vadd.bf16 v58, v49;
	v58 =	vadd.bf16 v34, v33  }
0xb5: {  	v51 =	vmul.bf16 v13, v13  }
0xb6: {  	v4 =	vadd.bf16 v13, v4;
	v13 =	vmul.bf16 v38, v38;
	v58 =	vadd.bf16 v38, v58;
	_ =	sdelay $0x1  }
0xb7: {  	v13 =	vadd.bf16 v13, v49;
	v57 =	vadd.bf16 v44, v58;
	v58 =	vmul.bf16 v44, v44  }
0xb8: {  	v46 =	vld.idx.msk [tilespmem:v62+s22+$0x0], $0xffff  }
0xb9: {  	v63 =	vmov v10;
	v7 =	vadd.bf16 v58, v13;
	v58 =	vld.idx.msk [tilespmem:v0+s22+$0x0], $0xffff  }
0xba: {  	v0 =	vld [tilespmem:$0x1FF10];
	_ =	sdelay $0x2  }
0xbb: {  	v6 =	vadd.bf16 v51, v5;
	v51 =	vld.idx.msk [tilespmem:v41+s22+$0x0], $0xffff  }
0xbc: {  	v52 =	vld.idx.msk [tilespmem:v63+s22+$0x0], $0xffff;
	v63 =	vadd.bf16 v46, v57;
	_ =	sdelay $0x1  }
0xbd: {  	v49 =	vld.idx.msk [tilespmem:v42+s22+$0x0], $0xffff;
	v55 =	vadd.bf16 v48, v63  }
0xbe: {  	v57 =	vld.idx.msk [tilespmem:v39+s22+$0x0], $0xffff  }
0xbf: {  	v39 =	vadd.bf16 v51, v55;
	v55 =	vld.idx.msk [tilespmem:v0+s22+$0x0], $0xffff  }
0xc0: {  	v5 =	vmul.bf16 v45, v45;
	v0 =	vld [tilespmem:$0x1FF20]  }
0xc1: {  	v36 =	vmul.bf16 v1, v1;
	v13 =	vmul.bf16 v46, v46  }
0xc2: {  	v23 =	vmul.bf16 v20, v20;
	v53 =	vld.idx.msk [tilespmem:v40+s22+$0x0], $0xffff;
	v3 =	vadd.bf16 v5, v3;
	v5 =	vmul.bf16 v47, v47  }
0xc3: {  	v10 =	vmul.bf16 v22, v22;
	v7 =	vadd.bf16 v13, v7;
	v13 =	vmul.bf16 v48, v48  }
0xc4: {  	v41 =	vadd.bf16 v47, v61;
	v3 =	vadd.bf16 v5, v3;
	v5 =	vmul.bf16 v49, v49  }
0xc5: {  	v26 =	vshll.u32 v16, $0x10;
	v21 =	vld.idx.msk [tilespmem:v24+s22+$0x0], $0xffff;
	v7 =	vadd.bf16 v13, v7;
	v13 =	vmul.bf16 v51, v51  }
0xc6: {  	v61 =	vld.idx.msk [tilespmem:v60+s22+$0x0], $0xffff;
	v40 =	vadd.bf16 v49, v41;
	v3 =	vadd.bf16 v5, v3;
	v5 =	vmul.bf16 v52, v52  }
0xc7: {  	v7 =	vadd.bf16 v13, v7;
	v13 =	vmul.bf16 v53, v53;
	v39 =	vadd.bf16 v53, v39  }
0xc8: {  	v40 =	vadd.bf16 v52, v40;
	v3 =	vadd.bf16 v5, v3;
	v5 =	vmul.bf16 v54, v54;
	v56 =	vld.idx.msk [tilespmem:v0+s22+$0x0], $0xffff  }
0xc9: {  	v7 =	vadd.bf16 v13, v7;
	v13 =	vmul.bf16 v57, v57;
	v39 =	vadd.bf16 v57, v39  }
0xca: {  	v40 =	vadd.bf16 v54, v40;
	v3 =	vadd.bf16 v5, v3;
	v5 =	vmul.bf16 v58, v58  }
0xcb: {  	v9 =	vmul.bf16 v21, v21;
	v7 =	vadd.bf16 v13, v7;
	v39 =	vadd.bf16 v61, v39  }
0xcc: {  	v13 =	vmul.bf16 v61, v61;
	v5 =	vadd.bf16 v5, v3;
	v60 =	vmul.bf16 v55, v55  }
0xcd: {  	v62 =	vmul.bf16 v29, v29;
	v40 =	vadd.bf16 v58, v40;
	v39 =	vadd.bf16 v56, v39  }
0xce: {  	v7 =	vadd.bf16 v13, v7;
	v5 =	vadd.bf16 v60, v5;
	v13 =	vmul.bf16 v56, v56  }
0xcf: {  	v42 =	vand.u32 v8, v15;
	v40 =	vadd.bf16 v55, v40;
	v39 =	vadd.bf16 v32, v39  }
0xd0: {  	v0 =	vmul.bf16 v32, v32;
	v63 =	vadd.bf16 v62, v5;
	v7 =	vadd.bf16 v13, v7  }
0xd1: {  	v41 =	vshll.u32 v8, $0x10;
	v5 =	vld [tilespmem:$0x1FF30];
	v13 =	vadd.bf16 v29, v40;
	v8 =	vadd.bf16 v28, v39  }
0xd2: {  	v11 =	vmul.bf16 v2, v2;
	v9 =	vadd.bf16 v9, v63;
	v0 =	vadd.bf16 v0, v7  }
0xd3: {  	v37 =	vmul.bf16 v18, v18;
	v7 =	vadd.bf16 v21, v13;
	v13 =	vld [tilespmem:$0x1FF40];
	v8 =	vadd.bf16 v22, v8  }
0xd4: {  	v24 =	vmul.bf16 v19, v19;
	v14 =	vmul.bf16 v28, v28;
	v11 =	vadd.bf16 v11, v9;
	v9 =	vld [tilespmem:$0x1FF60]  }
0xd5: {  	v3 =	vshll.u32 v4, $0x10;
	v60 =	vadd.bf16 v20, v8;
	v8 =	vimm.f32 $0.0e+00  }
0xd6: {  	v4 =	vand.u32 v4, v15;
	v5 =	vmul.f32 v3, v5;
	[tilespmem:$0x1FF70] =	vst v8;
	v8 =	vimm.f32 $0.0e+00  }
0xd7: {  	v63 =	vadd.bf16 v24, v11;
	v0 =	vadd.bf16 v14, v0;
	[tilespmem:$0x1FF80] =	vst v8;
	v8 =	vimm.f32 $0.0e+00  }
0xd8: {  	v7 =	vadd.bf16 v2, v7;
	v40 =	vmul.f32 v4, v13;
	v13 =	vld [tilespmem:$0x1FF50];
	[tilespmem:$0x1FF90] =	vst v8;
	v8 =	vimm.f32 $0.0e+00  }
0xd9: {  	v9 =	vmul.f32 v42, v9;
	v14 =	vimm.f32 $0.0e+00;
	[tilespmem:$0x1FFA0] =	vst v8;
	v8 =	vimm.f32 $0.0e+00  }
0xda: {  	s9 =	smul.u32 $0x7D0, s9;
	v0 =	vadd.bf16 v10, v0;
	v10 =	vadd.bf16 v19, v7;
	[tilespmem:$0x1FFB0] =	vst v8;
	v8 =	vimm.f32 $0.0e+00  }
0xdb: {  	s28 =	smul.u32 $0xFA00, s19;
	v7 =	vshll.u32 v6, $0x10;
	v6 =	vand.u32 v6, v15;
	[tilespmem:$0x1FFC0] =	vst v8;
	v8 =	vimm.f32 $0.0e+00  }
0xdc: {  	s21 =	smul.u32 $0xFA0, s19;
	v15 =	vimm.f32 $0.0e+00;
	v0 =	vadd.bf16 v23, v0;
	[tilespmem:$0x1FFD0] =	vst v8;
	v8 =	vimm.f32 $0.0e+00  }
0xdd: {  	s19 =	simm.s32 $0x0;
	s16 =	sshrl.u32 s28, $0x2;
	s20 =	sadd.s32 $0x20, s20;
	v39 =	vadd.bf16 v18, v10;
	v23 =	vimm.f32 $0.0e+00;
	v62 =	vmul.f32 v41, v13;
	[tilespmem:$0x1FFE0] =	vst v8  }
.LBB2_3:
0xde: {  	v13 =	vld [tilespmem:$0x1FE80];
	_ =	sdelay $0x4  }
0xdf: {  	v41 =	vadd.f32 v41, v13  }
0xe0: {  	v13 =	vadd.f32 v62, v14;
	v14 =	vld [tilespmem:$0x1FF70]  }
0xe1: {  	v15 =	vadd.f32 v42, v15;
	v3 =	vadd.f32 v3, v41;
	_ =	sdelay $0x1  }
0xe2: {  	[tilespmem:$0x1FE80] =	vst v3;
	v3 =	vadd.f32 v4, v15;
	_ =	sdelay $0x1  }
0xe3: {  	v9 =	vadd.f32 v9, v14;
	[tilespmem:$0x1FE70] =	vst v3;
	v3 =	vadd.f32 v5, v13;
	_ =	sdelay $0x1  }
0xe4: {  	[tilespmem:$0x1FE00] =	vst v3;
	v3 =	vadd.f32 v40, v9;
	_ =	sdelay $0x1  }
0xe5: {  	[tilespmem:$0x1FF70] =	vst v3;
	v3 =	vld [tilespmem:$0x1FE90];
	_ =	sdelay $0x2  }
0xe6: {  	v24 =	vld [tilespmem:$0x1FFF0]  }
0xe7: {  	v0 =	vadd.bf16 v36, v0;
	v36 =	vadd.bf16 v37, v63;
	v37 =	vshll.u32 v39, $0x10;
	v5 =	vld [tilespmem:$0x1FEA0]  }
0xe8: {  	v9 =	vmul.f32 v37, v3;
	v3 =	vld [tilespmem:$0x1FF80];
	_ =	sdelay $0x3  }
0xe9: {  	v8 =	vshll.u32 v50, $0x10;
	v50 =	vand.u32 v50, v24;
	v39 =	vand.u32 v39, v24  }
0xea: {  	v3 =	vadd.f32 v8, v3;
	v8 =	vadd.f32 v50, v23;
	v23 =	vmul.f32 v39, v5;
	v5 =	vld [tilespmem:$0x1FF90];
	_ =	sdelay $0x1  }
0xeb: {  	v10 =	vadd.bf16 v1, v60;
	_ =	sdelay $0x1  }
0xec: {  	v62 =	vshll.u32 v10, $0x10;
	v13 =	vld [tilespmem:$0x1FEB0]  }
0xed: {  	v25 =	vadd.f32 v62, v5;
	v5 =	vld [tilespmem:$0x1FFA0]  }
0xee: {  	v17 =	vld [tilespmem:s20+$0xFFFFF830]  }
0xef: {  	s18 =	sadd.s32 $0x20, s18;
	v60 =	vld [tilespmem:s20+$0xFFFFF820]  }
0xf0: {  	v11 =	vld [tilespmem:s18+$0x1780]  }
0xf1: {  	v10 =	vand.u32 v10, v24;
	v3 =	vadd.f32 v7, v3;
	v7 =	vld [tilespmem:$0x1FFB0]  }
0xf2: {  	v50 =	vadd.f32 v10, v5;
	v10 =	vmul.f32 v10, v13;
	v13 =	vld [tilespmem:$0x1FFD0]  }
0xf3: {  	v63 =	vld [tilespmem:s18+$0x0]  }
0xf4: {  	[tilespmem:$0x1FF80] =	vst v3;
	v3 =	vadd.f32 v6, v8;
	v8 =	vld [tilespmem:$0x1FFC0]  }
0xf5: {  	v42 =	vld [tilespmem:s18+$0x1770];
	v27 =	vmul.f32 v62, v26  }
0xf6: {  	v41 =	vld [tilespmem:s18+$0x7E0];
	v6 =	vshll.u32 v0, $0x10  }
0xf7: {  	v7 =	vadd.f32 v27, v7;
	v6 =	vadd.f32 v6, v13;
	v13 =	vld [tilespmem:$0x1FFE0]  }
0xf8: {  	v4 =	vld [tilespmem:s18+$0xFA0]  }
0xf9: {  	v14 =	vld [tilespmem:s18+$0xFB0];
	v7 =	vadd.f32 v9, v7;
	v8 =	vadd.f32 v10, v8  }
0xfa: {  	v15 =	vshrl.u32 v11, $0x10;
	v40 =	vld [tilespmem:s18+$0x7D0];
	[tilespmem:$0x1FE30] =	vst v3;
	v3 =	vadd.f32 v37, v25;
	v25 =	vshll.u32 v36, $0x10  }
0xfb: {  	v62 =	vld [tilespmem:s18+$0xFFFFE0C0];
	v9 =	vmax.bf16 v30, v31;
	[tilespmem:$0x1FFB0] =	vst v7;
	v10 =	vand.u32 v0, v24;
	v7 =	vadd.f32 v23, v8  }
0xfc: {  	v37 =	vld [tilespmem:s18+$0xFFFFF070];
	[tilespmem:$0x1FF90] =	vst v3;
	v9 =	vmax.bf16 v9, v35;
	v6 =	vadd.f32 v25, v6;
	v10 =	vadd.f32 v10, v13  }
0xfd: {  	v26 =	vshrl.u32 v4, $0x10;
	v5 =	vld [tilespmem:s18+$0x10];
	v9 =	vmax.bf16 v9, v43;
	[tilespmem:$0x1FFC0] =	vst v7;
	v7 =	vand.u32 v36, v24  }
0xfe: {  	v3 =	vadd.f32 v39, v50;
	v0 =	vld [tilespmem:s18+$0xFFFFF830];
	[tilespmem:$0x1FFD0] =	vst v6;
	v6 =	vadd.f32 v7, v10;
	v7 =	vmax.bf16 v33, v34  }
0xff: {  	[tilespmem:$0x1FD00] =	vst v15;
	v27 =	vshrl.u32 v42, $0x10;
	v9 =	vmax.bf16 v9, v45;
	v50 =	vld.idx.msk [tilespmem:v15+s2+$0x0], $0xffff;
	v7 =	vmax.bf16 v7, v38  }
0x100: {  	v30 =	vand.u32 v59, v42;
	v9 =	vmax.bf16 v9, v47;
	[tilespmem:$0x1FFA0] =	vst v3;
	v3 =	vld [tilespmem:s18+$0xFFFFF840];
	v7 =	vmax.bf16 v7, v44  }
0x101: {  	[tilespmem:$0x1FD50] =	vst v26;
	v8 =	vld [tilespmem:s18+$0xFFFFF060];
	v23 =	vand.u32 v59, v14;
	v25 =	vshrl.u32 v14, $0x10;
	v7 =	vmax.bf16 v7, v46  }
0x102: {  	[tilespmem:$0x1FD30] =	vst v30;
	v9 =	vmax.bf16 v9, v49;
	v13 =	vand.u32 v59, v11;
	v11 =	vld [tilespmem:s18+$0xFFFFE890];
	v7 =	vmax.bf16 v7, v48  }
0x103: {  	v15 =	vand.u32 v59, v37;
	v9 =	vmax.bf16 v9, v52;
	[tilespmem:$0x1FFE0] =	vst v6;
	v6 =	vld [tilespmem:s18+$0xFFFFE8A0];
	v7 =	vmax.bf16 v7, v51  }
0x104: {  	[tilespmem:$0x1FD90] =	vst v15;
	v9 =	vmax.bf16 v9, v54;
	v10 =	vld [tilespmem:s18+$0xFFFFE0D0];
	v7 =	vmax.bf16 v7, v53  }
0x105: {  	[tilespmem:$0x1FD60] =	vst v23;
	v9 =	vmax.bf16 v9, v58;
	v48 =	vld.idx.msk [tilespmem:v27+s2+$0x0], $0xffff;
	v7 =	vmax.bf16 v7, v57  }
0x106: {  	[tilespmem:$0x1FD40] =	vst v25;
	v9 =	vmax.bf16 v9, v55;
	v14 =	vshrl.u32 v8, $0x10;
	v35 =	vld.idx.msk [tilespmem:v25+s2+$0x0], $0xffff;
	v7 =	vmax.bf16 v7, v61  }
0x107: {  	v55 =	vand.u32 v59, v8;
	v8 =	vmax.bf16 v9, v29;
	v34 =	vld.idx.msk [tilespmem:v23+s2+$0x0], $0xffff;
	v7 =	vmax.bf16 v7, v56  }
0x108: {  	[tilespmem:$0x1FD20] =	vst v13;
	v46 =	vld.idx.msk [tilespmem:v13+s2+$0x0], $0xffff;
	v13 =	vshrl.u32 v37, $0x10;
	v57 =	vshrl.u32 v6, $0x10;
	v7 =	vmax.bf16 v7, v32  }
0x109: {  	v38 =	vld.idx.msk [tilespmem:v26+s2+$0x0], $0xffff;
	v49 =	vand.u32 v59, v6;
	v6 =	vmax.bf16 v7, v28;
	v7 =	vmax.bf16 v8, v21  }
0x10a: {  	v44 =	vld.idx.msk [tilespmem:v30+s2+$0x0], $0xffff;
	v6 =	vmax.bf16 v6, v22;
	v7 =	vmax.bf16 v7, v2;
	v2 =	vmul.bf16 v48, v48  }
0x10b: {  	[tilespmem:$0x1FDD0] =	vst v14;
	v25 =	vld.idx.msk [tilespmem:v14+s2+$0x0], $0xffff;
	v52 =	vshrl.u32 v11, $0x10;
	v6 =	vmax.bf16 v6, v20  }
0x10c: {  	v14 =	vld.idx.msk [tilespmem:v55+s2+$0x0], $0xffff;
	v42 =	vand.u32 v59, v10;
	v6 =	vmax.bf16 v6, v1;
	v1 =	vshll.u32 v17, $0x10;
	[tilespmem:$0x1FDF0] =	vst v2  }
0x10d: {  	v26 =	vld.idx.msk [tilespmem:v13+s2+$0x0], $0xffff;
	v2 =	vmul.bf16 v50, v50;
	[tilespmem:$0x1FE20] =	vst v1;
	v1 =	vand.u32 v24, v17  }
0x10e: {  	v45 =	vshrl.u32 v10, $0x10;
	v21 =	vld.idx.msk [tilespmem:v15+s2+$0x0], $0xffff;
	v7 =	vmax.bf16 v7, v19;
	[tilespmem:$0x1FE40] =	vst v1  }
0x10f: {  	v10 =	vld.idx.msk [tilespmem:v57+s2+$0x0], $0xffff;
	v7 =	vmax.bf16 v7, v18;
	v6 =	vadd.bf16 v16, v6;
	v1 =	vshll.u32 v60, $0x10;
	[tilespmem:$0x1FDE0] =	vst v2  }
0x110: {  	v47 =	vand.u32 v59, v11;
	v7 =	vadd.bf16 v12, v7;
	v12 =	vld.idx.msk [tilespmem:v49+s2+$0x0], $0xffff;
	[tilespmem:$0x1FE50] =	vst v1  }
0x111: {  	v33 =	vand.u32 v59, v62;
	v16 =	vld.idx.msk [tilespmem:v52+s2+$0x0], $0xffff;
	v2 =	vmul.bf16 v44, v44;
	[tilespmem:s25+$0xFFFFFFF0] =	vst v6  }
0x112: {  	v43 =	vmovc v17;
	v39 =	vshrl.u32 v41, $0x10;
	v36 =	vand.u32 v59, v4;
	v37 =	vshrl.u32 v62, $0x10;
	v17 =	vld.idx.msk [tilespmem:v42+s2+$0x0], $0xffff;
	[tilespmem:s25+$0x0] =	vst v7  }
0x113: {  	v58 =	vshrl.u32 v5, $0x10;
	v1 =	vand.u32 v24, v60;
	v18 =	vld.idx.msk [tilespmem:v45+s2+$0x0], $0xffff;
	[tilespmem:$0x1FDB0] =	vst v2;
	v2 =	vmul.bf16 v46, v46  }
0x114: {  	v54 =	vand.u32 v59, v5;
	[tilespmem:$0x1FE60] =	vst v1;
	v1 =	vand.u32 v59, v41;
	v41 =	vand.u32 v59, v3  }
0x115: {  	v62 =	vshrl.u32 v3, $0x10;
	v51 =	vand.u32 v59, v0;
	v19 =	vld.idx.msk [tilespmem:v47+s2+$0x0], $0xffff;
	[tilespmem:$0x1FDA0] =	vst v2;
	v2 =	vmul.bf16 v38, v38  }
0x116: {  	[tilespmem:$0x1FDC0] =	vst v13;
	v30 =	vmul.bf16 v14, v14;
	v61 =	vshrl.u32 v63, $0x10;
	v63 =	vand.u32 v59, v63;
	v20 =	vld.idx.msk [tilespmem:v33+s2+$0x0], $0xffff  }
0x117: {  	v53 =	vshrl.u32 v0, $0x10;
	v56 =	vand.u32 v59, v40;
	v13 =	vld.idx.msk [tilespmem:v37+s2+$0x0], $0xffff;
	[tilespmem:$0x1FD80] =	vst v2;
	v2 =	vmul.bf16 v35, v35  }
0x118: {  	v32 =	vmul.bf16 v25, v25;
	v15 =	vld.idx.msk [tilespmem:v58+s2+$0x0], $0xffff;
	v3 =	vadd.bf16 v18, v17;
	v0 =	vmul.bf16 v18, v18  }
0x119: {  	[tilespmem:$0x1FD70] =	vst v2;
	v2 =	vmul.bf16 v17, v17;
	v17 =	vmax.bf16 v17, v18;
	v18 =	vld.idx.msk [tilespmem:v41+s2+$0x0], $0xffff  }
0x11a: {  	v31 =	vmul.bf16 v26, v26;
	v8 =	vld.idx.msk [tilespmem:v62+s2+$0x0], $0xffff;
	v7 =	vmul.bf16 v12, v12;
	v17 =	vmax.bf16 v17, v12  }
0x11b: {  	v11 =	vld.idx.msk [tilespmem:v54+s2+$0x0], $0xffff;
	v0 =	vadd.bf16 v0, v2;
	v2 =	vadd.bf16 v12, v3;
	v12 =	vmax.bf16 v17, v10  }
0x11c: {  	v40 =	vshrl.u32 v40, $0x10;
	[tilespmem:$0x1FE10] =	vst v1;
	v23 =	vld.idx.msk [tilespmem:v1+s2+$0x0], $0xffff;
	v1 =	vmul.bf16 v20, v20;
	v12 =	vmax.bf16 v12, v21  }
0x11d: {  	v28 =	vld.idx.msk [tilespmem:v39+s2+$0x0], $0xffff;
	v4 =	vadd.bf16 v13, v20;
	v0 =	vadd.bf16 v7, v0;
	v7 =	vmax.bf16 v12, v26  }
0x11e: {  	v5 =	vld.idx.msk [tilespmem:v51+s2+$0x0], $0xffff;
	v20 =	vmax.bf16 v20, v13;
	v13 =	vmul.bf16 v13, v13;
	v7 =	vmax.bf16 v7, v18  }
0x11f: {  	v29 =	vmul.bf16 v21, v21;
	v6 =	vld.idx.msk [tilespmem:v53+s2+$0x0], $0xffff;
	v20 =	vmax.bf16 v20, v19;
	v7 =	vmax.bf16 v7, v8  }
0x120: {  	v1 =	vadd.bf16 v13, v1;
	v13 =	vld.idx.msk [tilespmem:v63+s2+$0x0], $0xffff;
	v3 =	vmax.bf16 v20, v16;
	v7 =	vmax.bf16 v7, v11  }
0x121: {  	v9 =	vmul.bf16 v19, v19;
	v20 =	vld.idx.msk [tilespmem:v61+s2+$0x0], $0xffff;
	v3 =	vmax.bf16 v3, v14;
	v7 =	vmax.bf16 v7, v15  }
0x122: {  	v22 =	vmul.bf16 v10, v10;
	v17 =	vld.idx.msk [tilespmem:v56+s2+$0x0], $0xffff;
	v3 =	vmax.bf16 v3, v25;
	v7 =	vmax.bf16 v7, v23  }
0x123: {  	v1 =	vadd.bf16 v9, v1;
	v9 =	vld.idx.msk [tilespmem:v40+s2+$0x0], $0xffff;
	v3 =	vmax.bf16 v3, v5;
	v7 =	vmax.bf16 v7, v28  }
0x124: {  	v2 =	vadd.bf16 v10, v2;
	v10 =	vld.idx.msk [tilespmem:v36+s2+$0x0], $0xffff;
	v3 =	vmax.bf16 v3, v6;
	v7 =	vmax.bf16 v7, v34  }
0x125: {  	v4 =	vadd.bf16 v19, v4;
	v3 =	vmax.bf16 v3, v13;
	v7 =	vmax.bf16 v7, v35  }
0x126: {  	[tilespmem:$0x1FD10] =	vst v27;
	v27 =	vmul.bf16 v16, v16;
	v3 =	vmax.bf16 v3, v20;
	v7 =	vmax.bf16 v7, v46  }
0x127: {  	v4 =	vadd.bf16 v16, v4;
	v3 =	vmax.bf16 v3, v17;
	v7 =	vmax.bf16 v7, v50  }
0x128: {  	v0 =	vadd.bf16 v22, v0;
	v3 =	vmax.bf16 v3, v9;
	v7 =	vadd.bf16 v43, v7  }
0x129: {  	s25 =	sadd.s32 $0x20, s25;
	v1 =	vadd.bf16 v27, v1;
	v2 =	vadd.bf16 v21, v2;
	v3 =	vmax.bf16 v3, v10  }
0x12a: {  	v4 =	vadd.bf16 v14, v4;
	v0 =	vadd.bf16 v29, v0;
	v3 =	vmax.bf16 v3, v38;
	[tilespmem:s25+$0xFFFFF830] =	vst v7;
	v7 =	vld [tilespmem:$0x1FD20]  }
0x12b: {  	v1 =	vadd.bf16 v30, v1;
	v2 =	vadd.bf16 v26, v2;
	v3 =	vmax.bf16 v3, v44  }
0x12c: {  	v4 =	vadd.bf16 v25, v4;
	v0 =	vadd.bf16 v31, v0;
	v3 =	vmax.bf16 v3, v48  }
0x12d: {  	v12 =	vmul.bf16 v18, v18;
	v2 =	vadd.bf16 v18, v2;
	v3 =	vadd.bf16 v60, v3  }
0x12e: {  	v1 =	vadd.bf16 v32, v1;
	v4 =	vadd.bf16 v5, v4;
	v5 =	vmul.bf16 v5, v5  }
0x12f: {  	v0 =	vadd.bf16 v12, v0;
	v2 =	vadd.bf16 v8, v2;
	[tilespmem:s25+$0xFFFFF820] =	vst v3;
	v3 =	vmul.bf16 v8, v8  }
0x130: {  	v1 =	vadd.bf16 v5, v1;
	v4 =	vadd.bf16 v6, v4;
	v5 =	vmul.bf16 v6, v6;
	v6 =	vld [tilespmem:$0x1FD00]  }
0x131: {  	v2 =	vadd.bf16 v11, v2;
	v0 =	vadd.bf16 v3, v0;
	v3 =	vmul.bf16 v11, v11  }
0x132: {  	v19 =	vld.idx.msk [tilespmem:v7+s22+$0x0], $0xffff  }
0x133: {  	v2 =	vadd.bf16 v15, v2;
	v0 =	vadd.bf16 v3, v0;
	v3 =	vmul.bf16 v15, v15;
	v7 =	vld [tilespmem:$0x1FD30];
	_ =	sdelay $0x1  }
0x134: {  	v0 =	vadd.bf16 v3, v0;
	v3 =	vadd.bf16 v23, v2;
	_ =	sdelay $0x1  }
0x135: {  	v3 =	vadd.bf16 v28, v3  }
0x136: {  	v5 =	vadd.bf16 v5, v1;
	v4 =	vadd.bf16 v13, v4;
	v18 =	vld.idx.msk [tilespmem:v6+s22+$0x0], $0xffff;
	v6 =	vmul.bf16 v13, v13  }
0x137: {  	v3 =	vadd.bf16 v34, v3  }
0x138: {  	v4 =	vadd.bf16 v20, v4;
	v5 =	vadd.bf16 v6, v5  }
0x139: {  	v6 =	vmul.bf16 v20, v20;
	v3 =	vadd.bf16 v35, v3;
	v20 =	vld.idx.msk [tilespmem:v7+s22+$0x0], $0xffff;
	v7 =	vmul.bf16 v23, v23;
	_ =	sdelay $0x1  }
0x13a: {  	v30 =	vld.idx.msk [tilespmem:v42+s22+$0x0], $0xffff;
	v3 =	vadd.bf16 v46, v3;
	v0 =	vadd.bf16 v7, v0;
	v7 =	vmul.bf16 v28, v28  }
0x13b: {  	v15 =	vld [tilespmem:$0x1FD70]  }
0x13c: {  	v27 =	vadd.bf16 v50, v3;
	v3 =	vld [tilespmem:$0x1FDC0];
	v0 =	vadd.bf16 v7, v0;
	v7 =	vmul.bf16 v34, v34  }
0x13d: {  	v4 =	vadd.bf16 v17, v4;
	v31 =	vld.idx.msk [tilespmem:v45+s22+$0x0], $0xffff;
	v5 =	vadd.bf16 v6, v5;
	v6 =	vmul.bf16 v17, v17  }
0x13e: {  	v33 =	vld.idx.msk [tilespmem:v33+s22+$0x0], $0xffff;
	v0 =	vadd.bf16 v7, v0  }
0x13f: {  	v4 =	vadd.bf16 v9, v4;
	v5 =	vadd.bf16 v6, v5;
	v6 =	vmul.bf16 v9, v9;
	v34 =	vld.idx.msk [tilespmem:v37+s22+$0x0], $0xffff  }
0x140: {  	v0 =	vadd.bf16 v15, v0;
	v15 =	vld [tilespmem:$0x1FD80]  }
0x141: {  	v4 =	vadd.bf16 v10, v4;
	v9 =	vmul.bf16 v10, v10;
	v5 =	vadd.bf16 v6, v5;
	_ =	sdelay $0x1  }
0x142: {  	v4 =	vadd.bf16 v38, v4;
	v38 =	vld.idx.msk [tilespmem:v47+s22+$0x0], $0xffff;
	v5 =	vadd.bf16 v9, v5  }
0x143: {  	v11 =	vmul.bf16 v31, v31;
	v13 =	vmul.bf16 v33, v33;
	v47 =	vld.idx.msk [tilespmem:v3+s22+$0x0], $0xffff  }
0x144: {  	v7 =	vmul.bf16 v30, v30;
	v3 =	vld [tilespmem:$0x1FDD0];
	v5 =	vadd.bf16 v15, v5;
	v15 =	vmul.bf16 v34, v34  }
0x145: {  	v35 =	vld.idx.msk [tilespmem:v49+s22+$0x0], $0xffff  }
0x146: {  	v7 =	vadd.bf16 v11, v7;
	v11 =	vadd.bf16 v15, v13;
	v15 =	vld [tilespmem:$0x1FDA0]  }
0x147: {  	v25 =	vld [tilespmem:$0x1FDB0]  }
0x148: {  	v1 =	vld [tilespmem:$0x1FD10]  }
0x149: {  	v8 =	vld [tilespmem:$0x1FD50]  }
0x14a: {  	v32 =	vld.idx.msk [tilespmem:v40+s22+$0x0], $0xffff;
	v4 =	vadd.bf16 v44, v4  }
0x14b: {  	v13 =	vld [tilespmem:$0x1FD90];
	v0 =	vadd.bf16 v15, v0;
	v15 =	vmul.bf16 v35, v35  }
0x14c: {  	v40 =	vadd.bf16 v48, v4;
	v48 =	vld.idx.msk [tilespmem:v3+s22+$0x0], $0xffff  }
0x14d: {  	v3 =	vadd.bf16 v15, v7;
	v15 =	vld [tilespmem:$0x1FDE0]  }
0x14e: {  	v12 =	vld [tilespmem:s20+$0x0]  }
0x14f: {  	v16 =	vld [tilespmem:s20+$0xFFFFFFF0]  }
0x150: {  	v43 =	vld.idx.msk [tilespmem:v57+s22+$0x0], $0xffff  }
0x151: {  	v10 =	vadd.bf16 v31, v30;
	v44 =	vld.idx.msk [tilespmem:v52+s22+$0x0], $0xffff  }
0x152: {  	v14 =	vadd.bf16 v34, v33;
	v15 =	vadd.bf16 v15, v0;
	v0 =	vld [tilespmem:$0x1FDF0]  }
0x153: {  	v46 =	vld.idx.msk [tilespmem:v55+s22+$0x0], $0xffff;
	v5 =	vadd.bf16 v25, v5;
	v25 =	vmul.bf16 v38, v38  }
0x154: {  	v10 =	vadd.bf16 v35, v10;
	v14 =	vadd.bf16 v38, v14;
	v45 =	vld.idx.msk [tilespmem:v13+s22+$0x0], $0xffff  }
0x155: {  	v51 =	vld.idx.msk [tilespmem:v51+s22+$0x0], $0xffff;
	v4 =	vadd.bf16 v25, v11  }
0x156: {  	v53 =	vld.idx.msk [tilespmem:v53+s22+$0x0], $0xffff;
	v11 =	vadd.bf16 v44, v14;
	v7 =	vadd.bf16 v43, v10;
	v10 =	vmul.bf16 v43, v43  }
0x157: {  	v49 =	vld.idx.msk [tilespmem:v41+s22+$0x0], $0xffff;
	v50 =	vadd.bf16 v0, v5  }
0x158: {  	v0 =	vadd.bf16 v10, v3;
	v10 =	vadd.bf16 v46, v11;
	v11 =	vld [tilespmem:$0x1FE10]  }
0x159: {  	v54 =	vld.idx.msk [tilespmem:v54+s22+$0x0], $0xffff;
	v3 =	vmul.bf16 v45, v45  }
0x15a: {  	v26 =	vshll.u32 v16, $0x10;
	v52 =	vld.idx.msk [tilespmem:v62+s22+$0x0], $0xffff;
	v14 =	vmul.bf16 v44, v44  }
0x15b: {  	v58 =	vld.idx.msk [tilespmem:v58+s22+$0x0], $0xffff;
	v60 =	vmul.bf16 v32, v32;
	v0 =	vadd.bf16 v3, v0;
	v3 =	vmul.bf16 v47, v47  }
0x15c: {  	v2 =	vld [tilespmem:$0x1FD40];
	v6 =	vshll.u32 v12, $0x10;
	v4 =	vadd.bf16 v14, v4;
	v5 =	vmul.bf16 v46, v46  }
0x15d: {  	v22 =	vld.idx.msk [tilespmem:v8+s22+$0x0], $0xffff;
	v7 =	vadd.bf16 v45, v7;
	v0 =	vadd.bf16 v3, v0;
	v3 =	vmul.bf16 v49, v49  }
0x15e: {  	v8 =	vld [tilespmem:$0x1FD60];
	[tilespmem:$0x1FE90] =	vst v6;
	v6 =	vand.u32 v24, v12;
	v4 =	vadd.bf16 v5, v4;
	v5 =	vmul.bf16 v48, v48  }
0x15f: {  	v57 =	vld.idx.msk [tilespmem:v63+s22+$0x0], $0xffff;
	v7 =	vadd.bf16 v47, v7;
	v0 =	vadd.bf16 v3, v0;
	v3 =	vmul.bf16 v52, v52  }
0x160: {  	v10 =	vadd.bf16 v48, v10;
	v4 =	vadd.bf16 v5, v4;
	v5 =	vmul.bf16 v51, v51;
	v55 =	vld.idx.msk [tilespmem:v11+s22+$0x0], $0xffff  }
0x161: {  	v29 =	vld.idx.msk [tilespmem:v39+s22+$0x0], $0xffff;
	v7 =	vadd.bf16 v49, v7;
	v0 =	vadd.bf16 v3, v0;
	v3 =	vmul.bf16 v54, v54  }
0x162: {  	v61 =	vld.idx.msk [tilespmem:v61+s22+$0x0], $0xffff;
	v10 =	vadd.bf16 v51, v10;
	v4 =	vadd.bf16 v5, v4;
	v5 =	vmul.bf16 v53, v53  }
0x163: {  	v56 =	vld.idx.msk [tilespmem:v56+s22+$0x0], $0xffff;
	v7 =	vadd.bf16 v52, v7;
	v0 =	vadd.bf16 v3, v0;
	v3 =	vmul.bf16 v58, v58  }
0x164: {  	[tilespmem:$0x1FEA0] =	vst v6;
	v6 =	vand.u32 v24, v16;
	v10 =	vadd.bf16 v53, v10;
	v4 =	vadd.bf16 v5, v4  }
0x165: {  	v2 =	vld.idx.msk [tilespmem:v2+s22+$0x0], $0xffff;
	v5 =	vmul.bf16 v57, v57;
	v0 =	vadd.bf16 v3, v0;
	v11 =	vmul.bf16 v55, v55  }
0x166: {  	v21 =	vld.idx.msk [tilespmem:v8+s22+$0x0], $0xffff;
	v13 =	vmul.bf16 v29, v29;
	v7 =	vadd.bf16 v54, v7;
	v10 =	vadd.bf16 v57, v10  }
0x167: {  	v28 =	vld.idx.msk [tilespmem:v36+s22+$0x0], $0xffff;
	v4 =	vadd.bf16 v5, v4;
	v5 =	vmul.bf16 v61, v61;
	v0 =	vadd.bf16 v11, v0  }
0x168: {  	v41 =	vshll.u32 v40, $0x10;
	v7 =	vadd.bf16 v58, v7;
	v10 =	vadd.bf16 v61, v10  }
0x169: {  	v4 =	vadd.bf16 v5, v4;
	v5 =	vmul.bf16 v56, v56;
	v0 =	vadd.bf16 v13, v0;
	v13 =	vld [tilespmem:$0x1FE40]  }
0x16a: {  	v42 =	vand.u32 v40, v24;
	[tilespmem:$0x1FEB0] =	vst v6;
	v6 =	vmul.bf16 v19, v19;
	v10 =	vadd.bf16 v56, v10  }
0x16b: {  	v1 =	vld.idx.msk [tilespmem:v1+s22+$0x0], $0xffff;
	v9 =	vmul.bf16 v2, v2;
	v7 =	vadd.bf16 v55, v7;
	v5 =	vadd.bf16 v5, v4  }
0x16c: {  	v23 =	vmul.bf16 v21, v21;
	v17 =	vmul.bf16 v28, v28;
	v10 =	vadd.bf16 v32, v10  }
0x16d: {  	v4 =	vand.u32 v27, v24;
	v7 =	vadd.bf16 v29, v7;
	v11 =	vadd.bf16 v60, v5;
	v5 =	vld [tilespmem:$0x1FE20]  }
0x16e: {  	v10 =	vadd.bf16 v28, v10;
	v0 =	vadd.bf16 v23, v0;
	v40 =	vmul.f32 v4, v13;
	v13 =	vld [tilespmem:$0x1FE50]  }
0x16f: {  	s19 =	sadd.s32 $0x2, s19;
	v39 =	vmul.bf16 v22, v22;
	v7 =	vadd.bf16 v21, v7;
	v11 =	vadd.bf16 v17, v11  }
0x170: {  	p1 =	slt.u32 s19, $0x7A;
	v36 =	vmul.bf16 v1, v1;
	v10 =	vadd.bf16 v22, v10;
	v0 =	vadd.bf16 v9, v0;
	v9 =	vld [tilespmem:$0x1FE60]  }
.Ltmp0:
0x171: {  	v37 =	vmul.bf16 v18, v18;
	v8 =	vmul.bf16 v20, v20;
	v7 =	vadd.bf16 v2, v7;
	(pc) =	sbr.rel @p1 .LBB2_3-.Ltmp0, $4  }
0x172: {  	v3 =	vshll.u32 v27, $0x10;
	v11 =	vadd.bf16 v39, v11;
	v60 =	vadd.bf16 v20, v10  }
0x173: {  	v14 =	vld [tilespmem:$0x1FE00];
	v5 =	vmul.f32 v3, v5;
	v62 =	vmul.f32 v41, v13;
	v13 =	vadd.bf16 v19, v7  }
0x174: {  	v23 =	vld [tilespmem:$0x1FE30];
	v63 =	vadd.bf16 v6, v0;
	v0 =	vadd.bf16 v8, v11;
	v6 =	vand.u32 v15, v24  }
0x175: {  	s20 =	sadd.s32 $0x20, s20;
	v9 =	vmul.f32 v42, v9;
	v7 =	vshll.u32 v15, $0x10;
	v15 =	vld [tilespmem:$0x1FE70];
	v39 =	vadd.bf16 v18, v13  }
0x176: {  	v8 =	vmax.bf16 v33, v34  }
0x177: {  	v10 =	vmax.bf16 v30, v31;
	v8 =	vmax.bf16 v8, v38  }
0x178: {  	v10 =	vmax.bf16 v10, v35;
	v8 =	vmax.bf16 v8, v44  }
0x179: {  	v10 =	vmax.bf16 v10, v43;
	v8 =	vmax.bf16 v8, v46  }
0x17a: {  	v10 =	vmax.bf16 v10, v45;
	v8 =	vmax.bf16 v8, v48  }
0x17b: {  	v10 =	vmax.bf16 v10, v47;
	v8 =	vmax.bf16 v8, v51  }
0x17c: {  	v10 =	vmax.bf16 v10, v49;
	v8 =	vmax.bf16 v8, v53  }
0x17d: {  	v10 =	vmax.bf16 v10, v52;
	v8 =	vmax.bf16 v8, v57  }
0x17e: {  	v10 =	vmax.bf16 v10, v54;
	v8 =	vmax.bf16 v8, v61  }
0x17f: {  	v10 =	vmax.bf16 v10, v58;
	v8 =	vmax.bf16 v8, v56  }
0x180: {  	v10 =	vmax.bf16 v10, v55;
	v8 =	vmax.bf16 v8, v32  }
0x181: {  	v10 =	vmax.bf16 v10, v29;
	v8 =	vmax.bf16 v8, v28  }
0x182: {  	v10 =	vmax.bf16 v10, v21;
	v8 =	vmax.bf16 v8, v22  }
0x183: {  	v2 =	vmax.bf16 v10, v2;
	v8 =	vmax.bf16 v8, v20  }
0x184: {  	v2 =	vmax.bf16 v2, v19;
	v8 =	vmax.bf16 v8, v1  }
0x185: {  	v2 =	vmax.bf16 v2, v18;
	v8 =	vadd.bf16 v16, v8  }
0x186: {  	v2 =	vadd.bf16 v12, v2  }
0x187: {  	[tilespmem:s25+$0xFFFFFFF0] =	vst v8  }
0x188: {  	[tilespmem:s25+$0x0] =	vst v2  }
0x189: {  	v2 =	vld [tilespmem:s16+$0xA400]  }
0x18a: {  	v8 =	vld [tilespmem:s16+$0xABD0]  }
0x18b: {  	v44 =	vld [tilespmem:s16+$0xB3A0]  }
0x18c: {  	v11 =	vld [tilespmem:s16+$0xBB70]  }
0x18d: {  	v45 =	vld [tilespmem:s16+$0xC340]  }
0x18e: {  	v13 =	vld [tilespmem:s16+$0xCB10]  }
0x18f: {  	v46 =	vld [tilespmem:s16+$0xD2E0]  }
0x190: {  	v28 =	vld [tilespmem:s16+$0xDAB0]  }
0x191: {  	v49 =	vld [tilespmem:$0x1FFF0]  }
0x192: {  	v51 =	vld [tilespmem:$0x1FE80]  }
0x193: {  	v54 =	vld [tilespmem:$0x1FF70];
	v16 =	vand.u32 v59, v2  }
0x194: {  	v58 =	vld [tilespmem:$0x1FF80];
	v2 =	vshrl.u32 v2, $0x10  }
0x195: {  	v53 =	vadd.f32 v62, v14;
	v62 =	vld [tilespmem:$0x1FF90];
	v19 =	vand.u32 v59, v8  }
0x196: {  	v21 =	vld [tilespmem:$0x1FFA0];
	v25 =	vshrl.u32 v8, $0x10;
	v47 =	vand.u32 v50, v49  }
0x197: {  	v27 =	vand.u32 v59, v44;
	v61 =	vadd.f32 v47, v23;
	v23 =	vld [tilespmem:$0x1FEB0]  }
0x198: {  	v30 =	vshrl.u32 v44, $0x10;
	v31 =	vld.idx.msk [tilespmem:v16+s2+$0x0], $0xffff  }
0x199: {  	v17 =	vshll.u32 v50, $0x10;
	v33 =	vand.u32 v59, v11;
	v34 =	vld.idx.msk [tilespmem:v2+s2+$0x0], $0xffff  }
0x19a: {  	v52 =	vadd.f32 v42, v15;
	v32 =	vadd.bf16 v36, v0;
	v35 =	vshrl.u32 v11, $0x10;
	v36 =	vld.idx.msk [tilespmem:v19+s2+$0x0], $0xffff  }
0x19b: {  	v0 =	vadd.bf16 v37, v63;
	v50 =	vadd.bf16 v1, v60;
	v24 =	vand.u32 v59, v45;
	v37 =	vld.idx.msk [tilespmem:v25+s2+$0x0], $0xffff  }
0x19c: {  	v8 =	vadd.f32 v41, v51;
	v9 =	vadd.f32 v9, v54;
	v20 =	vshrl.u32 v45, $0x10;
	v41 =	vld.idx.msk [tilespmem:v27+s2+$0x0], $0xffff  }
0x19d: {  	v18 =	vand.u32 v59, v13;
	v15 =	vshrl.u32 v13, $0x10;
	v14 =	vand.u32 v59, v46;
	v42 =	vld.idx.msk [tilespmem:v30+s2+$0x0], $0xffff  }
0x19e: {  	v11 =	vshrl.u32 v46, $0x10;
	v8 =	vadd.f32 v3, v8;
	v43 =	vld.idx.msk [tilespmem:v33+s2+$0x0], $0xffff;
	v56 =	vmax.bf16 v31, v34  }
0x19f: {  	v3 =	vadd.f32 v5, v53;
	v5 =	vadd.f32 v40, v9;
	v40 =	vld.idx.msk [tilespmem:v35+s2+$0x0], $0xffff;
	v57 =	vmax.bf16 v56, v36  }
0x1a0: {  	v55 =	vshll.u32 v50, $0x10;
	v1 =	vand.u32 v50, v49;
	v50 =	vld.idx.msk [tilespmem:v24+s2+$0x0], $0xffff;
	v9 =	vmax.bf16 v57, v37  }
0x1a1: {  	v60 =	vadd.f32 v17, v58;
	v10 =	vand.u32 v59, v28;
	v29 =	vld.idx.msk [tilespmem:v20+s2+$0x0], $0xffff;
	v9 =	vmax.bf16 v9, v41  }
0x1a2: {  	v4 =	vadd.f32 v4, v52;
	v12 =	vshrl.u32 v28, $0x10;
	v28 =	vld.idx.msk [tilespmem:v18+s2+$0x0], $0xffff;
	v9 =	vmax.bf16 v9, v42  }
0x1a3: {  	v7 =	vadd.f32 v7, v60;
	v46 =	vld.idx.msk [tilespmem:v15+s2+$0x0], $0xffff;
	v53 =	vadd.bf16 v34, v31;
	v9 =	vmax.bf16 v9, v43  }
0x1a4: {  	v63 =	vadd.f32 v55, v62;
	v38 =	vmul.f32 v55, v26;
	v47 =	vld.idx.msk [tilespmem:v14+s2+$0x0], $0xffff;
	v9 =	vmax.bf16 v9, v40  }
0x1a5: {  	v48 =	vld.idx.msk [tilespmem:v11+s2+$0x0], $0xffff;
	v54 =	vmul.bf16 v36, v36;
	v36 =	vadd.bf16 v36, v53;
	v9 =	vmax.bf16 v9, v50  }
0x1a6: {  	v26 =	vmul.bf16 v31, v31;
	v52 =	vmul.bf16 v34, v34;
	v31 =	vld.idx.msk [tilespmem:v10+s2+$0x0], $0xffff;
	v9 =	vmax.bf16 v9, v29  }
0x1a7: {  	v45 =	vadd.f32 v1, v21;
	v34 =	vld.idx.msk [tilespmem:v12+s2+$0x0], $0xffff;
	v36 =	vadd.bf16 v37, v36;
	v9 =	vmax.bf16 v9, v28  }
0x1a8: {  	v6 =	vadd.f32 v6, v61;
	v21 =	vld [tilespmem:s21+$0x12100];
	v13 =	vadd.bf16 v52, v26;
	v9 =	vmax.bf16 v9, v46  }
0x1a9: {  	v55 =	vshll.u32 v39, $0x10;
	v57 =	vld [tilespmem:$0x1FE90];
	v61 =	vadd.bf16 v41, v36;
	v9 =	vmax.bf16 v9, v47  }
0x1aa: {  	v56 =	vmul.bf16 v37, v37;
	v53 =	vld [tilespmem:$0x1FEA0];
	v13 =	vadd.bf16 v54, v13;
	v9 =	vmax.bf16 v9, v48  }
0x1ab: {  	v58 =	vmul.bf16 v41, v41;
	v41 =	vld [tilespmem:$0x1FFB0];
	v22 =	vadd.bf16 v42, v61;
	v60 =	vmax.bf16 v9, v31  }
0x1ac: {  	v1 =	vmul.f32 v1, v23;
	v54 =	vld [tilespmem:$0x1FFC0];
	v13 =	vadd.bf16 v56, v13;
	v62 =	vmax.bf16 v60, v34  }
0x1ad: {  	v52 =	vmul.bf16 v43, v43;
	v22 =	vadd.bf16 v43, v22;
	v36 =	vadd.bf16 v21, v62  }
0x1ae: {  	v51 =	vand.u32 v39, v49;
	v56 =	vmul.bf16 v40, v40;
	v23 =	vmul.f32 v55, v57;
	v57 =	vld [tilespmem:$0x1FFD0]  }
0x1af: {  	v13 =	vadd.bf16 v58, v13;
	v58 =	vand.u32 v32, v49;
	v40 =	vadd.bf16 v40, v22;
	v60 =	vld [tilespmem:$0x1FFE0];
	[tilespmem:s21+$0x14040] =	vst v36  }
0x1b0: {  	v44 =	vadd.f32 v38, v41;
	v9 =	vadd.f32 v55, v63;
	v63 =	vmul.bf16 v42, v42;
	v39 =	vld.idx.msk [tilespmem:v16+s22+$0x0], $0xffff  }
0x1b1: {  	v1 =	vadd.f32 v1, v54;
	v38 =	vmul.f32 v51, v53;
	v37 =	vadd.bf16 v50, v40;
	v2 =	vld.idx.msk [tilespmem:v2+s22+$0x0], $0xffff  }
0x1b2: {  	v53 =	vmul.bf16 v46, v46;
	v22 =	vadd.f32 v23, v44;
	v17 =	vadd.bf16 v63, v13;
	v63 =	vld.idx.msk [tilespmem:v19+s22+$0x0], $0xffff  }
0x1b3: {  	v55 =	vshll.u32 v32, $0x10;
	v13 =	vadd.f32 v51, v45;
	v23 =	vadd.bf16 v29, v37;
	v25 =	vld.idx.msk [tilespmem:v25+s22+$0x0], $0xffff  }
0x1b4: {  	v42 =	vmul.bf16 v29, v29;
	v36 =	vadd.bf16 v52, v17;
	v17 =	vadd.f32 v55, v57;
	v27 =	vld.idx.msk [tilespmem:v27+s22+$0x0], $0xffff  }
0x1b5: {  	v62 =	vmul.bf16 v50, v50;
	v19 =	vadd.f32 v38, v1;
	v23 =	vadd.bf16 v28, v23;
	v30 =	vld.idx.msk [tilespmem:v30+s22+$0x0], $0xffff  }
0x1b6: {  	v45 =	vmul.bf16 v28, v28;
	v57 =	vld.idx.msk [tilespmem:v33+s22+$0x0], $0xffff;
	v16 =	vadd.f32 v58, v60;
	v61 =	vadd.bf16 v56, v36  }
0x1b7: {  	v35 =	vld.idx.msk [tilespmem:v35+s22+$0x0], $0xffff;
	v60 =	vmul.bf16 v47, v47;
	v36 =	vmul.bf16 v48, v48;
	v23 =	vadd.bf16 v46, v23  }
0x1b8: {  	v24 =	vld.idx.msk [tilespmem:v24+s22+$0x0], $0xffff;
	v40 =	vadd.bf16 v62, v61;
	v43 =	vmul.bf16 v39, v39;
	v50 =	vadd.bf16 v2, v39  }
0x1b9: {  	v20 =	vld.idx.msk [tilespmem:v20+s22+$0x0], $0xffff;
	v23 =	vadd.bf16 v47, v23;
	v44 =	vmul.bf16 v2, v2;
	v52 =	vmul.bf16 v63, v63  }
0x1ba: {  	v18 =	vld.idx.msk [tilespmem:v18+s22+$0x0], $0xffff;
	v55 =	vmul.bf16 v25, v25;
	v58 =	vmul.bf16 v27, v27;
	v54 =	vadd.bf16 v63, v50  }
0x1bb: {  	v14 =	vld.idx.msk [tilespmem:v14+s22+$0x0], $0xffff;
	v1 =	vadd.bf16 v42, v40;
	v61 =	vmul.bf16 v30, v30;
	v33 =	vmul.bf16 v57, v57  }
0x1bc: {  	v37 =	vmul.bf16 v35, v35;
	v51 =	vadd.bf16 v44, v43;
	v56 =	vadd.bf16 v25, v54  }
0x1bd: {  	v2 =	vmax.bf16 v39, v2;
	v38 =	vmul.bf16 v24, v24;
	v39 =	vmul.bf16 v31, v31  }
0x1be: {  	v15 =	vld.idx.msk [tilespmem:v15+s22+$0x0], $0xffff;
	v41 =	vmul.bf16 v20, v20;
	v28 =	vadd.bf16 v52, v51;
	v26 =	vadd.bf16 v27, v56  }
0x1bf: {  	v42 =	vmul.bf16 v18, v18;
	v2 =	vmax.bf16 v2, v63;
	v23 =	vadd.bf16 v48, v23  }
0x1c0: {  	v48 =	vmul.bf16 v14, v14;
	v28 =	vadd.bf16 v55, v28;
	v62 =	vadd.bf16 v30, v26  }
0x1c1: {  	v1 =	vadd.bf16 v45, v1;
	v2 =	vmax.bf16 v2, v25;
	v43 =	vmul.bf16 v34, v34  }
0x1c2: {  	v12 =	vld.idx.msk [tilespmem:v12+s22+$0x0], $0xffff;
	v44 =	vshll.u32 v21, $0x10;
	v28 =	vadd.bf16 v58, v28;
	v25 =	vadd.bf16 v57, v62  }
0x1c3: {  	v45 =	vmul.bf16 v15, v15;
	v21 =	vand.u32 v49, v21;
	v2 =	vmax.bf16 v2, v27  }
0x1c4: {  	v2 =	vmax.bf16 v2, v30;
	v63 =	vadd.bf16 v61, v28;
	v25 =	vadd.bf16 v35, v25  }
0x1c5: {  	v23 =	vadd.bf16 v31, v23;
	v1 =	vadd.bf16 v53, v1;
	v2 =	vmax.bf16 v2, v57  }
0x1c6: {  	v2 =	vmax.bf16 v2, v35;
	v26 =	vadd.bf16 v33, v63;
	v25 =	vadd.bf16 v24, v25  }
0x1c7: {  	v11 =	vld.idx.msk [tilespmem:v11+s22+$0x0], $0xffff;
	v54 =	vmul.bf16 v12, v12;
	v23 =	vadd.bf16 v34, v23;
	v2 =	vmax.bf16 v2, v24  }
0x1c8: {  	v10 =	vld.idx.msk [tilespmem:v10+s22+$0x0], $0xffff;
	v2 =	vmax.bf16 v2, v20;
	v26 =	vadd.bf16 v37, v26;
	v20 =	vadd.bf16 v20, v25  }
0x1c9: {  	v1 =	vadd.bf16 v60, v1;
	v46 =	vshll.u32 v23, $0x10;
	v2 =	vmax.bf16 v2, v18  }
0x1ca: {  	v47 =	vld [tilespmem:s21+$0x128D0];
	v2 =	vmax.bf16 v2, v15;
	v40 =	vadd.bf16 v38, v26;
	v18 =	vadd.bf16 v18, v20  }
0x1cb: {  	v23 =	vand.u32 v23, v49;
	v1 =	vadd.bf16 v36, v1;
	v2 =	vmax.bf16 v2, v14  }
0x1cc: {  	v2 =	vmax.bf16 v2, v11;
	v24 =	vadd.bf16 v41, v40;
	v15 =	vadd.bf16 v15, v18  }
0x1cd: {  	v8 =	vadd.f32 v46, v8;
	v4 =	vadd.f32 v23, v4;
	v2 =	vmax.bf16 v2, v10  }
0x1ce: {  	v2 =	vmax.bf16 v2, v12;
	v24 =	vadd.bf16 v42, v24;
	v14 =	vadd.bf16 v14, v15  }
0x1cf: {  	v56 =	vshll.u32 v47, $0x10;
	v1 =	vadd.bf16 v39, v1;
	v2 =	vadd.bf16 v47, v2  }
0x1d0: {  	v21 =	vmul.f32 v23, v21;
	v24 =	vadd.bf16 v45, v24;
	v14 =	vadd.bf16 v11, v14  }
0x1d1: {  	v58 =	vand.u32 v49, v47;
	v1 =	vadd.bf16 v43, v1;
	v20 =	vmul.f32 v46, v44  }
0x1d2: {  	[tilespmem:s21+$0x14810] =	vst v2;
	v50 =	vadd.bf16 v48, v24;
	v11 =	vmul.bf16 v11, v11;
	v14 =	vadd.bf16 v10, v14  }
0x1d3: {  	s19 =	simm.s32 $0x157E0;
	v5 =	vadd.f32 v21, v5;
	v53 =	vshll.u32 v1, $0x10;
	[tilespmem:s1+$0x0] =	vst.add.f32.msk $0xffff, v8;
	v3 =	vadd.f32 v20, v3  }
0x1d4: {  	s20 =	simm.s32 $0x15800;
	[tilespmem:s19+$0x0] =	vst.add.f32.msk $0xffff, v4;
	v11 =	vadd.bf16 v11, v50;
	v10 =	vmul.bf16 v10, v10;
	v52 =	vadd.bf16 v12, v14  }
0x1d5: {  	s25 =	simm.s32 $0x15820;
	v62 =	vshll.u32 v0, $0x10;
	v1 =	vand.u32 v1, v49;
	v4 =	vadd.f32 v53, v7;
	[tilespmem:s20+$0x0] =	vst.add.f32.msk $0xffff, v3  }
0x1d6: {  	v1 =	vadd.f32 v1, v6;
	[tilespmem:s25+$0x0] =	vst.add.f32.msk $0xffff, v5;
	v51 =	vadd.bf16 v10, v11;
	v55 =	vshll.u32 v52, $0x10  }
0x1d7: {  	[tilespmem:s29+$0x0] =	vst.add.f32.msk $0xffff, v4;
	v60 =	vand.u32 v52, v49;
	v57 =	vadd.f32 v55, v9;
	v3 =	vmul.f32 v55, v56  }
0x1d8: {  	[tilespmem:s6+$0x0] =	vst.add.f32.msk $0xffff, v1;
	v2 =	vadd.bf16 v54, v51;
	v61 =	vadd.f32 v60, v13;
	v4 =	vmul.f32 v60, v58  }
0x1d9: {  	v0 =	vand.u32 v0, v49;
	v1 =	vadd.f32 v62, v17;
	v3 =	vadd.f32 v3, v22;
	[tilespmem:s7+$0x0] =	vst.add.f32.msk $0xffff, v57  }
0x1da: {  	v0 =	vadd.f32 v0, v16;
	v63 =	vshll.u32 v2, $0x10;
	v4 =	vadd.f32 v4, v19;
	[tilespmem:s11+$0x0] =	vst.add.f32.msk $0xffff, v61  }
0x1db: {  	p1 =	sne.s32 s17, $0x5;
	v2 =	vand.u32 v2, v49;
	v1 =	vadd.f32 v63, v1;
	[tilespmem:s12+$0x0] =	vst.add.f32.msk $0xffff, v3  }
.Ltmp1:
0x1dc: {  	s9 =	sadd.s32 s5, s9;
	v0 =	vadd.f32 v2, v0;
	[tilespmem:s13+$0x0] =	vst.add.f32.msk $0xffff, v4;
	(pc) =	sbr.rel @p1 .LBB2_2-.Ltmp1, $4  }
0x1dd: {  	s9 =	sshrl.u32 s9, $0x3;
	[tilespmem:s14+$0x0] =	vst.add.f32.msk $0xffff, v1  }
0x1de: {  	s28 =	sadd.s32 $0x13880, s21;
	s9 =	sadd.s32 s8, s9;
	[tilespmem:s15+$0x0] =	vst.add.f32.msk $0xffff, v0  }
0x1df: {  	[hbm4b:s9+s26] =	stream.strided.scatter [tilespmem:s28], [sflag:$0x3], $0xFA0, s22, s26, $0x38;
	[tilespmem:$0x158A0] =	vst v63  }
0x1e0: {  	p0 =	por !p0, !p0;
	s9 =	smov.u32 s17  }
0x1e1: {  	_ =	swait.ge [sflag:s0], $0xFA0  }
0x1e2: {  	[sflag:s0] =	ssyncset.done $0x0  }
0x1e3: {  	[sflag:s0] =	ssyncadd.s32 $0xFFFFF060  }
0x1e4: {  	_ =	swait.ge [sflag:s0], $0xFA0  }
0x1e5: {  	[sflag:s0] =	ssyncset.done $0x0  }
0x1e6: {  	s9 =	simm.s32 $0x4;
	[sflag:s0] =	ssyncadd.s32 $0xFFFFF060  }
0x1e7: {  	_ =	swait.ge [sflag:s9], $0x2710  }
0x1e8: {  	[sflag:s9] =	ssyncset.done $0x0  }
0x1e9: {  	[sflag:s9] =	ssyncadd.s32 $0xFFFFD8F0  }
0x1ea: {  	_ =	swait.ge [sflag:s9], $0x2710  }
0x1eb: {  	s16 =	simm.s32 $0x9C40;
	[sflag:s9] =	ssyncset.done $0x0  }
0x1ec: {  	s28 =	simm.s32 $0x11940;
	s21 =	rddreg [dreg:$0x9];
	[sflag:s9] =	ssyncadd.s32 $0xFFFFD8F0  }
0x1ed: {  	[tilespmem:s16], [sflag:$0x1] =	stream.strided.gather [hbm4b:s21+s26], $0x3E80, s22, s26, $0x38;
	[tilespmem:$0x158A0] =	vst v63  }
0x1ee: {  	p0 =	por $0x0, $0x0;
	s25 =	rddreg [dreg:$0xa];
	s9 =	simm.s32 $0x0  }
0x1ef: {  	[tilespmem:s28], [sflag:$0x2] =	stream.strided.gather [hbm4b:s25+s26], $0xFA0, s22, s26, $0x38;
	[tilespmem:$0x158A0] =	vst v63  }
.LBB2_6:
0x1f0: {  	s19 =	sand.u32 $0x1, s9;
	_ =	swait.ge [sflag:s30], $0x3E80  }
0x1f1: {  	s17 =	sadd.s32 $0x1, s9;
	p1 =	seq.s32 s9, $0x4;
	[sflag:s30] =	ssyncset.done $0x0  }
0x1f2: {  	s16 =	smul.u32 @!p1 $0x7D0, s17;
	s18 =	sxor.u32 @!p1 $0x1, s19;
	s25 =	simm.s32 @!p1 $0x7D0  }
0x1f3: {  	s28 =	simm.s32 @!p1 $0x2710;
	[sflag:s30] =	ssyncadd.s32 $0xFFFFC180;
	s20 =	smul.u32 @!p1 $0xFA00, s18  }
0x1f4: {  	s18 =	smul.u32 @!p1 $0x3E80, s18;
	_ =	swait.ge [sflag:s31], $0xFA0;
	s21 =	sshrl.u32 @!p1 s16, $0x3  }
0x1f5: {  	s16 =	sadd.s32 @!p1 s16, s10;
	[sflag:s31] =	ssyncset.done $0x0;
	s20 =	sshrl.u32 @!p1 s20, $0x2  }
0x1f6: {  	s21 =	sadd.s32 @!p1 s4, s21;
	s18 =	sshrl.u32 @!p1 s18, $0x2;
	s16 =	sshrl.u32 @!p1 s16, $0x3  }
0x1f7: {  	[sflag:s31] =	ssyncadd.s32 $0xFFFFF060;
	s20 =	sadd.s32 @!p1 $0x9C40, s20;
	s21 =	sadd.s32 @!p1 $0x2710, s21  }
0x1f8: {  	[tilespmem:s20], [sflag:$0x1] =	stream.strided.gather @!p1 [hbm4b:s21+s25], $0x3E80, s28, s25, $0x38;
	[tilespmem:$0x158A0] =	vst v63  }
0x1f9: {  	s18 =	sadd.s32 @!p1 $0x11940, s18;
	s16 =	sadd.s32 @!p1 s3, s16  }
0x1fa: {  	[tilespmem:s18], [sflag:$0x2] =	stream.strided.gather @!p1 [hbm4b:s16+s25], $0xFA0, s28, s25, $0x38;
	[tilespmem:$0x158A0] =	vst v63  }
0x1fb: {  	s16 =	simm.s32 $0x1  }
0x1fc: {  	p2 =	slt.u32 @!p1 s9, $0x2;
	s16 =	simm.s32 @!p0 $0x0  }
0x1fd: {  	p1 =	por p1, !p2;
	s21 =	smul.u32 $0x3E80, s16  }
0x1fe: {  	_ =	swait.ge @p1 [sflag:s0], $0xFA0  }
0x1ff: {  	[sflag:s0] =	ssyncset.done @p1 $0x0;
	s25 =	smul.u32 $0xFA00, s16;
	s28 =	sshrl.u32 s21, $0x2  }
0x200: {  	[sflag:s0] =	ssyncadd.s32 @p1 $0xFFFFF060;
	s20 =	sadd.s32 $0x12120, s28  }
0x201: {  	s25 =	sshrl.u32 s25, $0x2;
	v16 =	vld [tilespmem:s20+$0xFFFFF830]  }
0x202: {  	s18 =	sadd.s32 $0xBB80, s25;
	v12 =	vld [tilespmem:s20+$0xFFFFF820]  }
0x203: {  	v0 =	vld [tilespmem:s18+$0x1780]  }
0x204: {  	v1 =	vld [tilespmem:s18+$0x1770]  }
0x205: {  	v2 =	vld [tilespmem:s18+$0xFB0]  }
0x206: {  	v4 =	vld [tilespmem:s18+$0xFA0]  }
0x207: {  	v6 =	vld [tilespmem:s18+$0x7E0]  }
0x208: {  	v7 =	vld [tilespmem:s18+$0x7D0]  }
0x209: {  	v10 =	vld [tilespmem:s18+$0x10]  }
0x20a: {  	v18 =	vld [tilespmem:s18+$0x0]  }
0x20b: {  	v28 =	vld [tilespmem:s18+$0xFFFFF840]  }
0x20c: {  	v3 =	vld [tilespmem:s18+$0xFFFFF070]  }
0x20d: {  	v31 =	vld [tilespmem:s18+$0xFFFFF830]  }
0x20e: {  	v5 =	vld [tilespmem:s18+$0xFFFFF060];
	v17 =	vshrl.u32 v0, $0x10  }
0x20f: {  	v15 =	vld [tilespmem:s18+$0xFFFFE8A0];
	v19 =	vand.u32 v59, v0  }
0x210: {  	v20 =	vld [tilespmem:s18+$0xFFFFE0D0];
	v21 =	vshrl.u32 v2, $0x10  }
0x211: {  	v33 =	vld [tilespmem:s18+$0xFFFFE890];
	v14 =	vand.u32 v59, v2;
	v0 =	vshrl.u32 v3, $0x10  }
0x212: {  	v2 =	vld [tilespmem:s18+$0xFFFFE0C0];
	[tilespmem:$0x1FBE0] =	vst v0  }
0x213: {  	v47 =	vand.u32 v59, v3;
	v3 =	vshrl.u32 v5, $0x10;
	v8 =	vld.idx.msk [tilespmem:v17+s23+$0x0], $0xffff  }
0x214: {  	v32 =	vld.idx.msk [tilespmem:v19+s23+$0x0], $0xffff;
	[tilespmem:$0x1FBF0] =	vst v3  }
0x215: {  	v13 =	vshrl.u32 v15, $0x10;
	v29 =	vld.idx.msk [tilespmem:v21+s23+$0x0], $0xffff  }
0x216: {  	v11 =	vand.u32 v59, v5;
	v23 =	vld.idx.msk [tilespmem:v14+s23+$0x0], $0xffff  }
0x217: {  	v9 =	vshrl.u32 v33, $0x10;
	v34 =	vld.idx.msk [tilespmem:v0+s23+$0x0], $0xffff  }
0x218: {  	v5 =	vand.u32 v59, v20;
	v36 =	vld.idx.msk [tilespmem:v47+s23+$0x0], $0xffff  }
0x219: {  	v27 =	vshrl.u32 v20, $0x10;
	v37 =	vld.idx.msk [tilespmem:v3+s23+$0x0], $0xffff  }
0x21a: {  	v46 =	vld.idx.msk [tilespmem:v13+s23+$0x0], $0xffff;
	v0 =	vimm.f32 $0.0e+00  }
0x21b: {  	v25 =	vand.u32 v59, v2;
	v48 =	vld.idx.msk [tilespmem:v11+s23+$0x0], $0xffff;
	[tilespmem:$0x1FB80] =	vst v0  }
0x21c: {  	v35 =	vand.u32 v59, v15;
	v26 =	vshrl.u32 v2, $0x10;
	v0 =	vand.u32 v59, v6;
	v2 =	vld.idx.msk [tilespmem:v9+s23+$0x0], $0xffff  }
0x21d: {  	v30 =	vshrl.u32 v1, $0x10;
	v20 =	vand.u32 v59, v1;
	v3 =	vand.u32 v59, v7;
	v1 =	vld.idx.msk [tilespmem:v5+s23+$0x0], $0xffff;
	[tilespmem:$0x1FC20] =	vst v0  }
0x21e: {  	v38 =	vand.u32 v59, v33;
	v43 =	vshrl.u32 v7, $0x10;
	v7 =	vshrl.u32 v10, $0x10;
	v33 =	vld.idx.msk [tilespmem:v27+s23+$0x0], $0xffff;
	[tilespmem:$0x1FC30] =	vst v3  }
0x21f: {  	v44 =	vshrl.u32 v6, $0x10;
	v15 =	vld [tilespmem:$0x1FFF0];
	v10 =	vand.u32 v59, v10;
	[tilespmem:$0x1FC10] =	vst v7  }
0x220: {  	v49 =	vld.idx.msk [tilespmem:v25+s23+$0x0], $0xffff;
	[tilespmem:$0x1FC00] =	vst v10  }
0x221: {  	v50 =	vld.idx.msk [tilespmem:v26+s23+$0x0], $0xffff  }
0x222: {  	v41 =	vand.u32 v59, v31;
	v51 =	vld.idx.msk [tilespmem:v35+s23+$0x0], $0xffff  }
0x223: {  	v22 =	vshrl.u32 v4, $0x10;
	v45 =	vand.u32 v59, v4;
	v52 =	vld.idx.msk [tilespmem:v38+s23+$0x0], $0xffff  }
0x224: {  	v4 =	vshrl.u32 v28, $0x10;
	v42 =	vand.u32 v59, v28;
	v40 =	vshrl.u32 v31, $0x10;
	v31 =	vld.idx.msk [tilespmem:v44+s23+$0x0], $0xffff  }
0x225: {  	v39 =	vand.u32 v59, v18;
	v6 =	vshrl.u32 v18, $0x10;
	v56 =	vmul.bf16 v46, v46;
	v61 =	vld.idx.msk [tilespmem:v7+s23+$0x0], $0xffff  }
0x226: {  	v57 =	vld.idx.msk [tilespmem:v0+s23+$0x0], $0xffff;
	v18 =	vmul.bf16 v1, v1;
	v58 =	vadd.bf16 v33, v1;
	v0 =	vmul.bf16 v33, v33  }
0x227: {  	v63 =	vld.idx.msk [tilespmem:v41+s23+$0x0], $0xffff;
	v1 =	vmax.bf16 v1, v33;
	v60 =	vmul.bf16 v49, v49;
	v62 =	vadd.bf16 v50, v49  }
0x228: {  	v33 =	vld.idx.msk [tilespmem:v10+s23+$0x0], $0xffff;
	v49 =	vmax.bf16 v49, v50;
	v50 =	vmul.bf16 v50, v50;
	v18 =	vadd.bf16 v0, v18  }
0x229: {  	v0 =	vmul.bf16 v51, v51;
	v1 =	vmax.bf16 v1, v51;
	v51 =	vadd.bf16 v51, v58;
	v58 =	vld.idx.msk [tilespmem:v42+s23+$0x0], $0xffff  }
0x22a: {  	v49 =	vmax.bf16 v49, v52;
	v1 =	vmax.bf16 v1, v46;
	v50 =	vadd.bf16 v50, v60;
	v60 =	vld.idx.msk [tilespmem:v4+s23+$0x0], $0xffff  }
0x22b: {  	v62 =	vadd.bf16 v52, v62;
	v52 =	vmul.bf16 v52, v52;
	v46 =	vadd.bf16 v46, v51;
	v51 =	vld.idx.msk [tilespmem:v40+s23+$0x0], $0xffff  }
0x22c: {  	v18 =	vadd.bf16 v0, v18;
	v0 =	vld.idx.msk [tilespmem:v6+s23+$0x0], $0xffff  }
0x22d: {  	v28 =	vmul.bf16 v34, v34;
	v53 =	vmul.bf16 v48, v48;
	v50 =	vadd.bf16 v52, v50;
	v52 =	vld.idx.msk [tilespmem:v39+s23+$0x0], $0xffff  }
0x22e: {  	v54 =	vmul.bf16 v36, v36;
	v55 =	vmul.bf16 v2, v2;
	v18 =	vadd.bf16 v56, v18;
	v56 =	vld.idx.msk [tilespmem:v3+s23+$0x0], $0xffff  }
0x22f: {  	v49 =	vmax.bf16 v49, v2;
	v1 =	vmax.bf16 v1, v36;
	v36 =	vadd.bf16 v36, v46;
	v46 =	vld.idx.msk [tilespmem:v43+s23+$0x0], $0xffff  }
0x230: {  	v49 =	vmax.bf16 v49, v48;
	v1 =	vmax.bf16 v1, v34;
	v2 =	vadd.bf16 v2, v62;
	v3 =	vld.idx.msk [tilespmem:v30+s23+$0x0], $0xffff  }
0x231: {  	v49 =	vmax.bf16 v49, v37;
	v1 =	vmax.bf16 v1, v58;
	v50 =	vadd.bf16 v55, v50;
	v55 =	vld.idx.msk [tilespmem:v45+s23+$0x0], $0xffff  }
0x232: {  	v49 =	vmax.bf16 v49, v63;
	v48 =	vadd.bf16 v48, v2;
	v2 =	vld.idx.msk [tilespmem:v22+s23+$0x0], $0xffff;
	v18 =	vadd.bf16 v54, v18  }
0x233: {  	v62 =	vmovc v6;
	v54 =	vld.idx.msk [tilespmem:v20+s23+$0x0], $0xffff;
	v34 =	vadd.bf16 v34, v36;
	v6 =	vshll.u32 v16, $0x10;
	v1 =	vmax.bf16 v1, v60  }
0x234: {  	v49 =	vmax.bf16 v49, v51;
	[tilespmem:$0x1FC40] =	vst v6;
	v6 =	vand.u32 v15, v16;
	v1 =	vmax.bf16 v1, v33  }
0x235: {  	v18 =	vadd.bf16 v28, v18;
	v34 =	vadd.bf16 v58, v34;
	v1 =	vmax.bf16 v1, v61  }
0x236: {  	[tilespmem:$0x1FC50] =	vst v6;
	v6 =	vshll.u32 v12, $0x10;
	v49 =	vmax.bf16 v49, v52;
	v1 =	vmax.bf16 v1, v57  }
0x237: {  	v49 =	vmax.bf16 v49, v0;
	v34 =	vadd.bf16 v60, v34;
	v1 =	vmax.bf16 v1, v31  }
0x238: {  	v36 =	vmax.bf16 v49, v56;
	v49 =	vadd.bf16 v53, v50;
	v1 =	vmax.bf16 v1, v23  }
0x239: {  	v53 =	vmul.bf16 v58, v58;
	v36 =	vmax.bf16 v36, v46;
	v1 =	vmax.bf16 v1, v29  }
0x23a: {  	v58 =	vmul.bf16 v63, v63;
	v36 =	vmax.bf16 v36, v55;
	v1 =	vmax.bf16 v1, v32  }
0x23b: {  	v28 =	vmax.bf16 v36, v2;
	v36 =	vadd.bf16 v37, v48;
	v1 =	vmax.bf16 v1, v8  }
0x23c: {  	v37 =	vmul.bf16 v37, v37;
	v1 =	vadd.bf16 v16, v1;
	v16 =	vmax.bf16 v28, v54  }
0x23d: {  	v34 =	vadd.bf16 v33, v34;
	v36 =	vadd.bf16 v63, v36;
	v16 =	vmax.bf16 v16, v3  }
0x23e: {  	s25 =	sadd.s32 $0x14060, s28;
	[tilespmem:$0x1FC60] =	vst v6;
	v28 =	vand.u32 v15, v12;
	v16 =	vadd.bf16 v12, v16;
	v12 =	vadd.bf16 v37, v49  }
0x23f: {  	v18 =	vadd.bf16 v53, v18;
	[tilespmem:s25+$0xFFFFF830] =	vst v1;
	v1 =	vadd.bf16 v51, v36  }
0x240: {  	v63 =	vmul.bf16 v51, v51;
	v37 =	vadd.bf16 v58, v12;
	v12 =	vmul.bf16 v60, v60  }
0x241: {  	v33 =	vmul.bf16 v33, v33;
	v34 =	vadd.bf16 v61, v34;
	v6 =	vld [tilespmem:s20+$0x0];
	v1 =	vadd.bf16 v52, v1  }
0x242: {  	v24 =	vld.idx.msk [tilespmem:v17+s24+$0x0], $0xffff;
	v60 =	vadd.bf16 v12, v18;
	v36 =	vadd.bf16 v63, v37;
	v63 =	vmul.bf16 v52, v52  }
0x243: {  	v19 =	vld.idx.msk [tilespmem:v19+s24+$0x0], $0xffff;
	[tilespmem:s25+$0xFFFFF820] =	vst v16;
	v1 =	vadd.bf16 v0, v1;
	v0 =	vmul.bf16 v0, v0  }
0x244: {  	v7 =	vld.idx.msk [tilespmem:v30+s24+$0x0], $0xffff;
	v33 =	vadd.bf16 v33, v60;
	v60 =	vmul.bf16 v61, v61;
	v30 =	vadd.bf16 v63, v36  }
0x245: {  	v34 =	vadd.bf16 v57, v34;
	v18 =	vld [tilespmem:s20+$0xFFFFFFF0];
	v61 =	vmul.bf16 v57, v57  }
0x246: {  	v21 =	vld.idx.msk [tilespmem:v21+s24+$0x0], $0xffff;
	v33 =	vadd.bf16 v60, v33;
	v0 =	vadd.bf16 v0, v30;
	v30 =	vmul.bf16 v56, v56  }
0x247: {  	v34 =	vadd.bf16 v31, v34;
	v31 =	vmul.bf16 v31, v31;
	v16 =	vld.idx.msk [tilespmem:v5+s24+$0x0], $0xffff  }
0x248: {  	v20 =	vld.idx.msk [tilespmem:v20+s24+$0x0], $0xffff;
	v63 =	vmul.bf16 v46, v46;
	v33 =	vadd.bf16 v61, v33;
	v0 =	vadd.bf16 v30, v0  }
0x249: {  	v17 =	vld.idx.msk [tilespmem:v22+s24+$0x0], $0xffff  }
0x24a: {  	v5 =	vadd.bf16 v31, v33;
	v31 =	vld.idx.msk [tilespmem:v27+s24+$0x0], $0xffff;
	v57 =	vadd.bf16 v63, v0;
	v0 =	vshll.u32 v18, $0x10  }
0x24b: {  	v33 =	vld.idx.msk [tilespmem:v25+s24+$0x0], $0xffff;
	[tilespmem:$0x1FB90] =	vst v0;
	v0 =	vshll.u32 v6, $0x10  }
0x24c: {  	v52 =	vadd.bf16 v23, v34;
	[tilespmem:$0x1FBA0] =	vst v0  }
0x24d: {  	v1 =	vadd.bf16 v56, v1;
	v0 =	vand.u32 v15, v6;
	v34 =	vld.idx.msk [tilespmem:v26+s24+$0x0], $0xffff;
	[tilespmem:$0x1FBB0] =	vst v6  }
0x24e: {  	[tilespmem:$0x1FBC0] =	vst v0;
	v0 =	vand.u32 v15, v18;
	v6 =	vld [tilespmem:$0x1FBE0]  }
0x24f: {  	v1 =	vadd.bf16 v46, v1;
	v26 =	vld [tilespmem:$0x1FC00];
	[tilespmem:$0x1FBD0] =	vst v0  }
0x250: {  	v52 =	vadd.bf16 v29, v52;
	v22 =	vld.idx.msk [tilespmem:v45+s24+$0x0], $0xffff  }
0x251: {  	v58 =	vadd.bf16 v55, v1;
	v55 =	vmul.bf16 v55, v55;
	v35 =	vld.idx.msk [tilespmem:v35+s24+$0x0], $0xffff  }
0x252: {  	v48 =	vmul.bf16 v54, v54;
	v49 =	vmul.bf16 v32, v32;
	v52 =	vadd.bf16 v32, v52;
	v12 =	vld.idx.msk [tilespmem:v44+s24+$0x0], $0xffff  }
0x253: {  	v51 =	vmul.bf16 v2, v2;
	v2 =	vadd.bf16 v2, v58;
	v45 =	vadd.bf16 v55, v57;
	v32 =	vld.idx.msk [tilespmem:v43+s24+$0x0], $0xffff  }
0x254: {  	v44 =	vmul.bf16 v16, v16;
	v61 =	vmul.bf16 v31, v31;
	v43 =	vld.idx.msk [tilespmem:v13+s24+$0x0], $0xffff  }
0x255: {  	v2 =	vadd.bf16 v54, v2;
	v57 =	vmul.bf16 v33, v33;
	v51 =	vadd.bf16 v51, v45;
	v45 =	vld.idx.msk [tilespmem:v47+s24+$0x0], $0xffff  }
0x256: {  	v54 =	vadd.bf16 v61, v44;
	v58 =	vmul.bf16 v34, v34;
	v55 =	vmul.bf16 v35, v35;
	v47 =	vld.idx.msk [tilespmem:v6+s24+$0x0], $0xffff  }
0x257: {  	v6 =	vld [tilespmem:$0x1FBF0]  }
0x258: {  	v13 =	vadd.bf16 v58, v57;
	v57 =	vadd.bf16 v55, v54;
	v54 =	vld.idx.msk [tilespmem:v26+s24+$0x0], $0xffff  }
0x259: {  	v60 =	vmul.bf16 v23, v23;
	v26 =	vld [tilespmem:$0x1FC10];
	_ =	sdelay $0x1  }
0x25a: {  	v46 =	vmul.bf16 v29, v29;
	v5 =	vadd.bf16 v60, v5;
	_ =	sdelay $0x1  }
0x25b: {  	v5 =	vadd.bf16 v46, v5;
	_ =	sdelay $0x1  }
0x25c: {  	v53 =	vmul.bf16 v8, v8;
	v5 =	vadd.bf16 v49, v5;
	v44 =	vld.idx.msk [tilespmem:v9+s24+$0x0], $0xffff;
	v58 =	vmul.bf16 v43, v43  }
0x25d: {  	v9 =	vadd.bf16 v48, v51;
	v48 =	vld.idx.msk [tilespmem:v6+s24+$0x0], $0xffff  }
0x25e: {  	v6 =	vadd.bf16 v53, v5;
	v5 =	vadd.bf16 v58, v57;
	v58 =	vld.idx.msk [tilespmem:v26+s24+$0x0], $0xffff  }
0x25f: {  	v26 =	vld [tilespmem:$0x1FC20]  }
0x260: {  	v38 =	vld.idx.msk [tilespmem:v38+s24+$0x0], $0xffff;
	_ =	sdelay $0x2  }
0x261: {  	v61 =	vadd.bf16 v31, v16  }
0x262: {  	v46 =	vld.idx.msk [tilespmem:v11+s24+$0x0], $0xffff  }
0x263: {  	v50 =	vmul.bf16 v3, v3;
	v49 =	vld.idx.msk [tilespmem:v42+s24+$0x0], $0xffff;
	v61 =	vadd.bf16 v35, v61;
	v11 =	vmul.bf16 v38, v38  }
0x264: {  	v36 =	vmul.bf16 v7, v7;
	v10 =	vmul.bf16 v17, v17;
	v8 =	vadd.bf16 v8, v52;
	v51 =	vld.idx.msk [tilespmem:v41+s24+$0x0], $0xffff  }
0x265: {  	v11 =	vadd.bf16 v11, v13;
	v13 =	vadd.bf16 v43, v61;
	v61 =	vmul.bf16 v44, v44;
	v55 =	vld.idx.msk [tilespmem:v26+s24+$0x0], $0xffff  }
0x266: {  	v25 =	vmul.bf16 v20, v20;
	v50 =	vadd.bf16 v50, v9;
	v9 =	vmul.bf16 v45, v45;
	v26 =	vld [tilespmem:$0x1FC30]  }
0x267: {  	v2 =	vadd.bf16 v3, v2;
	v52 =	vld.idx.msk [tilespmem:v4+s24+$0x0], $0xffff;
	v4 =	vadd.bf16 v61, v11;
	v11 =	vmul.bf16 v46, v46  }
0x268: {  	v56 =	vadd.bf16 v34, v33;
	v53 =	vld.idx.msk [tilespmem:v40+s24+$0x0], $0xffff;
	v5 =	vadd.bf16 v9, v5;
	v9 =	vmul.bf16 v47, v47  }
0x269: {  	v42 =	vand.u32 v2, v15;
	v4 =	vadd.bf16 v11, v4;
	v11 =	vmul.bf16 v48, v48  }
0x26a: {  	v3 =	vadd.bf16 v38, v56;
	v57 =	vld.idx.msk [tilespmem:v39+s24+$0x0], $0xffff;
	v5 =	vadd.bf16 v9, v5;
	v9 =	vmul.bf16 v49, v49  }
0x26b: {  	v41 =	vshll.u32 v2, $0x10;
	v4 =	vadd.bf16 v11, v4;
	v11 =	vmul.bf16 v51, v51  }
0x26c: {  	v3 =	vadd.bf16 v44, v3;
	v61 =	vld.idx.msk [tilespmem:v62+s24+$0x0], $0xffff;
	v5 =	vadd.bf16 v9, v5;
	v9 =	vmul.bf16 v52, v52  }
0x26d: {  	v13 =	vadd.bf16 v45, v13;
	v4 =	vadd.bf16 v11, v4;
	v11 =	vmul.bf16 v53, v53  }
0x26e: {  	v3 =	vadd.bf16 v46, v3;
	v5 =	vadd.bf16 v9, v5;
	v9 =	vmul.bf16 v54, v54;
	v56 =	vld.idx.msk [tilespmem:v26+s24+$0x0], $0xffff  }
0x26f: {  	v13 =	vadd.bf16 v47, v13;
	v4 =	vadd.bf16 v11, v4;
	v11 =	vmul.bf16 v57, v57  }
0x270: {  	v3 =	vadd.bf16 v48, v3;
	v5 =	vadd.bf16 v9, v5;
	v9 =	vmul.bf16 v58, v58  }
0x271: {  	v14 =	vld.idx.msk [tilespmem:v14+s24+$0x0], $0xffff;
	v13 =	vadd.bf16 v49, v13;
	v4 =	vadd.bf16 v11, v4;
	v11 =	vmul.bf16 v61, v61  }
0x272: {  	v3 =	vadd.bf16 v51, v3;
	v5 =	vadd.bf16 v9, v5;
	v9 =	vmul.bf16 v55, v55  }
0x273: {  	v13 =	vadd.bf16 v52, v13;
	v4 =	vadd.bf16 v11, v4;
	v11 =	vmul.bf16 v56, v56  }
0x274: {  	v0 =	vmul.bf16 v12, v12;
	v3 =	vadd.bf16 v53, v3;
	v5 =	vadd.bf16 v9, v5  }
0x275: {  	v39 =	vmul.bf16 v32, v32;
	v13 =	vadd.bf16 v54, v13;
	v9 =	vadd.bf16 v11, v4  }
0x276: {  	v1 =	vmovc v7;
	v7 =	vmul.bf16 v14, v14;
	v3 =	vadd.bf16 v57, v3;
	v0 =	vadd.bf16 v0, v5  }
0x277: {  	v23 =	vmul.bf16 v22, v22;
	v13 =	vadd.bf16 v58, v13;
	v2 =	vadd.bf16 v39, v9  }
0x278: {  	v60 =	vmul.bf16 v21, v21;
	v3 =	vadd.bf16 v61, v3;
	v0 =	vadd.bf16 v7, v0  }
0x279: {  	v63 =	vmul.bf16 v19, v19;
	v13 =	vadd.bf16 v55, v13;
	v2 =	vadd.bf16 v23, v2  }
0x27a: {  	v7 =	vld [tilespmem:$0x1FC50];
	v62 =	vadd.bf16 v56, v3;
	v3 =	vshll.u32 v8, $0x10;
	v0 =	vadd.bf16 v60, v0  }
0x27b: {  	v4 =	vand.u32 v8, v15;
	v8 =	vadd.bf16 v12, v13;
	v2 =	vadd.bf16 v10, v2  }
0x27c: {  	v5 =	vld [tilespmem:$0x1FC40];
	v63 =	vadd.bf16 v63, v0  }
0x27d: {  	v8 =	vadd.bf16 v14, v8;
	v0 =	vadd.bf16 v25, v2;
	v2 =	vimm.f32 $0.0e+00  }
0x27e: {  	[tilespmem:$0x1FC70] =	vst v2;
	v2 =	vimm.f32 $0.0e+00  }
0x27f: {  	v40 =	vmul.f32 v4, v7;
	v7 =	vadd.bf16 v21, v8;
	v8 =	vld [tilespmem:$0x1FC60];
	[tilespmem:$0x1FC80] =	vst v2;
	v2 =	vimm.f32 $0.0e+00  }
0x280: {  	v11 =	vadd.bf16 v32, v62;
	[tilespmem:$0x1FC90] =	vst v2;
	v2 =	vimm.f32 $0.0e+00  }
0x281: {  	v37 =	vmul.bf16 v24, v24;
	v5 =	vmul.f32 v3, v5;
	[tilespmem:$0x1FCA0] =	vst v2;
	v2 =	vimm.f32 $0.0e+00  }
0x282: {  	v9 =	vadd.bf16 v22, v11;
	v10 =	vadd.bf16 v19, v7;
	[tilespmem:$0x1FCB0] =	vst v2;
	v2 =	vimm.f32 $0.0e+00  }
0x283: {  	s9 =	smul.u32 $0x7D0, s9;
	v7 =	vshll.u32 v6, $0x10;
	v6 =	vand.u32 v6, v15;
	[tilespmem:$0x1FCC0] =	vst v2;
	v2 =	vimm.f32 $0.0e+00  }
0x284: {  	s28 =	smul.u32 $0xFA00, s19;
	v30 =	vmovc v12;
	v29 =	vmovc v22;
	v62 =	vmul.f32 v41, v8;
	v8 =	vadd.bf16 v17, v9;
	[tilespmem:$0x1FCD0] =	vst v2;
	v2 =	vimm.f32 $0.0e+00  }
0x285: {  	s21 =	smul.u32 $0xFA0, s19;
	v12 =	vmovc v14;
	v22 =	vmovc v21;
	v15 =	vimm.f32 $0.0e+00;
	v39 =	vadd.bf16 v24, v10;
	[tilespmem:$0x1FCE0] =	vst v2;
	v2 =	vimm.f32 $0.0e+00  }
0x286: {  	s19 =	simm.s32 $0x0;
	s16 =	sshrl.u32 s28, $0x2;
	s20 =	sadd.s32 $0x20, s20;
	v14 =	vmovc v17;
	v9 =	vmul.f32 v42, v28;
	v17 =	vmovc v24;
	v24 =	vimm.f32 $0.0e+00;
	v60 =	vadd.bf16 v20, v8;
	[tilespmem:$0x1FCF0] =	vst v2  }
.LBB2_7:
0x287: {  	v10 =	vld [tilespmem:$0x1FB80];
	_ =	sdelay $0x4  }
0x288: {  	v41 =	vadd.f32 v41, v10  }
0x289: {  	v10 =	vld [tilespmem:$0x1FC70]  }
0x28a: {  	v15 =	vadd.f32 v42, v15;
	v3 =	vadd.f32 v3, v41;
	_ =	sdelay $0x1  }
0x28b: {  	v13 =	vadd.f32 v62, v24;
	[tilespmem:$0x1FB80] =	vst v3;
	v3 =	vadd.f32 v4, v15;
	_ =	sdelay $0x1  }
0x28c: {  	v9 =	vadd.f32 v9, v10;
	[tilespmem:$0x1FB10] =	vst v3;
	v3 =	vadd.f32 v5, v13;
	_ =	sdelay $0x1  }
0x28d: {  	[tilespmem:$0x1FB70] =	vst v3;
	v3 =	vadd.f32 v40, v9;
	_ =	sdelay $0x1  }
0x28e: {  	[tilespmem:$0x1FC70] =	vst v3;
	v3 =	vld [tilespmem:$0x1FBA0];
	_ =	sdelay $0x3  }
0x28f: {  	v0 =	vadd.bf16 v36, v0;
	v36 =	vadd.bf16 v37, v63;
	v37 =	vshll.u32 v39, $0x10  }
0x290: {  	v9 =	vmul.f32 v37, v3;
	v3 =	vld [tilespmem:$0x1FC80];
	_ =	sdelay $0x2  }
0x291: {  	v26 =	vld [tilespmem:$0x1FFF0]  }
0x292: {  	v2 =	vshll.u32 v50, $0x10;
	v5 =	vld [tilespmem:$0x1FBC0]  }
0x293: {  	v2 =	vadd.f32 v2, v3;
	v3 =	vld [tilespmem:$0x1FC90];
	_ =	sdelay $0x3  }
0x294: {  	v8 =	vand.u32 v50, v26;
	v39 =	vand.u32 v39, v26  }
0x295: {  	v3 =	vadd.f32 v8, v3;
	v8 =	vmul.f32 v39, v5;
	v5 =	vld [tilespmem:$0x1FCA0];
	_ =	sdelay $0x1  }
0x296: {  	v28 =	vadd.bf16 v1, v60;
	_ =	sdelay $0x1  }
0x297: {  	v62 =	vshll.u32 v28, $0x10  }
0x298: {  	v23 =	vadd.f32 v62, v5;
	v5 =	vld [tilespmem:$0x1FCB0];
	_ =	sdelay $0x1  }
0x299: {  	v21 =	vmov v20;
	v20 =	vld [tilespmem:s20+$0xFFFFF830]  }
0x29a: {  	v11 =	vld [tilespmem:$0x1FCE0]  }
0x29b: {  	[tilespmem:$0x1FA00] =	vst v18;
	v18 =	vmov v1;
	v1 =	vld [tilespmem:$0x1FBD0];
	v28 =	vand.u32 v28, v26  }
0x29c: {  	v2 =	vadd.f32 v7, v2;
	v25 =	vadd.f32 v28, v5;
	v5 =	vld [tilespmem:$0x1FB90]  }
0x29d: {  	v7 =	vld [tilespmem:$0x1FCD0]  }
0x29e: {  	[tilespmem:$0x1FC80] =	vst v2;
	v2 =	vadd.f32 v6, v3;
	v6 =	vld [tilespmem:$0x1FCC0]  }
0x29f: {  	s18 =	sadd.s32 $0x20, s18;
	v60 =	vld [tilespmem:s20+$0xFFFFF820]  }
0x2a0: {  	v63 =	vld [tilespmem:s18+$0x0];
	v1 =	vmul.f32 v28, v1;
	[tilespmem:$0x1FC90] =	vst v2;
	v2 =	vshll.u32 v0, $0x10  }
0x2a1: {  	v2 =	vadd.f32 v2, v11;
	v11 =	vld [tilespmem:$0x1FCF0];
	v27 =	vmul.f32 v62, v5  }
0x2a2: {  	v42 =	vld [tilespmem:s18+$0x1770];
	v1 =	vadd.f32 v1, v7  }
0x2a3: {  	v50 =	vld [tilespmem:s18+$0x1780];
	v6 =	vadd.f32 v27, v6  }
0x2a4: {  	v41 =	vld [tilespmem:s18+$0x7E0];
	v7 =	vand.u32 v0, v26;
	v1 =	vadd.f32 v8, v1  }
0x2a5: {  	v4 =	vld [tilespmem:s18+$0xFA0];
	v3 =	vadd.f32 v37, v23;
	v23 =	vshll.u32 v36, $0x10;
	v6 =	vadd.f32 v9, v6  }
0x2a6: {  	v10 =	vld [tilespmem:s18+$0xFB0];
	[tilespmem:$0x1FCD0] =	vst v1;
	v1 =	vadd.f32 v23, v2;
	v7 =	vadd.f32 v7, v11  }
0x2a7: {  	v40 =	vld [tilespmem:s18+$0x7D0];
	[tilespmem:$0x1FCC0] =	vst v6;
	v6 =	vand.u32 v36, v26  }
0x2a8: {  	v0 =	vld [tilespmem:s18+$0xFFFFF830];
	[tilespmem:$0x1FCE0] =	vst v1;
	v1 =	vadd.f32 v6, v7  }
0x2a9: {  	v8 =	vld [tilespmem:s18+$0xFFFFF060]  }
0x2aa: {  	v28 =	vld [tilespmem:s18+$0xFFFFF070];
	[tilespmem:$0x1FCF0] =	vst v1;
	v1 =	vand.u32 v59, v50  }
0x2ab: {  	v13 =	vshrl.u32 v50, $0x10;
	v37 =	vld [tilespmem:s18+$0xFFFFE890];
	[tilespmem:$0x1FCA0] =	vst v3;
	v3 =	vadd.f32 v39, v25;
	v6 =	vmax.bf16 v33, v34  }
0x2ac: {  	v15 =	vshrl.u32 v42, $0x10;
	v2 =	vld [tilespmem:s18+$0xFFFFE8A0];
	v6 =	vmax.bf16 v6, v38  }
0x2ad: {  	v11 =	vand.u32 v59, v10;
	[tilespmem:$0x1FCB0] =	vst v3;
	v3 =	vld [tilespmem:s18+$0xFFFFF840];
	v9 =	vshrl.u32 v10, $0x10;
	v6 =	vmax.bf16 v6, v44  }
0x2ae: {  	v36 =	vld [tilespmem:s18+$0xFFFFE0D0];
	v7 =	vmax.bf16 v16, v31;
	v16 =	vand.u32 v59, v42;
	v6 =	vmax.bf16 v6, v46  }
0x2af: {  	v7 =	vmax.bf16 v7, v35;
	[tilespmem:$0x1FA30] =	vst v1;
	v6 =	vmax.bf16 v6, v48;
	v46 =	vld.idx.msk [tilespmem:v1+s23+$0x0], $0xffff;
	v1 =	vshrl.u32 v28, $0x10  }
0x2b0: {  	v10 =	vand.u32 v59, v28;
	v7 =	vmax.bf16 v7, v43;
	v50 =	vld.idx.msk [tilespmem:v13+s23+$0x0], $0xffff;
	v6 =	vmax.bf16 v6, v51  }
0x2b1: {  	[tilespmem:$0x1FA10] =	vst v13;
	v13 =	vshrl.u32 v4, $0x10;
	v7 =	vmax.bf16 v7, v45;
	v48 =	vld.idx.msk [tilespmem:v15+s23+$0x0], $0xffff;
	v6 =	vmax.bf16 v6, v53  }
0x2b2: {  	[tilespmem:$0x1FA50] =	vst v9;
	v35 =	vld.idx.msk [tilespmem:v9+s23+$0x0], $0xffff;
	v9 =	vshrl.u32 v8, $0x10;
	v7 =	vmax.bf16 v7, v47;
	v6 =	vmax.bf16 v6, v57  }
0x2b3: {  	v42 =	vand.u32 v59, v36;
	v45 =	vshrl.u32 v36, $0x10;
	v44 =	vld.idx.msk [tilespmem:v16+s23+$0x0], $0xffff;
	v6 =	vmax.bf16 v6, v61  }
0x2b4: {  	v36 =	vand.u32 v59, v4;
	v7 =	vmax.bf16 v7, v49;
	v6 =	vmax.bf16 v6, v56;
	v24 =	vld.idx.msk [tilespmem:v1+s23+$0x0], $0xffff  }
0x2b5: {  	v51 =	vand.u32 v59, v2;
	v7 =	vmax.bf16 v7, v52;
	[tilespmem:$0x1FAD0] =	vst v1;
	v6 =	vmax.bf16 v6, v32;
	v1 =	vld [tilespmem:$0x1FA00]  }
0x2b6: {  	v5 =	vld [tilespmem:s18+$0x10];
	v57 =	vshrl.u32 v2, $0x10;
	v4 =	vmul.bf16 v48, v48;
	v2 =	vmax.bf16 v6, v29  }
0x2b7: {  	[tilespmem:$0x1FA20] =	vst v15;
	v34 =	vld.idx.msk [tilespmem:v11+s23+$0x0], $0xffff;
	v52 =	vshrl.u32 v37, $0x10;
	v7 =	vmax.bf16 v7, v54;
	v2 =	vmax.bf16 v2, v14  }
0x2b8: {  	v62 =	vld [tilespmem:s18+$0xFFFFE0C0];
	v7 =	vmax.bf16 v7, v58;
	[tilespmem:$0x1FB00] =	vst v4;
	v4 =	vmul.bf16 v50, v50;
	v2 =	vmax.bf16 v2, v21  }
0x2b9: {  	v15 =	vld.idx.msk [tilespmem:v10+s23+$0x0], $0xffff;
	v7 =	vmax.bf16 v7, v55;
	v55 =	vand.u32 v59, v8;
	v2 =	vmax.bf16 v2, v18  }
0x2ba: {  	v7 =	vmax.bf16 v7, v30;
	[tilespmem:$0x1FAF0] =	vst v4;
	v4 =	vmul.bf16 v44, v44;
	v2 =	vadd.bf16 v1, v2;
	v1 =	vld [tilespmem:$0x1FBB0]  }
0x2bb: {  	[tilespmem:$0x1FA70] =	vst v11;
	v38 =	vld.idx.msk [tilespmem:v13+s23+$0x0], $0xffff;
	v6 =	vmax.bf16 v7, v12  }
0x2bc: {  	v23 =	vld.idx.msk [tilespmem:v9+s23+$0x0], $0xffff;
	v6 =	vmax.bf16 v6, v22;
	[tilespmem:$0x1FAC0] =	vst v4;
	v4 =	vmul.bf16 v46, v46  }
0x2bd: {  	v33 =	vand.u32 v59, v62;
	[tilespmem:$0x1FA40] =	vst v16;
	v12 =	vld.idx.msk [tilespmem:v51+s23+$0x0], $0xffff;
	v6 =	vmax.bf16 v6, v19  }
0x2be: {  	v47 =	vand.u32 v59, v37;
	v37 =	vshrl.u32 v62, $0x10;
	v16 =	vld.idx.msk [tilespmem:v52+s23+$0x0], $0xffff;
	v6 =	vmax.bf16 v6, v17;
	[tilespmem:$0x1FAB0] =	vst v4  }
0x2bf: {  	v17 =	vld.idx.msk [tilespmem:v55+s23+$0x0], $0xffff;
	[tilespmem:s25+$0xFFFFFFF0] =	vst v2;
	v7 =	vadd.bf16 v1, v6;
	v1 =	vshll.u32 v20, $0x10  }
0x2c0: {  	v19 =	vld.idx.msk [tilespmem:v57+s23+$0x0], $0xffff;
	[tilespmem:$0x1FB30] =	vst v1;
	v1 =	vand.u32 v26, v20  }
0x2c1: {  	v2 =	vld.idx.msk [tilespmem:v42+s23+$0x0], $0xffff;
	[tilespmem:$0x1FB40] =	vst v1  }
0x2c2: {  	v28 =	vld.idx.msk [tilespmem:v33+s23+$0x0], $0xffff;
	v1 =	vshll.u32 v60, $0x10;
	[tilespmem:s25+$0x0] =	vst v7  }
0x2c3: {  	v11 =	vld.idx.msk [tilespmem:v37+s23+$0x0], $0xffff;
	[tilespmem:$0x1FB50] =	vst v1;
	v1 =	vand.u32 v26, v60  }
0x2c4: {  	v39 =	vshrl.u32 v41, $0x10;
	v4 =	vmul.bf16 v38, v38;
	v18 =	vld.idx.msk [tilespmem:v45+s23+$0x0], $0xffff;
	[tilespmem:$0x1FB60] =	vst v1;
	v1 =	vand.u32 v59, v41  }
0x2c5: {  	v43 =	vmovc v20;
	v49 =	vand.u32 v59, v3;
	v62 =	vshrl.u32 v3, $0x10;
	v41 =	vand.u32 v59, v0  }
0x2c6: {  	v53 =	vshrl.u32 v0, $0x10;
	v54 =	vand.u32 v59, v5;
	[tilespmem:$0x1FA90] =	vst v4;
	v4 =	vmul.bf16 v35, v35;
	v20 =	vld.idx.msk [tilespmem:v47+s23+$0x0], $0xffff  }
0x2c7: {  	[tilespmem:$0x1FAA0] =	vst v10;
	v58 =	vshrl.u32 v5, $0x10;
	v61 =	vshrl.u32 v63, $0x10;
	v63 =	vand.u32 v59, v63  }
0x2c8: {  	v56 =	vand.u32 v59, v40;
	[tilespmem:$0x1FA80] =	vst v4;
	v3 =	vmul.bf16 v2, v2;
	v5 =	vadd.bf16 v11, v28  }
0x2c9: {  	v40 =	vshrl.u32 v40, $0x10;
	[tilespmem:$0x1FB20] =	vst v1;
	v4 =	vadd.bf16 v18, v2;
	v0 =	vmul.bf16 v18, v18;
	v22 =	vld.idx.msk [tilespmem:v1+s23+$0x0], $0xffff  }
0x2ca: {  	v1 =	vmul.bf16 v28, v28;
	v28 =	vmax.bf16 v28, v11;
	v11 =	vmul.bf16 v11, v11;
	v6 =	vld.idx.msk [tilespmem:v41+s23+$0x0], $0xffff  }
0x2cb: {  	v8 =	vmul.bf16 v12, v12;
	v7 =	vld.idx.msk [tilespmem:v53+s23+$0x0], $0xffff;
	v28 =	vmax.bf16 v28, v20;
	v0 =	vadd.bf16 v0, v3  }
0x2cc: {  	v3 =	vadd.bf16 v12, v4;
	v1 =	vadd.bf16 v11, v1;
	v4 =	vmax.bf16 v28, v16;
	v11 =	vld.idx.msk [tilespmem:v63+s23+$0x0], $0xffff  }
0x2cd: {  	v10 =	vmul.bf16 v20, v20;
	v5 =	vadd.bf16 v20, v5;
	v20 =	vld.idx.msk [tilespmem:v61+s23+$0x0], $0xffff;
	v4 =	vmax.bf16 v4, v17  }
0x2ce: {  	v28 =	vld.idx.msk [tilespmem:v56+s23+$0x0], $0xffff;
	v4 =	vmax.bf16 v4, v23  }
0x2cf: {  	v0 =	vadd.bf16 v8, v0;
	v8 =	vld.idx.msk [tilespmem:v40+s23+$0x0], $0xffff;
	v4 =	vmax.bf16 v4, v6  }
0x2d0: {  	v1 =	vadd.bf16 v10, v1;
	v10 =	vld.idx.msk [tilespmem:v36+s23+$0x0], $0xffff;
	v4 =	vmax.bf16 v4, v7  }
0x2d1: {  	[tilespmem:$0x1FA60] =	vst v13;
	v2 =	vmax.bf16 v2, v18;
	v18 =	vld.idx.msk [tilespmem:v49+s23+$0x0], $0xffff;
	v4 =	vmax.bf16 v4, v11  }
0x2d2: {  	[tilespmem:$0x1FAE0] =	vst v9;
	v9 =	vld.idx.msk [tilespmem:v62+s23+$0x0], $0xffff;
	v2 =	vmax.bf16 v2, v12;
	v4 =	vmax.bf16 v4, v20  }
0x2d3: {  	v13 =	vld.idx.msk [tilespmem:v54+s23+$0x0], $0xffff;
	v5 =	vadd.bf16 v16, v5;
	v2 =	vmax.bf16 v2, v19;
	v4 =	vmax.bf16 v4, v28  }
0x2d4: {  	v14 =	vld.idx.msk [tilespmem:v58+s23+$0x0], $0xffff;
	v2 =	vmax.bf16 v2, v15;
	v4 =	vmax.bf16 v4, v8  }
0x2d5: {  	v5 =	vadd.bf16 v17, v5;
	v2 =	vmax.bf16 v2, v24;
	v4 =	vmax.bf16 v4, v10  }
0x2d6: {  	v27 =	vld.idx.msk [tilespmem:v39+s23+$0x0], $0xffff;
	v2 =	vmax.bf16 v2, v18;
	v4 =	vmax.bf16 v4, v38  }
0x2d7: {  	v5 =	vadd.bf16 v23, v5;
	v2 =	vmax.bf16 v2, v9;
	v4 =	vmax.bf16 v4, v44  }
0x2d8: {  	v2 =	vmax.bf16 v2, v13;
	v4 =	vmax.bf16 v4, v48  }
0x2d9: {  	v5 =	vadd.bf16 v6, v5;
	v2 =	vmax.bf16 v2, v14;
	v4 =	vadd.bf16 v60, v4  }
0x2da: {  	s25 =	sadd.s32 $0x20, s25;
	v2 =	vmax.bf16 v2, v22  }
0x2db: {  	v2 =	vmax.bf16 v2, v27;
	[tilespmem:s25+$0xFFFFF820] =	vst v4;
	v4 =	vadd.bf16 v7, v5;
	v5 =	vmul.bf16 v7, v7;
	v7 =	vld [tilespmem:$0x1FA30]  }
0x2dc: {  	v2 =	vmax.bf16 v2, v34  }
0x2dd: {  	v2 =	vmax.bf16 v2, v35  }
0x2de: {  	v2 =	vmax.bf16 v2, v46  }
0x2df: {  	v2 =	vmax.bf16 v2, v50  }
0x2e0: {  	v25 =	vmul.bf16 v16, v16;
	v2 =	vadd.bf16 v43, v2;
	_ =	sdelay $0x1  }
0x2e1: {  	v30 =	vmul.bf16 v17, v17;
	v1 =	vadd.bf16 v25, v1;
	[tilespmem:s25+$0xFFFFF830] =	vst v2  }
0x2e2: {  	v21 =	vmul.bf16 v19, v19;
	v3 =	vadd.bf16 v19, v3;
	v19 =	vld.idx.msk [tilespmem:v7+s24+$0x0], $0xffff  }
0x2e3: {  	v32 =	vmul.bf16 v23, v23;
	v1 =	vadd.bf16 v30, v1;
	v7 =	vld [tilespmem:$0x1FA40];
	_ =	sdelay $0x1  }
0x2e4: {  	v6 =	vmul.bf16 v6, v6;
	v1 =	vadd.bf16 v32, v1;
	_ =	sdelay $0x1  }
0x2e5: {  	v1 =	vadd.bf16 v6, v1;
	_ =	sdelay $0x1  }
0x2e6: {  	v1 =	vadd.bf16 v5, v1;
	v4 =	vadd.bf16 v11, v4;
	v5 =	vmul.bf16 v11, v11;
	_ =	sdelay $0x1  }
0x2e7: {  	v1 =	vadd.bf16 v5, v1;
	v4 =	vadd.bf16 v20, v4;
	v5 =	vmul.bf16 v20, v20;
	v20 =	vld.idx.msk [tilespmem:v7+s24+$0x0], $0xffff  }
0x2e8: {  	v7 =	vld [tilespmem:$0x1FA50];
	_ =	sdelay $0x4  }
0x2e9: {  	v29 =	vmul.bf16 v15, v15;
	v0 =	vadd.bf16 v21, v0;
	v3 =	vadd.bf16 v15, v3;
	_ =	sdelay $0x1  }
0x2ea: {  	v31 =	vmul.bf16 v24, v24;
	v0 =	vadd.bf16 v29, v0;
	v3 =	vadd.bf16 v24, v3  }
0x2eb: {  	v17 =	vld.idx.msk [tilespmem:v7+s24+$0x0], $0xffff  }
0x2ec: {  	v12 =	vmul.bf16 v18, v18;
	v0 =	vadd.bf16 v31, v0;
	v3 =	vadd.bf16 v18, v3;
	v7 =	vld [tilespmem:$0x1FA60];
	_ =	sdelay $0x1  }
0x2ed: {  	v0 =	vadd.bf16 v12, v0;
	v2 =	vadd.bf16 v9, v3;
	v3 =	vmul.bf16 v9, v9;
	_ =	sdelay $0x1  }
0x2ee: {  	v0 =	vadd.bf16 v3, v0;
	v3 =	vmul.bf16 v13, v13;
	_ =	sdelay $0x1  }
0x2ef: {  	v15 =	vld [tilespmem:$0x1FA80];
	v0 =	vadd.bf16 v3, v0;
	v3 =	vmul.bf16 v14, v14  }
0x2f0: {  	v25 =	vld [tilespmem:$0x1FAD0];
	v2 =	vadd.bf16 v13, v2  }
0x2f1: {  	v0 =	vadd.bf16 v3, v0;
	v3 =	vmul.bf16 v22, v22;
	v60 =	vld.idx.msk [tilespmem:v7+s24+$0x0], $0xffff  }
0x2f2: {  	v2 =	vadd.bf16 v14, v2;
	v7 =	vld [tilespmem:$0x1FA70]  }
0x2f3: {  	v9 =	vld [tilespmem:s20+$0x0];
	v4 =	vadd.bf16 v28, v4;
	v0 =	vadd.bf16 v3, v0;
	v3 =	vmul.bf16 v27, v27  }
0x2f4: {  	v16 =	vld.idx.msk [tilespmem:v42+s24+$0x0], $0xffff;
	v2 =	vadd.bf16 v22, v2  }
0x2f5: {  	v31 =	vld.idx.msk [tilespmem:v45+s24+$0x0], $0xffff;
	v4 =	vadd.bf16 v8, v4;
	v0 =	vadd.bf16 v3, v0;
	v3 =	vmul.bf16 v34, v34  }
0x2f6: {  	v18 =	vld [tilespmem:s20+$0xFFFFFFF0];
	v1 =	vadd.bf16 v5, v1;
	v5 =	vmul.bf16 v28, v28;
	v2 =	vadd.bf16 v27, v2  }
0x2f7: {  	v33 =	vld.idx.msk [tilespmem:v33+s24+$0x0], $0xffff;
	v4 =	vadd.bf16 v10, v4;
	v0 =	vadd.bf16 v3, v0  }
0x2f8: {  	v1 =	vadd.bf16 v5, v1;
	v5 =	vmul.bf16 v8, v8;
	v2 =	vadd.bf16 v34, v2;
	v34 =	vld.idx.msk [tilespmem:v37+s24+$0x0], $0xffff  }
0x2f9: {  	v4 =	vadd.bf16 v38, v4;
	v0 =	vadd.bf16 v15, v0;
	v15 =	vld [tilespmem:$0x1FA90]  }
0x2fa: {  	v5 =	vadd.bf16 v5, v1;
	v14 =	vld.idx.msk [tilespmem:v7+s24+$0x0], $0xffff;
	v7 =	vmul.bf16 v10, v10  }
0x2fb: {  	v11 =	vshll.u32 v18, $0x10;
	v38 =	vld.idx.msk [tilespmem:v47+s24+$0x0], $0xffff;
	v4 =	vadd.bf16 v44, v4  }
0x2fc: {  	[tilespmem:$0x1FB90] =	vst v11;
	v47 =	vld.idx.msk [tilespmem:v25+s24+$0x0], $0xffff;
	v10 =	vshll.u32 v9, $0x10;
	v3 =	vadd.bf16 v7, v5  }
0x2fd: {  	v11 =	vmul.bf16 v33, v33;
	v25 =	vadd.bf16 v48, v4;
	v4 =	vld [tilespmem:$0x1FAE0];
	[tilespmem:$0x1FBA0] =	vst v10;
	v10 =	vmul.bf16 v31, v31  }
0x2fe: {  	v24 =	vld [tilespmem:$0x1FAC0];
	v5 =	vmul.bf16 v16, v16;
	v3 =	vadd.bf16 v15, v3;
	v15 =	vmul.bf16 v34, v34  }
0x2ff: {  	v2 =	vadd.bf16 v35, v2;
	v35 =	vld.idx.msk [tilespmem:v51+s24+$0x0], $0xffff  }
0x300: {  	v5 =	vadd.bf16 v10, v5;
	v10 =	vadd.bf16 v15, v11;
	v15 =	vld [tilespmem:$0x1FAB0];
	_ =	sdelay $0x3  }
0x301: {  	v6 =	vld [tilespmem:$0x1FA10];
	v3 =	vadd.bf16 v24, v3  }
0x302: {  	v48 =	vld.idx.msk [tilespmem:v4+s24+$0x0], $0xffff;
	v24 =	vmul.bf16 v38, v38;
	v0 =	vadd.bf16 v15, v0;
	v15 =	vmul.bf16 v35, v35  }
0x303: {  	v11 =	vld [tilespmem:$0x1FAA0]  }
0x304: {  	v4 =	vadd.bf16 v15, v5;
	v5 =	vadd.bf16 v24, v10;
	v24 =	vld [tilespmem:$0x1FAF0]  }
0x305: {  	v43 =	vld.idx.msk [tilespmem:v57+s24+$0x0], $0xffff  }
0x306: {  	v49 =	vld.idx.msk [tilespmem:v49+s24+$0x0], $0xffff  }
0x307: {  	v32 =	vld.idx.msk [tilespmem:v40+s24+$0x0], $0xffff  }
0x308: {  	v44 =	vld.idx.msk [tilespmem:v52+s24+$0x0], $0xffff  }
0x309: {  	v13 =	vadd.bf16 v34, v33;
	v24 =	vadd.bf16 v24, v0;
	v0 =	vld [tilespmem:$0x1FB00]  }
0x30a: {  	v2 =	vadd.bf16 v46, v2;
	v46 =	vld.idx.msk [tilespmem:v55+s24+$0x0], $0xffff  }
0x30b: {  	v13 =	vadd.bf16 v38, v13;
	v45 =	vld.idx.msk [tilespmem:v11+s24+$0x0], $0xffff  }
0x30c: {  	v21 =	vld.idx.msk [tilespmem:v6+s24+$0x0], $0xffff;
	v7 =	vadd.bf16 v31, v16  }
0x30d: {  	v54 =	vld.idx.msk [tilespmem:v54+s24+$0x0], $0xffff;
	v2 =	vadd.bf16 v50, v2;
	v13 =	vadd.bf16 v44, v13;
	v10 =	vmul.bf16 v43, v43  }
0x30e: {  	v22 =	vld.idx.msk [tilespmem:v36+s24+$0x0], $0xffff;
	v27 =	vmul.bf16 v32, v32;
	v7 =	vadd.bf16 v35, v7;
	v50 =	vadd.bf16 v0, v3  }
0x30f: {  	v15 =	vmul.bf16 v44, v44;
	v0 =	vadd.bf16 v10, v4;
	v10 =	vadd.bf16 v46, v13;
	v13 =	vld [tilespmem:$0x1FB20]  }
0x310: {  	v8 =	vand.u32 v26, v18;
	v51 =	vld.idx.msk [tilespmem:v41+s24+$0x0], $0xffff;
	v7 =	vadd.bf16 v43, v7;
	v3 =	vmul.bf16 v45, v45  }
0x311: {  	v37 =	vmul.bf16 v21, v21;
	v52 =	vld.idx.msk [tilespmem:v62+s24+$0x0], $0xffff;
	v4 =	vadd.bf16 v15, v5;
	v5 =	vmul.bf16 v46, v46  }
0x312: {  	v53 =	vld.idx.msk [tilespmem:v53+s24+$0x0], $0xffff;
	v7 =	vadd.bf16 v45, v7;
	v0 =	vadd.bf16 v3, v0;
	v3 =	vmul.bf16 v47, v47  }
0x313: {  	v58 =	vld.idx.msk [tilespmem:v58+s24+$0x0], $0xffff;
	v23 =	vmul.bf16 v22, v22;
	v4 =	vadd.bf16 v5, v4;
	v5 =	vmul.bf16 v48, v48  }
0x314: {  	v57 =	vld.idx.msk [tilespmem:v63+s24+$0x0], $0xffff;
	v7 =	vadd.bf16 v47, v7;
	v0 =	vadd.bf16 v3, v0;
	v3 =	vmul.bf16 v49, v49  }
0x315: {  	v61 =	vld.idx.msk [tilespmem:v61+s24+$0x0], $0xffff;
	v10 =	vadd.bf16 v48, v10;
	v4 =	vadd.bf16 v5, v4;
	v5 =	vmul.bf16 v51, v51  }
0x316: {  	v6 =	vld [tilespmem:$0x1FA20];
	v7 =	vadd.bf16 v49, v7;
	v0 =	vadd.bf16 v3, v0;
	v3 =	vmul.bf16 v52, v52  }
0x317: {  	v10 =	vadd.bf16 v51, v10;
	v4 =	vadd.bf16 v5, v4;
	v5 =	vmul.bf16 v53, v53;
	v55 =	vld.idx.msk [tilespmem:v13+s24+$0x0], $0xffff  }
0x318: {  	v12 =	vld.idx.msk [tilespmem:v39+s24+$0x0], $0xffff;
	v7 =	vadd.bf16 v52, v7;
	v0 =	vadd.bf16 v3, v0;
	v3 =	vmul.bf16 v54, v54  }
0x319: {  	v56 =	vld.idx.msk [tilespmem:v56+s24+$0x0], $0xffff;
	v10 =	vadd.bf16 v53, v10;
	v4 =	vadd.bf16 v5, v4;
	v5 =	vmul.bf16 v57, v57  }
0x31a: {  	v7 =	vadd.bf16 v54, v7;
	v0 =	vadd.bf16 v3, v0;
	v3 =	vmul.bf16 v58, v58  }
0x31b: {  	[tilespmem:$0x1FBB0] =	vst v9;
	v9 =	vand.u32 v26, v9;
	v10 =	vadd.bf16 v57, v10;
	v4 =	vadd.bf16 v5, v4  }
0x31c: {  	v5 =	vmul.bf16 v61, v61;
	v0 =	vadd.bf16 v3, v0;
	v13 =	vmul.bf16 v55, v55  }
0x31d: {  	v11 =	vmul.bf16 v12, v12;
	v7 =	vadd.bf16 v58, v7;
	v10 =	vadd.bf16 v61, v10  }
0x31e: {  	v6 =	vld.idx.msk [tilespmem:v6+s24+$0x0], $0xffff;
	v4 =	vadd.bf16 v5, v4;
	v5 =	vmul.bf16 v56, v56;
	v0 =	vadd.bf16 v13, v0  }
0x31f: {  	v28 =	vmul.bf16 v14, v14;
	v10 =	vadd.bf16 v56, v10;
	v7 =	vadd.bf16 v55, v7  }
0x320: {  	v3 =	vshll.u32 v2, $0x10;
	v5 =	vadd.bf16 v5, v4;
	v0 =	vadd.bf16 v11, v0;
	v11 =	vld [tilespmem:$0x1FB40]  }
0x321: {  	v4 =	vand.u32 v2, v26;
	v2 =	vadd.bf16 v12, v7;
	v7 =	vadd.bf16 v32, v10  }
0x322: {  	[tilespmem:$0x1FBC0] =	vst v9;
	v9 =	vmul.bf16 v17, v17;
	v10 =	vadd.bf16 v27, v5;
	v5 =	vld [tilespmem:$0x1FB30];
	v0 =	vadd.bf16 v28, v0  }
0x323: {  	v1 =	vmovc v6;
	v36 =	vmul.bf16 v6, v6;
	v6 =	vmul.bf16 v19, v19;
	v2 =	vadd.bf16 v14, v2  }
0x324: {  	s19 =	sadd.s32 $0x2, s19;
	v41 =	vshll.u32 v25, $0x10;
	v7 =	vadd.bf16 v22, v7;
	v0 =	vadd.bf16 v9, v0;
	v9 =	vld [tilespmem:$0x1FB60]  }
0x325: {  	p1 =	slt.u32 s19, $0x7A;
	v30 =	vmovc v12;
	v39 =	vmul.bf16 v60, v60;
	v10 =	vadd.bf16 v23, v10;
	v40 =	vmul.f32 v4, v11;
	v11 =	vld [tilespmem:$0x1FB50]  }
.Ltmp2:
0x326: {  	[tilespmem:$0x1FBD0] =	vst v8;
	v42 =	vand.u32 v25, v26;
	v2 =	vadd.bf16 v17, v2;
	v7 =	vadd.bf16 v60, v7;
	(pc) =	sbr.rel @p1 .LBB2_7-.Ltmp2, $4  }
0x327: {  	v29 =	vmovc v22;
	v8 =	vmul.bf16 v20, v20;
	v10 =	vadd.bf16 v39, v10;
	v5 =	vmul.f32 v3, v5  }
0x328: {  	v12 =	vmovc v14;
	v14 =	vmovc v60;
	v2 =	vadd.bf16 v19, v2;
	v60 =	vadd.bf16 v20, v7;
	v7 =	vshll.u32 v24, $0x10  }
0x329: {  	v15 =	vld [tilespmem:$0x1FB10];
	v22 =	vmovc v17;
	v63 =	vadd.bf16 v6, v0;
	v0 =	vadd.bf16 v8, v10;
	v6 =	vand.u32 v24, v26  }
0x32a: {  	s20 =	sadd.s32 $0x20, s20;
	v17 =	vmovc v21;
	v24 =	vld [tilespmem:$0x1FB70];
	v39 =	vadd.bf16 v21, v2;
	v9 =	vmul.f32 v42, v9;
	v62 =	vmul.f32 v41, v11  }
0x32b: {  	v2 =	vmax.bf16 v33, v34  }
0x32c: {  	v8 =	vmax.bf16 v16, v31;
	v2 =	vmax.bf16 v2, v38  }
0x32d: {  	v8 =	vmax.bf16 v8, v35;
	v2 =	vmax.bf16 v2, v44  }
0x32e: {  	v8 =	vmax.bf16 v8, v43;
	v2 =	vmax.bf16 v2, v46  }
0x32f: {  	v8 =	vmax.bf16 v8, v45;
	v2 =	vmax.bf16 v2, v48  }
0x330: {  	v8 =	vmax.bf16 v8, v47;
	v2 =	vmax.bf16 v2, v51  }
0x331: {  	v8 =	vmax.bf16 v8, v49;
	v2 =	vmax.bf16 v2, v53  }
0x332: {  	v8 =	vmax.bf16 v8, v52;
	v2 =	vmax.bf16 v2, v57  }
0x333: {  	v8 =	vmax.bf16 v8, v54;
	v2 =	vmax.bf16 v2, v61  }
0x334: {  	v8 =	vmax.bf16 v8, v58;
	v2 =	vmax.bf16 v2, v56  }
0x335: {  	v8 =	vmax.bf16 v8, v55;
	v2 =	vmax.bf16 v2, v32  }
0x336: {  	v10 =	vld [tilespmem:$0x1FBB0];
	v8 =	vmax.bf16 v8, v30;
	v2 =	vmax.bf16 v2, v29  }
0x337: {  	v8 =	vmax.bf16 v8, v12;
	v2 =	vmax.bf16 v2, v14  }
0x338: {  	v8 =	vmax.bf16 v8, v22;
	v2 =	vmax.bf16 v2, v20  }
0x339: {  	v8 =	vmax.bf16 v8, v19;
	v2 =	vmax.bf16 v2, v1  }
0x33a: {  	v8 =	vmax.bf16 v8, v17;
	v2 =	vadd.bf16 v18, v2  }
0x33b: {  	v8 =	vadd.bf16 v10, v8  }
0x33c: {  	[tilespmem:s25+$0xFFFFFFF0] =	vst v2  }
0x33d: {  	[tilespmem:s25+$0x0] =	vst v8  }
0x33e: {  	v2 =	vld [tilespmem:s16+$0xA400]  }
0x33f: {  	v8 =	vld [tilespmem:s16+$0xABD0]  }
0x340: {  	v44 =	vld [tilespmem:s16+$0xB3A0]  }
0x341: {  	v11 =	vld [tilespmem:s16+$0xBB70]  }
0x342: {  	v45 =	vld [tilespmem:s16+$0xC340]  }
0x343: {  	v46 =	vld [tilespmem:s16+$0xCB10]  }
0x344: {  	v13 =	vld [tilespmem:s16+$0xD2E0]  }
0x345: {  	v47 =	vld [tilespmem:s16+$0xDAB0]  }
0x346: {  	v49 =	vld [tilespmem:$0x1FFF0]  }
0x347: {  	v53 =	vld [tilespmem:$0x1FB80]  }
0x348: {  	v55 =	vld [tilespmem:$0x1FC70]  }
0x349: {  	v61 =	vld [tilespmem:$0x1FC80]  }
0x34a: {  	v54 =	vadd.f32 v62, v24;
	v62 =	vld [tilespmem:$0x1FC90];
	v14 =	vand.u32 v59, v2  }
0x34b: {  	v48 =	vld [tilespmem:$0x1FCA0];
	v16 =	vshrl.u32 v2, $0x10  }
0x34c: {  	v52 =	vadd.bf16 v1, v60;
	v51 =	vld [tilespmem:$0x1FB90];
	v19 =	vand.u32 v59, v8  }
0x34d: {  	v21 =	vshll.u32 v50, $0x10;
	v23 =	vshrl.u32 v8, $0x10;
	v26 =	vand.u32 v50, v49;
	v50 =	vld [tilespmem:$0x1FCB0]  }
0x34e: {  	v56 =	vshll.u32 v52, $0x10;
	v25 =	vand.u32 v59, v44;
	v57 =	vand.u32 v52, v49;
	v52 =	vld [tilespmem:$0x1FBD0]  }
0x34f: {  	v27 =	vshrl.u32 v44, $0x10;
	v17 =	vld.idx.msk [tilespmem:v14+s23+$0x0], $0xffff  }
0x350: {  	v15 =	vadd.f32 v42, v15;
	v29 =	vand.u32 v59, v11;
	v30 =	vld.idx.msk [tilespmem:v16+s23+$0x0], $0xffff  }
0x351: {  	v28 =	vadd.bf16 v36, v0;
	v31 =	vshrl.u32 v11, $0x10;
	v32 =	vld.idx.msk [tilespmem:v19+s23+$0x0], $0xffff  }
0x352: {  	v0 =	vadd.bf16 v37, v63;
	v4 =	vadd.f32 v4, v15;
	v24 =	vand.u32 v59, v45;
	v33 =	vld.idx.msk [tilespmem:v23+s23+$0x0], $0xffff  }
0x353: {  	v10 =	vadd.f32 v41, v53;
	v9 =	vadd.f32 v9, v55;
	v20 =	vshrl.u32 v45, $0x10;
	v36 =	vld.idx.msk [tilespmem:v25+s23+$0x0], $0xffff  }
0x354: {  	v18 =	vand.u32 v59, v46;
	v15 =	vshrl.u32 v46, $0x10;
	v2 =	vand.u32 v59, v13;
	v37 =	vld.idx.msk [tilespmem:v27+s23+$0x0], $0xffff  }
0x355: {  	v21 =	vadd.f32 v21, v61;
	v8 =	vadd.f32 v3, v10;
	v38 =	vld.idx.msk [tilespmem:v29+s23+$0x0], $0xffff;
	v58 =	vmax.bf16 v17, v30  }
0x356: {  	v3 =	vadd.f32 v5, v54;
	v5 =	vadd.f32 v40, v9;
	v40 =	vld.idx.msk [tilespmem:v31+s23+$0x0], $0xffff;
	v60 =	vmax.bf16 v58, v32  }
0x357: {  	v11 =	vshrl.u32 v13, $0x10;
	v42 =	vadd.f32 v56, v48;
	v41 =	vld.idx.msk [tilespmem:v24+s23+$0x0], $0xffff;
	v9 =	vmax.bf16 v60, v33  }
0x358: {  	v63 =	vadd.f32 v26, v62;
	v10 =	vand.u32 v59, v47;
	v26 =	vld.idx.msk [tilespmem:v20+s23+$0x0], $0xffff;
	v9 =	vmax.bf16 v9, v36  }
0x359: {  	v12 =	vshrl.u32 v47, $0x10;
	v34 =	vmul.f32 v56, v51;
	v43 =	vld.idx.msk [tilespmem:v18+s23+$0x0], $0xffff;
	v9 =	vmax.bf16 v9, v37  }
0x35a: {  	v7 =	vadd.f32 v7, v21;
	v22 =	vadd.f32 v57, v50;
	v44 =	vld.idx.msk [tilespmem:v15+s23+$0x0], $0xffff;
	v9 =	vmax.bf16 v9, v38  }
0x35b: {  	v35 =	vld.idx.msk [tilespmem:v2+s23+$0x0], $0xffff;
	v53 =	vmul.bf16 v17, v17;
	v54 =	vmul.bf16 v30, v30;
	v9 =	vmax.bf16 v9, v40  }
0x35c: {  	v1 =	vmul.f32 v57, v52;
	v46 =	vld.idx.msk [tilespmem:v11+s23+$0x0], $0xffff;
	v55 =	vadd.bf16 v30, v17;
	v9 =	vmax.bf16 v9, v41  }
0x35d: {  	v30 =	vld.idx.msk [tilespmem:v10+s23+$0x0], $0xffff;
	v57 =	vmul.bf16 v32, v32;
	v56 =	vadd.bf16 v54, v53;
	v9 =	vmax.bf16 v9, v26  }
0x35e: {  	v6 =	vadd.f32 v6, v63;
	v47 =	vld.idx.msk [tilespmem:v12+s23+$0x0], $0xffff;
	v13 =	vadd.bf16 v32, v55;
	v9 =	vmax.bf16 v9, v43  }
0x35f: {  	v21 =	vld [tilespmem:s21+$0x12100];
	v60 =	vmul.bf16 v33, v33;
	v17 =	vadd.bf16 v57, v56;
	v9 =	vmax.bf16 v9, v44  }
0x360: {  	v61 =	vld [tilespmem:$0x1FBA0];
	v62 =	vmul.bf16 v36, v36;
	v13 =	vadd.bf16 v33, v13;
	v9 =	vmax.bf16 v9, v35  }
0x361: {  	v45 =	vmul.bf16 v37, v37;
	v17 =	vadd.bf16 v60, v17;
	v9 =	vmax.bf16 v9, v46  }
0x362: {  	v48 =	vld [tilespmem:$0x1FCC0];
	v58 =	vshll.u32 v39, $0x10;
	v13 =	vadd.bf16 v36, v13;
	v63 =	vmax.bf16 v9, v30  }
0x363: {  	v52 =	vld [tilespmem:$0x1FBC0];
	v17 =	vadd.bf16 v62, v17;
	v9 =	vadd.f32 v58, v42;
	v42 =	vmax.bf16 v63, v47  }
0x364: {  	v50 =	vand.u32 v39, v49;
	v51 =	vmul.bf16 v38, v38;
	v53 =	vld [tilespmem:$0x1FCD0];
	v36 =	vadd.bf16 v21, v42  }
0x365: {  	v33 =	vmul.f32 v58, v61;
	v61 =	vld [tilespmem:$0x1FCF0];
	v37 =	vadd.bf16 v37, v13;
	v17 =	vadd.bf16 v45, v17  }
0x366: {  	v13 =	vadd.f32 v50, v22;
	v58 =	vld [tilespmem:$0x1FCE0];
	[tilespmem:s21+$0x14040] =	vst v36  }
0x367: {  	v56 =	vmul.bf16 v40, v40;
	v54 =	vadd.bf16 v38, v37;
	v22 =	vadd.bf16 v51, v17;
	v14 =	vld.idx.msk [tilespmem:v14+s24+$0x0], $0xffff  }
0x368: {  	v34 =	vadd.f32 v34, v48;
	v32 =	vmul.f32 v50, v52;
	v55 =	vshll.u32 v28, $0x10;
	v57 =	vld.idx.msk [tilespmem:v16+s24+$0x0], $0xffff  }
0x369: {  	v62 =	vadd.bf16 v56, v22;
	v63 =	vmul.bf16 v41, v41;
	v36 =	vadd.bf16 v40, v54;
	v40 =	vld.idx.msk [tilespmem:v19+s24+$0x0], $0xffff  }
0x36a: {  	v39 =	vmul.bf16 v30, v30;
	v60 =	vand.u32 v28, v49;
	v1 =	vadd.f32 v1, v53;
	v23 =	vld.idx.msk [tilespmem:v23+s24+$0x0], $0xffff  }
0x36b: {  	v45 =	vmul.bf16 v26, v26;
	v22 =	vadd.f32 v33, v34;
	v42 =	vadd.bf16 v63, v62;
	v25 =	vld.idx.msk [tilespmem:v25+s24+$0x0], $0xffff  }
0x36c: {  	v51 =	vmul.bf16 v43, v43;
	v17 =	vadd.f32 v55, v58;
	v16 =	vadd.f32 v60, v61;
	v27 =	vld.idx.msk [tilespmem:v27+s24+$0x0], $0xffff  }
0x36d: {  	v54 =	vmul.bf16 v44, v44;
	v19 =	vadd.f32 v32, v1;
	v1 =	vadd.bf16 v45, v42;
	v29 =	vld.idx.msk [tilespmem:v29+s24+$0x0], $0xffff  }
0x36e: {  	v58 =	vmul.bf16 v35, v35;
	v31 =	vld.idx.msk [tilespmem:v31+s24+$0x0], $0xffff;
	v45 =	vshll.u32 v21, $0x10;
	v41 =	vadd.bf16 v41, v36  }
0x36f: {  	v24 =	vld.idx.msk [tilespmem:v24+s24+$0x0], $0xffff;
	v21 =	vand.u32 v49, v21;
	v36 =	vmul.bf16 v46, v46;
	v52 =	vadd.bf16 v57, v14  }
0x370: {  	v20 =	vld.idx.msk [tilespmem:v20+s24+$0x0], $0xffff;
	v1 =	vadd.bf16 v51, v1;
	v26 =	vadd.bf16 v26, v41;
	v48 =	vmul.bf16 v14, v14  }
0x371: {  	v18 =	vld.idx.msk [tilespmem:v18+s24+$0x0], $0xffff;
	v50 =	vmul.bf16 v57, v57;
	v53 =	vmul.bf16 v40, v40;
	v34 =	vadd.bf16 v40, v52  }
0x372: {  	v55 =	vmul.bf16 v23, v23;
	v14 =	vmax.bf16 v14, v57;
	v57 =	vmul.bf16 v25, v25  }
0x373: {  	v60 =	vmul.bf16 v27, v27;
	v32 =	vadd.bf16 v50, v48;
	v56 =	vadd.bf16 v23, v34  }
0x374: {  	v1 =	vadd.bf16 v54, v1;
	v63 =	vmul.bf16 v29, v29;
	v37 =	vmul.bf16 v31, v31  }
0x375: {  	v2 =	vld.idx.msk [tilespmem:v2+s24+$0x0], $0xffff;
	v38 =	vmul.bf16 v24, v24;
	v32 =	vadd.bf16 v53, v32;
	v28 =	vadd.bf16 v25, v56  }
0x376: {  	v26 =	vadd.bf16 v43, v26;
	v41 =	vmul.bf16 v20, v20;
	v43 =	vmul.bf16 v18, v18  }
0x377: {  	v12 =	vld.idx.msk [tilespmem:v12+s24+$0x0], $0xffff;
	v14 =	vmax.bf16 v14, v40;
	v32 =	vadd.bf16 v55, v32;
	v61 =	vadd.bf16 v27, v28  }
0x378: {  	v1 =	vadd.bf16 v58, v1;
	v26 =	vadd.bf16 v44, v26;
	v14 =	vmax.bf16 v14, v23  }
0x379: {  	v44 =	vmul.bf16 v47, v47;
	v32 =	vadd.bf16 v57, v32;
	v23 =	vadd.bf16 v29, v61  }
0x37a: {  	v50 =	vmul.bf16 v2, v2;
	v14 =	vmax.bf16 v14, v25;
	v1 =	vadd.bf16 v36, v1  }
0x37b: {  	v15 =	vld.idx.msk [tilespmem:v15+s24+$0x0], $0xffff;
	v14 =	vmax.bf16 v14, v27;
	v62 =	vadd.bf16 v60, v32;
	v23 =	vadd.bf16 v31, v23  }
0x37c: {  	v26 =	vadd.bf16 v35, v26;
	v53 =	vmul.bf16 v12, v12;
	v14 =	vmax.bf16 v14, v29  }
0x37d: {  	v11 =	vld.idx.msk [tilespmem:v11+s24+$0x0], $0xffff;
	v14 =	vmax.bf16 v14, v31;
	v25 =	vadd.bf16 v63, v62;
	v23 =	vadd.bf16 v24, v23  }
0x37e: {  	v10 =	vld.idx.msk [tilespmem:v10+s24+$0x0], $0xffff;
	v1 =	vadd.bf16 v39, v1;
	v26 =	vadd.bf16 v46, v26;
	v14 =	vmax.bf16 v14, v24  }
0x37f: {  	v48 =	vld [tilespmem:s21+$0x128D0];
	v14 =	vmax.bf16 v14, v20;
	v25 =	vadd.bf16 v37, v25;
	v20 =	vadd.bf16 v20, v23  }
0x380: {  	v46 =	vmul.bf16 v15, v15;
	v26 =	vadd.bf16 v30, v26;
	v14 =	vmax.bf16 v14, v18  }
0x381: {  	v14 =	vmax.bf16 v14, v15;
	v40 =	vadd.bf16 v38, v25;
	v18 =	vadd.bf16 v18, v20  }
0x382: {  	v1 =	vadd.bf16 v44, v1;
	v42 =	vadd.bf16 v47, v26;
	v14 =	vmax.bf16 v14, v2  }
0x383: {  	v14 =	vmax.bf16 v14, v11;
	v24 =	vadd.bf16 v41, v40;
	v15 =	vadd.bf16 v15, v18  }
0x384: {  	v56 =	vshll.u32 v48, $0x10;
	v47 =	vshll.u32 v42, $0x10;
	v14 =	vmax.bf16 v14, v10  }
0x385: {  	v14 =	vmax.bf16 v14, v12;
	v24 =	vadd.bf16 v43, v24;
	v2 =	vadd.bf16 v2, v15  }
0x386: {  	v52 =	vshll.u32 v1, $0x10;
	v8 =	vadd.f32 v47, v8;
	v14 =	vadd.bf16 v48, v14  }
0x387: {  	v23 =	vand.u32 v42, v49;
	v24 =	vadd.bf16 v46, v24;
	v2 =	vadd.bf16 v11, v2  }
0x388: {  	v4 =	vadd.f32 v23, v4;
	v21 =	vmul.f32 v23, v21;
	v20 =	vmul.f32 v47, v45  }
0x389: {  	[tilespmem:s21+$0x14810] =	vst v14;
	v51 =	vadd.bf16 v50, v24;
	v11 =	vmul.bf16 v11, v11;
	v2 =	vadd.bf16 v10, v2  }
0x38a: {  	s19 =	simm.s32 $0x157E0;
	v1 =	vand.u32 v1, v49;
	[tilespmem:s1+$0x0] =	vst.add.f32.msk $0xffff, v8;
	v5 =	vadd.f32 v21, v5;
	v3 =	vadd.f32 v20, v3  }
0x38b: {  	s20 =	simm.s32 $0x15800;
	[tilespmem:s19+$0x0] =	vst.add.f32.msk $0xffff, v4;
	v11 =	vadd.bf16 v11, v51;
	v10 =	vmul.bf16 v10, v10;
	v2 =	vadd.bf16 v12, v2  }
0x38c: {  	s25 =	simm.s32 $0x15820;
	v58 =	vand.u32 v49, v48;
	v1 =	vadd.f32 v1, v6;
	v4 =	vadd.f32 v52, v7;
	[tilespmem:s20+$0x0] =	vst.add.f32.msk $0xffff, v3  }
0x38d: {  	v61 =	vshll.u32 v0, $0x10;
	[tilespmem:s25+$0x0] =	vst.add.f32.msk $0xffff, v5;
	v10 =	vadd.bf16 v10, v11;
	v54 =	vshll.u32 v2, $0x10  }
0x38e: {  	[tilespmem:s29+$0x0] =	vst.add.f32.msk $0xffff, v4;
	v2 =	vand.u32 v2, v49;
	v57 =	vadd.f32 v54, v9;
	v3 =	vmul.f32 v54, v56  }
0x38f: {  	[tilespmem:s6+$0x0] =	vst.add.f32.msk $0xffff, v1;
	v55 =	vadd.bf16 v53, v10;
	v60 =	vadd.f32 v2, v13;
	v2 =	vmul.f32 v2, v58  }
0x390: {  	v0 =	vand.u32 v0, v49;
	v1 =	vadd.f32 v61, v17;
	v3 =	vadd.f32 v3, v22;
	[tilespmem:s7+$0x0] =	vst.add.f32.msk $0xffff, v57  }
0x391: {  	v0 =	vadd.f32 v0, v16;
	v62 =	vshll.u32 v55, $0x10;
	v2 =	vadd.f32 v2, v19;
	[tilespmem:s11+$0x0] =	vst.add.f32.msk $0xffff, v60  }
0x392: {  	p1 =	sne.s32 s17, $0x5;
	v63 =	vand.u32 v55, v49;
	v1 =	vadd.f32 v62, v1;
	[tilespmem:s12+$0x0] =	vst.add.f32.msk $0xffff, v3  }
.Ltmp3:
0x393: {  	s9 =	sadd.s32 s9, s10;
	v0 =	vadd.f32 v63, v0;
	[tilespmem:s13+$0x0] =	vst.add.f32.msk $0xffff, v2;
	(pc) =	sbr.rel @p1 .LBB2_6-.Ltmp3, $4  }
0x394: {  	s9 =	sshrl.u32 s9, $0x3;
	[tilespmem:s14+$0x0] =	vst.add.f32.msk $0xffff, v1  }
0x395: {  	s28 =	sadd.s32 $0x13880, s21;
	s9 =	sadd.s32 s8, s9;
	[tilespmem:s15+$0x0] =	vst.add.f32.msk $0xffff, v0  }
0x396: {  	[hbm4b:s9+s26] =	stream.strided.scatter [tilespmem:s28], [sflag:$0x3], $0xFA0, s22, s26, $0x38;
	[tilespmem:$0x158A0] =	vst v63  }
0x397: {  	p0 =	por !p0, !p0;
	s9 =	smov.u32 s17  }
0x398: {  	_ =	swait.ge [sflag:s0], $0xFA0  }
0x399: {  	[sflag:s0] =	ssyncset.done $0x0  }
0x39a: {  	[sflag:s0] =	ssyncadd.s32 $0xFFFFF060  }
0x39b: {  	_ =	swait.ge [sflag:s0], $0xFA0  }
0x39c: {  	[sflag:s0] =	ssyncset.done $0x0  }
0x39d: {  	s17 =	simm.s32 $0x5;
	s9 =	rddreg [dreg:$0xb];
	[sflag:s0] =	ssyncadd.s32 $0xFFFFF060  }
0x39e: {  	[hbm4b:s9+s2] =	stream.linear.scatter [tilespmem:s1], [sflag:$0x5], $0xC0, $0x38;
	[tilespmem:$0x158A0] =	vst v63  }
0x39f: {  	_ =	swait.ge [sflag:s17], $0xC0  }
0x3a0: {  	s16 =	rddreg [dreg:$0xd]  }
0x3a1: {  	s28 =	rddreg [dreg:$0xc];
	s16 =	sadd.s32 $0x1, s16  }
0x3a2: {  	p0 =	sne.s32 s16, s28  }
.Ltmp4:
0x3a3: {  	_ = 	snop;
	(pc) =	sbr.rel @p0 .LBB2_1-.Ltmp4, $3  }
0x3a4: {  	_ =	sdelay $0x1  }
0x3a5: {  	[sflag:s17] =	ssyncset.done $0x0  }
0x3a6: {  	[sflag:s17] =	ssyncadd.s32 $0xFFFFFF40  }
0x3a7: {  	_ =	sfence.sel $0x180000  }
0x3a8: {  	[bflag:$0x0] =	sbarrier.arrive $0xFFFF  }
0x3a9: {  	_ =	strace $0x90000047  }
0x3aa: {  	s0 =	stileid.u32;
	[bflag:$0x2] =	sbarrier.arrive $0xFFFF  }
0x3ab: {  	p0 =	sne.s32 s0, $0x0;
	s0 =	rddreg [dreg:$0x1]  }
0x3ac: {  	s0 =	sadd.s32 @!p0 $0x100000, s0  }
0x3ad: {  	[sflag:s0] =	ssyncadd.tile.s32 @!p0 $0x1;
	_ =	shalt  }
.Lfunc_end2:
_tile_overlayer_lowered:
.L_overlay_start_2:
0x3ae: {  	(tag) =	ssettag $0x2  }
0x3af: {  	s0 =	rddreg [dreg:$0x0];
	s2 =	stileid.u32  }
0x3b0: {  	s1 =	rddreg [dreg:$0x1];
	p0 =	sne.s32 s2, $0x0  }
0x3b1: {  	s3 =	rddreg [dreg:$0x2];
	[bflag:$0x3] =	sbarrier.arrive $0xFFFF;
	s2 =	simm.s32 @!p0 $0x1C05  }
0x3b2: {  	[timem:s3], [sflag:s2] =	dma.local @!p0 [hbm:s0], s1  }
0x3b3: {  	s0 =	simm.s32 @!p0 $0x5  }
0x3b4: {  	_ =	swait.ge @!p0 [sflag:s0], s1  }
0x3b5: {  	s1 =	ssub.s32 @!p0 $0x0, s1;
	[sflag:s0] =	ssyncset.done @!p0 $0x0  }
0x3b6: {  	[sflag:s0] =	ssyncadd.s32 @!p0 s1  }
0x3b7: {  	[bflag:$0x3] =	sbarrier.arrive $0xFFFF  }
0x3b8: {  	_ =	shalt  }

</sc_bundles>
